<compile_context>
chip_gen: v7x
topology: tpu7x:2x2x1
jax: 0.10.2.dev20260603
libtpu: 0.0.44.dev20260713+nightly
codegen_flags: <defaults>
</compile_context>

<pallas_src>
import dataclasses
import functools

import jax
import jax.numpy as jnp
from jax import lax
from jax.experimental import pallas as pl
from jax.experimental.pallas import tpu as pltpu
from jax.experimental.pallas import tpu_sc as plsc

_B = 32
_N_IN = 16384
_N_OUT = 16384
_NNZ = 262144
_C = 64

_NC = 2
_NS = 16
_EPT = _NNZ // _NS
_K = 128
_NCH = _EPT // _K
_RPT = _N_OUT // _NS
_BPC = _B // _NC


def _mm_body(x_ref, w_ref, y_ref):
    y_ref[...] = lax.dot_general(
        x_ref[...], w_ref[...], (((1,), (0,)), ((), ())),
        preferred_element_type=jnp.float32,
        precision=lax.Precision.HIGHEST).astype(jnp.bfloat16)


def _project(xf, W):
    blk = 2048
    return pl.pallas_call(
        _mm_body,
        grid=(xf.shape[0] // blk,),
        in_specs=[pl.BlockSpec((blk, _C), lambda i: (i, 0)),
                  pl.BlockSpec((_C, _C), lambda i: (0, 0))],
        out_specs=pl.BlockSpec((blk, _C), lambda i: (i, 0)),
        out_shape=jax.ShapeDtypeStruct((xf.shape[0], _C), jnp.bfloat16),
    )(xf, W)


def _interleave_perm():
    perm = [0] * _C
    for c in range(_C // 32):
        for i in range(16):
            perm[32 * c + 2 * i] = 32 * c + i
            perm[32 * c + 2 * i + 1] = 32 * c + 16 + i
    return jnp.array(perm, jnp.int32)


def _sc_aggregate(y_flat, rows3, cols, vals, bias):
    mesh = plsc.VectorSubcoreMesh(core_axis_name="c", subcore_axis_name="s")
    cp = pltpu.CompilerParams(use_tc_tiling_on_sc=False)
    if "needs_layout_passes" in pltpu.CompilerParams.__dataclass_fields__:
        cp = dataclasses.replace(cp, needs_layout_passes=False)

    @functools.partial(
        pl.kernel,
        compiler_params=cp,
        out_type=jax.ShapeDtypeStruct((_B, _N_OUT, _C), jnp.float32),
        mesh=mesh,
        scratch_types=[
            pltpu.VMEM((_EPT,), jnp.int32),
            pltpu.VMEM((_NCH, _K), jnp.int32),
            pltpu.VMEM((_EPT,), jnp.bfloat16),
            pltpu.VMEM((_K, _C), jnp.bfloat16),
            pltpu.VMEM((_K, _C), jnp.bfloat16),
            pltpu.VMEM((_K, _C), jnp.float32),
            pltpu.VMEM((_K, _C), jnp.float32),
            pltpu.VMEM_SHARED((_N_OUT, _C), jnp.float32),
            pltpu.SemaphoreType.DMA,
            pltpu.SemaphoreType.DMA,
            pltpu.SemaphoreType.DMA,
            pltpu.SemaphoreType.DMA,
        ],
    )
    def k(y_hbm, rows_hbm, cols_hbm, vals_hbm, bias_hbm, out_hbm,
          colsb_v, rows_v, vals_v, g0, g1, s0, s1, acc, gs0, gs1, ss0, ss1):
        gbufs = (g0, g1)
        sbufs = (s0, s1)
        gsems = (gs0, gs1)
        ssems = (ss0, ss1)
        cid = lax.axis_index("c")
        sid = lax.axis_index("s")
        ebase = sid * _EPT
        rbase = sid * _RPT

        def gather_start(b, j, u):
            pltpu.async_copy(
                y_hbm.at[b].at[colsb_v.at[pl.ds(j * _K, _K)]],
                gbufs[u], gsems[u])

        def gather_wait(b, j, u):
            pltpu.make_async_copy(
                y_hbm.at[b].at[colsb_v.at[pl.ds(j * _K, _K)]],
                gbufs[u], gsems[u]
            ).wait()

        def scatter_start(j, u):
            pltpu.async_copy(sbufs[u], acc.at[rows_v.at[j]], ssems[u],
                             add=True)

        def scatter_wait(j, u):
            pltpu.make_async_copy(sbufs[u], acc.at[rows_v.at[j]], ssems[u]
                                  ).wait()

        def scale(g, s, j):
            @plsc.parallel_loop(0, _K, step=32, unroll=2)
            def _(k0):
                vpk = vals_v[pl.ds(j * _K + k0, 32)]
                vv = plsc.unpack(vpk, format=plsc.PackFormat.INTERLEAVED,
                                 preferred_element_type=jnp.float32)
                dnums = lax.GatherDimensionNumbers(
                    offset_dims=(), collapsed_slice_dims=(0,),
                    start_index_map=(0,))
                bcasts = [
                    lax.gather(
                        vv[kk % 2], jnp.full((16, 1), kk // 2, jnp.int32),
                        dnums, slice_sizes=(1,),
                        mode=lax.GatherScatterMode.PROMISE_IN_BOUNDS)
                    for kk in range(32)
                ]
                ncs = _C // 32
                for kk in range(32):
                    packs = [g[k0 + kk, pl.ds(c * 32, 32)] for c in range(ncs)]
                    halves = [
                        plsc.unpack(p, format=plsc.PackFormat.INTERLEAVED,
                                    preferred_element_type=jnp.float32)
                        for p in packs
                    ]
                    prods = [(a * bcasts[kk], b * bcasts[kk])
                             for (a, b) in halves]
                    for c in range(ncs):
                        s[k0 + kk, pl.ds(c * 32, 16)] = prods[c][0]
                        s[k0 + kk, pl.ds(c * 32 + 16, 16)] = prods[c][1]

        pltpu.sync_copy(rows_hbm.at[sid], rows_v)
        pltpu.sync_copy(cols_hbm.at[pl.ds(ebase, _EPT)], colsb_v)
        pltpu.sync_copy(vals_hbm.at[pl.ds(ebase, _EPT)], vals_v)

        @pl.loop(0, _BPC)
        def _(bl):
            b = cid * _BPC + bl
            pltpu.sync_copy(bias_hbm.at[pl.ds(rbase, _RPT)],
                            acc.at[pl.ds(rbase, _RPT)])
            plsc.subcore_barrier()

            gather_start(b, 0, 0)
            gather_start(b, 1, 1)

            @pl.loop(0, _NCH, step=2)
            def _(j0):
                for u in range(2):
                    j = j0 + u
                    gather_wait(b, j, u)

                    @pl.when(j >= 2)
                    def _():
                        scatter_wait(j, u)

                    scale(gbufs[u], sbufs[u], j)
                    jn = j + 2

                    @pl.when(jn < _NCH)
                    def _():
                        gather_start(b, jn, u)

                    scatter_start(j, u)

            for u in range(2):
                scatter_wait(_NCH - 2 + u, u)
            plsc.subcore_barrier()
            pltpu.sync_copy(acc.at[pl.ds(rbase, _RPT)],
                            out_hbm.at[b, pl.ds(rbase, _RPT)])

    return k(y_flat, rows3, cols, vals, bias)


def kernel(x, rows, cols, vals, W, bias):
    B, n_in, C = x.shape
    assert (B, n_in, C) == (_B, _N_IN, _C) and rows.shape == (_NNZ,)
    y = _project(x.reshape(B * n_in, C), W[:, _interleave_perm()]
                 ).reshape(B, n_in, C)
    rows3 = rows.reshape(_NS, _NCH, _K)
    return _sc_aggregate(y, rows3, cols, vals.astype(jnp.bfloat16), bias)

# --- scband reference (transcript-rebuilt; emitter-appended) ---
"""Pipeline reference for scband-fgl-82480551952955 (READ-ONLY COPY).

The authoritative reference and input builder live on the scoring server;
editing this copy changes nothing except your own understanding.
"""

import jax, jax.numpy as jnp
import numpy as np

B = 32
N_IN = 16384
N_OUT = 16384
NNZ = 262144
IN_C = 64
OUT_C = 64


def setup_inputs(seed: int = 0) -> dict:
    key = jax.random.key(seed)
    ks = jax.random.split(key, 6)
    x = jax.random.normal(ks[0], (B, N_IN, IN_C), dtype=jnp.float32)
    # sparse adjacency A (n_out x n_in) in COO form: these correspond to the
    # registered buffers indsA/valsA in the torch module
    rows = jax.random.randint(ks[1], (NNZ,), 0, N_OUT, dtype=jnp.int32)
    cols = jax.random.randint(ks[2], (NNZ,), 0, N_IN, dtype=jnp.int32)
    vals = jax.random.uniform(ks[3], (NNZ,), dtype=jnp.float32)
    # learned parameters, initialized as in the torch module
    W = jax.random.normal(ks[4], (IN_C, OUT_C), dtype=jnp.float32) / N_OUT
    bias = jax.random.normal(ks[5], (N_OUT, OUT_C), dtype=jnp.float32) / N_OUT
    return {"x": x, "rows": rows, "cols": cols, "vals": vals, "W": W, "bias": bias}


def reference(x, rows, cols, vals, W, bias):
    # torch.spmm(blockA, x.view(-1, in_c)) with blockA = block-diag repeat of A
    # over the batch is exactly a batched spmm: for each batch b,
    # agg[b] = A @ x[b]. Implement via gather + segment_sum (SparseCore-friendly).
    def per_batch(xb):
        g = jnp.take(xb, cols, axis=0) * vals[:, None]   # gather + scale [NNZ, IN_C]
        return jax.ops.segment_sum(g, rows, num_segments=N_OUT)  # scatter-add [N_OUT, IN_C]
    agg = jax.lax.map(per_batch, x)                      # [B, N_OUT, IN_C]
    return agg @ W + bias                                # [B, N_OUT, OUT_C]

if __name__ == "__main__":
    import jax
    _d = setup_inputs()
    print(jax.jit(kernel)(*tuple(_d.values())))

</pallas_src>

<mosaic_0001>
#map = affine_map<(d0, d1) -> (0, 0, 0)>
#map1 = affine_map<(d0, d1) -> (0)>
#map2 = affine_map<(d0, d1) -> (0, 0)>
module attributes {stable_mosaic.version = 14 : i64} {
  func.func @k(%arg0: i32, %arg1: i32, %arg2: memref<32x16384x64xbf16, #tpu.memory_space<hbm>>, %arg3: memref<16x128x128xi32, #tpu.memory_space<hbm>>, %arg4: memref<262144xi32, #tpu.memory_space<hbm>>, %arg5: memref<262144xbf16, #tpu.memory_space<hbm>>, %arg6: memref<16384x64xf32, #tpu.memory_space<hbm>>, %arg7: memref<32x16384x64xf32, #tpu.memory_space<hbm>>, %arg8: memref<16384xi32, #tpu.memory_space<vmem>>, %arg9: memref<128x128xi32, #tpu.memory_space<vmem>>, %arg10: memref<16384xbf16, #tpu.memory_space<vmem>>, %arg11: memref<128x64xbf16, #tpu.memory_space<vmem>>, %arg12: memref<128x64xbf16, #tpu.memory_space<vmem>>, %arg13: memref<128x64xf32, #tpu.memory_space<vmem>>, %arg14: memref<128x64xf32, #tpu.memory_space<vmem>>, %arg15: memref<16384x64xf32, #tpu.memory_space<vmem_shared>>, %arg16: memref<!tpu.dma_semaphore, #tpu.memory_space<semaphore_mem>>, %arg17: memref<!tpu.dma_semaphore, #tpu.memory_space<semaphore_mem>>, %arg18: memref<!tpu.dma_semaphore, #tpu.memory_space<semaphore_mem>>, %arg19: memref<!tpu.dma_semaphore, #tpu.memory_space<semaphore_mem>>) attributes {dimension_semantics = [#tpu.dimension_semantics<core_parallel>, #tpu.dimension_semantics<subcore_parallel>], iteration_bounds = array<i64: 2, 16>, scalar_prefetch = 0 : i64, scratch_operands = 12 : i64, tpu.core_type = #tpu.core_type<sc_vector_subcore>, window_params = [{transform_indices = #map}, {transform_indices = #map}, {transform_indices = #map1}, {transform_indices = #map1}, {transform_indices = #map2}, {transform_indices = #map}]} {
    %mul3A = arith.constant 16384 : i32
    %mul3A_0 = arith.muli %arg1, %mul3A : i32
    %mul3A_1 = arith.constant 1024 : i32
    %mul3A_2 = arith.muli %arg1, %mul3A_1 : i32
    "tpu.region"() ({
      %run_scoped3A = tpu.sem_alloc : memref<!tpu.dma_semaphore, #tpu.memory_space<semaphore_mem>>
      %dma_start3A = arith.constant 0 : i32
      %dma_start3A_7 = arith.constant 0 : i32
      %dma_start3A_8 = tpu.memref_slice %arg3[%arg1, %dma_start3A, %dma_start3A_7] : memref<16x128x128xi32, #tpu.memory_space<hbm>> -> memref<1x128x128xi32, #tpu.memory_space<hbm>>
      %dma_start3A_9 = tpu.memref_squeeze %dma_start3A_8 : memref<1x128x128xi32, #tpu.memory_space<hbm>> -> memref<128x128xi32, #tpu.memory_space<hbm>>
      %dma_start3A_10 = arith.constant 0 : i32
      %dma_start3A_11 = arith.constant 0 : i32
      %dma_start3A_12 = tpu.memref_slice %arg3[%arg1, %dma_start3A_10, %dma_start3A_11] : memref<16x128x128xi32, #tpu.memory_space<hbm>> -> memref<1x128x128xi32, #tpu.memory_space<hbm>>
      %dma_start3A_13 = tpu.memref_squeeze %dma_start3A_12 : memref<1x128x128xi32, #tpu.memory_space<hbm>> -> memref<128x128xi32, #tpu.memory_space<hbm>>
      tpu.enqueue_dma source(%dma_start3A_13 : memref<128x128xi32, #tpu.memory_space<hbm>>) target(%arg9 : memref<128x128xi32, #tpu.memory_space<vmem>>) target_semaphore(%run_scoped3A : memref<!tpu.dma_semaphore, #tpu.memory_space<semaphore_mem>>)
      %dma_wait3A = arith.constant 0 : i32
      %dma_wait3A_14 = arith.constant 0 : i32
      %dma_wait3A_15 = tpu.memref_slice %arg3[%arg1, %dma_wait3A, %dma_wait3A_14] : memref<16x128x128xi32, #tpu.memory_space<hbm>> -> memref<1x128x128xi32, #tpu.memory_space<hbm>>
      %dma_wait3A_16 = tpu.memref_squeeze %dma_wait3A_15 : memref<1x128x128xi32, #tpu.memory_space<hbm>> -> memref<128x128xi32, #tpu.memory_space<hbm>>
      %dma_wait3A_17 = arith.constant 0 : i32
      %dma_wait3A_18 = arith.constant 0 : i32
      %dma_wait3A_19 = tpu.memref_slice %arg3[%arg1, %dma_wait3A_17, %dma_wait3A_18] : memref<16x128x128xi32, #tpu.memory_space<hbm>> -> memref<1x128x128xi32, #tpu.memory_space<hbm>>
      %dma_wait3A_20 = tpu.memref_squeeze %dma_wait3A_19 : memref<1x128x128xi32, #tpu.memory_space<hbm>> -> memref<128x128xi32, #tpu.memory_space<hbm>>
      tpu.wait_dma2 semaphore(%run_scoped3A : memref<!tpu.dma_semaphore, #tpu.memory_space<semaphore_mem>>) src(%dma_wait3A_20 : memref<128x128xi32, #tpu.memory_space<hbm>>) dst(%arg9 : memref<128x128xi32, #tpu.memory_space<vmem>>)
      tpu.yield
    }) : () -> ()
    "tpu.region"() ({
      %run_scoped3A = tpu.sem_alloc : memref<!tpu.dma_semaphore, #tpu.memory_space<semaphore_mem>>
      %dma_start3A = tpu.memref_slice %arg4[%mul3A_0] : memref<262144xi32, #tpu.memory_space<hbm>> -> memref<16384xi32, #tpu.memory_space<hbm>>
      %dma_start3A_7 = tpu.memref_slice %arg4[%mul3A_0] : memref<262144xi32, #tpu.memory_space<hbm>> -> memref<16384xi32, #tpu.memory_space<hbm>>
      tpu.enqueue_dma source(%dma_start3A_7 : memref<16384xi32, #tpu.memory_space<hbm>>) target(%arg8 : memref<16384xi32, #tpu.memory_space<vmem>>) target_semaphore(%run_scoped3A : memref<!tpu.dma_semaphore, #tpu.memory_space<semaphore_mem>>)
      %dma_wait3A = tpu.memref_slice %arg4[%mul3A_0] : memref<262144xi32, #tpu.memory_space<hbm>> -> memref<16384xi32, #tpu.memory_space<hbm>>
      %dma_wait3A_8 = tpu.memref_slice %arg4[%mul3A_0] : memref<262144xi32, #tpu.memory_space<hbm>> -> memref<16384xi32, #tpu.memory_space<hbm>>
      tpu.wait_dma2 semaphore(%run_scoped3A : memref<!tpu.dma_semaphore, #tpu.memory_space<semaphore_mem>>) src(%dma_wait3A_8 : memref<16384xi32, #tpu.memory_space<hbm>>) dst(%arg8 : memref<16384xi32, #tpu.memory_space<vmem>>)
      tpu.yield
    }) : () -> ()
    "tpu.region"() ({
      %run_scoped3A = tpu.sem_alloc : memref<!tpu.dma_semaphore, #tpu.memory_space<semaphore_mem>>
      %dma_start3A = tpu.memref_slice %arg5[%mul3A_0] : memref<262144xbf16, #tpu.memory_space<hbm>> -> memref<16384xbf16, #tpu.memory_space<hbm>>
      %dma_start3A_7 = tpu.memref_slice %arg5[%mul3A_0] : memref<262144xbf16, #tpu.memory_space<hbm>> -> memref<16384xbf16, #tpu.memory_space<hbm>>
      tpu.enqueue_dma source(%dma_start3A_7 : memref<16384xbf16, #tpu.memory_space<hbm>>) target(%arg10 : memref<16384xbf16, #tpu.memory_space<vmem>>) target_semaphore(%run_scoped3A : memref<!tpu.dma_semaphore, #tpu.memory_space<semaphore_mem>>)
      %dma_wait3A = tpu.memref_slice %arg5[%mul3A_0] : memref<262144xbf16, #tpu.memory_space<hbm>> -> memref<16384xbf16, #tpu.memory_space<hbm>>
      %dma_wait3A_8 = tpu.memref_slice %arg5[%mul3A_0] : memref<262144xbf16, #tpu.memory_space<hbm>> -> memref<16384xbf16, #tpu.memory_space<hbm>>
      tpu.wait_dma2 semaphore(%run_scoped3A : memref<!tpu.dma_semaphore, #tpu.memory_space<semaphore_mem>>) src(%dma_wait3A_8 : memref<16384xbf16, #tpu.memory_space<hbm>>) dst(%arg10 : memref<16384xbf16, #tpu.memory_space<vmem>>)
      tpu.yield
    }) : () -> ()
    %scan3A = arith.constant 0 : i32
    %scan3A_3 = arith.constant 16 : i32
    %scan3A_4 = arith.addi %scan3A, %scan3A_3 : i32
    %scan3A_5 = arith.constant 1 : i32
    scf.for %scan3A_7 = %scan3A to %scan3A_4 step %scan3A_5  : i32 {
      %mul3A_8 = arith.constant 1 : i32
      %mul3A_9 = arith.muli %scan3A_7, %mul3A_8 : i32
      %add3A = arith.constant 0 : i32
      %add3A_10 = arith.addi %add3A, %mul3A_9 : i32
      %mul3A_11 = arith.constant 16 : i32
      %mul3A_12 = arith.muli %arg0, %mul3A_11 : i32
      %add3A_13 = arith.addi %mul3A_12, %add3A_10 : i32
      "tpu.region"() ({
        %run_scoped3A = tpu.sem_alloc : memref<!tpu.dma_semaphore, #tpu.memory_space<semaphore_mem>>
        %dma_start3A_50 = arith.constant 0 : i32
        %dma_start3A_51 = tpu.memref_slice %arg15[%mul3A_2, %dma_start3A_50] : memref<16384x64xf32, #tpu.memory_space<vmem_shared>> -> memref<1024x64xf32, #tpu.memory_space<vmem_shared>>
        %dma_start3A_52 = arith.constant 0 : i32
        %dma_start3A_53 = tpu.memref_slice %arg6[%mul3A_2, %dma_start3A_52] : memref<16384x64xf32, #tpu.memory_space<hbm>> -> memref<1024x64xf32, #tpu.memory_space<hbm>>
        tpu.enqueue_dma source(%dma_start3A_53 : memref<1024x64xf32, #tpu.memory_space<hbm>>) target(%dma_start3A_51 : memref<1024x64xf32, #tpu.memory_space<vmem_shared>>) target_semaphore(%run_scoped3A : memref<!tpu.dma_semaphore, #tpu.memory_space<semaphore_mem>>)
        %dma_wait3A_54 = arith.constant 0 : i32
        %dma_wait3A_55 = tpu.memref_slice %arg15[%mul3A_2, %dma_wait3A_54] : memref<16384x64xf32, #tpu.memory_space<vmem_shared>> -> memref<1024x64xf32, #tpu.memory_space<vmem_shared>>
        %dma_wait3A_56 = arith.constant 0 : i32
        %dma_wait3A_57 = tpu.memref_slice %arg6[%mul3A_2, %dma_wait3A_56] : memref<16384x64xf32, #tpu.memory_space<hbm>> -> memref<1024x64xf32, #tpu.memory_space<hbm>>
        tpu.wait_dma2 semaphore(%run_scoped3A : memref<!tpu.dma_semaphore, #tpu.memory_space<semaphore_mem>>) src(%dma_wait3A_57 : memref<1024x64xf32, #tpu.memory_space<hbm>>) dst(%dma_wait3A_55 : memref<1024x64xf32, #tpu.memory_space<vmem_shared>>)
        tpu.yield
      }) : () -> ()
      %barrier3A = arith.constant 0 : index
      tpu.barrier barrier_id(%barrier3A)
      %dma_start3A = arith.constant 0 : i32
      %dma_start3A_14 = tpu.memref_slice %arg8[%dma_start3A] : memref<16384xi32, #tpu.memory_space<vmem>> -> memref<128xi32, #tpu.memory_space<vmem>>
      %dma_start3A_15 = arith.constant 0 : i32
      %dma_start3A_16 = arith.constant 0 : i32
      %dma_start3A_17 = tpu.memref_slice %arg2[%add3A_13, %dma_start3A_15, %dma_start3A_16] : memref<32x16384x64xbf16, #tpu.memory_space<hbm>> -> memref<1x16384x64xbf16, #tpu.memory_space<hbm>>
      %dma_start3A_18 = tpu.memref_squeeze %dma_start3A_17 : memref<1x16384x64xbf16, #tpu.memory_space<hbm>> -> memref<16384x64xbf16, #tpu.memory_space<hbm>>
      %dma_start3A_19 = arith.constant 0 : i32
      %dma_start3A_20 = arith.constant 0 : i32
      %dma_start3A_21 = tpu.memref_slice %dma_start3A_18[%dma_start3A_19, %dma_start3A_20] : memref<16384x64xbf16, #tpu.memory_space<hbm>> -> memref<16384x64xbf16, #tpu.memory_space<hbm>>
      tpu.enqueue_indirect_dma source(%dma_start3A_21 : memref<16384x64xbf16, #tpu.memory_space<hbm>>) target(%arg11 : memref<128x64xbf16, #tpu.memory_space<vmem>>) offsets(%dma_start3A_14 : memref<128xi32, #tpu.memory_space<vmem>>) semaphore(%arg16 : memref<!tpu.dma_semaphore, #tpu.memory_space<semaphore_mem>>)
      %dma_start3A_22 = arith.constant 128 : i32
      %dma_start3A_23 = tpu.memref_slice %arg8[%dma_start3A_22] : memref<16384xi32, #tpu.memory_space<vmem>> -> memref<128xi32, #tpu.memory_space<vmem>>
      %dma_start3A_24 = arith.constant 0 : i32
      %dma_start3A_25 = arith.constant 0 : i32
      %dma_start3A_26 = tpu.memref_slice %arg2[%add3A_13, %dma_start3A_24, %dma_start3A_25] : memref<32x16384x64xbf16, #tpu.memory_space<hbm>> -> memref<1x16384x64xbf16, #tpu.memory_space<hbm>>
      %dma_start3A_27 = tpu.memref_squeeze %dma_start3A_26 : memref<1x16384x64xbf16, #tpu.memory_space<hbm>> -> memref<16384x64xbf16, #tpu.memory_space<hbm>>
      %dma_start3A_28 = arith.constant 0 : i32
      %dma_start3A_29 = arith.constant 0 : i32
      %dma_start3A_30 = tpu.memref_slice %dma_start3A_27[%dma_start3A_28, %dma_start3A_29] : memref<16384x64xbf16, #tpu.memory_space<hbm>> -> memref<16384x64xbf16, #tpu.memory_space<hbm>>
      tpu.enqueue_indirect_dma source(%dma_start3A_30 : memref<16384x64xbf16, #tpu.memory_space<hbm>>) target(%arg12 : memref<128x64xbf16, #tpu.memory_space<vmem>>) offsets(%dma_start3A_23 : memref<128xi32, #tpu.memory_space<vmem>>) semaphore(%arg17 : memref<!tpu.dma_semaphore, #tpu.memory_space<semaphore_mem>>)
      %scan3A_31 = arith.constant 0 : i32
      %scan3A_32 = arith.constant 64 : i32
      %scan3A_33 = arith.addi %scan3A_31, %scan3A_32 : i32
      %scan3A_34 = arith.constant 1 : i32
      scf.for %scan3A_50 = %scan3A_31 to %scan3A_33 step %scan3A_34  : i32 {
        %mul3A_51 = arith.constant 2 : i32
        %mul3A_52 = arith.muli %scan3A_50, %mul3A_51 : i32
        %add3A_53 = arith.constant 0 : i32
        %add3A_54 = arith.addi %add3A_53, %mul3A_52 : i32
        %add3A_55 = arith.constant 0 : i32
        %add3A_56 = arith.addi %add3A_54, %add3A_55 : i32
        %mul3A_57 = arith.constant 128 : i32
        %mul3A_58 = arith.muli %add3A_56, %mul3A_57 : i32
        %dma_wait3A_59 = tpu.memref_slice %arg8[%mul3A_58] : memref<16384xi32, #tpu.memory_space<vmem>> -> memref<128xi32, #tpu.memory_space<vmem>>
        %dma_wait3A_60 = arith.constant 0 : i32
        %dma_wait3A_61 = arith.constant 0 : i32
        %dma_wait3A_62 = tpu.memref_slice %arg2[%add3A_13, %dma_wait3A_60, %dma_wait3A_61] : memref<32x16384x64xbf16, #tpu.memory_space<hbm>> -> memref<1x16384x64xbf16, #tpu.memory_space<hbm>>
        %dma_wait3A_63 = tpu.memref_squeeze %dma_wait3A_62 : memref<1x16384x64xbf16, #tpu.memory_space<hbm>> -> memref<16384x64xbf16, #tpu.memory_space<hbm>>
        %dma_wait3A_64 = arith.constant 0 : i32
        %dma_wait3A_65 = arith.constant 0 : i32
        %dma_wait3A_66 = tpu.memref_slice %dma_wait3A_63[%dma_wait3A_64, %dma_wait3A_65] : memref<16384x64xbf16, #tpu.memory_space<hbm>> -> memref<16384x64xbf16, #tpu.memory_space<hbm>>
        tpu.wait_indirect_dma semaphore(%arg16 : memref<!tpu.dma_semaphore, #tpu.memory_space<semaphore_mem>>) src(%dma_wait3A_66 : memref<16384x64xbf16, #tpu.memory_space<hbm>>) dst(%arg11 : memref<128x64xbf16, #tpu.memory_space<vmem>>)
        %ge3A = arith.constant 2 : i32
        %ge3A_67 = arith.cmpi sge, %add3A_56, %ge3A : i32
        %convert_element_type3A = arith.extui %ge3A_67 : i1 to i32
        %cond3A = arith.constant 0 : i32
        %cond3A_68 = arith.cmpi ne, %convert_element_type3A, %cond3A : i32
        scf.if %cond3A_68 {
          %dma_wait3A_116 = arith.constant 0 : i32
          %dma_wait3A_117 = tpu.memref_slice %arg9[%add3A_56, %dma_wait3A_116] : memref<128x128xi32, #tpu.memory_space<vmem>> -> memref<1x128xi32, #tpu.memory_space<vmem>>
          %dma_wait3A_118 = tpu.memref_squeeze %dma_wait3A_117 : memref<1x128xi32, #tpu.memory_space<vmem>> -> memref<128xi32, #tpu.memory_space<vmem>>
          %dma_wait3A_119 = arith.constant 0 : i32
          %dma_wait3A_120 = arith.constant 0 : i32
          %dma_wait3A_121 = tpu.memref_slice %arg15[%dma_wait3A_119, %dma_wait3A_120] : memref<16384x64xf32, #tpu.memory_space<vmem_shared>> -> memref<16384x64xf32, #tpu.memory_space<vmem_shared>>
          tpu.wait_indirect_dma semaphore(%arg18 : memref<!tpu.dma_semaphore, #tpu.memory_space<semaphore_mem>>) src(%arg13 : memref<128x64xf32, #tpu.memory_space<vmem>>) dst(%dma_wait3A_121 : memref<16384x64xf32, #tpu.memory_space<vmem_shared>>)
        } else {
        }
        %parallel_loop3A = arith.constant 0 : i32
        %parallel_loop3A_69 = arith.constant 128 : i32
        %parallel_loop3A_70 = arith.constant 32 : i32
        scf.for %parallel_loop3A_116 = %parallel_loop3A to %parallel_loop3A_69 step %parallel_loop3A_70  : i32 {
          %parallel_loop3A_117 = arith.constant 128 : i32
          %parallel_loop3A_118 = arith.muli %add3A_56, %parallel_loop3A_117 : i32
          %parallel_loop3A_119 = arith.addi %parallel_loop3A_118, %parallel_loop3A_116 : i32
          %parallel_loop3A_120 = arith.index_cast %parallel_loop3A_119 : i32 to index
          %parallel_loop3A_121 = tpu.vector_load %arg10[%parallel_loop3A_120] {strides = array<i32>} : memref<16384xbf16, #tpu.memory_space<vmem>>, vector<32xbf16>,
          %parallel_loop3A_122 = tpu.unpack_subelements %parallel_loop3A_121, 0 {pack_format = #tpu.pack_format<interleaved>} : vector<32xbf16> -> vector<16xf32>
          %parallel_loop3A_123 = tpu.unpack_subelements %parallel_loop3A_121, 1 {pack_format = #tpu.pack_format<interleaved>} : vector<32xbf16> -> vector<16xf32>
          %parallel_loop3A_124 = arith.constant 0 : i32
          %parallel_loop3A_125 = vector.broadcast %parallel_loop3A_124 : i32 to vector<16x1xi32>
          %parallel_loop3A_126 = vector.shape_cast %parallel_loop3A_125 : vector<16x1xi32> to vector<16xi32>
          %parallel_loop3A_127 = tpu.dynamic_gather %parallel_loop3A_122[%parallel_loop3A_126] in [0] : vector<16xf32>, vector<16xi32> -> vector<16xf32>
          %parallel_loop3A_128 = arith.constant 0 : i32
          %parallel_loop3A_129 = vector.broadcast %parallel_loop3A_128 : i32 to vector<16x1xi32>
          %parallel_loop3A_130 = vector.shape_cast %parallel_loop3A_129 : vector<16x1xi32> to vector<16xi32>
          %parallel_loop3A_131 = tpu.dynamic_gather %parallel_loop3A_123[%parallel_loop3A_130] in [0] : vector<16xf32>, vector<16xi32> -> vector<16xf32>
          %parallel_loop3A_132 = arith.constant 1 : i32
          %parallel_loop3A_133 = vector.broadcast %parallel_loop3A_132 : i32 to vector<16x1xi32>
          %parallel_loop3A_134 = vector.shape_cast %parallel_loop3A_133 : vector<16x1xi32> to vector<16xi32>
          %parallel_loop3A_135 = tpu.dynamic_gather %parallel_loop3A_122[%parallel_loop3A_134] in [0] : vector<16xf32>, vector<16xi32> -> vector<16xf32>
          %parallel_loop3A_136 = arith.constant 1 : i32
          %parallel_loop3A_137 = vector.broadcast %parallel_loop3A_136 : i32 to vector<16x1xi32>
          %parallel_loop3A_138 = vector.shape_cast %parallel_loop3A_137 : vector<16x1xi32> to vector<16xi32>
          %parallel_loop3A_139 = tpu.dynamic_gather %parallel_loop3A_123[%parallel_loop3A_138] in [0] : vector<16xf32>, vector<16xi32> -> vector<16xf32>
          %parallel_loop3A_140 = arith.constant 2 : i32
          %parallel_loop3A_141 = vector.broadcast %parallel_loop3A_140 : i32 to vector<16x1xi32>
          %parallel_loop3A_142 = vector.shape_cast %parallel_loop3A_141 : vector<16x1xi32> to vector<16xi32>
          %parallel_loop3A_143 = tpu.dynamic_gather %parallel_loop3A_122[%parallel_loop3A_142] in [0] : vector<16xf32>, vector<16xi32> -> vector<16xf32>
          %parallel_loop3A_144 = arith.constant 2 : i32
          %parallel_loop3A_145 = vector.broadcast %parallel_loop3A_144 : i32 to vector<16x1xi32>
          %parallel_loop3A_146 = vector.shape_cast %parallel_loop3A_145 : vector<16x1xi32> to vector<16xi32>
          %parallel_loop3A_147 = tpu.dynamic_gather %parallel_loop3A_123[%parallel_loop3A_146] in [0] : vector<16xf32>, vector<16xi32> -> vector<16xf32>
          %parallel_loop3A_148 = arith.constant 3 : i32
          %parallel_loop3A_149 = vector.broadcast %parallel_loop3A_148 : i32 to vector<16x1xi32>
          %parallel_loop3A_150 = vector.shape_cast %parallel_loop3A_149 : vector<16x1xi32> to vector<16xi32>
          %parallel_loop3A_151 = tpu.dynamic_gather %parallel_loop3A_122[%parallel_loop3A_150] in [0] : vector<16xf32>, vector<16xi32> -> vector<16xf32>
          %parallel_loop3A_152 = arith.constant 3 : i32
          %parallel_loop3A_153 = vector.broadcast %parallel_loop3A_152 : i32 to vector<16x1xi32>
          %parallel_loop3A_154 = vector.shape_cast %parallel_loop3A_153 : vector<16x1xi32> to vector<16xi32>
          %parallel_loop3A_155 = tpu.dynamic_gather %parallel_loop3A_123[%parallel_loop3A_154] in [0] : vector<16xf32>, vector<16xi32> -> vector<16xf32>
          %parallel_loop3A_156 = arith.constant 4 : i32
          %parallel_loop3A_157 = vector.broadcast %parallel_loop3A_156 : i32 to vector<16x1xi32>
          %parallel_loop3A_158 = vector.shape_cast %parallel_loop3A_157 : vector<16x1xi32> to vector<16xi32>
          %parallel_loop3A_159 = tpu.dynamic_gather %parallel_loop3A_122[%parallel_loop3A_158] in [0] : vector<16xf32>, vector<16xi32> -> vector<16xf32>
          %parallel_loop3A_160 = arith.constant 4 : i32
          %parallel_loop3A_161 = vector.broadcast %parallel_loop3A_160 : i32 to vector<16x1xi32>
          %parallel_loop3A_162 = vector.shape_cast %parallel_loop3A_161 : vector<16x1xi32> to vector<16xi32>
          %parallel_loop3A_163 = tpu.dynamic_gather %parallel_loop3A_123[%parallel_loop3A_162] in [0] : vector<16xf32>, vector<16xi32> -> vector<16xf32>
          %parallel_loop3A_164 = arith.constant 5 : i32
          %parallel_loop3A_165 = vector.broadcast %parallel_loop3A_164 : i32 to vector<16x1xi32>
          %parallel_loop3A_166 = vector.shape_cast %parallel_loop3A_165 : vector<16x1xi32> to vector<16xi32>
          %parallel_loop3A_167 = tpu.dynamic_gather %parallel_loop3A_122[%parallel_loop3A_166] in [0] : vector<16xf32>, vector<16xi32> -> vector<16xf32>
          %parallel_loop3A_168 = arith.constant 5 : i32
          %parallel_loop3A_169 = vector.broadcast %parallel_loop3A_168 : i32 to vector<16x1xi32>
          %parallel_loop3A_170 = vector.shape_cast %parallel_loop3A_169 : vector<16x1xi32> to vector<16xi32>
          %parallel_loop3A_171 = tpu.dynamic_gather %parallel_loop3A_123[%parallel_loop3A_170] in [0] : vector<16xf32>, vector<16xi32> -> vector<16xf32>
          %parallel_loop3A_172 = arith.constant 6 : i32
          %parallel_loop3A_173 = vector.broadcast %parallel_loop3A_172 : i32 to vector<16x1xi32>
          %parallel_loop3A_174 = vector.shape_cast %parallel_loop3A_173 : vector<16x1xi32> to vector<16xi32>
          %parallel_loop3A_175 = tpu.dynamic_gather %parallel_loop3A_122[%parallel_loop3A_174] in [0] : vector<16xf32>, vector<16xi32> -> vector<16xf32>
          %parallel_loop3A_176 = arith.constant 6 : i32
          %parallel_loop3A_177 = vector.broadcast %parallel_loop3A_176 : i32 to vector<16x1xi32>
          %parallel_loop3A_178 = vector.shape_cast %parallel_loop3A_177 : vector<16x1xi32> to vector<16xi32>
          %parallel_loop3A_179 = tpu.dynamic_gather %parallel_loop3A_123[%parallel_loop3A_178] in [0] : vector<16xf32>, vector<16xi32> -> vector<16xf32>
          %parallel_loop3A_180 = arith.constant 7 : i32
          %parallel_loop3A_181 = vector.broadcast %parallel_loop3A_180 : i32 to vector<16x1xi32>
          %parallel_loop3A_182 = vector.shape_cast %parallel_loop3A_181 : vector<16x1xi32> to vector<16xi32>
          %parallel_loop3A_183 = tpu.dynamic_gather %parallel_loop3A_122[%parallel_loop3A_182] in [0] : vector<16xf32>, vector<16xi32> -> vector<16xf32>
          %parallel_loop3A_184 = arith.constant 7 : i32
          %parallel_loop3A_185 = vector.broadcast %parallel_loop3A_184 : i32 to vector<16x1xi32>
          %parallel_loop3A_186 = vector.shape_cast %parallel_loop3A_185 : vector<16x1xi32> to vector<16xi32>
          %parallel_loop3A_187 = tpu.dynamic_gather %parallel_loop3A_123[%parallel_loop3A_186] in [0] : vector<16xf32>, vector<16xi32> -> vector<16xf32>
          %parallel_loop3A_188 = arith.constant 8 : i32
          %parallel_loop3A_189 = vector.broadcast %parallel_loop3A_188 : i32 to vector<16x1xi32>
          %parallel_loop3A_190 = vector.shape_cast %parallel_loop3A_189 : vector<16x1xi32> to vector<16xi32>
          %parallel_loop3A_191 = tpu.dynamic_gather %parallel_loop3A_122[%parallel_loop3A_190] in [0] : vector<16xf32>, vector<16xi32> -> vector<16xf32>
          %parallel_loop3A_192 = arith.constant 8 : i32
          %parallel_loop3A_193 = vector.broadcast %parallel_loop3A_192 : i32 to vector<16x1xi32>
          %parallel_loop3A_194 = vector.shape_cast %parallel_loop3A_193 : vector<16x1xi32> to vector<16xi32>
          %parallel_loop3A_195 = tpu.dynamic_gather %parallel_loop3A_123[%parallel_loop3A_194] in [0] : vector<16xf32>, vector<16xi32> -> vector<16xf32>
          %parallel_loop3A_196 = arith.constant 9 : i32
          %parallel_loop3A_197 = vector.broadcast %parallel_loop3A_196 : i32 to vector<16x1xi32>
          %parallel_loop3A_198 = vector.shape_cast %parallel_loop3A_197 : vector<16x1xi32> to vector<16xi32>
          %parallel_loop3A_199 = tpu.dynamic_gather %parallel_loop3A_122[%parallel_loop3A_198] in [0] : vector<16xf32>, vector<16xi32> -> vector<16xf32>
          %parallel_loop3A_200 = arith.constant 9 : i32
          %parallel_loop3A_201 = vector.broadcast %parallel_loop3A_200 : i32 to vector<16x1xi32>
          %parallel_loop3A_202 = vector.shape_cast %parallel_loop3A_201 : vector<16x1xi32> to vector<16xi32>
          %parallel_loop3A_203 = tpu.dynamic_gather %parallel_loop3A_123[%parallel_loop3A_202] in [0] : vector<16xf32>, vector<16xi32> -> vector<16xf32>
          %parallel_loop3A_204 = arith.constant 10 : i32
          %parallel_loop3A_205 = vector.broadcast %parallel_loop3A_204 : i32 to vector<16x1xi32>
          %parallel_loop3A_206 = vector.shape_cast %parallel_loop3A_205 : vector<16x1xi32> to vector<16xi32>
          %parallel_loop3A_207 = tpu.dynamic_gather %parallel_loop3A_122[%parallel_loop3A_206] in [0] : vector<16xf32>, vector<16xi32> -> vector<16xf32>
          %parallel_loop3A_208 = arith.constant 10 : i32
          %parallel_loop3A_209 = vector.broadcast %parallel_loop3A_208 : i32 to vector<16x1xi32>
          %parallel_loop3A_210 = vector.shape_cast %parallel_loop3A_209 : vector<16x1xi32> to vector<16xi32>
          %parallel_loop3A_211 = tpu.dynamic_gather %parallel_loop3A_123[%parallel_loop3A_210] in [0] : vector<16xf32>, vector<16xi32> -> vector<16xf32>
          %parallel_loop3A_212 = arith.constant 11 : i32
          %parallel_loop3A_213 = vector.broadcast %parallel_loop3A_212 : i32 to vector<16x1xi32>
          %parallel_loop3A_214 = vector.shape_cast %parallel_loop3A_213 : vector<16x1xi32> to vector<16xi32>
          %parallel_loop3A_215 = tpu.dynamic_gather %parallel_loop3A_122[%parallel_loop3A_214] in [0] : vector<16xf32>, vector<16xi32> -> vector<16xf32>
          %parallel_loop3A_216 = arith.constant 11 : i32
          %parallel_loop3A_217 = vector.broadcast %parallel_loop3A_216 : i32 to vector<16x1xi32>
          %parallel_loop3A_218 = vector.shape_cast %parallel_loop3A_217 : vector<16x1xi32> to vector<16xi32>
          %parallel_loop3A_219 = tpu.dynamic_gather %parallel_loop3A_123[%parallel_loop3A_218] in [0] : vector<16xf32>, vector<16xi32> -> vector<16xf32>
          %parallel_loop3A_220 = arith.constant 12 : i32
          %parallel_loop3A_221 = vector.broadcast %parallel_loop3A_220 : i32 to vector<16x1xi32>
          %parallel_loop3A_222 = vector.shape_cast %parallel_loop3A_221 : vector<16x1xi32> to vector<16xi32>
          %parallel_loop3A_223 = tpu.dynamic_gather %parallel_loop3A_122[%parallel_loop3A_222] in [0] : vector<16xf32>, vector<16xi32> -> vector<16xf32>
          %parallel_loop3A_224 = arith.constant 12 : i32
          %parallel_loop3A_225 = vector.broadcast %parallel_loop3A_224 : i32 to vector<16x1xi32>
          %parallel_loop3A_226 = vector.shape_cast %parallel_loop3A_225 : vector<16x1xi32> to vector<16xi32>
          %parallel_loop3A_227 = tpu.dynamic_gather %parallel_loop3A_123[%parallel_loop3A_226] in [0] : vector<16xf32>, vector<16xi32> -> vector<16xf32>
          %parallel_loop3A_228 = arith.constant 13 : i32
          %parallel_loop3A_229 = vector.broadcast %parallel_loop3A_228 : i32 to vector<16x1xi32>
          %parallel_loop3A_230 = vector.shape_cast %parallel_loop3A_229 : vector<16x1xi32> to vector<16xi32>
          %parallel_loop3A_231 = tpu.dynamic_gather %parallel_loop3A_122[%parallel_loop3A_230] in [0] : vector<16xf32>, vector<16xi32> -> vector<16xf32>
          %parallel_loop3A_232 = arith.constant 13 : i32
          %parallel_loop3A_233 = vector.broadcast %parallel_loop3A_232 : i32 to vector<16x1xi32>
          %parallel_loop3A_234 = vector.shape_cast %parallel_loop3A_233 : vector<16x1xi32> to vector<16xi32>
          %parallel_loop3A_235 = tpu.dynamic_gather %parallel_loop3A_123[%parallel_loop3A_234] in [0] : vector<16xf32>, vector<16xi32> -> vector<16xf32>
          %parallel_loop3A_236 = arith.constant 14 : i32
          %parallel_loop3A_237 = vector.broadcast %parallel_loop3A_236 : i32 to vector<16x1xi32>
          %parallel_loop3A_238 = vector.shape_cast %parallel_loop3A_237 : vector<16x1xi32> to vector<16xi32>
          %parallel_loop3A_239 = tpu.dynamic_gather %parallel_loop3A_122[%parallel_loop3A_238] in [0] : vector<16xf32>, vector<16xi32> -> vector<16xf32>
          %parallel_loop3A_240 = arith.constant 14 : i32
          %parallel_loop3A_241 = vector.broadcast %parallel_loop3A_240 : i32 to vector<16x1xi32>
          %parallel_loop3A_242 = vector.shape_cast %parallel_loop3A_241 : vector<16x1xi32> to vector<16xi32>
          %parallel_loop3A_243 = tpu.dynamic_gather %parallel_loop3A_123[%parallel_loop3A_242] in [0] : vector<16xf32>, vector<16xi32> -> vector<16xf32>
          %parallel_loop3A_244 = arith.constant 15 : i32
          %parallel_loop3A_245 = vector.broadcast %parallel_loop3A_244 : i32 to vector<16x1xi32>
          %parallel_loop3A_246 = vector.shape_cast %parallel_loop3A_245 : vector<16x1xi32> to vector<16xi32>
          %parallel_loop3A_247 = tpu.dynamic_gather %parallel_loop3A_122[%parallel_loop3A_246] in [0] : vector<16xf32>, vector<16xi32> -> vector<16xf32>
          %parallel_loop3A_248 = arith.constant 15 : i32
          %parallel_loop3A_249 = vector.broadcast %parallel_loop3A_248 : i32 to vector<16x1xi32>
          %parallel_loop3A_250 = vector.shape_cast %parallel_loop3A_249 : vector<16x1xi32> to vector<16xi32>
          %parallel_loop3A_251 = tpu.dynamic_gather %parallel_loop3A_123[%parallel_loop3A_250] in [0] : vector<16xf32>, vector<16xi32> -> vector<16xf32>
          %parallel_loop3A_252 = arith.constant 0 : i32
          %parallel_loop3A_253 = arith.addi %parallel_loop3A_116, %parallel_loop3A_252 : i32
          %parallel_loop3A_254 = arith.index_cast %parallel_loop3A_253 : i32 to index
          %parallel_loop3A_255 = arith.constant 0 : index
          %parallel_loop3A_256 = tpu.vector_load %arg11[%parallel_loop3A_254, %parallel_loop3A_255] {strides = array<i32>} : memref<128x64xbf16, #tpu.memory_space<vmem>>, vector<32xbf16>,
          %parallel_loop3A_257 = arith.constant 0 : i32
          %parallel_loop3A_258 = arith.addi %parallel_loop3A_116, %parallel_loop3A_257 : i32
          %parallel_loop3A_259 = arith.index_cast %parallel_loop3A_258 : i32 to index
          %parallel_loop3A_260 = arith.constant 32 : index
          %parallel_loop3A_261 = tpu.vector_load %arg11[%parallel_loop3A_259, %parallel_loop3A_260] {strides = array<i32>} : memref<128x64xbf16, #tpu.memory_space<vmem>>, vector<32xbf16>,
          %parallel_loop3A_262 = tpu.unpack_subelements %parallel_loop3A_256, 0 {pack_format = #tpu.pack_format<interleaved>} : vector<32xbf16> -> vector<16xf32>
          %parallel_loop3A_263 = tpu.unpack_subelements %parallel_loop3A_256, 1 {pack_format = #tpu.pack_format<interleaved>} : vector<32xbf16> -> vector<16xf32>
          %parallel_loop3A_264 = tpu.unpack_subelements %parallel_loop3A_261, 0 {pack_format = #tpu.pack_format<interleaved>} : vector<32xbf16> -> vector<16xf32>
          %parallel_loop3A_265 = tpu.unpack_subelements %parallel_loop3A_261, 1 {pack_format = #tpu.pack_format<interleaved>} : vector<32xbf16> -> vector<16xf32>
          %parallel_loop3A_266 = arith.mulf %parallel_loop3A_262, %parallel_loop3A_127 : vector<16xf32>
          %parallel_loop3A_267 = arith.mulf %parallel_loop3A_263, %parallel_loop3A_127 : vector<16xf32>
          %parallel_loop3A_268 = arith.mulf %parallel_loop3A_264, %parallel_loop3A_127 : vector<16xf32>
          %parallel_loop3A_269 = arith.mulf %parallel_loop3A_265, %parallel_loop3A_127 : vector<16xf32>
          %parallel_loop3A_270 = arith.constant 0 : i32
          %parallel_loop3A_271 = arith.addi %parallel_loop3A_116, %parallel_loop3A_270 : i32
          %parallel_loop3A_272 = arith.index_cast %parallel_loop3A_271 : i32 to index
          %parallel_loop3A_273 = arith.constant 0 : index
          %parallel_loop3A_274 = tpu.vector_load %arg13[%parallel_loop3A_272, %parallel_loop3A_273] {strides = array<i32>} : memref<128x64xf32, #tpu.memory_space<vmem>>, vector<16xf32>,
          tpu.vector_store %arg13[%parallel_loop3A_272, %parallel_loop3A_273], %parallel_loop3A_266 {strides = array<i32>} : memref<128x64xf32, #tpu.memory_space<vmem>>, vector<16xf32>,
          %parallel_loop3A_275 = arith.constant 0 : i32
          %parallel_loop3A_276 = arith.addi %parallel_loop3A_116, %parallel_loop3A_275 : i32
          %parallel_loop3A_277 = arith.index_cast %parallel_loop3A_276 : i32 to index
          %parallel_loop3A_278 = arith.constant 16 : index
          %parallel_loop3A_279 = tpu.vector_load %arg13[%parallel_loop3A_277, %parallel_loop3A_278] {strides = array<i32>} : memref<128x64xf32, #tpu.memory_space<vmem>>, vector<16xf32>,
          tpu.vector_store %arg13[%parallel_loop3A_277, %parallel_loop3A_278], %parallel_loop3A_267 {strides = array<i32>} : memref<128x64xf32, #tpu.memory_space<vmem>>, vector<16xf32>,
          %parallel_loop3A_280 = arith.constant 0 : i32
          %parallel_loop3A_281 = arith.addi %parallel_loop3A_116, %parallel_loop3A_280 : i32
          %parallel_loop3A_282 = arith.index_cast %parallel_loop3A_281 : i32 to index
          %parallel_loop3A_283 = arith.constant 32 : index
          %parallel_loop3A_284 = tpu.vector_load %arg13[%parallel_loop3A_282, %parallel_loop3A_283] {strides = array<i32>} : memref<128x64xf32, #tpu.memory_space<vmem>>, vector<16xf32>,
          tpu.vector_store %arg13[%parallel_loop3A_282, %parallel_loop3A_283], %parallel_loop3A_268 {strides = array<i32>} : memref<128x64xf32, #tpu.memory_space<vmem>>, vector<16xf32>,
          %parallel_loop3A_285 = arith.constant 0 : i32
          %parallel_loop3A_286 = arith.addi %parallel_loop3A_116, %parallel_loop3A_285 : i32
          %parallel_loop3A_287 = arith.index_cast %parallel_loop3A_286 : i32 to index
          %parallel_loop3A_288 = arith.constant 48 : index
          %parallel_loop3A_289 = tpu.vector_load %arg13[%parallel_loop3A_287, %parallel_loop3A_288] {strides = array<i32>} : memref<128x64xf32, #tpu.memory_space<vmem>>, vector<16xf32>,
          tpu.vector_store %arg13[%parallel_loop3A_287, %parallel_loop3A_288], %parallel_loop3A_269 {strides = array<i32>} : memref<128x64xf32, #tpu.memory_space<vmem>>, vector<16xf32>,
          %parallel_loop3A_290 = arith.constant 1 : i32
          %parallel_loop3A_291 = arith.addi %parallel_loop3A_116, %parallel_loop3A_290 : i32
          %parallel_loop3A_292 = arith.index_cast %parallel_loop3A_291 : i32 to index
          %parallel_loop3A_293 = arith.constant 0 : index
          %parallel_loop3A_294 = tpu.vector_load %arg11[%parallel_loop3A_292, %parallel_loop3A_293] {strides = array<i32>} : memref<128x64xbf16, #tpu.memory_space<vmem>>, vector<32xbf16>,
          %parallel_loop3A_295 = arith.constant 1 : i32
          %parallel_loop3A_296 = arith.addi %parallel_loop3A_116, %parallel_loop3A_295 : i32
          %parallel_loop3A_297 = arith.index_cast %parallel_loop3A_296 : i32 to index
          %parallel_loop3A_298 = arith.constant 32 : index
          %parallel_loop3A_299 = tpu.vector_load %arg11[%parallel_loop3A_297, %parallel_loop3A_298] {strides = array<i32>} : memref<128x64xbf16, #tpu.memory_space<vmem>>, vector<32xbf16>,
          %parallel_loop3A_300 = tpu.unpack_subelements %parallel_loop3A_294, 0 {pack_format = #tpu.pack_format<interleaved>} : vector<32xbf16> -> vector<16xf32>
          %parallel_loop3A_301 = tpu.unpack_subelements %parallel_loop3A_294, 1 {pack_format = #tpu.pack_format<interleaved>} : vector<32xbf16> -> vector<16xf32>
          %parallel_loop3A_302 = tpu.unpack_subelements %parallel_loop3A_299, 0 {pack_format = #tpu.pack_format<interleaved>} : vector<32xbf16> -> vector<16xf32>
          %parallel_loop3A_303 = tpu.unpack_subelements %parallel_loop3A_299, 1 {pack_format = #tpu.pack_format<interleaved>} : vector<32xbf16> -> vector<16xf32>
          %parallel_loop3A_304 = arith.mulf %parallel_loop3A_300, %parallel_loop3A_131 : vector<16xf32>
          %parallel_loop3A_305 = arith.mulf %parallel_loop3A_301, %parallel_loop3A_131 : vector<16xf32>
          %parallel_loop3A_306 = arith.mulf %parallel_loop3A_302, %parallel_loop3A_131 : vector<16xf32>
          %parallel_loop3A_307 = arith.mulf %parallel_loop3A_303, %parallel_loop3A_131 : vector<16xf32>
          %parallel_loop3A_308 = arith.constant 1 : i32
          %parallel_loop3A_309 = arith.addi %parallel_loop3A_116, %parallel_loop3A_308 : i32
          %parallel_loop3A_310 = arith.index_cast %parallel_loop3A_309 : i32 to index
          %parallel_loop3A_311 = arith.constant 0 : index
          %parallel_loop3A_312 = tpu.vector_load %arg13[%parallel_loop3A_310, %parallel_loop3A_311] {strides = array<i32>} : memref<128x64xf32, #tpu.memory_space<vmem>>, vector<16xf32>,
          tpu.vector_store %arg13[%parallel_loop3A_310, %parallel_loop3A_311], %parallel_loop3A_304 {strides = array<i32>} : memref<128x64xf32, #tpu.memory_space<vmem>>, vector<16xf32>,
          %parallel_loop3A_313 = arith.constant 1 : i32
          %parallel_loop3A_314 = arith.addi %parallel_loop3A_116, %parallel_loop3A_313 : i32
          %parallel_loop3A_315 = arith.index_cast %parallel_loop3A_314 : i32 to index
          %parallel_loop3A_316 = arith.constant 16 : index
          %parallel_loop3A_317 = tpu.vector_load %arg13[%parallel_loop3A_315, %parallel_loop3A_316] {strides = array<i32>} : memref<128x64xf32, #tpu.memory_space<vmem>>, vector<16xf32>,
          tpu.vector_store %arg13[%parallel_loop3A_315, %parallel_loop3A_316], %parallel_loop3A_305 {strides = array<i32>} : memref<128x64xf32, #tpu.memory_space<vmem>>, vector<16xf32>,
          %parallel_loop3A_318 = arith.constant 1 : i32
          %parallel_loop3A_319 = arith.addi %parallel_loop3A_116, %parallel_loop3A_318 : i32
          %parallel_loop3A_320 = arith.index_cast %parallel_loop3A_319 : i32 to index
          %parallel_loop3A_321 = arith.constant 32 : index
          %parallel_loop3A_322 = tpu.vector_load %arg13[%parallel_loop3A_320, %parallel_loop3A_321] {strides = array<i32>} : memref<128x64xf32, #tpu.memory_space<vmem>>, vector<16xf32>,
          tpu.vector_store %arg13[%parallel_loop3A_320, %parallel_loop3A_321], %parallel_loop3A_306 {strides = array<i32>} : memref<128x64xf32, #tpu.memory_space<vmem>>, vector<16xf32>,
          %parallel_loop3A_323 = arith.constant 1 : i32
          %parallel_loop3A_324 = arith.addi %parallel_loop3A_116, %parallel_loop3A_323 : i32
          %parallel_loop3A_325 = arith.index_cast %parallel_loop3A_324 : i32 to index
          %parallel_loop3A_326 = arith.constant 48 : index
          %parallel_loop3A_327 = tpu.vector_load %arg13[%parallel_loop3A_325, %parallel_loop3A_326] {strides = array<i32>} : memref<128x64xf32, #tpu.memory_space<vmem>>, vector<16xf32>,
          tpu.vector_store %arg13[%parallel_loop3A_325, %parallel_loop3A_326], %parallel_loop3A_307 {strides = array<i32>} : memref<128x64xf32, #tpu.memory_space<vmem>>, vector<16xf32>,
          %parallel_loop3A_328 = arith.constant 2 : i32
          %parallel_loop3A_329 = arith.addi %parallel_loop3A_116, %parallel_loop3A_328 : i32
          %parallel_loop3A_330 = arith.index_cast %parallel_loop3A_329 : i32 to index
          %parallel_loop3A_331 = arith.constant 0 : index
          %parallel_loop3A_332 = tpu.vector_load %arg11[%parallel_loop3A_330, %parallel_loop3A_331] {strides = array<i32>} : memref<128x64xbf16, #tpu.memory_space<vmem>>, vector<32xbf16>,
          %parallel_loop3A_333 = arith.constant 2 : i32
          %parallel_loop3A_334 = arith.addi %parallel_loop3A_116, %parallel_loop3A_333 : i32
          %parallel_loop3A_335 = arith.index_cast %parallel_loop3A_334 : i32 to index
          %parallel_loop3A_336 = arith.constant 32 : index
          %parallel_loop3A_337 = tpu.vector_load %arg11[%parallel_loop3A_335, %parallel_loop3A_336] {strides = array<i32>} : memref<128x64xbf16, #tpu.memory_space<vmem>>, vector<32xbf16>,
          %parallel_loop3A_338 = tpu.unpack_subelements %parallel_loop3A_332, 0 {pack_format = #tpu.pack_format<interleaved>} : vector<32xbf16> -> vector<16xf32>
          %parallel_loop3A_339 = tpu.unpack_subelements %parallel_loop3A_332, 1 {pack_format = #tpu.pack_format<interleaved>} : vector<32xbf16> -> vector<16xf32>
          %parallel_loop3A_340 = tpu.unpack_subelements %parallel_loop3A_337, 0 {pack_format = #tpu.pack_format<interleaved>} : vector<32xbf16> -> vector<16xf32>
          %parallel_loop3A_341 = tpu.unpack_subelements %parallel_loop3A_337, 1 {pack_format = #tpu.pack_format<interleaved>} : vector<32xbf16> -> vector<16xf32>
          %parallel_loop3A_342 = arith.mulf %parallel_loop3A_338, %parallel_loop3A_135 : vector<16xf32>
          %parallel_loop3A_343 = arith.mulf %parallel_loop3A_339, %parallel_loop3A_135 : vector<16xf32>
          %parallel_loop3A_344 = arith.mulf %parallel_loop3A_340, %parallel_loop3A_135 : vector<16xf32>
          %parallel_loop3A_345 = arith.mulf %parallel_loop3A_341, %parallel_loop3A_135 : vector<16xf32>
          %parallel_loop3A_346 = arith.constant 2 : i32
          %parallel_loop3A_347 = arith.addi %parallel_loop3A_116, %parallel_loop3A_346 : i32
          %parallel_loop3A_348 = arith.index_cast %parallel_loop3A_347 : i32 to index
          %parallel_loop3A_349 = arith.constant 0 : index
          %parallel_loop3A_350 = tpu.vector_load %arg13[%parallel_loop3A_348, %parallel_loop3A_349] {strides = array<i32>} : memref<128x64xf32, #tpu.memory_space<vmem>>, vector<16xf32>,
          tpu.vector_store %arg13[%parallel_loop3A_348, %parallel_loop3A_349], %parallel_loop3A_342 {strides = array<i32>} : memref<128x64xf32, #tpu.memory_space<vmem>>, vector<16xf32>,
          %parallel_loop3A_351 = arith.constant 2 : i32
          %parallel_loop3A_352 = arith.addi %parallel_loop3A_116, %parallel_loop3A_351 : i32
          %parallel_loop3A_353 = arith.index_cast %parallel_loop3A_352 : i32 to index
          %parallel_loop3A_354 = arith.constant 16 : index
          %parallel_loop3A_355 = tpu.vector_load %arg13[%parallel_loop3A_353, %parallel_loop3A_354] {strides = array<i32>} : memref<128x64xf32, #tpu.memory_space<vmem>>, vector<16xf32>,
          tpu.vector_store %arg13[%parallel_loop3A_353, %parallel_loop3A_354], %parallel_loop3A_343 {strides = array<i32>} : memref<128x64xf32, #tpu.memory_space<vmem>>, vector<16xf32>,
          %parallel_loop3A_356 = arith.constant 2 : i32
          %parallel_loop3A_357 = arith.addi %parallel_loop3A_116, %parallel_loop3A_356 : i32
          %parallel_loop3A_358 = arith.index_cast %parallel_loop3A_357 : i32 to index
          %parallel_loop3A_359 = arith.constant 32 : index
          %parallel_loop3A_360 = tpu.vector_load %arg13[%parallel_loop3A_358, %parallel_loop3A_359] {strides = array<i32>} : memref<128x64xf32, #tpu.memory_space<vmem>>, vector<16xf32>,
          tpu.vector_store %arg13[%parallel_loop3A_358, %parallel_loop3A_359], %parallel_loop3A_344 {strides = array<i32>} : memref<128x64xf32, #tpu.memory_space<vmem>>, vector<16xf32>,
          %parallel_loop3A_361 = arith.constant 2 : i32
          %parallel_loop3A_362 = arith.addi %parallel_loop3A_116, %parallel_loop3A_361 : i32
          %parallel_loop3A_363 = arith.index_cast %parallel_loop3A_362 : i32 to index
          %parallel_loop3A_364 = arith.constant 48 : index
          %parallel_loop3A_365 = tpu.vector_load %arg13[%parallel_loop3A_363, %parallel_loop3A_364] {strides = array<i32>} : memref<128x64xf32, #tpu.memory_space<vmem>>, vector<16xf32>,
          tpu.vector_store %arg13[%parallel_loop3A_363, %parallel_loop3A_364], %parallel_loop3A_345 {strides = array<i32>} : memref<128x64xf32, #tpu.memory_space<vmem>>, vector<16xf32>,
          %parallel_loop3A_366 = arith.constant 3 : i32
          %parallel_loop3A_367 = arith.addi %parallel_loop3A_116, %parallel_loop3A_366 : i32
          %parallel_loop3A_368 = arith.index_cast %parallel_loop3A_367 : i32 to index
          %parallel_loop3A_369 = arith.constant 0 : index
          %parallel_loop3A_370 = tpu.vector_load %arg11[%parallel_loop3A_368, %parallel_loop3A_369] {strides = array<i32>} : memref<128x64xbf16, #tpu.memory_space<vmem>>, vector<32xbf16>,
          %parallel_loop3A_371 = arith.constant 3 : i32
          %parallel_loop3A_372 = arith.addi %parallel_loop3A_116, %parallel_loop3A_371 : i32
          %parallel_loop3A_373 = arith.index_cast %parallel_loop3A_372 : i32 to index
          %parallel_loop3A_374 = arith.constant 32 : index
          %parallel_loop3A_375 = tpu.vector_load %arg11[%parallel_loop3A_373, %parallel_loop3A_374] {strides = array<i32>} : memref<128x64xbf16, #tpu.memory_space<vmem>>, vector<32xbf16>,
          %parallel_loop3A_376 = tpu.unpack_subelements %parallel_loop3A_370, 0 {pack_format = #tpu.pack_format<interleaved>} : vector<32xbf16> -> vector<16xf32>
          %parallel_loop3A_377 = tpu.unpack_subelements %parallel_loop3A_370, 1 {pack_format = #tpu.pack_format<interleaved>} : vector<32xbf16> -> vector<16xf32>
          %parallel_loop3A_378 = tpu.unpack_subelements %parallel_loop3A_375, 0 {pack_format = #tpu.pack_format<interleaved>} : vector<32xbf16> -> vector<16xf32>
          %parallel_loop3A_379 = tpu.unpack_subelements %parallel_loop3A_375, 1 {pack_format = #tpu.pack_format<interleaved>} : vector<32xbf16> -> vector<16xf32>
          %parallel_loop3A_380 = arith.mulf %parallel_loop3A_376, %parallel_loop3A_139 : vector<16xf32>
          %parallel_loop3A_381 = arith.mulf %parallel_loop3A_377, %parallel_loop3A_139 : vector<16xf32>
          %parallel_loop3A_382 = arith.mulf %parallel_loop3A_378, %parallel_loop3A_139 : vector<16xf32>
          %parallel_loop3A_383 = arith.mulf %parallel_loop3A_379, %parallel_loop3A_139 : vector<16xf32>
          %parallel_loop3A_384 = arith.constant 3 : i32
          %parallel_loop3A_385 = arith.addi %parallel_loop3A_116, %parallel_loop3A_384 : i32
          %parallel_loop3A_386 = arith.index_cast %parallel_loop3A_385 : i32 to index
          %parallel_loop3A_387 = arith.constant 0 : index
          %parallel_loop3A_388 = tpu.vector_load %arg13[%parallel_loop3A_386, %parallel_loop3A_387] {strides = array<i32>} : memref<128x64xf32, #tpu.memory_space<vmem>>, vector<16xf32>,
          tpu.vector_store %arg13[%parallel_loop3A_386, %parallel_loop3A_387], %parallel_loop3A_380 {strides = array<i32>} : memref<128x64xf32, #tpu.memory_space<vmem>>, vector<16xf32>,
          %parallel_loop3A_389 = arith.constant 3 : i32
          %parallel_loop3A_390 = arith.addi %parallel_loop3A_116, %parallel_loop3A_389 : i32
          %parallel_loop3A_391 = arith.index_cast %parallel_loop3A_390 : i32 to index
          %parallel_loop3A_392 = arith.constant 16 : index
          %parallel_loop3A_393 = tpu.vector_load %arg13[%parallel_loop3A_391, %parallel_loop3A_392] {strides = array<i32>} : memref<128x64xf32, #tpu.memory_space<vmem>>, vector<16xf32>,
          tpu.vector_store %arg13[%parallel_loop3A_391, %parallel_loop3A_392], %parallel_loop3A_381 {strides = array<i32>} : memref<128x64xf32, #tpu.memory_space<vmem>>, vector<16xf32>,
          %parallel_loop3A_394 = arith.constant 3 : i32
          %parallel_loop3A_395 = arith.addi %parallel_loop3A_116, %parallel_loop3A_394 : i32
          %parallel_loop3A_396 = arith.index_cast %parallel_loop3A_395 : i32 to index
          %parallel_loop3A_397 = arith.constant 32 : index
          %parallel_loop3A_398 = tpu.vector_load %arg13[%parallel_loop3A_396, %parallel_loop3A_397] {strides = array<i32>} : memref<128x64xf32, #tpu.memory_space<vmem>>, vector<16xf32>,
          tpu.vector_store %arg13[%parallel_loop3A_396, %parallel_loop3A_397], %parallel_loop3A_382 {strides = array<i32>} : memref<128x64xf32, #tpu.memory_space<vmem>>, vector<16xf32>,
          %parallel_loop3A_399 = arith.constant 3 : i32
          %parallel_loop3A_400 = arith.addi %parallel_loop3A_116, %parallel_loop3A_399 : i32
          %parallel_loop3A_401 = arith.index_cast %parallel_loop3A_400 : i32 to index
          %parallel_loop3A_402 = arith.constant 48 : index
          %parallel_loop3A_403 = tpu.vector_load %arg13[%parallel_loop3A_401, %parallel_loop3A_402] {strides = array<i32>} : memref<128x64xf32, #tpu.memory_space<vmem>>, vector<16xf32>,
          tpu.vector_store %arg13[%parallel_loop3A_401, %parallel_loop3A_402], %parallel_loop3A_383 {strides = array<i32>} : memref<128x64xf32, #tpu.memory_space<vmem>>, vector<16xf32>,
          %parallel_loop3A_404 = arith.constant 4 : i32
          %parallel_loop3A_405 = arith.addi %parallel_loop3A_116, %parallel_loop3A_404 : i32
          %parallel_loop3A_406 = arith.index_cast %parallel_loop3A_405 : i32 to index
          %parallel_loop3A_407 = arith.constant 0 : index
          %parallel_loop3A_408 = tpu.vector_load %arg11[%parallel_loop3A_406, %parallel_loop3A_407] {strides = array<i32>} : memref<128x64xbf16, #tpu.memory_space<vmem>>, vector<32xbf16>,
          %parallel_loop3A_409 = arith.constant 4 : i32
          %parallel_loop3A_410 = arith.addi %parallel_loop3A_116, %parallel_loop3A_409 : i32
          %parallel_loop3A_411 = arith.index_cast %parallel_loop3A_410 : i32 to index
          %parallel_loop3A_412 = arith.constant 32 : index
          %parallel_loop3A_413 = tpu.vector_load %arg11[%parallel_loop3A_411, %parallel_loop3A_412] {strides = array<i32>} : memref<128x64xbf16, #tpu.memory_space<vmem>>, vector<32xbf16>,
          %parallel_loop3A_414 = tpu.unpack_subelements %parallel_loop3A_408, 0 {pack_format = #tpu.pack_format<interleaved>} : vector<32xbf16> -> vector<16xf32>
          %parallel_loop3A_415 = tpu.unpack_subelements %parallel_loop3A_408, 1 {pack_format = #tpu.pack_format<interleaved>} : vector<32xbf16> -> vector<16xf32>
          %parallel_loop3A_416 = tpu.unpack_subelements %parallel_loop3A_413, 0 {pack_format = #tpu.pack_format<interleaved>} : vector<32xbf16> -> vector<16xf32>
          %parallel_loop3A_417 = tpu.unpack_subelements %parallel_loop3A_413, 1 {pack_format = #tpu.pack_format<interleaved>} : vector<32xbf16> -> vector<16xf32>
          %parallel_loop3A_418 = arith.mulf %parallel_loop3A_414, %parallel_loop3A_143 : vector<16xf32>
          %parallel_loop3A_419 = arith.mulf %parallel_loop3A_415, %parallel_loop3A_143 : vector<16xf32>
          %parallel_loop3A_420 = arith.mulf %parallel_loop3A_416, %parallel_loop3A_143 : vector<16xf32>
          %parallel_loop3A_421 = arith.mulf %parallel_loop3A_417, %parallel_loop3A_143 : vector<16xf32>
          %parallel_loop3A_422 = arith.constant 4 : i32
          %parallel_loop3A_423 = arith.addi %parallel_loop3A_116, %parallel_loop3A_422 : i32
          %parallel_loop3A_424 = arith.index_cast %parallel_loop3A_423 : i32 to index
          %parallel_loop3A_425 = arith.constant 0 : index
          %parallel_loop3A_426 = tpu.vector_load %arg13[%parallel_loop3A_424, %parallel_loop3A_425] {strides = array<i32>} : memref<128x64xf32, #tpu.memory_space<vmem>>, vector<16xf32>,
          tpu.vector_store %arg13[%parallel_loop3A_424, %parallel_loop3A_425], %parallel_loop3A_418 {strides = array<i32>} : memref<128x64xf32, #tpu.memory_space<vmem>>, vector<16xf32>,
          %parallel_loop3A_427 = arith.constant 4 : i32
          %parallel_loop3A_428 = arith.addi %parallel_loop3A_116, %parallel_loop3A_427 : i32
          %parallel_loop3A_429 = arith.index_cast %parallel_loop3A_428 : i32 to index
          %parallel_loop3A_430 = arith.constant 16 : index
          %parallel_loop3A_431 = tpu.vector_load %arg13[%parallel_loop3A_429, %parallel_loop3A_430] {strides = array<i32>} : memref<128x64xf32, #tpu.memory_space<vmem>>, vector<16xf32>,
          tpu.vector_store %arg13[%parallel_loop3A_429, %parallel_loop3A_430], %parallel_loop3A_419 {strides = array<i32>} : memref<128x64xf32, #tpu.memory_space<vmem>>, vector<16xf32>,
          %parallel_loop3A_432 = arith.constant 4 : i32
          %parallel_loop3A_433 = arith.addi %parallel_loop3A_116, %parallel_loop3A_432 : i32
          %parallel_loop3A_434 = arith.index_cast %parallel_loop3A_433 : i32 to index
          %parallel_loop3A_435 = arith.constant 32 : index
          %parallel_loop3A_436 = tpu.vector_load %arg13[%parallel_loop3A_434, %parallel_loop3A_435] {strides = array<i32>} : memref<128x64xf32, #tpu.memory_space<vmem>>, vector<16xf32>,
          tpu.vector_store %arg13[%parallel_loop3A_434, %parallel_loop3A_435], %parallel_loop3A_420 {strides = array<i32>} : memref<128x64xf32, #tpu.memory_space<vmem>>, vector<16xf32>,
          %parallel_loop3A_437 = arith.constant 4 : i32
          %parallel_loop3A_438 = arith.addi %parallel_loop3A_116, %parallel_loop3A_437 : i32
          %parallel_loop3A_439 = arith.index_cast %parallel_loop3A_438 : i32 to index
          %parallel_loop3A_440 = arith.constant 48 : index
          %parallel_loop3A_441 = tpu.vector_load %arg13[%parallel_loop3A_439, %parallel_loop3A_440] {strides = array<i32>} : memref<128x64xf32, #tpu.memory_space<vmem>>, vector<16xf32>,
          tpu.vector_store %arg13[%parallel_loop3A_439, %parallel_loop3A_440], %parallel_loop3A_421 {strides = array<i32>} : memref<128x64xf32, #tpu.memory_space<vmem>>, vector<16xf32>,
          %parallel_loop3A_442 = arith.constant 5 : i32
          %parallel_loop3A_443 = arith.addi %parallel_loop3A_116, %parallel_loop3A_442 : i32
          %parallel_loop3A_444 = arith.index_cast %parallel_loop3A_443 : i32 to index
          %parallel_loop3A_445 = arith.constant 0 : index
          %parallel_loop3A_446 = tpu.vector_load %arg11[%parallel_loop3A_444, %parallel_loop3A_445] {strides = array<i32>} : memref<128x64xbf16, #tpu.memory_space<vmem>>, vector<32xbf16>,
          %parallel_loop3A_447 = arith.constant 5 : i32
          %parallel_loop3A_448 = arith.addi %parallel_loop3A_116, %parallel_loop3A_447 : i32
          %parallel_loop3A_449 = arith.index_cast %parallel_loop3A_448 : i32 to index
          %parallel_loop3A_450 = arith.constant 32 : index
          %parallel_loop3A_451 = tpu.vector_load %arg11[%parallel_loop3A_449, %parallel_loop3A_450] {strides = array<i32>} : memref<128x64xbf16, #tpu.memory_space<vmem>>, vector<32xbf16>,
          %parallel_loop3A_452 = tpu.unpack_subelements %parallel_loop3A_446, 0 {pack_format = #tpu.pack_format<interleaved>} : vector<32xbf16> -> vector<16xf32>
          %parallel_loop3A_453 = tpu.unpack_subelements %parallel_loop3A_446, 1 {pack_format = #tpu.pack_format<interleaved>} : vector<32xbf16> -> vector<16xf32>
          %parallel_loop3A_454 = tpu.unpack_subelements %parallel_loop3A_451, 0 {pack_format = #tpu.pack_format<interleaved>} : vector<32xbf16> -> vector<16xf32>
          %parallel_loop3A_455 = tpu.unpack_subelements %parallel_loop3A_451, 1 {pack_format = #tpu.pack_format<interleaved>} : vector<32xbf16> -> vector<16xf32>
          %parallel_loop3A_456 = arith.mulf %parallel_loop3A_452, %parallel_loop3A_147 : vector<16xf32>
          %parallel_loop3A_457 = arith.mulf %parallel_loop3A_453, %parallel_loop3A_147 : vector<16xf32>
          %parallel_loop3A_458 = arith.mulf %parallel_loop3A_454, %parallel_loop3A_147 : vector<16xf32>
          %parallel_loop3A_459 = arith.mulf %parallel_loop3A_455, %parallel_loop3A_147 : vector<16xf32>
          %parallel_loop3A_460 = arith.constant 5 : i32
          %parallel_loop3A_461 = arith.addi %parallel_loop3A_116, %parallel_loop3A_460 : i32
          %parallel_loop3A_462 = arith.index_cast %parallel_loop3A_461 : i32 to index
          %parallel_loop3A_463 = arith.constant 0 : index
          %parallel_loop3A_464 = tpu.vector_load %arg13[%parallel_loop3A_462, %parallel_loop3A_463] {strides = array<i32>} : memref<128x64xf32, #tpu.memory_space<vmem>>, vector<16xf32>,
          tpu.vector_store %arg13[%parallel_loop3A_462, %parallel_loop3A_463], %parallel_loop3A_456 {strides = array<i32>} : memref<128x64xf32, #tpu.memory_space<vmem>>, vector<16xf32>,
          %parallel_loop3A_465 = arith.constant 5 : i32
          %parallel_loop3A_466 = arith.addi %parallel_loop3A_116, %parallel_loop3A_465 : i32
          %parallel_loop3A_467 = arith.index_cast %parallel_loop3A_466 : i32 to index
          %parallel_loop3A_468 = arith.constant 16 : index
          %parallel_loop3A_469 = tpu.vector_load %arg13[%parallel_loop3A_467, %parallel_loop3A_468] {strides = array<i32>} : memref<128x64xf32, #tpu.memory_space<vmem>>, vector<16xf32>,
          tpu.vector_store %arg13[%parallel_loop3A_467, %parallel_loop3A_468], %parallel_loop3A_457 {strides = array<i32>} : memref<128x64xf32, #tpu.memory_space<vmem>>, vector<16xf32>,
          %parallel_loop3A_470 = arith.constant 5 : i32
          %parallel_loop3A_471 = arith.addi %parallel_loop3A_116, %parallel_loop3A_470 : i32
          %parallel_loop3A_472 = arith.index_cast %parallel_loop3A_471 : i32 to index
          %parallel_loop3A_473 = arith.constant 32 : index
          %parallel_loop3A_474 = tpu.vector_load %arg13[%parallel_loop3A_472, %parallel_loop3A_473] {strides = array<i32>} : memref<128x64xf32, #tpu.memory_space<vmem>>, vector<16xf32>,
          tpu.vector_store %arg13[%parallel_loop3A_472, %parallel_loop3A_473], %parallel_loop3A_458 {strides = array<i32>} : memref<128x64xf32, #tpu.memory_space<vmem>>, vector<16xf32>,
          %parallel_loop3A_475 = arith.constant 5 : i32
          %parallel_loop3A_476 = arith.addi %parallel_loop3A_116, %parallel_loop3A_475 : i32
          %parallel_loop3A_477 = arith.index_cast %parallel_loop3A_476 : i32 to index
          %parallel_loop3A_478 = arith.constant 48 : index
          %parallel_loop3A_479 = tpu.vector_load %arg13[%parallel_loop3A_477, %parallel_loop3A_478] {strides = array<i32>} : memref<128x64xf32, #tpu.memory_space<vmem>>, vector<16xf32>,
          tpu.vector_store %arg13[%parallel_loop3A_477, %parallel_loop3A_478], %parallel_loop3A_459 {strides = array<i32>} : memref<128x64xf32, #tpu.memory_space<vmem>>, vector<16xf32>,
          %parallel_loop3A_480 = arith.constant 6 : i32
          %parallel_loop3A_481 = arith.addi %parallel_loop3A_116, %parallel_loop3A_480 : i32
          %parallel_loop3A_482 = arith.index_cast %parallel_loop3A_481 : i32 to index
          %parallel_loop3A_483 = arith.constant 0 : index
          %parallel_loop3A_484 = tpu.vector_load %arg11[%parallel_loop3A_482, %parallel_loop3A_483] {strides = array<i32>} : memref<128x64xbf16, #tpu.memory_space<vmem>>, vector<32xbf16>,
          %parallel_loop3A_485 = arith.constant 6 : i32
          %parallel_loop3A_486 = arith.addi %parallel_loop3A_116, %parallel_loop3A_485 : i32
          %parallel_loop3A_487 = arith.index_cast %parallel_loop3A_486 : i32 to index
          %parallel_loop3A_488 = arith.constant 32 : index
          %parallel_loop3A_489 = tpu.vector_load %arg11[%parallel_loop3A_487, %parallel_loop3A_488] {strides = array<i32>} : memref<128x64xbf16, #tpu.memory_space<vmem>>, vector<32xbf16>,
          %parallel_loop3A_490 = tpu.unpack_subelements %parallel_loop3A_484, 0 {pack_format = #tpu.pack_format<interleaved>} : vector<32xbf16> -> vector<16xf32>
          %parallel_loop3A_491 = tpu.unpack_subelements %parallel_loop3A_484, 1 {pack_format = #tpu.pack_format<interleaved>} : vector<32xbf16> -> vector<16xf32>
          %parallel_loop3A_492 = tpu.unpack_subelements %parallel_loop3A_489, 0 {pack_format = #tpu.pack_format<interleaved>} : vector<32xbf16> -> vector<16xf32>
          %parallel_loop3A_493 = tpu.unpack_subelements %parallel_loop3A_489, 1 {pack_format = #tpu.pack_format<interleaved>} : vector<32xbf16> -> vector<16xf32>
          %parallel_loop3A_494 = arith.mulf %parallel_loop3A_490, %parallel_loop3A_151 : vector<16xf32>
          %parallel_loop3A_495 = arith.mulf %parallel_loop3A_491, %parallel_loop3A_151 : vector<16xf32>
          %parallel_loop3A_496 = arith.mulf %parallel_loop3A_492, %parallel_loop3A_151 : vector<16xf32>
          %parallel_loop3A_497 = arith.mulf %parallel_loop3A_493, %parallel_loop3A_151 : vector<16xf32>
          %parallel_loop3A_498 = arith.constant 6 : i32
          %parallel_loop3A_499 = arith.addi %parallel_loop3A_116, %parallel_loop3A_498 : i32
          %parallel_loop3A_500 = arith.index_cast %parallel_loop3A_499 : i32 to index
          %parallel_loop3A_501 = arith.constant 0 : index
          %parallel_loop3A_502 = tpu.vector_load %arg13[%parallel_loop3A_500, %parallel_loop3A_501] {strides = array<i32>} : memref<128x64xf32, #tpu.memory_space<vmem>>, vector<16xf32>,
          tpu.vector_store %arg13[%parallel_loop3A_500, %parallel_loop3A_501], %parallel_loop3A_494 {strides = array<i32>} : memref<128x64xf32, #tpu.memory_space<vmem>>, vector<16xf32>,
          %parallel_loop3A_503 = arith.constant 6 : i32
          %parallel_loop3A_504 = arith.addi %parallel_loop3A_116, %parallel_loop3A_503 : i32
          %parallel_loop3A_505 = arith.index_cast %parallel_loop3A_504 : i32 to index
          %parallel_loop3A_506 = arith.constant 16 : index
          %parallel_loop3A_507 = tpu.vector_load %arg13[%parallel_loop3A_505, %parallel_loop3A_506] {strides = array<i32>} : memref<128x64xf32, #tpu.memory_space<vmem>>, vector<16xf32>,
          tpu.vector_store %arg13[%parallel_loop3A_505, %parallel_loop3A_506], %parallel_loop3A_495 {strides = array<i32>} : memref<128x64xf32, #tpu.memory_space<vmem>>, vector<16xf32>,
          %parallel_loop3A_508 = arith.constant 6 : i32
          %parallel_loop3A_509 = arith.addi %parallel_loop3A_116, %parallel_loop3A_508 : i32
          %parallel_loop3A_510 = arith.index_cast %parallel_loop3A_509 : i32 to index
          %parallel_loop3A_511 = arith.constant 32 : index
          %parallel_loop3A_512 = tpu.vector_load %arg13[%parallel_loop3A_510, %parallel_loop3A_511] {strides = array<i32>} : memref<128x64xf32, #tpu.memory_space<vmem>>, vector<16xf32>,
          tpu.vector_store %arg13[%parallel_loop3A_510, %parallel_loop3A_511], %parallel_loop3A_496 {strides = array<i32>} : memref<128x64xf32, #tpu.memory_space<vmem>>, vector<16xf32>,
          %parallel_loop3A_513 = arith.constant 6 : i32
          %parallel_loop3A_514 = arith.addi %parallel_loop3A_116, %parallel_loop3A_513 : i32
          %parallel_loop3A_515 = arith.index_cast %parallel_loop3A_514 : i32 to index
          %parallel_loop3A_516 = arith.constant 48 : index
          %parallel_loop3A_517 = tpu.vector_load %arg13[%parallel_loop3A_515, %parallel_loop3A_516] {strides = array<i32>} : memref<128x64xf32, #tpu.memory_space<vmem>>, vector<16xf32>,
          tpu.vector_store %arg13[%parallel_loop3A_515, %parallel_loop3A_516], %parallel_loop3A_497 {strides = array<i32>} : memref<128x64xf32, #tpu.memory_space<vmem>>, vector<16xf32>,
          %parallel_loop3A_518 = arith.constant 7 : i32
          %parallel_loop3A_519 = arith.addi %parallel_loop3A_116, %parallel_loop3A_518 : i32
          %parallel_loop3A_520 = arith.index_cast %parallel_loop3A_519 : i32 to index
          %parallel_loop3A_521 = arith.constant 0 : index
          %parallel_loop3A_522 = tpu.vector_load %arg11[%parallel_loop3A_520, %parallel_loop3A_521] {strides = array<i32>} : memref<128x64xbf16, #tpu.memory_space<vmem>>, vector<32xbf16>,
          %parallel_loop3A_523 = arith.constant 7 : i32
          %parallel_loop3A_524 = arith.addi %parallel_loop3A_116, %parallel_loop3A_523 : i32
          %parallel_loop3A_525 = arith.index_cast %parallel_loop3A_524 : i32 to index
          %parallel_loop3A_526 = arith.constant 32 : index
          %parallel_loop3A_527 = tpu.vector_load %arg11[%parallel_loop3A_525, %parallel_loop3A_526] {strides = array<i32>} : memref<128x64xbf16, #tpu.memory_space<vmem>>, vector<32xbf16>,
          %parallel_loop3A_528 = tpu.unpack_subelements %parallel_loop3A_522, 0 {pack_format = #tpu.pack_format<interleaved>} : vector<32xbf16> -> vector<16xf32>
          %parallel_loop3A_529 = tpu.unpack_subelements %parallel_loop3A_522, 1 {pack_format = #tpu.pack_format<interleaved>} : vector<32xbf16> -> vector<16xf32>
          %parallel_loop3A_530 = tpu.unpack_subelements %parallel_loop3A_527, 0 {pack_format = #tpu.pack_format<interleaved>} : vector<32xbf16> -> vector<16xf32>
          %parallel_loop3A_531 = tpu.unpack_subelements %parallel_loop3A_527, 1 {pack_format = #tpu.pack_format<interleaved>} : vector<32xbf16> -> vector<16xf32>
          %parallel_loop3A_532 = arith.mulf %parallel_loop3A_528, %parallel_loop3A_155 : vector<16xf32>
          %parallel_loop3A_533 = arith.mulf %parallel_loop3A_529, %parallel_loop3A_155 : vector<16xf32>
          %parallel_loop3A_534 = arith.mulf %parallel_loop3A_530, %parallel_loop3A_155 : vector<16xf32>
          %parallel_loop3A_535 = arith.mulf %parallel_loop3A_531, %parallel_loop3A_155 : vector<16xf32>
          %parallel_loop3A_536 = arith.constant 7 : i32
          %parallel_loop3A_537 = arith.addi %parallel_loop3A_116, %parallel_loop3A_536 : i32
          %parallel_loop3A_538 = arith.index_cast %parallel_loop3A_537 : i32 to index
          %parallel_loop3A_539 = arith.constant 0 : index
          %parallel_loop3A_540 = tpu.vector_load %arg13[%parallel_loop3A_538, %parallel_loop3A_539] {strides = array<i32>} : memref<128x64xf32, #tpu.memory_space<vmem>>, vector<16xf32>,
          tpu.vector_store %arg13[%parallel_loop3A_538, %parallel_loop3A_539], %parallel_loop3A_532 {strides = array<i32>} : memref<128x64xf32, #tpu.memory_space<vmem>>, vector<16xf32>,
          %parallel_loop3A_541 = arith.constant 7 : i32
          %parallel_loop3A_542 = arith.addi %parallel_loop3A_116, %parallel_loop3A_541 : i32
          %parallel_loop3A_543 = arith.index_cast %parallel_loop3A_542 : i32 to index
          %parallel_loop3A_544 = arith.constant 16 : index
          %parallel_loop3A_545 = tpu.vector_load %arg13[%parallel_loop3A_543, %parallel_loop3A_544] {strides = array<i32>} : memref<128x64xf32, #tpu.memory_space<vmem>>, vector<16xf32>,
          tpu.vector_store %arg13[%parallel_loop3A_543, %parallel_loop3A_544], %parallel_loop3A_533 {strides = array<i32>} : memref<128x64xf32, #tpu.memory_space<vmem>>, vector<16xf32>,
          %parallel_loop3A_546 = arith.constant 7 : i32
          %parallel_loop3A_547 = arith.addi %parallel_loop3A_116, %parallel_loop3A_546 : i32
          %parallel_loop3A_548 = arith.index_cast %parallel_loop3A_547 : i32 to index
          %parallel_loop3A_549 = arith.constant 32 : index
          %parallel_loop3A_550 = tpu.vector_load %arg13[%parallel_loop3A_548, %parallel_loop3A_549] {strides = array<i32>} : memref<128x64xf32, #tpu.memory_space<vmem>>, vector<16xf32>,
          tpu.vector_store %arg13[%parallel_loop3A_548, %parallel_loop3A_549], %parallel_loop3A_534 {strides = array<i32>} : memref<128x64xf32, #tpu.memory_space<vmem>>, vector<16xf32>,
          %parallel_loop3A_551 = arith.constant 7 : i32
          %parallel_loop3A_552 = arith.addi %parallel_loop3A_116, %parallel_loop3A_551 : i32
          %parallel_loop3A_553 = arith.index_cast %parallel_loop3A_552 : i32 to index
          %parallel_loop3A_554 = arith.constant 48 : index
          %parallel_loop3A_555 = tpu.vector_load %arg13[%parallel_loop3A_553, %parallel_loop3A_554] {strides = array<i32>} : memref<128x64xf32, #tpu.memory_space<vmem>>, vector<16xf32>,
          tpu.vector_store %arg13[%parallel_loop3A_553, %parallel_loop3A_554], %parallel_loop3A_535 {strides = array<i32>} : memref<128x64xf32, #tpu.memory_space<vmem>>, vector<16xf32>,
          %parallel_loop3A_556 = arith.constant 8 : i32
          %parallel_loop3A_557 = arith.addi %parallel_loop3A_116, %parallel_loop3A_556 : i32
          %parallel_loop3A_558 = arith.index_cast %parallel_loop3A_557 : i32 to index
          %parallel_loop3A_559 = arith.constant 0 : index
          %parallel_loop3A_560 = tpu.vector_load %arg11[%parallel_loop3A_558, %parallel_loop3A_559] {strides = array<i32>} : memref<128x64xbf16, #tpu.memory_space<vmem>>, vector<32xbf16>,
          %parallel_loop3A_561 = arith.constant 8 : i32
          %parallel_loop3A_562 = arith.addi %parallel_loop3A_116, %parallel_loop3A_561 : i32
          %parallel_loop3A_563 = arith.index_cast %parallel_loop3A_562 : i32 to index
          %parallel_loop3A_564 = arith.constant 32 : index
          %parallel_loop3A_565 = tpu.vector_load %arg11[%parallel_loop3A_563, %parallel_loop3A_564] {strides = array<i32>} : memref<128x64xbf16, #tpu.memory_space<vmem>>, vector<32xbf16>,
          %parallel_loop3A_566 = tpu.unpack_subelements %parallel_loop3A_560, 0 {pack_format = #tpu.pack_format<interleaved>} : vector<32xbf16> -> vector<16xf32>
          %parallel_loop3A_567 = tpu.unpack_subelements %parallel_loop3A_560, 1 {pack_format = #tpu.pack_format<interleaved>} : vector<32xbf16> -> vector<16xf32>
          %parallel_loop3A_568 = tpu.unpack_subelements %parallel_loop3A_565, 0 {pack_format = #tpu.pack_format<interleaved>} : vector<32xbf16> -> vector<16xf32>
          %parallel_loop3A_569 = tpu.unpack_subelements %parallel_loop3A_565, 1 {pack_format = #tpu.pack_format<interleaved>} : vector<32xbf16> -> vector<16xf32>
          %parallel_loop3A_570 = arith.mulf %parallel_loop3A_566, %parallel_loop3A_159 : vector<16xf32>
          %parallel_loop3A_571 = arith.mulf %parallel_loop3A_567, %parallel_loop3A_159 : vector<16xf32>
          %parallel_loop3A_572 = arith.mulf %parallel_loop3A_568, %parallel_loop3A_159 : vector<16xf32>
          %parallel_loop3A_573 = arith.mulf %parallel_loop3A_569, %parallel_loop3A_159 : vector<16xf32>
          %parallel_loop3A_574 = arith.constant 8 : i32
          %parallel_loop3A_575 = arith.addi %parallel_loop3A_116, %parallel_loop3A_574 : i32
          %parallel_loop3A_576 = arith.index_cast %parallel_loop3A_575 : i32 to index
          %parallel_loop3A_577 = arith.constant 0 : index
          %parallel_loop3A_578 = tpu.vector_load %arg13[%parallel_loop3A_576, %parallel_loop3A_577] {strides = array<i32>} : memref<128x64xf32, #tpu.memory_space<vmem>>, vector<16xf32>,
          tpu.vector_store %arg13[%parallel_loop3A_576, %parallel_loop3A_577], %parallel_loop3A_570 {strides = array<i32>} : memref<128x64xf32, #tpu.memory_space<vmem>>, vector<16xf32>,
          %parallel_loop3A_579 = arith.constant 8 : i32
          %parallel_loop3A_580 = arith.addi %parallel_loop3A_116, %parallel_loop3A_579 : i32
          %parallel_loop3A_581 = arith.index_cast %parallel_loop3A_580 : i32 to index
          %parallel_loop3A_582 = arith.constant 16 : index
          %parallel_loop3A_583 = tpu.vector_load %arg13[%parallel_loop3A_581, %parallel_loop3A_582] {strides = array<i32>} : memref<128x64xf32, #tpu.memory_space<vmem>>, vector<16xf32>,
          tpu.vector_store %arg13[%parallel_loop3A_581, %parallel_loop3A_582], %parallel_loop3A_571 {strides = array<i32>} : memref<128x64xf32, #tpu.memory_space<vmem>>, vector<16xf32>,
          %parallel_loop3A_584 = arith.constant 8 : i32
          %parallel_loop3A_585 = arith.addi %parallel_loop3A_116, %parallel_loop3A_584 : i32
          %parallel_loop3A_586 = arith.index_cast %parallel_loop3A_585 : i32 to index
          %parallel_loop3A_587 = arith.constant 32 : index
          %parallel_loop3A_588 = tpu.vector_load %arg13[%parallel_loop3A_586, %parallel_loop3A_587] {strides = array<i32>} : memref<128x64xf32, #tpu.memory_space<vmem>>, vector<16xf32>,
          tpu.vector_store %arg13[%parallel_loop3A_586, %parallel_loop3A_587], %parallel_loop3A_572 {strides = array<i32>} : memref<128x64xf32, #tpu.memory_space<vmem>>, vector<16xf32>,
          %parallel_loop3A_589 = arith.constant 8 : i32
          %parallel_loop3A_590 = arith.addi %parallel_loop3A_116, %parallel_loop3A_589 : i32
          %parallel_loop3A_591 = arith.index_cast %parallel_loop3A_590 : i32 to index
          %parallel_loop3A_592 = arith.constant 48 : index
          %parallel_loop3A_593 = tpu.vector_load %arg13[%parallel_loop3A_591, %parallel_loop3A_592] {strides = array<i32>} : memref<128x64xf32, #tpu.memory_space<vmem>>, vector<16xf32>,
          tpu.vector_store %arg13[%parallel_loop3A_591, %parallel_loop3A_592], %parallel_loop3A_573 {strides = array<i32>} : memref<128x64xf32, #tpu.memory_space<vmem>>, vector<16xf32>,
          %parallel_loop3A_594 = arith.constant 9 : i32
          %parallel_loop3A_595 = arith.addi %parallel_loop3A_116, %parallel_loop3A_594 : i32
          %parallel_loop3A_596 = arith.index_cast %parallel_loop3A_595 : i32 to index
          %parallel_loop3A_597 = arith.constant 0 : index
          %parallel_loop3A_598 = tpu.vector_load %arg11[%parallel_loop3A_596, %parallel_loop3A_597] {strides = array<i32>} : memref<128x64xbf16, #tpu.memory_space<vmem>>, vector<32xbf16>,
          %parallel_loop3A_599 = arith.constant 9 : i32
          %parallel_loop3A_600 = arith.addi %parallel_loop3A_116, %parallel_loop3A_599 : i32
          %parallel_loop3A_601 = arith.index_cast %parallel_loop3A_600 : i32 to index
          %parallel_loop3A_602 = arith.constant 32 : index
          %parallel_loop3A_603 = tpu.vector_load %arg11[%parallel_loop3A_601, %parallel_loop3A_602] {strides = array<i32>} : memref<128x64xbf16, #tpu.memory_space<vmem>>, vector<32xbf16>,
          %parallel_loop3A_604 = tpu.unpack_subelements %parallel_loop3A_598, 0 {pack_format = #tpu.pack_format<interleaved>} : vector<32xbf16> -> vector<16xf32>
          %parallel_loop3A_605 = tpu.unpack_subelements %parallel_loop3A_598, 1 {pack_format = #tpu.pack_format<interleaved>} : vector<32xbf16> -> vector<16xf32>
          %parallel_loop3A_606 = tpu.unpack_subelements %parallel_loop3A_603, 0 {pack_format = #tpu.pack_format<interleaved>} : vector<32xbf16> -> vector<16xf32>
          %parallel_loop3A_607 = tpu.unpack_subelements %parallel_loop3A_603, 1 {pack_format = #tpu.pack_format<interleaved>} : vector<32xbf16> -> vector<16xf32>
          %parallel_loop3A_608 = arith.mulf %parallel_loop3A_604, %parallel_loop3A_163 : vector<16xf32>
          %parallel_loop3A_609 = arith.mulf %parallel_loop3A_605, %parallel_loop3A_163 : vector<16xf32>
          %parallel_loop3A_610 = arith.mulf %parallel_loop3A_606, %parallel_loop3A_163 : vector<16xf32>
          %parallel_loop3A_611 = arith.mulf %parallel_loop3A_607, %parallel_loop3A_163 : vector<16xf32>
          %parallel_loop3A_612 = arith.constant 9 : i32
          %parallel_loop3A_613 = arith.addi %parallel_loop3A_116, %parallel_loop3A_612 : i32
          %parallel_loop3A_614 = arith.index_cast %parallel_loop3A_613 : i32 to index
          %parallel_loop3A_615 = arith.constant 0 : index
          %parallel_loop3A_616 = tpu.vector_load %arg13[%parallel_loop3A_614, %parallel_loop3A_615] {strides = array<i32>} : memref<128x64xf32, #tpu.memory_space<vmem>>, vector<16xf32>,
          tpu.vector_store %arg13[%parallel_loop3A_614, %parallel_loop3A_615], %parallel_loop3A_608 {strides = array<i32>} : memref<128x64xf32, #tpu.memory_space<vmem>>, vector<16xf32>,
          %parallel_loop3A_617 = arith.constant 9 : i32
          %parallel_loop3A_618 = arith.addi %parallel_loop3A_116, %parallel_loop3A_617 : i32
          %parallel_loop3A_619 = arith.index_cast %parallel_loop3A_618 : i32 to index
          %parallel_loop3A_620 = arith.constant 16 : index
          %parallel_loop3A_621 = tpu.vector_load %arg13[%parallel_loop3A_619, %parallel_loop3A_620] {strides = array<i32>} : memref<128x64xf32, #tpu.memory_space<vmem>>, vector<16xf32>,
          tpu.vector_store %arg13[%parallel_loop3A_619, %parallel_loop3A_620], %parallel_loop3A_609 {strides = array<i32>} : memref<128x64xf32, #tpu.memory_space<vmem>>, vector<16xf32>,
          %parallel_loop3A_622 = arith.constant 9 : i32
          %parallel_loop3A_623 = arith.addi %parallel_loop3A_116, %parallel_loop3A_622 : i32
          %parallel_loop3A_624 = arith.index_cast %parallel_loop3A_623 : i32 to index
          %parallel_loop3A_625 = arith.constant 32 : index
          %parallel_loop3A_626 = tpu.vector_load %arg13[%parallel_loop3A_624, %parallel_loop3A_625] {strides = array<i32>} : memref<128x64xf32, #tpu.memory_space<vmem>>, vector<16xf32>,
          tpu.vector_store %arg13[%parallel_loop3A_624, %parallel_loop3A_625], %parallel_loop3A_610 {strides = array<i32>} : memref<128x64xf32, #tpu.memory_space<vmem>>, vector<16xf32>,
          %parallel_loop3A_627 = arith.constant 9 : i32
          %parallel_loop3A_628 = arith.addi %parallel_loop3A_116, %parallel_loop3A_627 : i32
          %parallel_loop3A_629 = arith.index_cast %parallel_loop3A_628 : i32 to index
          %parallel_loop3A_630 = arith.constant 48 : index
          %parallel_loop3A_631 = tpu.vector_load %arg13[%parallel_loop3A_629, %parallel_loop3A_630] {strides = array<i32>} : memref<128x64xf32, #tpu.memory_space<vmem>>, vector<16xf32>,
          tpu.vector_store %arg13[%parallel_loop3A_629, %parallel_loop3A_630], %parallel_loop3A_611 {strides = array<i32>} : memref<128x64xf32, #tpu.memory_space<vmem>>, vector<16xf32>,
          %parallel_loop3A_632 = arith.constant 10 : i32
          %parallel_loop3A_633 = arith.addi %parallel_loop3A_116, %parallel_loop3A_632 : i32
          %parallel_loop3A_634 = arith.index_cast %parallel_loop3A_633 : i32 to index
          %parallel_loop3A_635 = arith.constant 0 : index
          %parallel_loop3A_636 = tpu.vector_load %arg11[%parallel_loop3A_634, %parallel_loop3A_635] {strides = array<i32>} : memref<128x64xbf16, #tpu.memory_space<vmem>>, vector<32xbf16>,
          %parallel_loop3A_637 = arith.constant 10 : i32
          %parallel_loop3A_638 = arith.addi %parallel_loop3A_116, %parallel_loop3A_637 : i32
          %parallel_loop3A_639 = arith.index_cast %parallel_loop3A_638 : i32 to index
          %parallel_loop3A_640 = arith.constant 32 : index
          %parallel_loop3A_641 = tpu.vector_load %arg11[%parallel_loop3A_639, %parallel_loop3A_640] {strides = array<i32>} : memref<128x64xbf16, #tpu.memory_space<vmem>>, vector<32xbf16>,
          %parallel_loop3A_642 = tpu.unpack_subelements %parallel_loop3A_636, 0 {pack_format = #tpu.pack_format<interleaved>} : vector<32xbf16> -> vector<16xf32>
          %parallel_loop3A_643 = tpu.unpack_subelements %parallel_loop3A_636, 1 {pack_format = #tpu.pack_format<interleaved>} : vector<32xbf16> -> vector<16xf32>
          %parallel_loop3A_644 = tpu.unpack_subelements %parallel_loop3A_641, 0 {pack_format = #tpu.pack_format<interleaved>} : vector<32xbf16> -> vector<16xf32>
          %parallel_loop3A_645 = tpu.unpack_subelements %parallel_loop3A_641, 1 {pack_format = #tpu.pack_format<interleaved>} : vector<32xbf16> -> vector<16xf32>
          %parallel_loop3A_646 = arith.mulf %parallel_loop3A_642, %parallel_loop3A_167 : vector<16xf32>
          %parallel_loop3A_647 = arith.mulf %parallel_loop3A_643, %parallel_loop3A_167 : vector<16xf32>
          %parallel_loop3A_648 = arith.mulf %parallel_loop3A_644, %parallel_loop3A_167 : vector<16xf32>
          %parallel_loop3A_649 = arith.mulf %parallel_loop3A_645, %parallel_loop3A_167 : vector<16xf32>
          %parallel_loop3A_650 = arith.constant 10 : i32
          %parallel_loop3A_651 = arith.addi %parallel_loop3A_116, %parallel_loop3A_650 : i32
          %parallel_loop3A_652 = arith.index_cast %parallel_loop3A_651 : i32 to index
          %parallel_loop3A_653 = arith.constant 0 : index
          %parallel_loop3A_654 = tpu.vector_load %arg13[%parallel_loop3A_652, %parallel_loop3A_653] {strides = array<i32>} : memref<128x64xf32, #tpu.memory_space<vmem>>, vector<16xf32>,
          tpu.vector_store %arg13[%parallel_loop3A_652, %parallel_loop3A_653], %parallel_loop3A_646 {strides = array<i32>} : memref<128x64xf32, #tpu.memory_space<vmem>>, vector<16xf32>,
          %parallel_loop3A_655 = arith.constant 10 : i32
          %parallel_loop3A_656 = arith.addi %parallel_loop3A_116, %parallel_loop3A_655 : i32
          %parallel_loop3A_657 = arith.index_cast %parallel_loop3A_656 : i32 to index
          %parallel_loop3A_658 = arith.constant 16 : index
          %parallel_loop3A_659 = tpu.vector_load %arg13[%parallel_loop3A_657, %parallel_loop3A_658] {strides = array<i32>} : memref<128x64xf32, #tpu.memory_space<vmem>>, vector<16xf32>,
          tpu.vector_store %arg13[%parallel_loop3A_657, %parallel_loop3A_658], %parallel_loop3A_647 {strides = array<i32>} : memref<128x64xf32, #tpu.memory_space<vmem>>, vector<16xf32>,
          %parallel_loop3A_660 = arith.constant 10 : i32
          %parallel_loop3A_661 = arith.addi %parallel_loop3A_116, %parallel_loop3A_660 : i32
          %parallel_loop3A_662 = arith.index_cast %parallel_loop3A_661 : i32 to index
          %parallel_loop3A_663 = arith.constant 32 : index
          %parallel_loop3A_664 = tpu.vector_load %arg13[%parallel_loop3A_662, %parallel_loop3A_663] {strides = array<i32>} : memref<128x64xf32, #tpu.memory_space<vmem>>, vector<16xf32>,
          tpu.vector_store %arg13[%parallel_loop3A_662, %parallel_loop3A_663], %parallel_loop3A_648 {strides = array<i32>} : memref<128x64xf32, #tpu.memory_space<vmem>>, vector<16xf32>,
          %parallel_loop3A_665 = arith.constant 10 : i32
          %parallel_loop3A_666 = arith.addi %parallel_loop3A_116, %parallel_loop3A_665 : i32
          %parallel_loop3A_667 = arith.index_cast %parallel_loop3A_666 : i32 to index
          %parallel_loop3A_668 = arith.constant 48 : index
          %parallel_loop3A_669 = tpu.vector_load %arg13[%parallel_loop3A_667, %parallel_loop3A_668] {strides = array<i32>} : memref<128x64xf32, #tpu.memory_space<vmem>>, vector<16xf32>,
          tpu.vector_store %arg13[%parallel_loop3A_667, %parallel_loop3A_668], %parallel_loop3A_649 {strides = array<i32>} : memref<128x64xf32, #tpu.memory_space<vmem>>, vector<16xf32>,
          %parallel_loop3A_670 = arith.constant 11 : i32
          %parallel_loop3A_671 = arith.addi %parallel_loop3A_116, %parallel_loop3A_670 : i32
          %parallel_loop3A_672 = arith.index_cast %parallel_loop3A_671 : i32 to index
          %parallel_loop3A_673 = arith.constant 0 : index
          %parallel_loop3A_674 = tpu.vector_load %arg11[%parallel_loop3A_672, %parallel_loop3A_673] {strides = array<i32>} : memref<128x64xbf16, #tpu.memory_space<vmem>>, vector<32xbf16>,
          %parallel_loop3A_675 = arith.constant 11 : i32
          %parallel_loop3A_676 = arith.addi %parallel_loop3A_116, %parallel_loop3A_675 : i32
          %parallel_loop3A_677 = arith.index_cast %parallel_loop3A_676 : i32 to index
          %parallel_loop3A_678 = arith.constant 32 : index
          %parallel_loop3A_679 = tpu.vector_load %arg11[%parallel_loop3A_677, %parallel_loop3A_678] {strides = array<i32>} : memref<128x64xbf16, #tpu.memory_space<vmem>>, vector<32xbf16>,
          %parallel_loop3A_680 = tpu.unpack_subelements %parallel_loop3A_674, 0 {pack_format = #tpu.pack_format<interleaved>} : vector<32xbf16> -> vector<16xf32>
          %parallel_loop3A_681 = tpu.unpack_subelements %parallel_loop3A_674, 1 {pack_format = #tpu.pack_format<interleaved>} : vector<32xbf16> -> vector<16xf32>
          %parallel_loop3A_682 = tpu.unpack_subelements %parallel_loop3A_679, 0 {pack_format = #tpu.pack_format<interleaved>} : vector<32xbf16> -> vector<16xf32>
          %parallel_loop3A_683 = tpu.unpack_subelements %parallel_loop3A_679, 1 {pack_format = #tpu.pack_format<interleaved>} : vector<32xbf16> -> vector<16xf32>
          %parallel_loop3A_684 = arith.mulf %parallel_loop3A_680, %parallel_loop3A_171 : vector<16xf32>
          %parallel_loop3A_685 = arith.mulf %parallel_loop3A_681, %parallel_loop3A_171 : vector<16xf32>
          %parallel_loop3A_686 = arith.mulf %parallel_loop3A_682, %parallel_loop3A_171 : vector<16xf32>
          %parallel_loop3A_687 = arith.mulf %parallel_loop3A_683, %parallel_loop3A_171 : vector<16xf32>
          %parallel_loop3A_688 = arith.constant 11 : i32
          %parallel_loop3A_689 = arith.addi %parallel_loop3A_116, %parallel_loop3A_688 : i32
          %parallel_loop3A_690 = arith.index_cast %parallel_loop3A_689 : i32 to index
          %parallel_loop3A_691 = arith.constant 0 : index
          %parallel_loop3A_692 = tpu.vector_load %arg13[%parallel_loop3A_690, %parallel_loop3A_691] {strides = array<i32>} : memref<128x64xf32, #tpu.memory_space<vmem>>, vector<16xf32>,
          tpu.vector_store %arg13[%parallel_loop3A_690, %parallel_loop3A_691], %parallel_loop3A_684 {strides = array<i32>} : memref<128x64xf32, #tpu.memory_space<vmem>>, vector<16xf32>,
          %parallel_loop3A_693 = arith.constant 11 : i32
          %parallel_loop3A_694 = arith.addi %parallel_loop3A_116, %parallel_loop3A_693 : i32
          %parallel_loop3A_695 = arith.index_cast %parallel_loop3A_694 : i32 to index
          %parallel_loop3A_696 = arith.constant 16 : index
          %parallel_loop3A_697 = tpu.vector_load %arg13[%parallel_loop3A_695, %parallel_loop3A_696] {strides = array<i32>} : memref<128x64xf32, #tpu.memory_space<vmem>>, vector<16xf32>,
          tpu.vector_store %arg13[%parallel_loop3A_695, %parallel_loop3A_696], %parallel_loop3A_685 {strides = array<i32>} : memref<128x64xf32, #tpu.memory_space<vmem>>, vector<16xf32>,
          %parallel_loop3A_698 = arith.constant 11 : i32
          %parallel_loop3A_699 = arith.addi %parallel_loop3A_116, %parallel_loop3A_698 : i32
          %parallel_loop3A_700 = arith.index_cast %parallel_loop3A_699 : i32 to index
          %parallel_loop3A_701 = arith.constant 32 : index
          %parallel_loop3A_702 = tpu.vector_load %arg13[%parallel_loop3A_700, %parallel_loop3A_701] {strides = array<i32>} : memref<128x64xf32, #tpu.memory_space<vmem>>, vector<16xf32>,
          tpu.vector_store %arg13[%parallel_loop3A_700, %parallel_loop3A_701], %parallel_loop3A_686 {strides = array<i32>} : memref<128x64xf32, #tpu.memory_space<vmem>>, vector<16xf32>,
          %parallel_loop3A_703 = arith.constant 11 : i32
          %parallel_loop3A_704 = arith.addi %parallel_loop3A_116, %parallel_loop3A_703 : i32
          %parallel_loop3A_705 = arith.index_cast %parallel_loop3A_704 : i32 to index
          %parallel_loop3A_706 = arith.constant 48 : index
          %parallel_loop3A_707 = tpu.vector_load %arg13[%parallel_loop3A_705, %parallel_loop3A_706] {strides = array<i32>} : memref<128x64xf32, #tpu.memory_space<vmem>>, vector<16xf32>,
          tpu.vector_store %arg13[%parallel_loop3A_705, %parallel_loop3A_706], %parallel_loop3A_687 {strides = array<i32>} : memref<128x64xf32, #tpu.memory_space<vmem>>, vector<16xf32>,
          %parallel_loop3A_708 = arith.constant 12 : i32
          %parallel_loop3A_709 = arith.addi %parallel_loop3A_116, %parallel_loop3A_708 : i32
          %parallel_loop3A_710 = arith.index_cast %parallel_loop3A_709 : i32 to index
          %parallel_loop3A_711 = arith.constant 0 : index
          %parallel_loop3A_712 = tpu.vector_load %arg11[%parallel_loop3A_710, %parallel_loop3A_711] {strides = array<i32>} : memref<128x64xbf16, #tpu.memory_space<vmem>>, vector<32xbf16>,
          %parallel_loop3A_713 = arith.constant 12 : i32
          %parallel_loop3A_714 = arith.addi %parallel_loop3A_116, %parallel_loop3A_713 : i32
          %parallel_loop3A_715 = arith.index_cast %parallel_loop3A_714 : i32 to index
          %parallel_loop3A_716 = arith.constant 32 : index
          %parallel_loop3A_717 = tpu.vector_load %arg11[%parallel_loop3A_715, %parallel_loop3A_716] {strides = array<i32>} : memref<128x64xbf16, #tpu.memory_space<vmem>>, vector<32xbf16>,
          %parallel_loop3A_718 = tpu.unpack_subelements %parallel_loop3A_712, 0 {pack_format = #tpu.pack_format<interleaved>} : vector<32xbf16> -> vector<16xf32>
          %parallel_loop3A_719 = tpu.unpack_subelements %parallel_loop3A_712, 1 {pack_format = #tpu.pack_format<interleaved>} : vector<32xbf16> -> vector<16xf32>
          %parallel_loop3A_720 = tpu.unpack_subelements %parallel_loop3A_717, 0 {pack_format = #tpu.pack_format<interleaved>} : vector<32xbf16> -> vector<16xf32>
          %parallel_loop3A_721 = tpu.unpack_subelements %parallel_loop3A_717, 1 {pack_format = #tpu.pack_format<interleaved>} : vector<32xbf16> -> vector<16xf32>
          %parallel_loop3A_722 = arith.mulf %parallel_loop3A_718, %parallel_loop3A_175 : vector<16xf32>
          %parallel_loop3A_723 = arith.mulf %parallel_loop3A_719, %parallel_loop3A_175 : vector<16xf32>
          %parallel_loop3A_724 = arith.mulf %parallel_loop3A_720, %parallel_loop3A_175 : vector<16xf32>
          %parallel_loop3A_725 = arith.mulf %parallel_loop3A_721, %parallel_loop3A_175 : vector<16xf32>
          %parallel_loop3A_726 = arith.constant 12 : i32
          %parallel_loop3A_727 = arith.addi %parallel_loop3A_116, %parallel_loop3A_726 : i32
          %parallel_loop3A_728 = arith.index_cast %parallel_loop3A_727 : i32 to index
          %parallel_loop3A_729 = arith.constant 0 : index
          %parallel_loop3A_730 = tpu.vector_load %arg13[%parallel_loop3A_728, %parallel_loop3A_729] {strides = array<i32>} : memref<128x64xf32, #tpu.memory_space<vmem>>, vector<16xf32>,
          tpu.vector_store %arg13[%parallel_loop3A_728, %parallel_loop3A_729], %parallel_loop3A_722 {strides = array<i32>} : memref<128x64xf32, #tpu.memory_space<vmem>>, vector<16xf32>,
          %parallel_loop3A_731 = arith.constant 12 : i32
          %parallel_loop3A_732 = arith.addi %parallel_loop3A_116, %parallel_loop3A_731 : i32
          %parallel_loop3A_733 = arith.index_cast %parallel_loop3A_732 : i32 to index
          %parallel_loop3A_734 = arith.constant 16 : index
          %parallel_loop3A_735 = tpu.vector_load %arg13[%parallel_loop3A_733, %parallel_loop3A_734] {strides = array<i32>} : memref<128x64xf32, #tpu.memory_space<vmem>>, vector<16xf32>,
          tpu.vector_store %arg13[%parallel_loop3A_733, %parallel_loop3A_734], %parallel_loop3A_723 {strides = array<i32>} : memref<128x64xf32, #tpu.memory_space<vmem>>, vector<16xf32>,
          %parallel_loop3A_736 = arith.constant 12 : i32
          %parallel_loop3A_737 = arith.addi %parallel_loop3A_116, %parallel_loop3A_736 : i32
          %parallel_loop3A_738 = arith.index_cast %parallel_loop3A_737 : i32 to index
          %parallel_loop3A_739 = arith.constant 32 : index
          %parallel_loop3A_740 = tpu.vector_load %arg13[%parallel_loop3A_738, %parallel_loop3A_739] {strides = array<i32>} : memref<128x64xf32, #tpu.memory_space<vmem>>, vector<16xf32>,
          tpu.vector_store %arg13[%parallel_loop3A_738, %parallel_loop3A_739], %parallel_loop3A_724 {strides = array<i32>} : memref<128x64xf32, #tpu.memory_space<vmem>>, vector<16xf32>,
          %parallel_loop3A_741 = arith.constant 12 : i32
          %parallel_loop3A_742 = arith.addi %parallel_loop3A_116, %parallel_loop3A_741 : i32
          %parallel_loop3A_743 = arith.index_cast %parallel_loop3A_742 : i32 to index
          %parallel_loop3A_744 = arith.constant 48 : index
          %parallel_loop3A_745 = tpu.vector_load %arg13[%parallel_loop3A_743, %parallel_loop3A_744] {strides = array<i32>} : memref<128x64xf32, #tpu.memory_space<vmem>>, vector<16xf32>,
          tpu.vector_store %arg13[%parallel_loop3A_743, %parallel_loop3A_744], %parallel_loop3A_725 {strides = array<i32>} : memref<128x64xf32, #tpu.memory_space<vmem>>, vector<16xf32>,
          %parallel_loop3A_746 = arith.constant 13 : i32
          %parallel_loop3A_747 = arith.addi %parallel_loop3A_116, %parallel_loop3A_746 : i32
          %parallel_loop3A_748 = arith.index_cast %parallel_loop3A_747 : i32 to index
          %parallel_loop3A_749 = arith.constant 0 : index
          %parallel_loop3A_750 = tpu.vector_load %arg11[%parallel_loop3A_748, %parallel_loop3A_749] {strides = array<i32>} : memref<128x64xbf16, #tpu.memory_space<vmem>>, vector<32xbf16>,
          %parallel_loop3A_751 = arith.constant 13 : i32
          %parallel_loop3A_752 = arith.addi %parallel_loop3A_116, %parallel_loop3A_751 : i32
          %parallel_loop3A_753 = arith.index_cast %parallel_loop3A_752 : i32 to index
          %parallel_loop3A_754 = arith.constant 32 : index
          %parallel_loop3A_755 = tpu.vector_load %arg11[%parallel_loop3A_753, %parallel_loop3A_754] {strides = array<i32>} : memref<128x64xbf16, #tpu.memory_space<vmem>>, vector<32xbf16>,
          %parallel_loop3A_756 = tpu.unpack_subelements %parallel_loop3A_750, 0 {pack_format = #tpu.pack_format<interleaved>} : vector<32xbf16> -> vector<16xf32>
          %parallel_loop3A_757 = tpu.unpack_subelements %parallel_loop3A_750, 1 {pack_format = #tpu.pack_format<interleaved>} : vector<32xbf16> -> vector<16xf32>
          %parallel_loop3A_758 = tpu.unpack_subelements %parallel_loop3A_755, 0 {pack_format = #tpu.pack_format<interleaved>} : vector<32xbf16> -> vector<16xf32>
          %parallel_loop3A_759 = tpu.unpack_subelements %parallel_loop3A_755, 1 {pack_format = #tpu.pack_format<interleaved>} : vector<32xbf16> -> vector<16xf32>
          %parallel_loop3A_760 = arith.mulf %parallel_loop3A_756, %parallel_loop3A_179 : vector<16xf32>
          %parallel_loop3A_761 = arith.mulf %parallel_loop3A_757, %parallel_loop3A_179 : vector<16xf32>
          %parallel_loop3A_762 = arith.mulf %parallel_loop3A_758, %parallel_loop3A_179 : vector<16xf32>
          %parallel_loop3A_763 = arith.mulf %parallel_loop3A_759, %parallel_loop3A_179 : vector<16xf32>
          %parallel_loop3A_764 = arith.constant 13 : i32
          %parallel_loop3A_765 = arith.addi %parallel_loop3A_116, %parallel_loop3A_764 : i32
          %parallel_loop3A_766 = arith.index_cast %parallel_loop3A_765 : i32 to index
          %parallel_loop3A_767 = arith.constant 0 : index
          %parallel_loop3A_768 = tpu.vector_load %arg13[%parallel_loop3A_766, %parallel_loop3A_767] {strides = array<i32>} : memref<128x64xf32, #tpu.memory_space<vmem>>, vector<16xf32>,
          tpu.vector_store %arg13[%parallel_loop3A_766, %parallel_loop3A_767], %parallel_loop3A_760 {strides = array<i32>} : memref<128x64xf32, #tpu.memory_space<vmem>>, vector<16xf32>,
          %parallel_loop3A_769 = arith.constant 13 : i32
          %parallel_loop3A_770 = arith.addi %parallel_loop3A_116, %parallel_loop3A_769 : i32
          %parallel_loop3A_771 = arith.index_cast %parallel_loop3A_770 : i32 to index
          %parallel_loop3A_772 = arith.constant 16 : index
          %parallel_loop3A_773 = tpu.vector_load %arg13[%parallel_loop3A_771, %parallel_loop3A_772] {strides = array<i32>} : memref<128x64xf32, #tpu.memory_space<vmem>>, vector<16xf32>,
          tpu.vector_store %arg13[%parallel_loop3A_771, %parallel_loop3A_772], %parallel_loop3A_761 {strides = array<i32>} : memref<128x64xf32, #tpu.memory_space<vmem>>, vector<16xf32>,
          %parallel_loop3A_774 = arith.constant 13 : i32
          %parallel_loop3A_775 = arith.addi %parallel_loop3A_116, %parallel_loop3A_774 : i32
          %parallel_loop3A_776 = arith.index_cast %parallel_loop3A_775 : i32 to index
          %parallel_loop3A_777 = arith.constant 32 : index
          %parallel_loop3A_778 = tpu.vector_load %arg13[%parallel_loop3A_776, %parallel_loop3A_777] {strides = array<i32>} : memref<128x64xf32, #tpu.memory_space<vmem>>, vector<16xf32>,
          tpu.vector_store %arg13[%parallel_loop3A_776, %parallel_loop3A_777], %parallel_loop3A_762 {strides = array<i32>} : memref<128x64xf32, #tpu.memory_space<vmem>>, vector<16xf32>,
          %parallel_loop3A_779 = arith.constant 13 : i32
          %parallel_loop3A_780 = arith.addi %parallel_loop3A_116, %parallel_loop3A_779 : i32
          %parallel_loop3A_781 = arith.index_cast %parallel_loop3A_780 : i32 to index
          %parallel_loop3A_782 = arith.constant 48 : index
          %parallel_loop3A_783 = tpu.vector_load %arg13[%parallel_loop3A_781, %parallel_loop3A_782] {strides = array<i32>} : memref<128x64xf32, #tpu.memory_space<vmem>>, vector<16xf32>,
          tpu.vector_store %arg13[%parallel_loop3A_781, %parallel_loop3A_782], %parallel_loop3A_763 {strides = array<i32>} : memref<128x64xf32, #tpu.memory_space<vmem>>, vector<16xf32>,
          %parallel_loop3A_784 = arith.constant 14 : i32
          %parallel_loop3A_785 = arith.addi %parallel_loop3A_116, %parallel_loop3A_784 : i32
          %parallel_loop3A_786 = arith.index_cast %parallel_loop3A_785 : i32 to index
          %parallel_loop3A_787 = arith.constant 0 : index
          %parallel_loop3A_788 = tpu.vector_load %arg11[%parallel_loop3A_786, %parallel_loop3A_787] {strides = array<i32>} : memref<128x64xbf16, #tpu.memory_space<vmem>>, vector<32xbf16>,
          %parallel_loop3A_789 = arith.constant 14 : i32
          %parallel_loop3A_790 = arith.addi %parallel_loop3A_116, %parallel_loop3A_789 : i32
          %parallel_loop3A_791 = arith.index_cast %parallel_loop3A_790 : i32 to index
          %parallel_loop3A_792 = arith.constant 32 : index
          %parallel_loop3A_793 = tpu.vector_load %arg11[%parallel_loop3A_791, %parallel_loop3A_792] {strides = array<i32>} : memref<128x64xbf16, #tpu.memory_space<vmem>>, vector<32xbf16>,
          %parallel_loop3A_794 = tpu.unpack_subelements %parallel_loop3A_788, 0 {pack_format = #tpu.pack_format<interleaved>} : vector<32xbf16> -> vector<16xf32>
          %parallel_loop3A_795 = tpu.unpack_subelements %parallel_loop3A_788, 1 {pack_format = #tpu.pack_format<interleaved>} : vector<32xbf16> -> vector<16xf32>
          %parallel_loop3A_796 = tpu.unpack_subelements %parallel_loop3A_793, 0 {pack_format = #tpu.pack_format<interleaved>} : vector<32xbf16> -> vector<16xf32>
          %parallel_loop3A_797 = tpu.unpack_subelements %parallel_loop3A_793, 1 {pack_format = #tpu.pack_format<interleaved>} : vector<32xbf16> -> vector<16xf32>
          %parallel_loop3A_798 = arith.mulf %parallel_loop3A_794, %parallel_loop3A_183 : vector<16xf32>
          %parallel_loop3A_799 = arith.mulf %parallel_loop3A_795, %parallel_loop3A_183 : vector<16xf32>
          %parallel_loop3A_800 = arith.mulf %parallel_loop3A_796, %parallel_loop3A_183 : vector<16xf32>
          %parallel_loop3A_801 = arith.mulf %parallel_loop3A_797, %parallel_loop3A_183 : vector<16xf32>
          %parallel_loop3A_802 = arith.constant 14 : i32
          %parallel_loop3A_803 = arith.addi %parallel_loop3A_116, %parallel_loop3A_802 : i32
          %parallel_loop3A_804 = arith.index_cast %parallel_loop3A_803 : i32 to index
          %parallel_loop3A_805 = arith.constant 0 : index
          %parallel_loop3A_806 = tpu.vector_load %arg13[%parallel_loop3A_804, %parallel_loop3A_805] {strides = array<i32>} : memref<128x64xf32, #tpu.memory_space<vmem>>, vector<16xf32>,
          tpu.vector_store %arg13[%parallel_loop3A_804, %parallel_loop3A_805], %parallel_loop3A_798 {strides = array<i32>} : memref<128x64xf32, #tpu.memory_space<vmem>>, vector<16xf32>,
          %parallel_loop3A_807 = arith.constant 14 : i32
          %parallel_loop3A_808 = arith.addi %parallel_loop3A_116, %parallel_loop3A_807 : i32
          %parallel_loop3A_809 = arith.index_cast %parallel_loop3A_808 : i32 to index
          %parallel_loop3A_810 = arith.constant 16 : index
          %parallel_loop3A_811 = tpu.vector_load %arg13[%parallel_loop3A_809, %parallel_loop3A_810] {strides = array<i32>} : memref<128x64xf32, #tpu.memory_space<vmem>>, vector<16xf32>,
          tpu.vector_store %arg13[%parallel_loop3A_809, %parallel_loop3A_810], %parallel_loop3A_799 {strides = array<i32>} : memref<128x64xf32, #tpu.memory_space<vmem>>, vector<16xf32>,
          %parallel_loop3A_812 = arith.constant 14 : i32
          %parallel_loop3A_813 = arith.addi %parallel_loop3A_116, %parallel_loop3A_812 : i32
          %parallel_loop3A_814 = arith.index_cast %parallel_loop3A_813 : i32 to index
          %parallel_loop3A_815 = arith.constant 32 : index
          %parallel_loop3A_816 = tpu.vector_load %arg13[%parallel_loop3A_814, %parallel_loop3A_815] {strides = array<i32>} : memref<128x64xf32, #tpu.memory_space<vmem>>, vector<16xf32>,
          tpu.vector_store %arg13[%parallel_loop3A_814, %parallel_loop3A_815], %parallel_loop3A_800 {strides = array<i32>} : memref<128x64xf32, #tpu.memory_space<vmem>>, vector<16xf32>,
          %parallel_loop3A_817 = arith.constant 14 : i32
          %parallel_loop3A_818 = arith.addi %parallel_loop3A_116, %parallel_loop3A_817 : i32
          %parallel_loop3A_819 = arith.index_cast %parallel_loop3A_818 : i32 to index
          %parallel_loop3A_820 = arith.constant 48 : index
          %parallel_loop3A_821 = tpu.vector_load %arg13[%parallel_loop3A_819, %parallel_loop3A_820] {strides = array<i32>} : memref<128x64xf32, #tpu.memory_space<vmem>>, vector<16xf32>,
          tpu.vector_store %arg13[%parallel_loop3A_819, %parallel_loop3A_820], %parallel_loop3A_801 {strides = array<i32>} : memref<128x64xf32, #tpu.memory_space<vmem>>, vector<16xf32>,
          %parallel_loop3A_822 = arith.constant 15 : i32
          %parallel_loop3A_823 = arith.addi %parallel_loop3A_116, %parallel_loop3A_822 : i32
          %parallel_loop3A_824 = arith.index_cast %parallel_loop3A_823 : i32 to index
          %parallel_loop3A_825 = arith.constant 0 : index
          %parallel_loop3A_826 = tpu.vector_load %arg11[%parallel_loop3A_824, %parallel_loop3A_825] {strides = array<i32>} : memref<128x64xbf16, #tpu.memory_space<vmem>>, vector<32xbf16>,
          %parallel_loop3A_827 = arith.constant 15 : i32
          %parallel_loop3A_828 = arith.addi %parallel_loop3A_116, %parallel_loop3A_827 : i32
          %parallel_loop3A_829 = arith.index_cast %parallel_loop3A_828 : i32 to index
          %parallel_loop3A_830 = arith.constant 32 : index
          %parallel_loop3A_831 = tpu.vector_load %arg11[%parallel_loop3A_829, %parallel_loop3A_830] {strides = array<i32>} : memref<128x64xbf16, #tpu.memory_space<vmem>>, vector<32xbf16>,
          %parallel_loop3A_832 = tpu.unpack_subelements %parallel_loop3A_826, 0 {pack_format = #tpu.pack_format<interleaved>} : vector<32xbf16> -> vector<16xf32>
          %parallel_loop3A_833 = tpu.unpack_subelements %parallel_loop3A_826, 1 {pack_format = #tpu.pack_format<interleaved>} : vector<32xbf16> -> vector<16xf32>
          %parallel_loop3A_834 = tpu.unpack_subelements %parallel_loop3A_831, 0 {pack_format = #tpu.pack_format<interleaved>} : vector<32xbf16> -> vector<16xf32>
          %parallel_loop3A_835 = tpu.unpack_subelements %parallel_loop3A_831, 1 {pack_format = #tpu.pack_format<interleaved>} : vector<32xbf16> -> vector<16xf32>
          %parallel_loop3A_836 = arith.mulf %parallel_loop3A_832, %parallel_loop3A_187 : vector<16xf32>
          %parallel_loop3A_837 = arith.mulf %parallel_loop3A_833, %parallel_loop3A_187 : vector<16xf32>
          %parallel_loop3A_838 = arith.mulf %parallel_loop3A_834, %parallel_loop3A_187 : vector<16xf32>
          %parallel_loop3A_839 = arith.mulf %parallel_loop3A_835, %parallel_loop3A_187 : vector<16xf32>
          %parallel_loop3A_840 = arith.constant 15 : i32
          %parallel_loop3A_841 = arith.addi %parallel_loop3A_116, %parallel_loop3A_840 : i32
          %parallel_loop3A_842 = arith.index_cast %parallel_loop3A_841 : i32 to index
          %parallel_loop3A_843 = arith.constant 0 : index
          %parallel_loop3A_844 = tpu.vector_load %arg13[%parallel_loop3A_842, %parallel_loop3A_843] {strides = array<i32>} : memref<128x64xf32, #tpu.memory_space<vmem>>, vector<16xf32>,
          tpu.vector_store %arg13[%parallel_loop3A_842, %parallel_loop3A_843], %parallel_loop3A_836 {strides = array<i32>} : memref<128x64xf32, #tpu.memory_space<vmem>>, vector<16xf32>,
          %parallel_loop3A_845 = arith.constant 15 : i32
          %parallel_loop3A_846 = arith.addi %parallel_loop3A_116, %parallel_loop3A_845 : i32
          %parallel_loop3A_847 = arith.index_cast %parallel_loop3A_846 : i32 to index
          %parallel_loop3A_848 = arith.constant 16 : index
          %parallel_loop3A_849 = tpu.vector_load %arg13[%parallel_loop3A_847, %parallel_loop3A_848] {strides = array<i32>} : memref<128x64xf32, #tpu.memory_space<vmem>>, vector<16xf32>,
          tpu.vector_store %arg13[%parallel_loop3A_847, %parallel_loop3A_848], %parallel_loop3A_837 {strides = array<i32>} : memref<128x64xf32, #tpu.memory_space<vmem>>, vector<16xf32>,
          %parallel_loop3A_850 = arith.constant 15 : i32
          %parallel_loop3A_851 = arith.addi %parallel_loop3A_116, %parallel_loop3A_850 : i32
          %parallel_loop3A_852 = arith.index_cast %parallel_loop3A_851 : i32 to index
          %parallel_loop3A_853 = arith.constant 32 : index
          %parallel_loop3A_854 = tpu.vector_load %arg13[%parallel_loop3A_852, %parallel_loop3A_853] {strides = array<i32>} : memref<128x64xf32, #tpu.memory_space<vmem>>, vector<16xf32>,
          tpu.vector_store %arg13[%parallel_loop3A_852, %parallel_loop3A_853], %parallel_loop3A_838 {strides = array<i32>} : memref<128x64xf32, #tpu.memory_space<vmem>>, vector<16xf32>,
          %parallel_loop3A_855 = arith.constant 15 : i32
          %parallel_loop3A_856 = arith.addi %parallel_loop3A_116, %parallel_loop3A_855 : i32
          %parallel_loop3A_857 = arith.index_cast %parallel_loop3A_856 : i32 to index
          %parallel_loop3A_858 = arith.constant 48 : index
          %parallel_loop3A_859 = tpu.vector_load %arg13[%parallel_loop3A_857, %parallel_loop3A_858] {strides = array<i32>} : memref<128x64xf32, #tpu.memory_space<vmem>>, vector<16xf32>,
          tpu.vector_store %arg13[%parallel_loop3A_857, %parallel_loop3A_858], %parallel_loop3A_839 {strides = array<i32>} : memref<128x64xf32, #tpu.memory_space<vmem>>, vector<16xf32>,
          %parallel_loop3A_860 = arith.constant 16 : i32
          %parallel_loop3A_861 = arith.addi %parallel_loop3A_116, %parallel_loop3A_860 : i32
          %parallel_loop3A_862 = arith.index_cast %parallel_loop3A_861 : i32 to index
          %parallel_loop3A_863 = arith.constant 0 : index
          %parallel_loop3A_864 = tpu.vector_load %arg11[%parallel_loop3A_862, %parallel_loop3A_863] {strides = array<i32>} : memref<128x64xbf16, #tpu.memory_space<vmem>>, vector<32xbf16>,
          %parallel_loop3A_865 = arith.constant 16 : i32
          %parallel_loop3A_866 = arith.addi %parallel_loop3A_116, %parallel_loop3A_865 : i32
          %parallel_loop3A_867 = arith.index_cast %parallel_loop3A_866 : i32 to index
          %parallel_loop3A_868 = arith.constant 32 : index
          %parallel_loop3A_869 = tpu.vector_load %arg11[%parallel_loop3A_867, %parallel_loop3A_868] {strides = array<i32>} : memref<128x64xbf16, #tpu.memory_space<vmem>>, vector<32xbf16>,
          %parallel_loop3A_870 = tpu.unpack_subelements %parallel_loop3A_864, 0 {pack_format = #tpu.pack_format<interleaved>} : vector<32xbf16> -> vector<16xf32>
          %parallel_loop3A_871 = tpu.unpack_subelements %parallel_loop3A_864, 1 {pack_format = #tpu.pack_format<interleaved>} : vector<32xbf16> -> vector<16xf32>
          %parallel_loop3A_872 = tpu.unpack_subelements %parallel_loop3A_869, 0 {pack_format = #tpu.pack_format<interleaved>} : vector<32xbf16> -> vector<16xf32>
          %parallel_loop3A_873 = tpu.unpack_subelements %parallel_loop3A_869, 1 {pack_format = #tpu.pack_format<interleaved>} : vector<32xbf16> -> vector<16xf32>
          %parallel_loop3A_874 = arith.mulf %parallel_loop3A_870, %parallel_loop3A_191 : vector<16xf32>
          %parallel_loop3A_875 = arith.mulf %parallel_loop3A_871, %parallel_loop3A_191 : vector<16xf32>
          %parallel_loop3A_876 = arith.mulf %parallel_loop3A_872, %parallel_loop3A_191 : vector<16xf32>
          %parallel_loop3A_877 = arith.mulf %parallel_loop3A_873, %parallel_loop3A_191 : vector<16xf32>
          %parallel_loop3A_878 = arith.constant 16 : i32
          %parallel_loop3A_879 = arith.addi %parallel_loop3A_116, %parallel_loop3A_878 : i32
          %parallel_loop3A_880 = arith.index_cast %parallel_loop3A_879 : i32 to index
          %parallel_loop3A_881 = arith.constant 0 : index
          %parallel_loop3A_882 = tpu.vector_load %arg13[%parallel_loop3A_880, %parallel_loop3A_881] {strides = array<i32>} : memref<128x64xf32, #tpu.memory_space<vmem>>, vector<16xf32>,
          tpu.vector_store %arg13[%parallel_loop3A_880, %parallel_loop3A_881], %parallel_loop3A_874 {strides = array<i32>} : memref<128x64xf32, #tpu.memory_space<vmem>>, vector<16xf32>,
          %parallel_loop3A_883 = arith.constant 16 : i32
          %parallel_loop3A_884 = arith.addi %parallel_loop3A_116, %parallel_loop3A_883 : i32
          %parallel_loop3A_885 = arith.index_cast %parallel_loop3A_884 : i32 to index
          %parallel_loop3A_886 = arith.constant 16 : index
          %parallel_loop3A_887 = tpu.vector_load %arg13[%parallel_loop3A_885, %parallel_loop3A_886] {strides = array<i32>} : memref<128x64xf32, #tpu.memory_space<vmem>>, vector<16xf32>,
          tpu.vector_store %arg13[%parallel_loop3A_885, %parallel_loop3A_886], %parallel_loop3A_875 {strides = array<i32>} : memref<128x64xf32, #tpu.memory_space<vmem>>, vector<16xf32>,
          %parallel_loop3A_888 = arith.constant 16 : i32
          %parallel_loop3A_889 = arith.addi %parallel_loop3A_116, %parallel_loop3A_888 : i32
          %parallel_loop3A_890 = arith.index_cast %parallel_loop3A_889 : i32 to index
          %parallel_loop3A_891 = arith.constant 32 : index
          %parallel_loop3A_892 = tpu.vector_load %arg13[%parallel_loop3A_890, %parallel_loop3A_891] {strides = array<i32>} : memref<128x64xf32, #tpu.memory_space<vmem>>, vector<16xf32>,
          tpu.vector_store %arg13[%parallel_loop3A_890, %parallel_loop3A_891], %parallel_loop3A_876 {strides = array<i32>} : memref<128x64xf32, #tpu.memory_space<vmem>>, vector<16xf32>,
          %parallel_loop3A_893 = arith.constant 16 : i32
          %parallel_loop3A_894 = arith.addi %parallel_loop3A_116, %parallel_loop3A_893 : i32
          %parallel_loop3A_895 = arith.index_cast %parallel_loop3A_894 : i32 to index
          %parallel_loop3A_896 = arith.constant 48 : index
          %parallel_loop3A_897 = tpu.vector_load %arg13[%parallel_loop3A_895, %parallel_loop3A_896] {strides = array<i32>} : memref<128x64xf32, #tpu.memory_space<vmem>>, vector<16xf32>,
          tpu.vector_store %arg13[%parallel_loop3A_895, %parallel_loop3A_896], %parallel_loop3A_877 {strides = array<i32>} : memref<128x64xf32, #tpu.memory_space<vmem>>, vector<16xf32>,
          %parallel_loop3A_898 = arith.constant 17 : i32
          %parallel_loop3A_899 = arith.addi %parallel_loop3A_116, %parallel_loop3A_898 : i32
          %parallel_loop3A_900 = arith.index_cast %parallel_loop3A_899 : i32 to index
          %parallel_loop3A_901 = arith.constant 0 : index
          %parallel_loop3A_902 = tpu.vector_load %arg11[%parallel_loop3A_900, %parallel_loop3A_901] {strides = array<i32>} : memref<128x64xbf16, #tpu.memory_space<vmem>>, vector<32xbf16>,
          %parallel_loop3A_903 = arith.constant 17 : i32
          %parallel_loop3A_904 = arith.addi %parallel_loop3A_116, %parallel_loop3A_903 : i32
          %parallel_loop3A_905 = arith.index_cast %parallel_loop3A_904 : i32 to index
          %parallel_loop3A_906 = arith.constant 32 : index
          %parallel_loop3A_907 = tpu.vector_load %arg11[%parallel_loop3A_905, %parallel_loop3A_906] {strides = array<i32>} : memref<128x64xbf16, #tpu.memory_space<vmem>>, vector<32xbf16>,
          %parallel_loop3A_908 = tpu.unpack_subelements %parallel_loop3A_902, 0 {pack_format = #tpu.pack_format<interleaved>} : vector<32xbf16> -> vector<16xf32>
          %parallel_loop3A_909 = tpu.unpack_subelements %parallel_loop3A_902, 1 {pack_format = #tpu.pack_format<interleaved>} : vector<32xbf16> -> vector<16xf32>
          %parallel_loop3A_910 = tpu.unpack_subelements %parallel_loop3A_907, 0 {pack_format = #tpu.pack_format<interleaved>} : vector<32xbf16> -> vector<16xf32>
          %parallel_loop3A_911 = tpu.unpack_subelements %parallel_loop3A_907, 1 {pack_format = #tpu.pack_format<interleaved>} : vector<32xbf16> -> vector<16xf32>
          %parallel_loop3A_912 = arith.mulf %parallel_loop3A_908, %parallel_loop3A_195 : vector<16xf32>
          %parallel_loop3A_913 = arith.mulf %parallel_loop3A_909, %parallel_loop3A_195 : vector<16xf32>
          %parallel_loop3A_914 = arith.mulf %parallel_loop3A_910, %parallel_loop3A_195 : vector<16xf32>
          %parallel_loop3A_915 = arith.mulf %parallel_loop3A_911, %parallel_loop3A_195 : vector<16xf32>
          %parallel_loop3A_916 = arith.constant 17 : i32
          %parallel_loop3A_917 = arith.addi %parallel_loop3A_116, %parallel_loop3A_916 : i32
          %parallel_loop3A_918 = arith.index_cast %parallel_loop3A_917 : i32 to index
          %parallel_loop3A_919 = arith.constant 0 : index
          %parallel_loop3A_920 = tpu.vector_load %arg13[%parallel_loop3A_918, %parallel_loop3A_919] {strides = array<i32>} : memref<128x64xf32, #tpu.memory_space<vmem>>, vector<16xf32>,
          tpu.vector_store %arg13[%parallel_loop3A_918, %parallel_loop3A_919], %parallel_loop3A_912 {strides = array<i32>} : memref<128x64xf32, #tpu.memory_space<vmem>>, vector<16xf32>,
          %parallel_loop3A_921 = arith.constant 17 : i32
          %parallel_loop3A_922 = arith.addi %parallel_loop3A_116, %parallel_loop3A_921 : i32
          %parallel_loop3A_923 = arith.index_cast %parallel_loop3A_922 : i32 to index
          %parallel_loop3A_924 = arith.constant 16 : index
          %parallel_loop3A_925 = tpu.vector_load %arg13[%parallel_loop3A_923, %parallel_loop3A_924] {strides = array<i32>} : memref<128x64xf32, #tpu.memory_space<vmem>>, vector<16xf32>,
          tpu.vector_store %arg13[%parallel_loop3A_923, %parallel_loop3A_924], %parallel_loop3A_913 {strides = array<i32>} : memref<128x64xf32, #tpu.memory_space<vmem>>, vector<16xf32>,
          %parallel_loop3A_926 = arith.constant 17 : i32
          %parallel_loop3A_927 = arith.addi %parallel_loop3A_116, %parallel_loop3A_926 : i32
          %parallel_loop3A_928 = arith.index_cast %parallel_loop3A_927 : i32 to index
          %parallel_loop3A_929 = arith.constant 32 : index
          %parallel_loop3A_930 = tpu.vector_load %arg13[%parallel_loop3A_928, %parallel_loop3A_929] {strides = array<i32>} : memref<128x64xf32, #tpu.memory_space<vmem>>, vector<16xf32>,
          tpu.vector_store %arg13[%parallel_loop3A_928, %parallel_loop3A_929], %parallel_loop3A_914 {strides = array<i32>} : memref<128x64xf32, #tpu.memory_space<vmem>>, vector<16xf32>,
          %parallel_loop3A_931 = arith.constant 17 : i32
          %parallel_loop3A_932 = arith.addi %parallel_loop3A_116, %parallel_loop3A_931 : i32
          %parallel_loop3A_933 = arith.index_cast %parallel_loop3A_932 : i32 to index
          %parallel_loop3A_934 = arith.constant 48 : index
          %parallel_loop3A_935 = tpu.vector_load %arg13[%parallel_loop3A_933, %parallel_loop3A_934] {strides = array<i32>} : memref<128x64xf32, #tpu.memory_space<vmem>>, vector<16xf32>,
          tpu.vector_store %arg13[%parallel_loop3A_933, %parallel_loop3A_934], %parallel_loop3A_915 {strides = array<i32>} : memref<128x64xf32, #tpu.memory_space<vmem>>, vector<16xf32>,
          %parallel_loop3A_936 = arith.constant 18 : i32
          %parallel_loop3A_937 = arith.addi %parallel_loop3A_116, %parallel_loop3A_936 : i32
          %parallel_loop3A_938 = arith.index_cast %parallel_loop3A_937 : i32 to index
          %parallel_loop3A_939 = arith.constant 0 : index
          %parallel_loop3A_940 = tpu.vector_load %arg11[%parallel_loop3A_938, %parallel_loop3A_939] {strides = array<i32>} : memref<128x64xbf16, #tpu.memory_space<vmem>>, vector<32xbf16>,
          %parallel_loop3A_941 = arith.constant 18 : i32
          %parallel_loop3A_942 = arith.addi %parallel_loop3A_116, %parallel_loop3A_941 : i32
          %parallel_loop3A_943 = arith.index_cast %parallel_loop3A_942 : i32 to index
          %parallel_loop3A_944 = arith.constant 32 : index
          %parallel_loop3A_945 = tpu.vector_load %arg11[%parallel_loop3A_943, %parallel_loop3A_944] {strides = array<i32>} : memref<128x64xbf16, #tpu.memory_space<vmem>>, vector<32xbf16>,
          %parallel_loop3A_946 = tpu.unpack_subelements %parallel_loop3A_940, 0 {pack_format = #tpu.pack_format<interleaved>} : vector<32xbf16> -> vector<16xf32>
          %parallel_loop3A_947 = tpu.unpack_subelements %parallel_loop3A_940, 1 {pack_format = #tpu.pack_format<interleaved>} : vector<32xbf16> -> vector<16xf32>
          %parallel_loop3A_948 = tpu.unpack_subelements %parallel_loop3A_945, 0 {pack_format = #tpu.pack_format<interleaved>} : vector<32xbf16> -> vector<16xf32>
          %parallel_loop3A_949 = tpu.unpack_subelements %parallel_loop3A_945, 1 {pack_format = #tpu.pack_format<interleaved>} : vector<32xbf16> -> vector<16xf32>
          %parallel_loop3A_950 = arith.mulf %parallel_loop3A_946, %parallel_loop3A_199 : vector<16xf32>
          %parallel_loop3A_951 = arith.mulf %parallel_loop3A_947, %parallel_loop3A_199 : vector<16xf32>
          %parallel_loop3A_952 = arith.mulf %parallel_loop3A_948, %parallel_loop3A_199 : vector<16xf32>
          %parallel_loop3A_953 = arith.mulf %parallel_loop3A_949, %parallel_loop3A_199 : vector<16xf32>
          %parallel_loop3A_954 = arith.constant 18 : i32
          %parallel_loop3A_955 = arith.addi %parallel_loop3A_116, %parallel_loop3A_954 : i32
          %parallel_loop3A_956 = arith.index_cast %parallel_loop3A_955 : i32 to index
          %parallel_loop3A_957 = arith.constant 0 : index
          %parallel_loop3A_958 = tpu.vector_load %arg13[%parallel_loop3A_956, %parallel_loop3A_957] {strides = array<i32>} : memref<128x64xf32, #tpu.memory_space<vmem>>, vector<16xf32>,
          tpu.vector_store %arg13[%parallel_loop3A_956, %parallel_loop3A_957], %parallel_loop3A_950 {strides = array<i32>} : memref<128x64xf32, #tpu.memory_space<vmem>>, vector<16xf32>,
          %parallel_loop3A_959 = arith.constant 18 : i32
          %parallel_loop3A_960 = arith.addi %parallel_loop3A_116, %parallel_loop3A_959 : i32
          %parallel_loop3A_961 = arith.index_cast %parallel_loop3A_960 : i32 to index
          %parallel_loop3A_962 = arith.constant 16 : index
          %parallel_loop3A_963 = tpu.vector_load %arg13[%parallel_loop3A_961, %parallel_loop3A_962] {strides = array<i32>} : memref<128x64xf32, #tpu.memory_space<vmem>>, vector<16xf32>,
          tpu.vector_store %arg13[%parallel_loop3A_961, %parallel_loop3A_962], %parallel_loop3A_951 {strides = array<i32>} : memref<128x64xf32, #tpu.memory_space<vmem>>, vector<16xf32>,
          %parallel_loop3A_964 = arith.constant 18 : i32
          %parallel_loop3A_965 = arith.addi %parallel_loop3A_116, %parallel_loop3A_964 : i32
          %parallel_loop3A_966 = arith.index_cast %parallel_loop3A_965 : i32 to index
          %parallel_loop3A_967 = arith.constant 32 : index
          %parallel_loop3A_968 = tpu.vector_load %arg13[%parallel_loop3A_966, %parallel_loop3A_967] {strides = array<i32>} : memref<128x64xf32, #tpu.memory_space<vmem>>, vector<16xf32>,
          tpu.vector_store %arg13[%parallel_loop3A_966, %parallel_loop3A_967], %parallel_loop3A_952 {strides = array<i32>} : memref<128x64xf32, #tpu.memory_space<vmem>>, vector<16xf32>,
          %parallel_loop3A_969 = arith.constant 18 : i32
          %parallel_loop3A_970 = arith.addi %parallel_loop3A_116, %parallel_loop3A_969 : i32
          %parallel_loop3A_971 = arith.index_cast %parallel_loop3A_970 : i32 to index
          %parallel_loop3A_972 = arith.constant 48 : index
          %parallel_loop3A_973 = tpu.vector_load %arg13[%parallel_loop3A_971, %parallel_loop3A_972] {strides = array<i32>} : memref<128x64xf32, #tpu.memory_space<vmem>>, vector<16xf32>,
          tpu.vector_store %arg13[%parallel_loop3A_971, %parallel_loop3A_972], %parallel_loop3A_953 {strides = array<i32>} : memref<128x64xf32, #tpu.memory_space<vmem>>, vector<16xf32>,
          %parallel_loop3A_974 = arith.constant 19 : i32
          %parallel_loop3A_975 = arith.addi %parallel_loop3A_116, %parallel_loop3A_974 : i32
          %parallel_loop3A_976 = arith.index_cast %parallel_loop3A_975 : i32 to index
          %parallel_loop3A_977 = arith.constant 0 : index
          %parallel_loop3A_978 = tpu.vector_load %arg11[%parallel_loop3A_976, %parallel_loop3A_977] {strides = array<i32>} : memref<128x64xbf16, #tpu.memory_space<vmem>>, vector<32xbf16>,
          %parallel_loop3A_979 = arith.constant 19 : i32
          %parallel_loop3A_980 = arith.addi %parallel_loop3A_116, %parallel_loop3A_979 : i32
          %parallel_loop3A_981 = arith.index_cast %parallel_loop3A_980 : i32 to index
          %parallel_loop3A_982 = arith.constant 32 : index
          %parallel_loop3A_983 = tpu.vector_load %arg11[%parallel_loop3A_981, %parallel_loop3A_982] {strides = array<i32>} : memref<128x64xbf16, #tpu.memory_space<vmem>>, vector<32xbf16>,
          %parallel_loop3A_984 = tpu.unpack_subelements %parallel_loop3A_978, 0 {pack_format = #tpu.pack_format<interleaved>} : vector<32xbf16> -> vector<16xf32>
          %parallel_loop3A_985 = tpu.unpack_subelements %parallel_loop3A_978, 1 {pack_format = #tpu.pack_format<interleaved>} : vector<32xbf16> -> vector<16xf32>
          %parallel_loop3A_986 = tpu.unpack_subelements %parallel_loop3A_983, 0 {pack_format = #tpu.pack_format<interleaved>} : vector<32xbf16> -> vector<16xf32>
          %parallel_loop3A_987 = tpu.unpack_subelements %parallel_loop3A_983, 1 {pack_format = #tpu.pack_format<interleaved>} : vector<32xbf16> -> vector<16xf32>
          %parallel_loop3A_988 = arith.mulf %parallel_loop3A_984, %parallel_loop3A_203 : vector<16xf32>
          %parallel_loop3A_989 = arith.mulf %parallel_loop3A_985, %parallel_loop3A_203 : vector<16xf32>
          %parallel_loop3A_990 = arith.mulf %parallel_loop3A_986, %parallel_loop3A_203 : vector<16xf32>
          %parallel_loop3A_991 = arith.mulf %parallel_loop3A_987, %parallel_loop3A_203 : vector<16xf32>
          %parallel_loop3A_992 = arith.constant 19 : i32
          %parallel_loop3A_993 = arith.addi %parallel_loop3A_116, %parallel_loop3A_992 : i32
          %parallel_loop3A_994 = arith.index_cast %parallel_loop3A_993 : i32 to index
          %parallel_loop3A_995 = arith.constant 0 : index
          %parallel_loop3A_996 = tpu.vector_load %arg13[%parallel_loop3A_994, %parallel_loop3A_995] {strides = array<i32>} : memref<128x64xf32, #tpu.memory_space<vmem>>, vector<16xf32>,
          tpu.vector_store %arg13[%parallel_loop3A_994, %parallel_loop3A_995], %parallel_loop3A_988 {strides = array<i32>} : memref<128x64xf32, #tpu.memory_space<vmem>>, vector<16xf32>,
          %parallel_loop3A_997 = arith.constant 19 : i32
          %parallel_loop3A_998 = arith.addi %parallel_loop3A_116, %parallel_loop3A_997 : i32
          %parallel_loop3A_999 = arith.index_cast %parallel_loop3A_998 : i32 to index
          %parallel_loop3A_1000 = arith.constant 16 : index
          %parallel_loop3A_1001 = tpu.vector_load %arg13[%parallel_loop3A_999, %parallel_loop3A_1000] {strides = array<i32>} : memref<128x64xf32, #tpu.memory_space<vmem>>, vector<16xf32>,
          tpu.vector_store %arg13[%parallel_loop3A_999, %parallel_loop3A_1000], %parallel_loop3A_989 {strides = array<i32>} : memref<128x64xf32, #tpu.memory_space<vmem>>, vector<16xf32>,
          %parallel_loop3A_1002 = arith.constant 19 : i32
          %parallel_loop3A_1003 = arith.addi %parallel_loop3A_116, %parallel_loop3A_1002 : i32
          %parallel_loop3A_1004 = arith.index_cast %parallel_loop3A_1003 : i32 to index
          %parallel_loop3A_1005 = arith.constant 32 : index
          %parallel_loop3A_1006 = tpu.vector_load %arg13[%parallel_loop3A_1004, %parallel_loop3A_1005] {strides = array<i32>} : memref<128x64xf32, #tpu.memory_space<vmem>>, vector<16xf32>,
          tpu.vector_store %arg13[%parallel_loop3A_1004, %parallel_loop3A_1005], %parallel_loop3A_990 {strides = array<i32>} : memref<128x64xf32, #tpu.memory_space<vmem>>, vector<16xf32>,
          %parallel_loop3A_1007 = arith.constant 19 : i32
          %parallel_loop3A_1008 = arith.addi %parallel_loop3A_116, %parallel_loop3A_1007 : i32
          %parallel_loop3A_1009 = arith.index_cast %parallel_loop3A_1008 : i32 to index
          %parallel_loop3A_1010 = arith.constant 48 : index
          %parallel_loop3A_1011 = tpu.vector_load %arg13[%parallel_loop3A_1009, %parallel_loop3A_1010] {strides = array<i32>} : memref<128x64xf32, #tpu.memory_space<vmem>>, vector<16xf32>,
          tpu.vector_store %arg13[%parallel_loop3A_1009, %parallel_loop3A_1010], %parallel_loop3A_991 {strides = array<i32>} : memref<128x64xf32, #tpu.memory_space<vmem>>, vector<16xf32>,
          %parallel_loop3A_1012 = arith.constant 20 : i32
          %parallel_loop3A_1013 = arith.addi %parallel_loop3A_116, %parallel_loop3A_1012 : i32
          %parallel_loop3A_1014 = arith.index_cast %parallel_loop3A_1013 : i32 to index
          %parallel_loop3A_1015 = arith.constant 0 : index
          %parallel_loop3A_1016 = tpu.vector_load %arg11[%parallel_loop3A_1014, %parallel_loop3A_1015] {strides = array<i32>} : memref<128x64xbf16, #tpu.memory_space<vmem>>, vector<32xbf16>,
          %parallel_loop3A_1017 = arith.constant 20 : i32
          %parallel_loop3A_1018 = arith.addi %parallel_loop3A_116, %parallel_loop3A_1017 : i32
          %parallel_loop3A_1019 = arith.index_cast %parallel_loop3A_1018 : i32 to index
          %parallel_loop3A_1020 = arith.constant 32 : index
          %parallel_loop3A_1021 = tpu.vector_load %arg11[%parallel_loop3A_1019, %parallel_loop3A_1020] {strides = array<i32>} : memref<128x64xbf16, #tpu.memory_space<vmem>>, vector<32xbf16>,
          %parallel_loop3A_1022 = tpu.unpack_subelements %parallel_loop3A_1016, 0 {pack_format = #tpu.pack_format<interleaved>} : vector<32xbf16> -> vector<16xf32>
          %parallel_loop3A_1023 = tpu.unpack_subelements %parallel_loop3A_1016, 1 {pack_format = #tpu.pack_format<interleaved>} : vector<32xbf16> -> vector<16xf32>
          %parallel_loop3A_1024 = tpu.unpack_subelements %parallel_loop3A_1021, 0 {pack_format = #tpu.pack_format<interleaved>} : vector<32xbf16> -> vector<16xf32>
          %parallel_loop3A_1025 = tpu.unpack_subelements %parallel_loop3A_1021, 1 {pack_format = #tpu.pack_format<interleaved>} : vector<32xbf16> -> vector<16xf32>
          %parallel_loop3A_1026 = arith.mulf %parallel_loop3A_1022, %parallel_loop3A_207 : vector<16xf32>
          %parallel_loop3A_1027 = arith.mulf %parallel_loop3A_1023, %parallel_loop3A_207 : vector<16xf32>
          %parallel_loop3A_1028 = arith.mulf %parallel_loop3A_1024, %parallel_loop3A_207 : vector<16xf32>
          %parallel_loop3A_1029 = arith.mulf %parallel_loop3A_1025, %parallel_loop3A_207 : vector<16xf32>
          %parallel_loop3A_1030 = arith.constant 20 : i32
          %parallel_loop3A_1031 = arith.addi %parallel_loop3A_116, %parallel_loop3A_1030 : i32
          %parallel_loop3A_1032 = arith.index_cast %parallel_loop3A_1031 : i32 to index
          %parallel_loop3A_1033 = arith.constant 0 : index
          %parallel_loop3A_1034 = tpu.vector_load %arg13[%parallel_loop3A_1032, %parallel_loop3A_1033] {strides = array<i32>} : memref<128x64xf32, #tpu.memory_space<vmem>>, vector<16xf32>,
          tpu.vector_store %arg13[%parallel_loop3A_1032, %parallel_loop3A_1033], %parallel_loop3A_1026 {strides = array<i32>} : memref<128x64xf32, #tpu.memory_space<vmem>>, vector<16xf32>,
          %parallel_loop3A_1035 = arith.constant 20 : i32
          %parallel_loop3A_1036 = arith.addi %parallel_loop3A_116, %parallel_loop3A_1035 : i32
          %parallel_loop3A_1037 = arith.index_cast %parallel_loop3A_1036 : i32 to index
          %parallel_loop3A_1038 = arith.constant 16 : index
          %parallel_loop3A_1039 = tpu.vector_load %arg13[%parallel_loop3A_1037, %parallel_loop3A_1038] {strides = array<i32>} : memref<128x64xf32, #tpu.memory_space<vmem>>, vector<16xf32>,
          tpu.vector_store %arg13[%parallel_loop3A_1037, %parallel_loop3A_1038], %parallel_loop3A_1027 {strides = array<i32>} : memref<128x64xf32, #tpu.memory_space<vmem>>, vector<16xf32>,
          %parallel_loop3A_1040 = arith.constant 20 : i32
          %parallel_loop3A_1041 = arith.addi %parallel_loop3A_116, %parallel_loop3A_1040 : i32
          %parallel_loop3A_1042 = arith.index_cast %parallel_loop3A_1041 : i32 to index
          %parallel_loop3A_1043 = arith.constant 32 : index
          %parallel_loop3A_1044 = tpu.vector_load %arg13[%parallel_loop3A_1042, %parallel_loop3A_1043] {strides = array<i32>} : memref<128x64xf32, #tpu.memory_space<vmem>>, vector<16xf32>,
          tpu.vector_store %arg13[%parallel_loop3A_1042, %parallel_loop3A_1043], %parallel_loop3A_1028 {strides = array<i32>} : memref<128x64xf32, #tpu.memory_space<vmem>>, vector<16xf32>,
          %parallel_loop3A_1045 = arith.constant 20 : i32
          %parallel_loop3A_1046 = arith.addi %parallel_loop3A_116, %parallel_loop3A_1045 : i32
          %parallel_loop3A_1047 = arith.index_cast %parallel_loop3A_1046 : i32 to index
          %parallel_loop3A_1048 = arith.constant 48 : index
          %parallel_loop3A_1049 = tpu.vector_load %arg13[%parallel_loop3A_1047, %parallel_loop3A_1048] {strides = array<i32>} : memref<128x64xf32, #tpu.memory_space<vmem>>, vector<16xf32>,
          tpu.vector_store %arg13[%parallel_loop3A_1047, %parallel_loop3A_1048], %parallel_loop3A_1029 {strides = array<i32>} : memref<128x64xf32, #tpu.memory_space<vmem>>, vector<16xf32>,
          %parallel_loop3A_1050 = arith.constant 21 : i32
          %parallel_loop3A_1051 = arith.addi %parallel_loop3A_116, %parallel_loop3A_1050 : i32
          %parallel_loop3A_1052 = arith.index_cast %parallel_loop3A_1051 : i32 to index
          %parallel_loop3A_1053 = arith.constant 0 : index
          %parallel_loop3A_1054 = tpu.vector_load %arg11[%parallel_loop3A_1052, %parallel_loop3A_1053] {strides = array<i32>} : memref<128x64xbf16, #tpu.memory_space<vmem>>, vector<32xbf16>,
          %parallel_loop3A_1055 = arith.constant 21 : i32
          %parallel_loop3A_1056 = arith.addi %parallel_loop3A_116, %parallel_loop3A_1055 : i32
          %parallel_loop3A_1057 = arith.index_cast %parallel_loop3A_1056 : i32 to index
          %parallel_loop3A_1058 = arith.constant 32 : index
          %parallel_loop3A_1059 = tpu.vector_load %arg11[%parallel_loop3A_1057, %parallel_loop3A_1058] {strides = array<i32>} : memref<128x64xbf16, #tpu.memory_space<vmem>>, vector<32xbf16>,
          %parallel_loop3A_1060 = tpu.unpack_subelements %parallel_loop3A_1054, 0 {pack_format = #tpu.pack_format<interleaved>} : vector<32xbf16> -> vector<16xf32>
          %parallel_loop3A_1061 = tpu.unpack_subelements %parallel_loop3A_1054, 1 {pack_format = #tpu.pack_format<interleaved>} : vector<32xbf16> -> vector<16xf32>
          %parallel_loop3A_1062 = tpu.unpack_subelements %parallel_loop3A_1059, 0 {pack_format = #tpu.pack_format<interleaved>} : vector<32xbf16> -> vector<16xf32>
          %parallel_loop3A_1063 = tpu.unpack_subelements %parallel_loop3A_1059, 1 {pack_format = #tpu.pack_format<interleaved>} : vector<32xbf16> -> vector<16xf32>
          %parallel_loop3A_1064 = arith.mulf %parallel_loop3A_1060, %parallel_loop3A_211 : vector<16xf32>
          %parallel_loop3A_1065 = arith.mulf %parallel_loop3A_1061, %parallel_loop3A_211 : vector<16xf32>
          %parallel_loop3A_1066 = arith.mulf %parallel_loop3A_1062, %parallel_loop3A_211 : vector<16xf32>
          %parallel_loop3A_1067 = arith.mulf %parallel_loop3A_1063, %parallel_loop3A_211 : vector<16xf32>
          %parallel_loop3A_1068 = arith.constant 21 : i32
          %parallel_loop3A_1069 = arith.addi %parallel_loop3A_116, %parallel_loop3A_1068 : i32
          %parallel_loop3A_1070 = arith.index_cast %parallel_loop3A_1069 : i32 to index
          %parallel_loop3A_1071 = arith.constant 0 : index
          %parallel_loop3A_1072 = tpu.vector_load %arg13[%parallel_loop3A_1070, %parallel_loop3A_1071] {strides = array<i32>} : memref<128x64xf32, #tpu.memory_space<vmem>>, vector<16xf32>,
          tpu.vector_store %arg13[%parallel_loop3A_1070, %parallel_loop3A_1071], %parallel_loop3A_1064 {strides = array<i32>} : memref<128x64xf32, #tpu.memory_space<vmem>>, vector<16xf32>,
          %parallel_loop3A_1073 = arith.constant 21 : i32
          %parallel_loop3A_1074 = arith.addi %parallel_loop3A_116, %parallel_loop3A_1073 : i32
          %parallel_loop3A_1075 = arith.index_cast %parallel_loop3A_1074 : i32 to index
          %parallel_loop3A_1076 = arith.constant 16 : index
          %parallel_loop3A_1077 = tpu.vector_load %arg13[%parallel_loop3A_1075, %parallel_loop3A_1076] {strides = array<i32>} : memref<128x64xf32, #tpu.memory_space<vmem>>, vector<16xf32>,
          tpu.vector_store %arg13[%parallel_loop3A_1075, %parallel_loop3A_1076], %parallel_loop3A_1065 {strides = array<i32>} : memref<128x64xf32, #tpu.memory_space<vmem>>, vector<16xf32>,
          %parallel_loop3A_1078 = arith.constant 21 : i32
          %parallel_loop3A_1079 = arith.addi %parallel_loop3A_116, %parallel_loop3A_1078 : i32
          %parallel_loop3A_1080 = arith.index_cast %parallel_loop3A_1079 : i32 to index
          %parallel_loop3A_1081 = arith.constant 32 : index
          %parallel_loop3A_1082 = tpu.vector_load %arg13[%parallel_loop3A_1080, %parallel_loop3A_1081] {strides = array<i32>} : memref<128x64xf32, #tpu.memory_space<vmem>>, vector<16xf32>,
          tpu.vector_store %arg13[%parallel_loop3A_1080, %parallel_loop3A_1081], %parallel_loop3A_1066 {strides = array<i32>} : memref<128x64xf32, #tpu.memory_space<vmem>>, vector<16xf32>,
          %parallel_loop3A_1083 = arith.constant 21 : i32
          %parallel_loop3A_1084 = arith.addi %parallel_loop3A_116, %parallel_loop3A_1083 : i32
          %parallel_loop3A_1085 = arith.index_cast %parallel_loop3A_1084 : i32 to index
          %parallel_loop3A_1086 = arith.constant 48 : index
          %parallel_loop3A_1087 = tpu.vector_load %arg13[%parallel_loop3A_1085, %parallel_loop3A_1086] {strides = array<i32>} : memref<128x64xf32, #tpu.memory_space<vmem>>, vector<16xf32>,
          tpu.vector_store %arg13[%parallel_loop3A_1085, %parallel_loop3A_1086], %parallel_loop3A_1067 {strides = array<i32>} : memref<128x64xf32, #tpu.memory_space<vmem>>, vector<16xf32>,
          %parallel_loop3A_1088 = arith.constant 22 : i32
          %parallel_loop3A_1089 = arith.addi %parallel_loop3A_116, %parallel_loop3A_1088 : i32
          %parallel_loop3A_1090 = arith.index_cast %parallel_loop3A_1089 : i32 to index
          %parallel_loop3A_1091 = arith.constant 0 : index
          %parallel_loop3A_1092 = tpu.vector_load %arg11[%parallel_loop3A_1090, %parallel_loop3A_1091] {strides = array<i32>} : memref<128x64xbf16, #tpu.memory_space<vmem>>, vector<32xbf16>,
          %parallel_loop3A_1093 = arith.constant 22 : i32
          %parallel_loop3A_1094 = arith.addi %parallel_loop3A_116, %parallel_loop3A_1093 : i32
          %parallel_loop3A_1095 = arith.index_cast %parallel_loop3A_1094 : i32 to index
          %parallel_loop3A_1096 = arith.constant 32 : index
          %parallel_loop3A_1097 = tpu.vector_load %arg11[%parallel_loop3A_1095, %parallel_loop3A_1096] {strides = array<i32>} : memref<128x64xbf16, #tpu.memory_space<vmem>>, vector<32xbf16>,
          %parallel_loop3A_1098 = tpu.unpack_subelements %parallel_loop3A_1092, 0 {pack_format = #tpu.pack_format<interleaved>} : vector<32xbf16> -> vector<16xf32>
          %parallel_loop3A_1099 = tpu.unpack_subelements %parallel_loop3A_1092, 1 {pack_format = #tpu.pack_format<interleaved>} : vector<32xbf16> -> vector<16xf32>
          %parallel_loop3A_1100 = tpu.unpack_subelements %parallel_loop3A_1097, 0 {pack_format = #tpu.pack_format<interleaved>} : vector<32xbf16> -> vector<16xf32>
          %parallel_loop3A_1101 = tpu.unpack_subelements %parallel_loop3A_1097, 1 {pack_format = #tpu.pack_format<interleaved>} : vector<32xbf16> -> vector<16xf32>
          %parallel_loop3A_1102 = arith.mulf %parallel_loop3A_1098, %parallel_loop3A_215 : vector<16xf32>
          %parallel_loop3A_1103 = arith.mulf %parallel_loop3A_1099, %parallel_loop3A_215 : vector<16xf32>
          %parallel_loop3A_1104 = arith.mulf %parallel_loop3A_1100, %parallel_loop3A_215 : vector<16xf32>
          %parallel_loop3A_1105 = arith.mulf %parallel_loop3A_1101, %parallel_loop3A_215 : vector<16xf32>
          %parallel_loop3A_1106 = arith.constant 22 : i32
          %parallel_loop3A_1107 = arith.addi %parallel_loop3A_116, %parallel_loop3A_1106 : i32
          %parallel_loop3A_1108 = arith.index_cast %parallel_loop3A_1107 : i32 to index
          %parallel_loop3A_1109 = arith.constant 0 : index
          %parallel_loop3A_1110 = tpu.vector_load %arg13[%parallel_loop3A_1108, %parallel_loop3A_1109] {strides = array<i32>} : memref<128x64xf32, #tpu.memory_space<vmem>>, vector<16xf32>,
          tpu.vector_store %arg13[%parallel_loop3A_1108, %parallel_loop3A_1109], %parallel_loop3A_1102 {strides = array<i32>} : memref<128x64xf32, #tpu.memory_space<vmem>>, vector<16xf32>,
          %parallel_loop3A_1111 = arith.constant 22 : i32
          %parallel_loop3A_1112 = arith.addi %parallel_loop3A_116, %parallel_loop3A_1111 : i32
          %parallel_loop3A_1113 = arith.index_cast %parallel_loop3A_1112 : i32 to index
          %parallel_loop3A_1114 = arith.constant 16 : index
          %parallel_loop3A_1115 = tpu.vector_load %arg13[%parallel_loop3A_1113, %parallel_loop3A_1114] {strides = array<i32>} : memref<128x64xf32, #tpu.memory_space<vmem>>, vector<16xf32>,
          tpu.vector_store %arg13[%parallel_loop3A_1113, %parallel_loop3A_1114], %parallel_loop3A_1103 {strides = array<i32>} : memref<128x64xf32, #tpu.memory_space<vmem>>, vector<16xf32>,
          %parallel_loop3A_1116 = arith.constant 22 : i32
          %parallel_loop3A_1117 = arith.addi %parallel_loop3A_116, %parallel_loop3A_1116 : i32
          %parallel_loop3A_1118 = arith.index_cast %parallel_loop3A_1117 : i32 to index
          %parallel_loop3A_1119 = arith.constant 32 : index
          %parallel_loop3A_1120 = tpu.vector_load %arg13[%parallel_loop3A_1118, %parallel_loop3A_1119] {strides = array<i32>} : memref<128x64xf32, #tpu.memory_space<vmem>>, vector<16xf32>,
          tpu.vector_store %arg13[%parallel_loop3A_1118, %parallel_loop3A_1119], %parallel_loop3A_1104 {strides = array<i32>} : memref<128x64xf32, #tpu.memory_space<vmem>>, vector<16xf32>,
          %parallel_loop3A_1121 = arith.constant 22 : i32
          %parallel_loop3A_1122 = arith.addi %parallel_loop3A_116, %parallel_loop3A_1121 : i32
          %parallel_loop3A_1123 = arith.index_cast %parallel_loop3A_1122 : i32 to index
          %parallel_loop3A_1124 = arith.constant 48 : index
          %parallel_loop3A_1125 = tpu.vector_load %arg13[%parallel_loop3A_1123, %parallel_loop3A_1124] {strides = array<i32>} : memref<128x64xf32, #tpu.memory_space<vmem>>, vector<16xf32>,
          tpu.vector_store %arg13[%parallel_loop3A_1123, %parallel_loop3A_1124], %parallel_loop3A_1105 {strides = array<i32>} : memref<128x64xf32, #tpu.memory_space<vmem>>, vector<16xf32>,
          %parallel_loop3A_1126 = arith.constant 23 : i32
          %parallel_loop3A_1127 = arith.addi %parallel_loop3A_116, %parallel_loop3A_1126 : i32
          %parallel_loop3A_1128 = arith.index_cast %parallel_loop3A_1127 : i32 to index
          %parallel_loop3A_1129 = arith.constant 0 : index
          %parallel_loop3A_1130 = tpu.vector_load %arg11[%parallel_loop3A_1128, %parallel_loop3A_1129] {strides = array<i32>} : memref<128x64xbf16, #tpu.memory_space<vmem>>, vector<32xbf16>,
          %parallel_loop3A_1131 = arith.constant 23 : i32
          %parallel_loop3A_1132 = arith.addi %parallel_loop3A_116, %parallel_loop3A_1131 : i32
          %parallel_loop3A_1133 = arith.index_cast %parallel_loop3A_1132 : i32 to index
          %parallel_loop3A_1134 = arith.constant 32 : index
          %parallel_loop3A_1135 = tpu.vector_load %arg11[%parallel_loop3A_1133, %parallel_loop3A_1134] {strides = array<i32>} : memref<128x64xbf16, #tpu.memory_space<vmem>>, vector<32xbf16>,
          %parallel_loop3A_1136 = tpu.unpack_subelements %parallel_loop3A_1130, 0 {pack_format = #tpu.pack_format<interleaved>} : vector<32xbf16> -> vector<16xf32>
          %parallel_loop3A_1137 = tpu.unpack_subelements %parallel_loop3A_1130, 1 {pack_format = #tpu.pack_format<interleaved>} : vector<32xbf16> -> vector<16xf32>
          %parallel_loop3A_1138 = tpu.unpack_subelements %parallel_loop3A_1135, 0 {pack_format = #tpu.pack_format<interleaved>} : vector<32xbf16> -> vector<16xf32>
          %parallel_loop3A_1139 = tpu.unpack_subelements %parallel_loop3A_1135, 1 {pack_format = #tpu.pack_format<interleaved>} : vector<32xbf16> -> vector<16xf32>
          %parallel_loop3A_1140 = arith.mulf %parallel_loop3A_1136, %parallel_loop3A_219 : vector<16xf32>
          %parallel_loop3A_1141 = arith.mulf %parallel_loop3A_1137, %parallel_loop3A_219 : vector<16xf32>
          %parallel_loop3A_1142 = arith.mulf %parallel_loop3A_1138, %parallel_loop3A_219 : vector<16xf32>
          %parallel_loop3A_1143 = arith.mulf %parallel_loop3A_1139, %parallel_loop3A_219 : vector<16xf32>
          %parallel_loop3A_1144 = arith.constant 23 : i32
          %parallel_loop3A_1145 = arith.addi %parallel_loop3A_116, %parallel_loop3A_1144 : i32
          %parallel_loop3A_1146 = arith.index_cast %parallel_loop3A_1145 : i32 to index
          %parallel_loop3A_1147 = arith.constant 0 : index
          %parallel_loop3A_1148 = tpu.vector_load %arg13[%parallel_loop3A_1146, %parallel_loop3A_1147] {strides = array<i32>} : memref<128x64xf32, #tpu.memory_space<vmem>>, vector<16xf32>,
          tpu.vector_store %arg13[%parallel_loop3A_1146, %parallel_loop3A_1147], %parallel_loop3A_1140 {strides = array<i32>} : memref<128x64xf32, #tpu.memory_space<vmem>>, vector<16xf32>,
          %parallel_loop3A_1149 = arith.constant 23 : i32
          %parallel_loop3A_1150 = arith.addi %parallel_loop3A_116, %parallel_loop3A_1149 : i32
          %parallel_loop3A_1151 = arith.index_cast %parallel_loop3A_1150 : i32 to index
          %parallel_loop3A_1152 = arith.constant 16 : index
          %parallel_loop3A_1153 = tpu.vector_load %arg13[%parallel_loop3A_1151, %parallel_loop3A_1152] {strides = array<i32>} : memref<128x64xf32, #tpu.memory_space<vmem>>, vector<16xf32>,
          tpu.vector_store %arg13[%parallel_loop3A_1151, %parallel_loop3A_1152], %parallel_loop3A_1141 {strides = array<i32>} : memref<128x64xf32, #tpu.memory_space<vmem>>, vector<16xf32>,
          %parallel_loop3A_1154 = arith.constant 23 : i32
          %parallel_loop3A_1155 = arith.addi %parallel_loop3A_116, %parallel_loop3A_1154 : i32
          %parallel_loop3A_1156 = arith.index_cast %parallel_loop3A_1155 : i32 to index
          %parallel_loop3A_1157 = arith.constant 32 : index
          %parallel_loop3A_1158 = tpu.vector_load %arg13[%parallel_loop3A_1156, %parallel_loop3A_1157] {strides = array<i32>} : memref<128x64xf32, #tpu.memory_space<vmem>>, vector<16xf32>,
          tpu.vector_store %arg13[%parallel_loop3A_1156, %parallel_loop3A_1157], %parallel_loop3A_1142 {strides = array<i32>} : memref<128x64xf32, #tpu.memory_space<vmem>>, vector<16xf32>,
          %parallel_loop3A_1159 = arith.constant 23 : i32
          %parallel_loop3A_1160 = arith.addi %parallel_loop3A_116, %parallel_loop3A_1159 : i32
          %parallel_loop3A_1161 = arith.index_cast %parallel_loop3A_1160 : i32 to index
          %parallel_loop3A_1162 = arith.constant 48 : index
          %parallel_loop3A_1163 = tpu.vector_load %arg13[%parallel_loop3A_1161, %parallel_loop3A_1162] {strides = array<i32>} : memref<128x64xf32, #tpu.memory_space<vmem>>, vector<16xf32>,
          tpu.vector_store %arg13[%parallel_loop3A_1161, %parallel_loop3A_1162], %parallel_loop3A_1143 {strides = array<i32>} : memref<128x64xf32, #tpu.memory_space<vmem>>, vector<16xf32>,
          %parallel_loop3A_1164 = arith.constant 24 : i32
          %parallel_loop3A_1165 = arith.addi %parallel_loop3A_116, %parallel_loop3A_1164 : i32
          %parallel_loop3A_1166 = arith.index_cast %parallel_loop3A_1165 : i32 to index
          %parallel_loop3A_1167 = arith.constant 0 : index
          %parallel_loop3A_1168 = tpu.vector_load %arg11[%parallel_loop3A_1166, %parallel_loop3A_1167] {strides = array<i32>} : memref<128x64xbf16, #tpu.memory_space<vmem>>, vector<32xbf16>,
          %parallel_loop3A_1169 = arith.constant 24 : i32
          %parallel_loop3A_1170 = arith.addi %parallel_loop3A_116, %parallel_loop3A_1169 : i32
          %parallel_loop3A_1171 = arith.index_cast %parallel_loop3A_1170 : i32 to index
          %parallel_loop3A_1172 = arith.constant 32 : index
          %parallel_loop3A_1173 = tpu.vector_load %arg11[%parallel_loop3A_1171, %parallel_loop3A_1172] {strides = array<i32>} : memref<128x64xbf16, #tpu.memory_space<vmem>>, vector<32xbf16>,
          %parallel_loop3A_1174 = tpu.unpack_subelements %parallel_loop3A_1168, 0 {pack_format = #tpu.pack_format<interleaved>} : vector<32xbf16> -> vector<16xf32>
          %parallel_loop3A_1175 = tpu.unpack_subelements %parallel_loop3A_1168, 1 {pack_format = #tpu.pack_format<interleaved>} : vector<32xbf16> -> vector<16xf32>
          %parallel_loop3A_1176 = tpu.unpack_subelements %parallel_loop3A_1173, 0 {pack_format = #tpu.pack_format<interleaved>} : vector<32xbf16> -> vector<16xf32>
          %parallel_loop3A_1177 = tpu.unpack_subelements %parallel_loop3A_1173, 1 {pack_format = #tpu.pack_format<interleaved>} : vector<32xbf16> -> vector<16xf32>
          %parallel_loop3A_1178 = arith.mulf %parallel_loop3A_1174, %parallel_loop3A_223 : vector<16xf32>
          %parallel_loop3A_1179 = arith.mulf %parallel_loop3A_1175, %parallel_loop3A_223 : vector<16xf32>
          %parallel_loop3A_1180 = arith.mulf %parallel_loop3A_1176, %parallel_loop3A_223 : vector<16xf32>
          %parallel_loop3A_1181 = arith.mulf %parallel_loop3A_1177, %parallel_loop3A_223 : vector<16xf32>
          %parallel_loop3A_1182 = arith.constant 24 : i32
          %parallel_loop3A_1183 = arith.addi %parallel_loop3A_116, %parallel_loop3A_1182 : i32
          %parallel_loop3A_1184 = arith.index_cast %parallel_loop3A_1183 : i32 to index
          %parallel_loop3A_1185 = arith.constant 0 : index
          %parallel_loop3A_1186 = tpu.vector_load %arg13[%parallel_loop3A_1184, %parallel_loop3A_1185] {strides = array<i32>} : memref<128x64xf32, #tpu.memory_space<vmem>>, vector<16xf32>,
          tpu.vector_store %arg13[%parallel_loop3A_1184, %parallel_loop3A_1185], %parallel_loop3A_1178 {strides = array<i32>} : memref<128x64xf32, #tpu.memory_space<vmem>>, vector<16xf32>,
          %parallel_loop3A_1187 = arith.constant 24 : i32
          %parallel_loop3A_1188 = arith.addi %parallel_loop3A_116, %parallel_loop3A_1187 : i32
          %parallel_loop3A_1189 = arith.index_cast %parallel_loop3A_1188 : i32 to index
          %parallel_loop3A_1190 = arith.constant 16 : index
          %parallel_loop3A_1191 = tpu.vector_load %arg13[%parallel_loop3A_1189, %parallel_loop3A_1190] {strides = array<i32>} : memref<128x64xf32, #tpu.memory_space<vmem>>, vector<16xf32>,
          tpu.vector_store %arg13[%parallel_loop3A_1189, %parallel_loop3A_1190], %parallel_loop3A_1179 {strides = array<i32>} : memref<128x64xf32, #tpu.memory_space<vmem>>, vector<16xf32>,
          %parallel_loop3A_1192 = arith.constant 24 : i32
          %parallel_loop3A_1193 = arith.addi %parallel_loop3A_116, %parallel_loop3A_1192 : i32
          %parallel_loop3A_1194 = arith.index_cast %parallel_loop3A_1193 : i32 to index
          %parallel_loop3A_1195 = arith.constant 32 : index
          %parallel_loop3A_1196 = tpu.vector_load %arg13[%parallel_loop3A_1194, %parallel_loop3A_1195] {strides = array<i32>} : memref<128x64xf32, #tpu.memory_space<vmem>>, vector<16xf32>,
          tpu.vector_store %arg13[%parallel_loop3A_1194, %parallel_loop3A_1195], %parallel_loop3A_1180 {strides = array<i32>} : memref<128x64xf32, #tpu.memory_space<vmem>>, vector<16xf32>,
          %parallel_loop3A_1197 = arith.constant 24 : i32
          %parallel_loop3A_1198 = arith.addi %parallel_loop3A_116, %parallel_loop3A_1197 : i32
          %parallel_loop3A_1199 = arith.index_cast %parallel_loop3A_1198 : i32 to index
          %parallel_loop3A_1200 = arith.constant 48 : index
          %parallel_loop3A_1201 = tpu.vector_load %arg13[%parallel_loop3A_1199, %parallel_loop3A_1200] {strides = array<i32>} : memref<128x64xf32, #tpu.memory_space<vmem>>, vector<16xf32>,
          tpu.vector_store %arg13[%parallel_loop3A_1199, %parallel_loop3A_1200], %parallel_loop3A_1181 {strides = array<i32>} : memref<128x64xf32, #tpu.memory_space<vmem>>, vector<16xf32>,
          %parallel_loop3A_1202 = arith.constant 25 : i32
          %parallel_loop3A_1203 = arith.addi %parallel_loop3A_116, %parallel_loop3A_1202 : i32
          %parallel_loop3A_1204 = arith.index_cast %parallel_loop3A_1203 : i32 to index
          %parallel_loop3A_1205 = arith.constant 0 : index
          %parallel_loop3A_1206 = tpu.vector_load %arg11[%parallel_loop3A_1204, %parallel_loop3A_1205] {strides = array<i32>} : memref<128x64xbf16, #tpu.memory_space<vmem>>, vector<32xbf16>,
          %parallel_loop3A_1207 = arith.constant 25 : i32
          %parallel_loop3A_1208 = arith.addi %parallel_loop3A_116, %parallel_loop3A_1207 : i32
          %parallel_loop3A_1209 = arith.index_cast %parallel_loop3A_1208 : i32 to index
          %parallel_loop3A_1210 = arith.constant 32 : index
          %parallel_loop3A_1211 = tpu.vector_load %arg11[%parallel_loop3A_1209, %parallel_loop3A_1210] {strides = array<i32>} : memref<128x64xbf16, #tpu.memory_space<vmem>>, vector<32xbf16>,
          %parallel_loop3A_1212 = tpu.unpack_subelements %parallel_loop3A_1206, 0 {pack_format = #tpu.pack_format<interleaved>} : vector<32xbf16> -> vector<16xf32>
          %parallel_loop3A_1213 = tpu.unpack_subelements %parallel_loop3A_1206, 1 {pack_format = #tpu.pack_format<interleaved>} : vector<32xbf16> -> vector<16xf32>
          %parallel_loop3A_1214 = tpu.unpack_subelements %parallel_loop3A_1211, 0 {pack_format = #tpu.pack_format<interleaved>} : vector<32xbf16> -> vector<16xf32>
          %parallel_loop3A_1215 = tpu.unpack_subelements %parallel_loop3A_1211, 1 {pack_format = #tpu.pack_format<interleaved>} : vector<32xbf16> -> vector<16xf32>
          %parallel_loop3A_1216 = arith.mulf %parallel_loop3A_1212, %parallel_loop3A_227 : vector<16xf32>
          %parallel_loop3A_1217 = arith.mulf %parallel_loop3A_1213, %parallel_loop3A_227 : vector<16xf32>
          %parallel_loop3A_1218 = arith.mulf %parallel_loop3A_1214, %parallel_loop3A_227 : vector<16xf32>
          %parallel_loop3A_1219 = arith.mulf %parallel_loop3A_1215, %parallel_loop3A_227 : vector<16xf32>
          %parallel_loop3A_1220 = arith.constant 25 : i32
          %parallel_loop3A_1221 = arith.addi %parallel_loop3A_116, %parallel_loop3A_1220 : i32
          %parallel_loop3A_1222 = arith.index_cast %parallel_loop3A_1221 : i32 to index
          %parallel_loop3A_1223 = arith.constant 0 : index
          %parallel_loop3A_1224 = tpu.vector_load %arg13[%parallel_loop3A_1222, %parallel_loop3A_1223] {strides = array<i32>} : memref<128x64xf32, #tpu.memory_space<vmem>>, vector<16xf32>,
          tpu.vector_store %arg13[%parallel_loop3A_1222, %parallel_loop3A_1223], %parallel_loop3A_1216 {strides = array<i32>} : memref<128x64xf32, #tpu.memory_space<vmem>>, vector<16xf32>,
          %parallel_loop3A_1225 = arith.constant 25 : i32
          %parallel_loop3A_1226 = arith.addi %parallel_loop3A_116, %parallel_loop3A_1225 : i32
          %parallel_loop3A_1227 = arith.index_cast %parallel_loop3A_1226 : i32 to index
          %parallel_loop3A_1228 = arith.constant 16 : index
          %parallel_loop3A_1229 = tpu.vector_load %arg13[%parallel_loop3A_1227, %parallel_loop3A_1228] {strides = array<i32>} : memref<128x64xf32, #tpu.memory_space<vmem>>, vector<16xf32>,
          tpu.vector_store %arg13[%parallel_loop3A_1227, %parallel_loop3A_1228], %parallel_loop3A_1217 {strides = array<i32>} : memref<128x64xf32, #tpu.memory_space<vmem>>, vector<16xf32>,
          %parallel_loop3A_1230 = arith.constant 25 : i32
          %parallel_loop3A_1231 = arith.addi %parallel_loop3A_116, %parallel_loop3A_1230 : i32
          %parallel_loop3A_1232 = arith.index_cast %parallel_loop3A_1231 : i32 to index
          %parallel_loop3A_1233 = arith.constant 32 : index
          %parallel_loop3A_1234 = tpu.vector_load %arg13[%parallel_loop3A_1232, %parallel_loop3A_1233] {strides = array<i32>} : memref<128x64xf32, #tpu.memory_space<vmem>>, vector<16xf32>,
          tpu.vector_store %arg13[%parallel_loop3A_1232, %parallel_loop3A_1233], %parallel_loop3A_1218 {strides = array<i32>} : memref<128x64xf32, #tpu.memory_space<vmem>>, vector<16xf32>,
          %parallel_loop3A_1235 = arith.constant 25 : i32
          %parallel_loop3A_1236 = arith.addi %parallel_loop3A_116, %parallel_loop3A_1235 : i32
          %parallel_loop3A_1237 = arith.index_cast %parallel_loop3A_1236 : i32 to index
          %parallel_loop3A_1238 = arith.constant 48 : index
          %parallel_loop3A_1239 = tpu.vector_load %arg13[%parallel_loop3A_1237, %parallel_loop3A_1238] {strides = array<i32>} : memref<128x64xf32, #tpu.memory_space<vmem>>, vector<16xf32>,
          tpu.vector_store %arg13[%parallel_loop3A_1237, %parallel_loop3A_1238], %parallel_loop3A_1219 {strides = array<i32>} : memref<128x64xf32, #tpu.memory_space<vmem>>, vector<16xf32>,
          %parallel_loop3A_1240 = arith.constant 26 : i32
          %parallel_loop3A_1241 = arith.addi %parallel_loop3A_116, %parallel_loop3A_1240 : i32
          %parallel_loop3A_1242 = arith.index_cast %parallel_loop3A_1241 : i32 to index
          %parallel_loop3A_1243 = arith.constant 0 : index
          %parallel_loop3A_1244 = tpu.vector_load %arg11[%parallel_loop3A_1242, %parallel_loop3A_1243] {strides = array<i32>} : memref<128x64xbf16, #tpu.memory_space<vmem>>, vector<32xbf16>,
          %parallel_loop3A_1245 = arith.constant 26 : i32
          %parallel_loop3A_1246 = arith.addi %parallel_loop3A_116, %parallel_loop3A_1245 : i32
          %parallel_loop3A_1247 = arith.index_cast %parallel_loop3A_1246 : i32 to index
          %parallel_loop3A_1248 = arith.constant 32 : index
          %parallel_loop3A_1249 = tpu.vector_load %arg11[%parallel_loop3A_1247, %parallel_loop3A_1248] {strides = array<i32>} : memref<128x64xbf16, #tpu.memory_space<vmem>>, vector<32xbf16>,
          %parallel_loop3A_1250 = tpu.unpack_subelements %parallel_loop3A_1244, 0 {pack_format = #tpu.pack_format<interleaved>} : vector<32xbf16> -> vector<16xf32>
          %parallel_loop3A_1251 = tpu.unpack_subelements %parallel_loop3A_1244, 1 {pack_format = #tpu.pack_format<interleaved>} : vector<32xbf16> -> vector<16xf32>
          %parallel_loop3A_1252 = tpu.unpack_subelements %parallel_loop3A_1249, 0 {pack_format = #tpu.pack_format<interleaved>} : vector<32xbf16> -> vector<16xf32>
          %parallel_loop3A_1253 = tpu.unpack_subelements %parallel_loop3A_1249, 1 {pack_format = #tpu.pack_format<interleaved>} : vector<32xbf16> -> vector<16xf32>
          %parallel_loop3A_1254 = arith.mulf %parallel_loop3A_1250, %parallel_loop3A_231 : vector<16xf32>
          %parallel_loop3A_1255 = arith.mulf %parallel_loop3A_1251, %parallel_loop3A_231 : vector<16xf32>
          %parallel_loop3A_1256 = arith.mulf %parallel_loop3A_1252, %parallel_loop3A_231 : vector<16xf32>
          %parallel_loop3A_1257 = arith.mulf %parallel_loop3A_1253, %parallel_loop3A_231 : vector<16xf32>
          %parallel_loop3A_1258 = arith.constant 26 : i32
          %parallel_loop3A_1259 = arith.addi %parallel_loop3A_116, %parallel_loop3A_1258 : i32
          %parallel_loop3A_1260 = arith.index_cast %parallel_loop3A_1259 : i32 to index
          %parallel_loop3A_1261 = arith.constant 0 : index
          %parallel_loop3A_1262 = tpu.vector_load %arg13[%parallel_loop3A_1260, %parallel_loop3A_1261] {strides = array<i32>} : memref<128x64xf32, #tpu.memory_space<vmem>>, vector<16xf32>,
          tpu.vector_store %arg13[%parallel_loop3A_1260, %parallel_loop3A_1261], %parallel_loop3A_1254 {strides = array<i32>} : memref<128x64xf32, #tpu.memory_space<vmem>>, vector<16xf32>,
          %parallel_loop3A_1263 = arith.constant 26 : i32
          %parallel_loop3A_1264 = arith.addi %parallel_loop3A_116, %parallel_loop3A_1263 : i32
          %parallel_loop3A_1265 = arith.index_cast %parallel_loop3A_1264 : i32 to index
          %parallel_loop3A_1266 = arith.constant 16 : index
          %parallel_loop3A_1267 = tpu.vector_load %arg13[%parallel_loop3A_1265, %parallel_loop3A_1266] {strides = array<i32>} : memref<128x64xf32, #tpu.memory_space<vmem>>, vector<16xf32>,
          tpu.vector_store %arg13[%parallel_loop3A_1265, %parallel_loop3A_1266], %parallel_loop3A_1255 {strides = array<i32>} : memref<128x64xf32, #tpu.memory_space<vmem>>, vector<16xf32>,
          %parallel_loop3A_1268 = arith.constant 26 : i32
          %parallel_loop3A_1269 = arith.addi %parallel_loop3A_116, %parallel_loop3A_1268 : i32
          %parallel_loop3A_1270 = arith.index_cast %parallel_loop3A_1269 : i32 to index
          %parallel_loop3A_1271 = arith.constant 32 : index
          %parallel_loop3A_1272 = tpu.vector_load %arg13[%parallel_loop3A_1270, %parallel_loop3A_1271] {strides = array<i32>} : memref<128x64xf32, #tpu.memory_space<vmem>>, vector<16xf32>,
          tpu.vector_store %arg13[%parallel_loop3A_1270, %parallel_loop3A_1271], %parallel_loop3A_1256 {strides = array<i32>} : memref<128x64xf32, #tpu.memory_space<vmem>>, vector<16xf32>,
          %parallel_loop3A_1273 = arith.constant 26 : i32
          %parallel_loop3A_1274 = arith.addi %parallel_loop3A_116, %parallel_loop3A_1273 : i32
          %parallel_loop3A_1275 = arith.index_cast %parallel_loop3A_1274 : i32 to index
          %parallel_loop3A_1276 = arith.constant 48 : index
          %parallel_loop3A_1277 = tpu.vector_load %arg13[%parallel_loop3A_1275, %parallel_loop3A_1276] {strides = array<i32>} : memref<128x64xf32, #tpu.memory_space<vmem>>, vector<16xf32>,
          tpu.vector_store %arg13[%parallel_loop3A_1275, %parallel_loop3A_1276], %parallel_loop3A_1257 {strides = array<i32>} : memref<128x64xf32, #tpu.memory_space<vmem>>, vector<16xf32>,
          %parallel_loop3A_1278 = arith.constant 27 : i32
          %parallel_loop3A_1279 = arith.addi %parallel_loop3A_116, %parallel_loop3A_1278 : i32
          %parallel_loop3A_1280 = arith.index_cast %parallel_loop3A_1279 : i32 to index
          %parallel_loop3A_1281 = arith.constant 0 : index
          %parallel_loop3A_1282 = tpu.vector_load %arg11[%parallel_loop3A_1280, %parallel_loop3A_1281] {strides = array<i32>} : memref<128x64xbf16, #tpu.memory_space<vmem>>, vector<32xbf16>,
          %parallel_loop3A_1283 = arith.constant 27 : i32
          %parallel_loop3A_1284 = arith.addi %parallel_loop3A_116, %parallel_loop3A_1283 : i32
          %parallel_loop3A_1285 = arith.index_cast %parallel_loop3A_1284 : i32 to index
          %parallel_loop3A_1286 = arith.constant 32 : index
          %parallel_loop3A_1287 = tpu.vector_load %arg11[%parallel_loop3A_1285, %parallel_loop3A_1286] {strides = array<i32>} : memref<128x64xbf16, #tpu.memory_space<vmem>>, vector<32xbf16>,
          %parallel_loop3A_1288 = tpu.unpack_subelements %parallel_loop3A_1282, 0 {pack_format = #tpu.pack_format<interleaved>} : vector<32xbf16> -> vector<16xf32>
          %parallel_loop3A_1289 = tpu.unpack_subelements %parallel_loop3A_1282, 1 {pack_format = #tpu.pack_format<interleaved>} : vector<32xbf16> -> vector<16xf32>
          %parallel_loop3A_1290 = tpu.unpack_subelements %parallel_loop3A_1287, 0 {pack_format = #tpu.pack_format<interleaved>} : vector<32xbf16> -> vector<16xf32>
          %parallel_loop3A_1291 = tpu.unpack_subelements %parallel_loop3A_1287, 1 {pack_format = #tpu.pack_format<interleaved>} : vector<32xbf16> -> vector<16xf32>
          %parallel_loop3A_1292 = arith.mulf %parallel_loop3A_1288, %parallel_loop3A_235 : vector<16xf32>
          %parallel_loop3A_1293 = arith.mulf %parallel_loop3A_1289, %parallel_loop3A_235 : vector<16xf32>
          %parallel_loop3A_1294 = arith.mulf %parallel_loop3A_1290, %parallel_loop3A_235 : vector<16xf32>
          %parallel_loop3A_1295 = arith.mulf %parallel_loop3A_1291, %parallel_loop3A_235 : vector<16xf32>
          %parallel_loop3A_1296 = arith.constant 27 : i32
          %parallel_loop3A_1297 = arith.addi %parallel_loop3A_116, %parallel_loop3A_1296 : i32
          %parallel_loop3A_1298 = arith.index_cast %parallel_loop3A_1297 : i32 to index
          %parallel_loop3A_1299 = arith.constant 0 : index
          %parallel_loop3A_1300 = tpu.vector_load %arg13[%parallel_loop3A_1298, %parallel_loop3A_1299] {strides = array<i32>} : memref<128x64xf32, #tpu.memory_space<vmem>>, vector<16xf32>,
          tpu.vector_store %arg13[%parallel_loop3A_1298, %parallel_loop3A_1299], %parallel_loop3A_1292 {strides = array<i32>} : memref<128x64xf32, #tpu.memory_space<vmem>>, vector<16xf32>,
          %parallel_loop3A_1301 = arith.constant 27 : i32
          %parallel_loop3A_1302 = arith.addi %parallel_loop3A_116, %parallel_loop3A_1301 : i32
          %parallel_loop3A_1303 = arith.index_cast %parallel_loop3A_1302 : i32 to index
          %parallel_loop3A_1304 = arith.constant 16 : index
          %parallel_loop3A_1305 = tpu.vector_load %arg13[%parallel_loop3A_1303, %parallel_loop3A_1304] {strides = array<i32>} : memref<128x64xf32, #tpu.memory_space<vmem>>, vector<16xf32>,
          tpu.vector_store %arg13[%parallel_loop3A_1303, %parallel_loop3A_1304], %parallel_loop3A_1293 {strides = array<i32>} : memref<128x64xf32, #tpu.memory_space<vmem>>, vector<16xf32>,
          %parallel_loop3A_1306 = arith.constant 27 : i32
          %parallel_loop3A_1307 = arith.addi %parallel_loop3A_116, %parallel_loop3A_1306 : i32
          %parallel_loop3A_1308 = arith.index_cast %parallel_loop3A_1307 : i32 to index
          %parallel_loop3A_1309 = arith.constant 32 : index
          %parallel_loop3A_1310 = tpu.vector_load %arg13[%parallel_loop3A_1308, %parallel_loop3A_1309] {strides = array<i32>} : memref<128x64xf32, #tpu.memory_space<vmem>>, vector<16xf32>,
          tpu.vector_store %arg13[%parallel_loop3A_1308, %parallel_loop3A_1309], %parallel_loop3A_1294 {strides = array<i32>} : memref<128x64xf32, #tpu.memory_space<vmem>>, vector<16xf32>,
          %parallel_loop3A_1311 = arith.constant 27 : i32
          %parallel_loop3A_1312 = arith.addi %parallel_loop3A_116, %parallel_loop3A_1311 : i32
          %parallel_loop3A_1313 = arith.index_cast %parallel_loop3A_1312 : i32 to index
          %parallel_loop3A_1314 = arith.constant 48 : index
          %parallel_loop3A_1315 = tpu.vector_load %arg13[%parallel_loop3A_1313, %parallel_loop3A_1314] {strides = array<i32>} : memref<128x64xf32, #tpu.memory_space<vmem>>, vector<16xf32>,
          tpu.vector_store %arg13[%parallel_loop3A_1313, %parallel_loop3A_1314], %parallel_loop3A_1295 {strides = array<i32>} : memref<128x64xf32, #tpu.memory_space<vmem>>, vector<16xf32>,
          %parallel_loop3A_1316 = arith.constant 28 : i32
          %parallel_loop3A_1317 = arith.addi %parallel_loop3A_116, %parallel_loop3A_1316 : i32
          %parallel_loop3A_1318 = arith.index_cast %parallel_loop3A_1317 : i32 to index
          %parallel_loop3A_1319 = arith.constant 0 : index
          %parallel_loop3A_1320 = tpu.vector_load %arg11[%parallel_loop3A_1318, %parallel_loop3A_1319] {strides = array<i32>} : memref<128x64xbf16, #tpu.memory_space<vmem>>, vector<32xbf16>,
          %parallel_loop3A_1321 = arith.constant 28 : i32
          %parallel_loop3A_1322 = arith.addi %parallel_loop3A_116, %parallel_loop3A_1321 : i32
          %parallel_loop3A_1323 = arith.index_cast %parallel_loop3A_1322 : i32 to index
          %parallel_loop3A_1324 = arith.constant 32 : index
          %parallel_loop3A_1325 = tpu.vector_load %arg11[%parallel_loop3A_1323, %parallel_loop3A_1324] {strides = array<i32>} : memref<128x64xbf16, #tpu.memory_space<vmem>>, vector<32xbf16>,
          %parallel_loop3A_1326 = tpu.unpack_subelements %parallel_loop3A_1320, 0 {pack_format = #tpu.pack_format<interleaved>} : vector<32xbf16> -> vector<16xf32>
          %parallel_loop3A_1327 = tpu.unpack_subelements %parallel_loop3A_1320, 1 {pack_format = #tpu.pack_format<interleaved>} : vector<32xbf16> -> vector<16xf32>
          %parallel_loop3A_1328 = tpu.unpack_subelements %parallel_loop3A_1325, 0 {pack_format = #tpu.pack_format<interleaved>} : vector<32xbf16> -> vector<16xf32>
          %parallel_loop3A_1329 = tpu.unpack_subelements %parallel_loop3A_1325, 1 {pack_format = #tpu.pack_format<interleaved>} : vector<32xbf16> -> vector<16xf32>
          %parallel_loop3A_1330 = arith.mulf %parallel_loop3A_1326, %parallel_loop3A_239 : vector<16xf32>
          %parallel_loop3A_1331 = arith.mulf %parallel_loop3A_1327, %parallel_loop3A_239 : vector<16xf32>
          %parallel_loop3A_1332 = arith.mulf %parallel_loop3A_1328, %parallel_loop3A_239 : vector<16xf32>
          %parallel_loop3A_1333 = arith.mulf %parallel_loop3A_1329, %parallel_loop3A_239 : vector<16xf32>
          %parallel_loop3A_1334 = arith.constant 28 : i32
          %parallel_loop3A_1335 = arith.addi %parallel_loop3A_116, %parallel_loop3A_1334 : i32
          %parallel_loop3A_1336 = arith.index_cast %parallel_loop3A_1335 : i32 to index
          %parallel_loop3A_1337 = arith.constant 0 : index
          %parallel_loop3A_1338 = tpu.vector_load %arg13[%parallel_loop3A_1336, %parallel_loop3A_1337] {strides = array<i32>} : memref<128x64xf32, #tpu.memory_space<vmem>>, vector<16xf32>,
          tpu.vector_store %arg13[%parallel_loop3A_1336, %parallel_loop3A_1337], %parallel_loop3A_1330 {strides = array<i32>} : memref<128x64xf32, #tpu.memory_space<vmem>>, vector<16xf32>,
          %parallel_loop3A_1339 = arith.constant 28 : i32
          %parallel_loop3A_1340 = arith.addi %parallel_loop3A_116, %parallel_loop3A_1339 : i32
          %parallel_loop3A_1341 = arith.index_cast %parallel_loop3A_1340 : i32 to index
          %parallel_loop3A_1342 = arith.constant 16 : index
          %parallel_loop3A_1343 = tpu.vector_load %arg13[%parallel_loop3A_1341, %parallel_loop3A_1342] {strides = array<i32>} : memref<128x64xf32, #tpu.memory_space<vmem>>, vector<16xf32>,
          tpu.vector_store %arg13[%parallel_loop3A_1341, %parallel_loop3A_1342], %parallel_loop3A_1331 {strides = array<i32>} : memref<128x64xf32, #tpu.memory_space<vmem>>, vector<16xf32>,
          %parallel_loop3A_1344 = arith.constant 28 : i32
          %parallel_loop3A_1345 = arith.addi %parallel_loop3A_116, %parallel_loop3A_1344 : i32
          %parallel_loop3A_1346 = arith.index_cast %parallel_loop3A_1345 : i32 to index
          %parallel_loop3A_1347 = arith.constant 32 : index
          %parallel_loop3A_1348 = tpu.vector_load %arg13[%parallel_loop3A_1346, %parallel_loop3A_1347] {strides = array<i32>} : memref<128x64xf32, #tpu.memory_space<vmem>>, vector<16xf32>,
          tpu.vector_store %arg13[%parallel_loop3A_1346, %parallel_loop3A_1347], %parallel_loop3A_1332 {strides = array<i32>} : memref<128x64xf32, #tpu.memory_space<vmem>>, vector<16xf32>,
          %parallel_loop3A_1349 = arith.constant 28 : i32
          %parallel_loop3A_1350 = arith.addi %parallel_loop3A_116, %parallel_loop3A_1349 : i32
          %parallel_loop3A_1351 = arith.index_cast %parallel_loop3A_1350 : i32 to index
          %parallel_loop3A_1352 = arith.constant 48 : index
          %parallel_loop3A_1353 = tpu.vector_load %arg13[%parallel_loop3A_1351, %parallel_loop3A_1352] {strides = array<i32>} : memref<128x64xf32, #tpu.memory_space<vmem>>, vector<16xf32>,
          tpu.vector_store %arg13[%parallel_loop3A_1351, %parallel_loop3A_1352], %parallel_loop3A_1333 {strides = array<i32>} : memref<128x64xf32, #tpu.memory_space<vmem>>, vector<16xf32>,
          %parallel_loop3A_1354 = arith.constant 29 : i32
          %parallel_loop3A_1355 = arith.addi %parallel_loop3A_116, %parallel_loop3A_1354 : i32
          %parallel_loop3A_1356 = arith.index_cast %parallel_loop3A_1355 : i32 to index
          %parallel_loop3A_1357 = arith.constant 0 : index
          %parallel_loop3A_1358 = tpu.vector_load %arg11[%parallel_loop3A_1356, %parallel_loop3A_1357] {strides = array<i32>} : memref<128x64xbf16, #tpu.memory_space<vmem>>, vector<32xbf16>,
          %parallel_loop3A_1359 = arith.constant 29 : i32
          %parallel_loop3A_1360 = arith.addi %parallel_loop3A_116, %parallel_loop3A_1359 : i32
          %parallel_loop3A_1361 = arith.index_cast %parallel_loop3A_1360 : i32 to index
          %parallel_loop3A_1362 = arith.constant 32 : index
          %parallel_loop3A_1363 = tpu.vector_load %arg11[%parallel_loop3A_1361, %parallel_loop3A_1362] {strides = array<i32>} : memref<128x64xbf16, #tpu.memory_space<vmem>>, vector<32xbf16>,
          %parallel_loop3A_1364 = tpu.unpack_subelements %parallel_loop3A_1358, 0 {pack_format = #tpu.pack_format<interleaved>} : vector<32xbf16> -> vector<16xf32>
          %parallel_loop3A_1365 = tpu.unpack_subelements %parallel_loop3A_1358, 1 {pack_format = #tpu.pack_format<interleaved>} : vector<32xbf16> -> vector<16xf32>
          %parallel_loop3A_1366 = tpu.unpack_subelements %parallel_loop3A_1363, 0 {pack_format = #tpu.pack_format<interleaved>} : vector<32xbf16> -> vector<16xf32>
          %parallel_loop3A_1367 = tpu.unpack_subelements %parallel_loop3A_1363, 1 {pack_format = #tpu.pack_format<interleaved>} : vector<32xbf16> -> vector<16xf32>
          %parallel_loop3A_1368 = arith.mulf %parallel_loop3A_1364, %parallel_loop3A_243 : vector<16xf32>
          %parallel_loop3A_1369 = arith.mulf %parallel_loop3A_1365, %parallel_loop3A_243 : vector<16xf32>
          %parallel_loop3A_1370 = arith.mulf %parallel_loop3A_1366, %parallel_loop3A_243 : vector<16xf32>
          %parallel_loop3A_1371 = arith.mulf %parallel_loop3A_1367, %parallel_loop3A_243 : vector<16xf32>
          %parallel_loop3A_1372 = arith.constant 29 : i32
          %parallel_loop3A_1373 = arith.addi %parallel_loop3A_116, %parallel_loop3A_1372 : i32
          %parallel_loop3A_1374 = arith.index_cast %parallel_loop3A_1373 : i32 to index
          %parallel_loop3A_1375 = arith.constant 0 : index
          %parallel_loop3A_1376 = tpu.vector_load %arg13[%parallel_loop3A_1374, %parallel_loop3A_1375] {strides = array<i32>} : memref<128x64xf32, #tpu.memory_space<vmem>>, vector<16xf32>,
          tpu.vector_store %arg13[%parallel_loop3A_1374, %parallel_loop3A_1375], %parallel_loop3A_1368 {strides = array<i32>} : memref<128x64xf32, #tpu.memory_space<vmem>>, vector<16xf32>,
          %parallel_loop3A_1377 = arith.constant 29 : i32
          %parallel_loop3A_1378 = arith.addi %parallel_loop3A_116, %parallel_loop3A_1377 : i32
          %parallel_loop3A_1379 = arith.index_cast %parallel_loop3A_1378 : i32 to index
          %parallel_loop3A_1380 = arith.constant 16 : index
          %parallel_loop3A_1381 = tpu.vector_load %arg13[%parallel_loop3A_1379, %parallel_loop3A_1380] {strides = array<i32>} : memref<128x64xf32, #tpu.memory_space<vmem>>, vector<16xf32>,
          tpu.vector_store %arg13[%parallel_loop3A_1379, %parallel_loop3A_1380], %parallel_loop3A_1369 {strides = array<i32>} : memref<128x64xf32, #tpu.memory_space<vmem>>, vector<16xf32>,
          %parallel_loop3A_1382 = arith.constant 29 : i32
          %parallel_loop3A_1383 = arith.addi %parallel_loop3A_116, %parallel_loop3A_1382 : i32
          %parallel_loop3A_1384 = arith.index_cast %parallel_loop3A_1383 : i32 to index
          %parallel_loop3A_1385 = arith.constant 32 : index
          %parallel_loop3A_1386 = tpu.vector_load %arg13[%parallel_loop3A_1384, %parallel_loop3A_1385] {strides = array<i32>} : memref<128x64xf32, #tpu.memory_space<vmem>>, vector<16xf32>,
          tpu.vector_store %arg13[%parallel_loop3A_1384, %parallel_loop3A_1385], %parallel_loop3A_1370 {strides = array<i32>} : memref<128x64xf32, #tpu.memory_space<vmem>>, vector<16xf32>,
          %parallel_loop3A_1387 = arith.constant 29 : i32
          %parallel_loop3A_1388 = arith.addi %parallel_loop3A_116, %parallel_loop3A_1387 : i32
          %parallel_loop3A_1389 = arith.index_cast %parallel_loop3A_1388 : i32 to index
          %parallel_loop3A_1390 = arith.constant 48 : index
          %parallel_loop3A_1391 = tpu.vector_load %arg13[%parallel_loop3A_1389, %parallel_loop3A_1390] {strides = array<i32>} : memref<128x64xf32, #tpu.memory_space<vmem>>, vector<16xf32>,
          tpu.vector_store %arg13[%parallel_loop3A_1389, %parallel_loop3A_1390], %parallel_loop3A_1371 {strides = array<i32>} : memref<128x64xf32, #tpu.memory_space<vmem>>, vector<16xf32>,
          %parallel_loop3A_1392 = arith.constant 30 : i32
          %parallel_loop3A_1393 = arith.addi %parallel_loop3A_116, %parallel_loop3A_1392 : i32
          %parallel_loop3A_1394 = arith.index_cast %parallel_loop3A_1393 : i32 to index
          %parallel_loop3A_1395 = arith.constant 0 : index
          %parallel_loop3A_1396 = tpu.vector_load %arg11[%parallel_loop3A_1394, %parallel_loop3A_1395] {strides = array<i32>} : memref<128x64xbf16, #tpu.memory_space<vmem>>, vector<32xbf16>,
          %parallel_loop3A_1397 = arith.constant 30 : i32
          %parallel_loop3A_1398 = arith.addi %parallel_loop3A_116, %parallel_loop3A_1397 : i32
          %parallel_loop3A_1399 = arith.index_cast %parallel_loop3A_1398 : i32 to index
          %parallel_loop3A_1400 = arith.constant 32 : index
          %parallel_loop3A_1401 = tpu.vector_load %arg11[%parallel_loop3A_1399, %parallel_loop3A_1400] {strides = array<i32>} : memref<128x64xbf16, #tpu.memory_space<vmem>>, vector<32xbf16>,
          %parallel_loop3A_1402 = tpu.unpack_subelements %parallel_loop3A_1396, 0 {pack_format = #tpu.pack_format<interleaved>} : vector<32xbf16> -> vector<16xf32>
          %parallel_loop3A_1403 = tpu.unpack_subelements %parallel_loop3A_1396, 1 {pack_format = #tpu.pack_format<interleaved>} : vector<32xbf16> -> vector<16xf32>
          %parallel_loop3A_1404 = tpu.unpack_subelements %parallel_loop3A_1401, 0 {pack_format = #tpu.pack_format<interleaved>} : vector<32xbf16> -> vector<16xf32>
          %parallel_loop3A_1405 = tpu.unpack_subelements %parallel_loop3A_1401, 1 {pack_format = #tpu.pack_format<interleaved>} : vector<32xbf16> -> vector<16xf32>
          %parallel_loop3A_1406 = arith.mulf %parallel_loop3A_1402, %parallel_loop3A_247 : vector<16xf32>
          %parallel_loop3A_1407 = arith.mulf %parallel_loop3A_1403, %parallel_loop3A_247 : vector<16xf32>
          %parallel_loop3A_1408 = arith.mulf %parallel_loop3A_1404, %parallel_loop3A_247 : vector<16xf32>
          %parallel_loop3A_1409 = arith.mulf %parallel_loop3A_1405, %parallel_loop3A_247 : vector<16xf32>
          %parallel_loop3A_1410 = arith.constant 30 : i32
          %parallel_loop3A_1411 = arith.addi %parallel_loop3A_116, %parallel_loop3A_1410 : i32
          %parallel_loop3A_1412 = arith.index_cast %parallel_loop3A_1411 : i32 to index
          %parallel_loop3A_1413 = arith.constant 0 : index
          %parallel_loop3A_1414 = tpu.vector_load %arg13[%parallel_loop3A_1412, %parallel_loop3A_1413] {strides = array<i32>} : memref<128x64xf32, #tpu.memory_space<vmem>>, vector<16xf32>,
          tpu.vector_store %arg13[%parallel_loop3A_1412, %parallel_loop3A_1413], %parallel_loop3A_1406 {strides = array<i32>} : memref<128x64xf32, #tpu.memory_space<vmem>>, vector<16xf32>,
          %parallel_loop3A_1415 = arith.constant 30 : i32
          %parallel_loop3A_1416 = arith.addi %parallel_loop3A_116, %parallel_loop3A_1415 : i32
          %parallel_loop3A_1417 = arith.index_cast %parallel_loop3A_1416 : i32 to index
          %parallel_loop3A_1418 = arith.constant 16 : index
          %parallel_loop3A_1419 = tpu.vector_load %arg13[%parallel_loop3A_1417, %parallel_loop3A_1418] {strides = array<i32>} : memref<128x64xf32, #tpu.memory_space<vmem>>, vector<16xf32>,
          tpu.vector_store %arg13[%parallel_loop3A_1417, %parallel_loop3A_1418], %parallel_loop3A_1407 {strides = array<i32>} : memref<128x64xf32, #tpu.memory_space<vmem>>, vector<16xf32>,
          %parallel_loop3A_1420 = arith.constant 30 : i32
          %parallel_loop3A_1421 = arith.addi %parallel_loop3A_116, %parallel_loop3A_1420 : i32
          %parallel_loop3A_1422 = arith.index_cast %parallel_loop3A_1421 : i32 to index
          %parallel_loop3A_1423 = arith.constant 32 : index
          %parallel_loop3A_1424 = tpu.vector_load %arg13[%parallel_loop3A_1422, %parallel_loop3A_1423] {strides = array<i32>} : memref<128x64xf32, #tpu.memory_space<vmem>>, vector<16xf32>,
          tpu.vector_store %arg13[%parallel_loop3A_1422, %parallel_loop3A_1423], %parallel_loop3A_1408 {strides = array<i32>} : memref<128x64xf32, #tpu.memory_space<vmem>>, vector<16xf32>,
          %parallel_loop3A_1425 = arith.constant 30 : i32
          %parallel_loop3A_1426 = arith.addi %parallel_loop3A_116, %parallel_loop3A_1425 : i32
          %parallel_loop3A_1427 = arith.index_cast %parallel_loop3A_1426 : i32 to index
          %parallel_loop3A_1428 = arith.constant 48 : index
          %parallel_loop3A_1429 = tpu.vector_load %arg13[%parallel_loop3A_1427, %parallel_loop3A_1428] {strides = array<i32>} : memref<128x64xf32, #tpu.memory_space<vmem>>, vector<16xf32>,
          tpu.vector_store %arg13[%parallel_loop3A_1427, %parallel_loop3A_1428], %parallel_loop3A_1409 {strides = array<i32>} : memref<128x64xf32, #tpu.memory_space<vmem>>, vector<16xf32>,
          %parallel_loop3A_1430 = arith.constant 31 : i32
          %parallel_loop3A_1431 = arith.addi %parallel_loop3A_116, %parallel_loop3A_1430 : i32
          %parallel_loop3A_1432 = arith.index_cast %parallel_loop3A_1431 : i32 to index
          %parallel_loop3A_1433 = arith.constant 0 : index
          %parallel_loop3A_1434 = tpu.vector_load %arg11[%parallel_loop3A_1432, %parallel_loop3A_1433] {strides = array<i32>} : memref<128x64xbf16, #tpu.memory_space<vmem>>, vector<32xbf16>,
          %parallel_loop3A_1435 = arith.constant 31 : i32
          %parallel_loop3A_1436 = arith.addi %parallel_loop3A_116, %parallel_loop3A_1435 : i32
          %parallel_loop3A_1437 = arith.index_cast %parallel_loop3A_1436 : i32 to index
          %parallel_loop3A_1438 = arith.constant 32 : index
          %parallel_loop3A_1439 = tpu.vector_load %arg11[%parallel_loop3A_1437, %parallel_loop3A_1438] {strides = array<i32>} : memref<128x64xbf16, #tpu.memory_space<vmem>>, vector<32xbf16>,
          %parallel_loop3A_1440 = tpu.unpack_subelements %parallel_loop3A_1434, 0 {pack_format = #tpu.pack_format<interleaved>} : vector<32xbf16> -> vector<16xf32>
          %parallel_loop3A_1441 = tpu.unpack_subelements %parallel_loop3A_1434, 1 {pack_format = #tpu.pack_format<interleaved>} : vector<32xbf16> -> vector<16xf32>
          %parallel_loop3A_1442 = tpu.unpack_subelements %parallel_loop3A_1439, 0 {pack_format = #tpu.pack_format<interleaved>} : vector<32xbf16> -> vector<16xf32>
          %parallel_loop3A_1443 = tpu.unpack_subelements %parallel_loop3A_1439, 1 {pack_format = #tpu.pack_format<interleaved>} : vector<32xbf16> -> vector<16xf32>
          %parallel_loop3A_1444 = arith.mulf %parallel_loop3A_1440, %parallel_loop3A_251 : vector<16xf32>
          %parallel_loop3A_1445 = arith.mulf %parallel_loop3A_1441, %parallel_loop3A_251 : vector<16xf32>
          %parallel_loop3A_1446 = arith.mulf %parallel_loop3A_1442, %parallel_loop3A_251 : vector<16xf32>
          %parallel_loop3A_1447 = arith.mulf %parallel_loop3A_1443, %parallel_loop3A_251 : vector<16xf32>
          %parallel_loop3A_1448 = arith.constant 31 : i32
          %parallel_loop3A_1449 = arith.addi %parallel_loop3A_116, %parallel_loop3A_1448 : i32
          %parallel_loop3A_1450 = arith.index_cast %parallel_loop3A_1449 : i32 to index
          %parallel_loop3A_1451 = arith.constant 0 : index
          %parallel_loop3A_1452 = tpu.vector_load %arg13[%parallel_loop3A_1450, %parallel_loop3A_1451] {strides = array<i32>} : memref<128x64xf32, #tpu.memory_space<vmem>>, vector<16xf32>,
          tpu.vector_store %arg13[%parallel_loop3A_1450, %parallel_loop3A_1451], %parallel_loop3A_1444 {strides = array<i32>} : memref<128x64xf32, #tpu.memory_space<vmem>>, vector<16xf32>,
          %parallel_loop3A_1453 = arith.constant 31 : i32
          %parallel_loop3A_1454 = arith.addi %parallel_loop3A_116, %parallel_loop3A_1453 : i32
          %parallel_loop3A_1455 = arith.index_cast %parallel_loop3A_1454 : i32 to index
          %parallel_loop3A_1456 = arith.constant 16 : index
          %parallel_loop3A_1457 = tpu.vector_load %arg13[%parallel_loop3A_1455, %parallel_loop3A_1456] {strides = array<i32>} : memref<128x64xf32, #tpu.memory_space<vmem>>, vector<16xf32>,
          tpu.vector_store %arg13[%parallel_loop3A_1455, %parallel_loop3A_1456], %parallel_loop3A_1445 {strides = array<i32>} : memref<128x64xf32, #tpu.memory_space<vmem>>, vector<16xf32>,
          %parallel_loop3A_1458 = arith.constant 31 : i32
          %parallel_loop3A_1459 = arith.addi %parallel_loop3A_116, %parallel_loop3A_1458 : i32
          %parallel_loop3A_1460 = arith.index_cast %parallel_loop3A_1459 : i32 to index
          %parallel_loop3A_1461 = arith.constant 32 : index
          %parallel_loop3A_1462 = tpu.vector_load %arg13[%parallel_loop3A_1460, %parallel_loop3A_1461] {strides = array<i32>} : memref<128x64xf32, #tpu.memory_space<vmem>>, vector<16xf32>,
          tpu.vector_store %arg13[%parallel_loop3A_1460, %parallel_loop3A_1461], %parallel_loop3A_1446 {strides = array<i32>} : memref<128x64xf32, #tpu.memory_space<vmem>>, vector<16xf32>,
          %parallel_loop3A_1463 = arith.constant 31 : i32
          %parallel_loop3A_1464 = arith.addi %parallel_loop3A_116, %parallel_loop3A_1463 : i32
          %parallel_loop3A_1465 = arith.index_cast %parallel_loop3A_1464 : i32 to index
          %parallel_loop3A_1466 = arith.constant 48 : index
          %parallel_loop3A_1467 = tpu.vector_load %arg13[%parallel_loop3A_1465, %parallel_loop3A_1466] {strides = array<i32>} : memref<128x64xf32, #tpu.memory_space<vmem>>, vector<16xf32>,
          tpu.vector_store %arg13[%parallel_loop3A_1465, %parallel_loop3A_1466], %parallel_loop3A_1447 {strides = array<i32>} : memref<128x64xf32, #tpu.memory_space<vmem>>, vector<16xf32>,
        } {sc.loop_unroll_factor = 2 : i64, sc.parallel_access}
        %add3A_71 = arith.constant 2 : i32
        %add3A_72 = arith.addi %add3A_56, %add3A_71 : i32
        %lt3A = arith.constant 128 : i32
        %lt3A_73 = arith.cmpi slt, %add3A_72, %lt3A : i32
        %convert_element_type3A_74 = arith.extui %lt3A_73 : i1 to i32
        %cond3A_75 = arith.constant 0 : i32
        %cond3A_76 = arith.cmpi ne, %convert_element_type3A_74, %cond3A_75 : i32
        scf.if %cond3A_76 {
          %mul3A_116 = arith.constant 128 : i32
          %mul3A_117 = arith.muli %add3A_72, %mul3A_116 : i32
          %dma_start3A_118 = tpu.memref_slice %arg8[%mul3A_117] : memref<16384xi32, #tpu.memory_space<vmem>> -> memref<128xi32, #tpu.memory_space<vmem>>
          %dma_start3A_119 = arith.constant 0 : i32
          %dma_start3A_120 = arith.constant 0 : i32
          %dma_start3A_121 = tpu.memref_slice %arg2[%add3A_13, %dma_start3A_119, %dma_start3A_120] : memref<32x16384x64xbf16, #tpu.memory_space<hbm>> -> memref<1x16384x64xbf16, #tpu.memory_space<hbm>>
          %dma_start3A_122 = tpu.memref_squeeze %dma_start3A_121 : memref<1x16384x64xbf16, #tpu.memory_space<hbm>> -> memref<16384x64xbf16, #tpu.memory_space<hbm>>
          %dma_start3A_123 = arith.constant 0 : i32
          %dma_start3A_124 = arith.constant 0 : i32
          %dma_start3A_125 = tpu.memref_slice %dma_start3A_122[%dma_start3A_123, %dma_start3A_124] : memref<16384x64xbf16, #tpu.memory_space<hbm>> -> memref<16384x64xbf16, #tpu.memory_space<hbm>>
          tpu.enqueue_indirect_dma source(%dma_start3A_125 : memref<16384x64xbf16, #tpu.memory_space<hbm>>) target(%arg11 : memref<128x64xbf16, #tpu.memory_space<vmem>>) offsets(%dma_start3A_118 : memref<128xi32, #tpu.memory_space<vmem>>) semaphore(%arg16 : memref<!tpu.dma_semaphore, #tpu.memory_space<semaphore_mem>>)
        } else {
        }
        %dma_start3A_77 = arith.constant 0 : i32
        %dma_start3A_78 = tpu.memref_slice %arg9[%add3A_56, %dma_start3A_77] : memref<128x128xi32, #tpu.memory_space<vmem>> -> memref<1x128xi32, #tpu.memory_space<vmem>>
        %dma_start3A_79 = tpu.memref_squeeze %dma_start3A_78 : memref<1x128xi32, #tpu.memory_space<vmem>> -> memref<128xi32, #tpu.memory_space<vmem>>
        %dma_start3A_80 = arith.constant 0 : i32
        %dma_start3A_81 = arith.constant 0 : i32
        %dma_start3A_82 = tpu.memref_slice %arg15[%dma_start3A_80, %dma_start3A_81] : memref<16384x64xf32, #tpu.memory_space<vmem_shared>> -> memref<16384x64xf32, #tpu.memory_space<vmem_shared>>
        tpu.enqueue_indirect_dma source(%arg13 : memref<128x64xf32, #tpu.memory_space<vmem>>) target(%dma_start3A_82 : memref<16384x64xf32, #tpu.memory_space<vmem_shared>>) offsets(%dma_start3A_79 : memref<128xi32, #tpu.memory_space<vmem>>) semaphore(%arg18 : memref<!tpu.dma_semaphore, #tpu.memory_space<semaphore_mem>>) {add = true}
        %add3A_83 = arith.constant 1 : i32
        %add3A_84 = arith.addi %add3A_54, %add3A_83 : i32
        %mul3A_85 = arith.constant 128 : i32
        %mul3A_86 = arith.muli %add3A_84, %mul3A_85 : i32
        %dma_wait3A_87 = tpu.memref_slice %arg8[%mul3A_86] : memref<16384xi32, #tpu.memory_space<vmem>> -> memref<128xi32, #tpu.memory_space<vmem>>
        %dma_wait3A_88 = arith.constant 0 : i32
        %dma_wait3A_89 = arith.constant 0 : i32
        %dma_wait3A_90 = tpu.memref_slice %arg2[%add3A_13, %dma_wait3A_88, %dma_wait3A_89] : memref<32x16384x64xbf16, #tpu.memory_space<hbm>> -> memref<1x16384x64xbf16, #tpu.memory_space<hbm>>
        %dma_wait3A_91 = tpu.memref_squeeze %dma_wait3A_90 : memref<1x16384x64xbf16, #tpu.memory_space<hbm>> -> memref<16384x64xbf16, #tpu.memory_space<hbm>>
        %dma_wait3A_92 = arith.constant 0 : i32
        %dma_wait3A_93 = arith.constant 0 : i32
        %dma_wait3A_94 = tpu.memref_slice %dma_wait3A_91[%dma_wait3A_92, %dma_wait3A_93] : memref<16384x64xbf16, #tpu.memory_space<hbm>> -> memref<16384x64xbf16, #tpu.memory_space<hbm>>
        tpu.wait_indirect_dma semaphore(%arg17 : memref<!tpu.dma_semaphore, #tpu.memory_space<semaphore_mem>>) src(%dma_wait3A_94 : memref<16384x64xbf16, #tpu.memory_space<hbm>>) dst(%arg12 : memref<128x64xbf16, #tpu.memory_space<vmem>>)
        %ge3A_95 = arith.constant 2 : i32
        %ge3A_96 = arith.cmpi sge, %add3A_84, %ge3A_95 : i32
        %convert_element_type3A_97 = arith.extui %ge3A_96 : i1 to i32
        %cond3A_98 = arith.constant 0 : i32
        %cond3A_99 = arith.cmpi ne, %convert_element_type3A_97, %cond3A_98 : i32
        scf.if %cond3A_99 {
          %dma_wait3A_116 = arith.constant 0 : i32
          %dma_wait3A_117 = tpu.memref_slice %arg9[%add3A_84, %dma_wait3A_116] : memref<128x128xi32, #tpu.memory_space<vmem>> -> memref<1x128xi32, #tpu.memory_space<vmem>>
          %dma_wait3A_118 = tpu.memref_squeeze %dma_wait3A_117 : memref<1x128xi32, #tpu.memory_space<vmem>> -> memref<128xi32, #tpu.memory_space<vmem>>
          %dma_wait3A_119 = arith.constant 0 : i32
          %dma_wait3A_120 = arith.constant 0 : i32
          %dma_wait3A_121 = tpu.memref_slice %arg15[%dma_wait3A_119, %dma_wait3A_120] : memref<16384x64xf32, #tpu.memory_space<vmem_shared>> -> memref<16384x64xf32, #tpu.memory_space<vmem_shared>>
          tpu.wait_indirect_dma semaphore(%arg19 : memref<!tpu.dma_semaphore, #tpu.memory_space<semaphore_mem>>) src(%arg14 : memref<128x64xf32, #tpu.memory_space<vmem>>) dst(%dma_wait3A_121 : memref<16384x64xf32, #tpu.memory_space<vmem_shared>>)
        } else {
        }
        %parallel_loop3A_100 = arith.constant 0 : i32
        %parallel_loop3A_101 = arith.constant 128 : i32
        %parallel_loop3A_102 = arith.constant 32 : i32
        scf.for %parallel_loop3A_116 = %parallel_loop3A_100 to %parallel_loop3A_101 step %parallel_loop3A_102  : i32 {
          %parallel_loop3A_117 = arith.constant 128 : i32
          %parallel_loop3A_118 = arith.muli %add3A_84, %parallel_loop3A_117 : i32
          %parallel_loop3A_119 = arith.addi %parallel_loop3A_118, %parallel_loop3A_116 : i32
          %parallel_loop3A_120 = arith.index_cast %parallel_loop3A_119 : i32 to index
          %parallel_loop3A_121 = tpu.vector_load %arg10[%parallel_loop3A_120] {strides = array<i32>} : memref<16384xbf16, #tpu.memory_space<vmem>>, vector<32xbf16>,
          %parallel_loop3A_122 = tpu.unpack_subelements %parallel_loop3A_121, 0 {pack_format = #tpu.pack_format<interleaved>} : vector<32xbf16> -> vector<16xf32>
          %parallel_loop3A_123 = tpu.unpack_subelements %parallel_loop3A_121, 1 {pack_format = #tpu.pack_format<interleaved>} : vector<32xbf16> -> vector<16xf32>
          %parallel_loop3A_124 = arith.constant 0 : i32
          %parallel_loop3A_125 = vector.broadcast %parallel_loop3A_124 : i32 to vector<16x1xi32>
          %parallel_loop3A_126 = vector.shape_cast %parallel_loop3A_125 : vector<16x1xi32> to vector<16xi32>
          %parallel_loop3A_127 = tpu.dynamic_gather %parallel_loop3A_122[%parallel_loop3A_126] in [0] : vector<16xf32>, vector<16xi32> -> vector<16xf32>
          %parallel_loop3A_128 = arith.constant 0 : i32
          %parallel_loop3A_129 = vector.broadcast %parallel_loop3A_128 : i32 to vector<16x1xi32>
          %parallel_loop3A_130 = vector.shape_cast %parallel_loop3A_129 : vector<16x1xi32> to vector<16xi32>
          %parallel_loop3A_131 = tpu.dynamic_gather %parallel_loop3A_123[%parallel_loop3A_130] in [0] : vector<16xf32>, vector<16xi32> -> vector<16xf32>
          %parallel_loop3A_132 = arith.constant 1 : i32
          %parallel_loop3A_133 = vector.broadcast %parallel_loop3A_132 : i32 to vector<16x1xi32>
          %parallel_loop3A_134 = vector.shape_cast %parallel_loop3A_133 : vector<16x1xi32> to vector<16xi32>
          %parallel_loop3A_135 = tpu.dynamic_gather %parallel_loop3A_122[%parallel_loop3A_134] in [0] : vector<16xf32>, vector<16xi32> -> vector<16xf32>
          %parallel_loop3A_136 = arith.constant 1 : i32
          %parallel_loop3A_137 = vector.broadcast %parallel_loop3A_136 : i32 to vector<16x1xi32>
          %parallel_loop3A_138 = vector.shape_cast %parallel_loop3A_137 : vector<16x1xi32> to vector<16xi32>
          %parallel_loop3A_139 = tpu.dynamic_gather %parallel_loop3A_123[%parallel_loop3A_138] in [0] : vector<16xf32>, vector<16xi32> -> vector<16xf32>
          %parallel_loop3A_140 = arith.constant 2 : i32
          %parallel_loop3A_141 = vector.broadcast %parallel_loop3A_140 : i32 to vector<16x1xi32>
          %parallel_loop3A_142 = vector.shape_cast %parallel_loop3A_141 : vector<16x1xi32> to vector<16xi32>
          %parallel_loop3A_143 = tpu.dynamic_gather %parallel_loop3A_122[%parallel_loop3A_142] in [0] : vector<16xf32>, vector<16xi32> -> vector<16xf32>
          %parallel_loop3A_144 = arith.constant 2 : i32
          %parallel_loop3A_145 = vector.broadcast %parallel_loop3A_144 : i32 to vector<16x1xi32>
          %parallel_loop3A_146 = vector.shape_cast %parallel_loop3A_145 : vector<16x1xi32> to vector<16xi32>
          %parallel_loop3A_147 = tpu.dynamic_gather %parallel_loop3A_123[%parallel_loop3A_146] in [0] : vector<16xf32>, vector<16xi32> -> vector<16xf32>
          %parallel_loop3A_148 = arith.constant 3 : i32
          %parallel_loop3A_149 = vector.broadcast %parallel_loop3A_148 : i32 to vector<16x1xi32>
          %parallel_loop3A_150 = vector.shape_cast %parallel_loop3A_149 : vector<16x1xi32> to vector<16xi32>
          %parallel_loop3A_151 = tpu.dynamic_gather %parallel_loop3A_122[%parallel_loop3A_150] in [0] : vector<16xf32>, vector<16xi32> -> vector<16xf32>
          %parallel_loop3A_152 = arith.constant 3 : i32
          %parallel_loop3A_153 = vector.broadcast %parallel_loop3A_152 : i32 to vector<16x1xi32>
          %parallel_loop3A_154 = vector.shape_cast %parallel_loop3A_153 : vector<16x1xi32> to vector<16xi32>
          %parallel_loop3A_155 = tpu.dynamic_gather %parallel_loop3A_123[%parallel_loop3A_154] in [0] : vector<16xf32>, vector<16xi32> -> vector<16xf32>
          %parallel_loop3A_156 = arith.constant 4 : i32
          %parallel_loop3A_157 = vector.broadcast %parallel_loop3A_156 : i32 to vector<16x1xi32>
          %parallel_loop3A_158 = vector.shape_cast %parallel_loop3A_157 : vector<16x1xi32> to vector<16xi32>
          %parallel_loop3A_159 = tpu.dynamic_gather %parallel_loop3A_122[%parallel_loop3A_158] in [0] : vector<16xf32>, vector<16xi32> -> vector<16xf32>
          %parallel_loop3A_160 = arith.constant 4 : i32
          %parallel_loop3A_161 = vector.broadcast %parallel_loop3A_160 : i32 to vector<16x1xi32>
          %parallel_loop3A_162 = vector.shape_cast %parallel_loop3A_161 : vector<16x1xi32> to vector<16xi32>
          %parallel_loop3A_163 = tpu.dynamic_gather %parallel_loop3A_123[%parallel_loop3A_162] in [0] : vector<16xf32>, vector<16xi32> -> vector<16xf32>
          %parallel_loop3A_164 = arith.constant 5 : i32
          %parallel_loop3A_165 = vector.broadcast %parallel_loop3A_164 : i32 to vector<16x1xi32>
          %parallel_loop3A_166 = vector.shape_cast %parallel_loop3A_165 : vector<16x1xi32> to vector<16xi32>
          %parallel_loop3A_167 = tpu.dynamic_gather %parallel_loop3A_122[%parallel_loop3A_166] in [0] : vector<16xf32>, vector<16xi32> -> vector<16xf32>
          %parallel_loop3A_168 = arith.constant 5 : i32
          %parallel_loop3A_169 = vector.broadcast %parallel_loop3A_168 : i32 to vector<16x1xi32>
          %parallel_loop3A_170 = vector.shape_cast %parallel_loop3A_169 : vector<16x1xi32> to vector<16xi32>
          %parallel_loop3A_171 = tpu.dynamic_gather %parallel_loop3A_123[%parallel_loop3A_170] in [0] : vector<16xf32>, vector<16xi32> -> vector<16xf32>
          %parallel_loop3A_172 = arith.constant 6 : i32
          %parallel_loop3A_173 = vector.broadcast %parallel_loop3A_172 : i32 to vector<16x1xi32>
          %parallel_loop3A_174 = vector.shape_cast %parallel_loop3A_173 : vector<16x1xi32> to vector<16xi32>
          %parallel_loop3A_175 = tpu.dynamic_gather %parallel_loop3A_122[%parallel_loop3A_174] in [0] : vector<16xf32>, vector<16xi32> -> vector<16xf32>
          %parallel_loop3A_176 = arith.constant 6 : i32
          %parallel_loop3A_177 = vector.broadcast %parallel_loop3A_176 : i32 to vector<16x1xi32>
          %parallel_loop3A_178 = vector.shape_cast %parallel_loop3A_177 : vector<16x1xi32> to vector<16xi32>
          %parallel_loop3A_179 = tpu.dynamic_gather %parallel_loop3A_123[%parallel_loop3A_178] in [0] : vector<16xf32>, vector<16xi32> -> vector<16xf32>
          %parallel_loop3A_180 = arith.constant 7 : i32
          %parallel_loop3A_181 = vector.broadcast %parallel_loop3A_180 : i32 to vector<16x1xi32>
          %parallel_loop3A_182 = vector.shape_cast %parallel_loop3A_181 : vector<16x1xi32> to vector<16xi32>
          %parallel_loop3A_183 = tpu.dynamic_gather %parallel_loop3A_122[%parallel_loop3A_182] in [0] : vector<16xf32>, vector<16xi32> -> vector<16xf32>
          %parallel_loop3A_184 = arith.constant 7 : i32
          %parallel_loop3A_185 = vector.broadcast %parallel_loop3A_184 : i32 to vector<16x1xi32>
          %parallel_loop3A_186 = vector.shape_cast %parallel_loop3A_185 : vector<16x1xi32> to vector<16xi32>
          %parallel_loop3A_187 = tpu.dynamic_gather %parallel_loop3A_123[%parallel_loop3A_186] in [0] : vector<16xf32>, vector<16xi32> -> vector<16xf32>
          %parallel_loop3A_188 = arith.constant 8 : i32
          %parallel_loop3A_189 = vector.broadcast %parallel_loop3A_188 : i32 to vector<16x1xi32>
          %parallel_loop3A_190 = vector.shape_cast %parallel_loop3A_189 : vector<16x1xi32> to vector<16xi32>
          %parallel_loop3A_191 = tpu.dynamic_gather %parallel_loop3A_122[%parallel_loop3A_190] in [0] : vector<16xf32>, vector<16xi32> -> vector<16xf32>
          %parallel_loop3A_192 = arith.constant 8 : i32
          %parallel_loop3A_193 = vector.broadcast %parallel_loop3A_192 : i32 to vector<16x1xi32>
          %parallel_loop3A_194 = vector.shape_cast %parallel_loop3A_193 : vector<16x1xi32> to vector<16xi32>
          %parallel_loop3A_195 = tpu.dynamic_gather %parallel_loop3A_123[%parallel_loop3A_194] in [0] : vector<16xf32>, vector<16xi32> -> vector<16xf32>
          %parallel_loop3A_196 = arith.constant 9 : i32
          %parallel_loop3A_197 = vector.broadcast %parallel_loop3A_196 : i32 to vector<16x1xi32>
          %parallel_loop3A_198 = vector.shape_cast %parallel_loop3A_197 : vector<16x1xi32> to vector<16xi32>
          %parallel_loop3A_199 = tpu.dynamic_gather %parallel_loop3A_122[%parallel_loop3A_198] in [0] : vector<16xf32>, vector<16xi32> -> vector<16xf32>
          %parallel_loop3A_200 = arith.constant 9 : i32
          %parallel_loop3A_201 = vector.broadcast %parallel_loop3A_200 : i32 to vector<16x1xi32>
          %parallel_loop3A_202 = vector.shape_cast %parallel_loop3A_201 : vector<16x1xi32> to vector<16xi32>
          %parallel_loop3A_203 = tpu.dynamic_gather %parallel_loop3A_123[%parallel_loop3A_202] in [0] : vector<16xf32>, vector<16xi32> -> vector<16xf32>
          %parallel_loop3A_204 = arith.constant 10 : i32
          %parallel_loop3A_205 = vector.broadcast %parallel_loop3A_204 : i32 to vector<16x1xi32>
          %parallel_loop3A_206 = vector.shape_cast %parallel_loop3A_205 : vector<16x1xi32> to vector<16xi32>
          %parallel_loop3A_207 = tpu.dynamic_gather %parallel_loop3A_122[%parallel_loop3A_206] in [0] : vector<16xf32>, vector<16xi32> -> vector<16xf32>
          %parallel_loop3A_208 = arith.constant 10 : i32
          %parallel_loop3A_209 = vector.broadcast %parallel_loop3A_208 : i32 to vector<16x1xi32>
          %parallel_loop3A_210 = vector.shape_cast %parallel_loop3A_209 : vector<16x1xi32> to vector<16xi32>
          %parallel_loop3A_211 = tpu.dynamic_gather %parallel_loop3A_123[%parallel_loop3A_210] in [0] : vector<16xf32>, vector<16xi32> -> vector<16xf32>
          %parallel_loop3A_212 = arith.constant 11 : i32
          %parallel_loop3A_213 = vector.broadcast %parallel_loop3A_212 : i32 to vector<16x1xi32>
          %parallel_loop3A_214 = vector.shape_cast %parallel_loop3A_213 : vector<16x1xi32> to vector<16xi32>
          %parallel_loop3A_215 = tpu.dynamic_gather %parallel_loop3A_122[%parallel_loop3A_214] in [0] : vector<16xf32>, vector<16xi32> -> vector<16xf32>
          %parallel_loop3A_216 = arith.constant 11 : i32
          %parallel_loop3A_217 = vector.broadcast %parallel_loop3A_216 : i32 to vector<16x1xi32>
          %parallel_loop3A_218 = vector.shape_cast %parallel_loop3A_217 : vector<16x1xi32> to vector<16xi32>
          %parallel_loop3A_219 = tpu.dynamic_gather %parallel_loop3A_123[%parallel_loop3A_218] in [0] : vector<16xf32>, vector<16xi32> -> vector<16xf32>
          %parallel_loop3A_220 = arith.constant 12 : i32
          %parallel_loop3A_221 = vector.broadcast %parallel_loop3A_220 : i32 to vector<16x1xi32>
          %parallel_loop3A_222 = vector.shape_cast %parallel_loop3A_221 : vector<16x1xi32> to vector<16xi32>
          %parallel_loop3A_223 = tpu.dynamic_gather %parallel_loop3A_122[%parallel_loop3A_222] in [0] : vector<16xf32>, vector<16xi32> -> vector<16xf32>
          %parallel_loop3A_224 = arith.constant 12 : i32
          %parallel_loop3A_225 = vector.broadcast %parallel_loop3A_224 : i32 to vector<16x1xi32>
          %parallel_loop3A_226 = vector.shape_cast %parallel_loop3A_225 : vector<16x1xi32> to vector<16xi32>
          %parallel_loop3A_227 = tpu.dynamic_gather %parallel_loop3A_123[%parallel_loop3A_226] in [0] : vector<16xf32>, vector<16xi32> -> vector<16xf32>
          %parallel_loop3A_228 = arith.constant 13 : i32
          %parallel_loop3A_229 = vector.broadcast %parallel_loop3A_228 : i32 to vector<16x1xi32>
          %parallel_loop3A_230 = vector.shape_cast %parallel_loop3A_229 : vector<16x1xi32> to vector<16xi32>
          %parallel_loop3A_231 = tpu.dynamic_gather %parallel_loop3A_122[%parallel_loop3A_230] in [0] : vector<16xf32>, vector<16xi32> -> vector<16xf32>
          %parallel_loop3A_232 = arith.constant 13 : i32
          %parallel_loop3A_233 = vector.broadcast %parallel_loop3A_232 : i32 to vector<16x1xi32>
          %parallel_loop3A_234 = vector.shape_cast %parallel_loop3A_233 : vector<16x1xi32> to vector<16xi32>
          %parallel_loop3A_235 = tpu.dynamic_gather %parallel_loop3A_123[%parallel_loop3A_234] in [0] : vector<16xf32>, vector<16xi32> -> vector<16xf32>
          %parallel_loop3A_236 = arith.constant 14 : i32
          %parallel_loop3A_237 = vector.broadcast %parallel_loop3A_236 : i32 to vector<16x1xi32>
          %parallel_loop3A_238 = vector.shape_cast %parallel_loop3A_237 : vector<16x1xi32> to vector<16xi32>
          %parallel_loop3A_239 = tpu.dynamic_gather %parallel_loop3A_122[%parallel_loop3A_238] in [0] : vector<16xf32>, vector<16xi32> -> vector<16xf32>
          %parallel_loop3A_240 = arith.constant 14 : i32
          %parallel_loop3A_241 = vector.broadcast %parallel_loop3A_240 : i32 to vector<16x1xi32>
          %parallel_loop3A_242 = vector.shape_cast %parallel_loop3A_241 : vector<16x1xi32> to vector<16xi32>
          %parallel_loop3A_243 = tpu.dynamic_gather %parallel_loop3A_123[%parallel_loop3A_242] in [0] : vector<16xf32>, vector<16xi32> -> vector<16xf32>
          %parallel_loop3A_244 = arith.constant 15 : i32
          %parallel_loop3A_245 = vector.broadcast %parallel_loop3A_244 : i32 to vector<16x1xi32>
          %parallel_loop3A_246 = vector.shape_cast %parallel_loop3A_245 : vector<16x1xi32> to vector<16xi32>
          %parallel_loop3A_247 = tpu.dynamic_gather %parallel_loop3A_122[%parallel_loop3A_246] in [0] : vector<16xf32>, vector<16xi32> -> vector<16xf32>
          %parallel_loop3A_248 = arith.constant 15 : i32
          %parallel_loop3A_249 = vector.broadcast %parallel_loop3A_248 : i32 to vector<16x1xi32>
          %parallel_loop3A_250 = vector.shape_cast %parallel_loop3A_249 : vector<16x1xi32> to vector<16xi32>
          %parallel_loop3A_251 = tpu.dynamic_gather %parallel_loop3A_123[%parallel_loop3A_250] in [0] : vector<16xf32>, vector<16xi32> -> vector<16xf32>
          %parallel_loop3A_252 = arith.constant 0 : i32
          %parallel_loop3A_253 = arith.addi %parallel_loop3A_116, %parallel_loop3A_252 : i32
          %parallel_loop3A_254 = arith.index_cast %parallel_loop3A_253 : i32 to index
          %parallel_loop3A_255 = arith.constant 0 : index
          %parallel_loop3A_256 = tpu.vector_load %arg12[%parallel_loop3A_254, %parallel_loop3A_255] {strides = array<i32>} : memref<128x64xbf16, #tpu.memory_space<vmem>>, vector<32xbf16>,
          %parallel_loop3A_257 = arith.constant 0 : i32
          %parallel_loop3A_258 = arith.addi %parallel_loop3A_116, %parallel_loop3A_257 : i32
          %parallel_loop3A_259 = arith.index_cast %parallel_loop3A_258 : i32 to index
          %parallel_loop3A_260 = arith.constant 32 : index
          %parallel_loop3A_261 = tpu.vector_load %arg12[%parallel_loop3A_259, %parallel_loop3A_260] {strides = array<i32>} : memref<128x64xbf16, #tpu.memory_space<vmem>>, vector<32xbf16>,
          %parallel_loop3A_262 = tpu.unpack_subelements %parallel_loop3A_256, 0 {pack_format = #tpu.pack_format<interleaved>} : vector<32xbf16> -> vector<16xf32>
          %parallel_loop3A_263 = tpu.unpack_subelements %parallel_loop3A_256, 1 {pack_format = #tpu.pack_format<interleaved>} : vector<32xbf16> -> vector<16xf32>
          %parallel_loop3A_264 = tpu.unpack_subelements %parallel_loop3A_261, 0 {pack_format = #tpu.pack_format<interleaved>} : vector<32xbf16> -> vector<16xf32>
          %parallel_loop3A_265 = tpu.unpack_subelements %parallel_loop3A_261, 1 {pack_format = #tpu.pack_format<interleaved>} : vector<32xbf16> -> vector<16xf32>
          %parallel_loop3A_266 = arith.mulf %parallel_loop3A_262, %parallel_loop3A_127 : vector<16xf32>
          %parallel_loop3A_267 = arith.mulf %parallel_loop3A_263, %parallel_loop3A_127 : vector<16xf32>
          %parallel_loop3A_268 = arith.mulf %parallel_loop3A_264, %parallel_loop3A_127 : vector<16xf32>
          %parallel_loop3A_269 = arith.mulf %parallel_loop3A_265, %parallel_loop3A_127 : vector<16xf32>
          %parallel_loop3A_270 = arith.constant 0 : i32
          %parallel_loop3A_271 = arith.addi %parallel_loop3A_116, %parallel_loop3A_270 : i32
          %parallel_loop3A_272 = arith.index_cast %parallel_loop3A_271 : i32 to index
          %parallel_loop3A_273 = arith.constant 0 : index
          %parallel_loop3A_274 = tpu.vector_load %arg14[%parallel_loop3A_272, %parallel_loop3A_273] {strides = array<i32>} : memref<128x64xf32, #tpu.memory_space<vmem>>, vector<16xf32>,
          tpu.vector_store %arg14[%parallel_loop3A_272, %parallel_loop3A_273], %parallel_loop3A_266 {strides = array<i32>} : memref<128x64xf32, #tpu.memory_space<vmem>>, vector<16xf32>,
          %parallel_loop3A_275 = arith.constant 0 : i32
          %parallel_loop3A_276 = arith.addi %parallel_loop3A_116, %parallel_loop3A_275 : i32
          %parallel_loop3A_277 = arith.index_cast %parallel_loop3A_276 : i32 to index
          %parallel_loop3A_278 = arith.constant 16 : index
          %parallel_loop3A_279 = tpu.vector_load %arg14[%parallel_loop3A_277, %parallel_loop3A_278] {strides = array<i32>} : memref<128x64xf32, #tpu.memory_space<vmem>>, vector<16xf32>,
          tpu.vector_store %arg14[%parallel_loop3A_277, %parallel_loop3A_278], %parallel_loop3A_267 {strides = array<i32>} : memref<128x64xf32, #tpu.memory_space<vmem>>, vector<16xf32>,
          %parallel_loop3A_280 = arith.constant 0 : i32
          %parallel_loop3A_281 = arith.addi %parallel_loop3A_116, %parallel_loop3A_280 : i32
          %parallel_loop3A_282 = arith.index_cast %parallel_loop3A_281 : i32 to index
          %parallel_loop3A_283 = arith.constant 32 : index
          %parallel_loop3A_284 = tpu.vector_load %arg14[%parallel_loop3A_282, %parallel_loop3A_283] {strides = array<i32>} : memref<128x64xf32, #tpu.memory_space<vmem>>, vector<16xf32>,
          tpu.vector_store %arg14[%parallel_loop3A_282, %parallel_loop3A_283], %parallel_loop3A_268 {strides = array<i32>} : memref<128x64xf32, #tpu.memory_space<vmem>>, vector<16xf32>,
          %parallel_loop3A_285 = arith.constant 0 : i32
          %parallel_loop3A_286 = arith.addi %parallel_loop3A_116, %parallel_loop3A_285 : i32
          %parallel_loop3A_287 = arith.index_cast %parallel_loop3A_286 : i32 to index
          %parallel_loop3A_288 = arith.constant 48 : index
          %parallel_loop3A_289 = tpu.vector_load %arg14[%parallel_loop3A_287, %parallel_loop3A_288] {strides = array<i32>} : memref<128x64xf32, #tpu.memory_space<vmem>>, vector<16xf32>,
          tpu.vector_store %arg14[%parallel_loop3A_287, %parallel_loop3A_288], %parallel_loop3A_269 {strides = array<i32>} : memref<128x64xf32, #tpu.memory_space<vmem>>, vector<16xf32>,
          %parallel_loop3A_290 = arith.constant 1 : i32
          %parallel_loop3A_291 = arith.addi %parallel_loop3A_116, %parallel_loop3A_290 : i32
          %parallel_loop3A_292 = arith.index_cast %parallel_loop3A_291 : i32 to index
          %parallel_loop3A_293 = arith.constant 0 : index
          %parallel_loop3A_294 = tpu.vector_load %arg12[%parallel_loop3A_292, %parallel_loop3A_293] {strides = array<i32>} : memref<128x64xbf16, #tpu.memory_space<vmem>>, vector<32xbf16>,
          %parallel_loop3A_295 = arith.constant 1 : i32
          %parallel_loop3A_296 = arith.addi %parallel_loop3A_116, %parallel_loop3A_295 : i32
          %parallel_loop3A_297 = arith.index_cast %parallel_loop3A_296 : i32 to index
          %parallel_loop3A_298 = arith.constant 32 : index
          %parallel_loop3A_299 = tpu.vector_load %arg12[%parallel_loop3A_297, %parallel_loop3A_298] {strides = array<i32>} : memref<128x64xbf16, #tpu.memory_space<vmem>>, vector<32xbf16>,
          %parallel_loop3A_300 = tpu.unpack_subelements %parallel_loop3A_294, 0 {pack_format = #tpu.pack_format<interleaved>} : vector<32xbf16> -> vector<16xf32>
          %parallel_loop3A_301 = tpu.unpack_subelements %parallel_loop3A_294, 1 {pack_format = #tpu.pack_format<interleaved>} : vector<32xbf16> -> vector<16xf32>
          %parallel_loop3A_302 = tpu.unpack_subelements %parallel_loop3A_299, 0 {pack_format = #tpu.pack_format<interleaved>} : vector<32xbf16> -> vector<16xf32>
          %parallel_loop3A_303 = tpu.unpack_subelements %parallel_loop3A_299, 1 {pack_format = #tpu.pack_format<interleaved>} : vector<32xbf16> -> vector<16xf32>
          %parallel_loop3A_304 = arith.mulf %parallel_loop3A_300, %parallel_loop3A_131 : vector<16xf32>
          %parallel_loop3A_305 = arith.mulf %parallel_loop3A_301, %parallel_loop3A_131 : vector<16xf32>
          %parallel_loop3A_306 = arith.mulf %parallel_loop3A_302, %parallel_loop3A_131 : vector<16xf32>
          %parallel_loop3A_307 = arith.mulf %parallel_loop3A_303, %parallel_loop3A_131 : vector<16xf32>
          %parallel_loop3A_308 = arith.constant 1 : i32
          %parallel_loop3A_309 = arith.addi %parallel_loop3A_116, %parallel_loop3A_308 : i32
          %parallel_loop3A_310 = arith.index_cast %parallel_loop3A_309 : i32 to index
          %parallel_loop3A_311 = arith.constant 0 : index
          %parallel_loop3A_312 = tpu.vector_load %arg14[%parallel_loop3A_310, %parallel_loop3A_311] {strides = array<i32>} : memref<128x64xf32, #tpu.memory_space<vmem>>, vector<16xf32>,
          tpu.vector_store %arg14[%parallel_loop3A_310, %parallel_loop3A_311], %parallel_loop3A_304 {strides = array<i32>} : memref<128x64xf32, #tpu.memory_space<vmem>>, vector<16xf32>,
          %parallel_loop3A_313 = arith.constant 1 : i32
          %parallel_loop3A_314 = arith.addi %parallel_loop3A_116, %parallel_loop3A_313 : i32
          %parallel_loop3A_315 = arith.index_cast %parallel_loop3A_314 : i32 to index
          %parallel_loop3A_316 = arith.constant 16 : index
          %parallel_loop3A_317 = tpu.vector_load %arg14[%parallel_loop3A_315, %parallel_loop3A_316] {strides = array<i32>} : memref<128x64xf32, #tpu.memory_space<vmem>>, vector<16xf32>,
          tpu.vector_store %arg14[%parallel_loop3A_315, %parallel_loop3A_316], %parallel_loop3A_305 {strides = array<i32>} : memref<128x64xf32, #tpu.memory_space<vmem>>, vector<16xf32>,
          %parallel_loop3A_318 = arith.constant 1 : i32
          %parallel_loop3A_319 = arith.addi %parallel_loop3A_116, %parallel_loop3A_318 : i32
          %parallel_loop3A_320 = arith.index_cast %parallel_loop3A_319 : i32 to index
          %parallel_loop3A_321 = arith.constant 32 : index
          %parallel_loop3A_322 = tpu.vector_load %arg14[%parallel_loop3A_320, %parallel_loop3A_321] {strides = array<i32>} : memref<128x64xf32, #tpu.memory_space<vmem>>, vector<16xf32>,
          tpu.vector_store %arg14[%parallel_loop3A_320, %parallel_loop3A_321], %parallel_loop3A_306 {strides = array<i32>} : memref<128x64xf32, #tpu.memory_space<vmem>>, vector<16xf32>,
          %parallel_loop3A_323 = arith.constant 1 : i32
          %parallel_loop3A_324 = arith.addi %parallel_loop3A_116, %parallel_loop3A_323 : i32
          %parallel_loop3A_325 = arith.index_cast %parallel_loop3A_324 : i32 to index
          %parallel_loop3A_326 = arith.constant 48 : index
          %parallel_loop3A_327 = tpu.vector_load %arg14[%parallel_loop3A_325, %parallel_loop3A_326] {strides = array<i32>} : memref<128x64xf32, #tpu.memory_space<vmem>>, vector<16xf32>,
          tpu.vector_store %arg14[%parallel_loop3A_325, %parallel_loop3A_326], %parallel_loop3A_307 {strides = array<i32>} : memref<128x64xf32, #tpu.memory_space<vmem>>, vector<16xf32>,
          %parallel_loop3A_328 = arith.constant 2 : i32
          %parallel_loop3A_329 = arith.addi %parallel_loop3A_116, %parallel_loop3A_328 : i32
          %parallel_loop3A_330 = arith.index_cast %parallel_loop3A_329 : i32 to index
          %parallel_loop3A_331 = arith.constant 0 : index
          %parallel_loop3A_332 = tpu.vector_load %arg12[%parallel_loop3A_330, %parallel_loop3A_331] {strides = array<i32>} : memref<128x64xbf16, #tpu.memory_space<vmem>>, vector<32xbf16>,
          %parallel_loop3A_333 = arith.constant 2 : i32
          %parallel_loop3A_334 = arith.addi %parallel_loop3A_116, %parallel_loop3A_333 : i32
          %parallel_loop3A_335 = arith.index_cast %parallel_loop3A_334 : i32 to index
          %parallel_loop3A_336 = arith.constant 32 : index
          %parallel_loop3A_337 = tpu.vector_load %arg12[%parallel_loop3A_335, %parallel_loop3A_336] {strides = array<i32>} : memref<128x64xbf16, #tpu.memory_space<vmem>>, vector<32xbf16>,
          %parallel_loop3A_338 = tpu.unpack_subelements %parallel_loop3A_332, 0 {pack_format = #tpu.pack_format<interleaved>} : vector<32xbf16> -> vector<16xf32>
          %parallel_loop3A_339 = tpu.unpack_subelements %parallel_loop3A_332, 1 {pack_format = #tpu.pack_format<interleaved>} : vector<32xbf16> -> vector<16xf32>
          %parallel_loop3A_340 = tpu.unpack_subelements %parallel_loop3A_337, 0 {pack_format = #tpu.pack_format<interleaved>} : vector<32xbf16> -> vector<16xf32>
          %parallel_loop3A_341 = tpu.unpack_subelements %parallel_loop3A_337, 1 {pack_format = #tpu.pack_format<interleaved>} : vector<32xbf16> -> vector<16xf32>
          %parallel_loop3A_342 = arith.mulf %parallel_loop3A_338, %parallel_loop3A_135 : vector<16xf32>
          %parallel_loop3A_343 = arith.mulf %parallel_loop3A_339, %parallel_loop3A_135 : vector<16xf32>
          %parallel_loop3A_344 = arith.mulf %parallel_loop3A_340, %parallel_loop3A_135 : vector<16xf32>
          %parallel_loop3A_345 = arith.mulf %parallel_loop3A_341, %parallel_loop3A_135 : vector<16xf32>
          %parallel_loop3A_346 = arith.constant 2 : i32
          %parallel_loop3A_347 = arith.addi %parallel_loop3A_116, %parallel_loop3A_346 : i32
          %parallel_loop3A_348 = arith.index_cast %parallel_loop3A_347 : i32 to index
          %parallel_loop3A_349 = arith.constant 0 : index
          %parallel_loop3A_350 = tpu.vector_load %arg14[%parallel_loop3A_348, %parallel_loop3A_349] {strides = array<i32>} : memref<128x64xf32, #tpu.memory_space<vmem>>, vector<16xf32>,
          tpu.vector_store %arg14[%parallel_loop3A_348, %parallel_loop3A_349], %parallel_loop3A_342 {strides = array<i32>} : memref<128x64xf32, #tpu.memory_space<vmem>>, vector<16xf32>,
          %parallel_loop3A_351 = arith.constant 2 : i32
          %parallel_loop3A_352 = arith.addi %parallel_loop3A_116, %parallel_loop3A_351 : i32
          %parallel_loop3A_353 = arith.index_cast %parallel_loop3A_352 : i32 to index
          %parallel_loop3A_354 = arith.constant 16 : index
          %parallel_loop3A_355 = tpu.vector_load %arg14[%parallel_loop3A_353, %parallel_loop3A_354] {strides = array<i32>} : memref<128x64xf32, #tpu.memory_space<vmem>>, vector<16xf32>,
          tpu.vector_store %arg14[%parallel_loop3A_353, %parallel_loop3A_354], %parallel_loop3A_343 {strides = array<i32>} : memref<128x64xf32, #tpu.memory_space<vmem>>, vector<16xf32>,
          %parallel_loop3A_356 = arith.constant 2 : i32
          %parallel_loop3A_357 = arith.addi %parallel_loop3A_116, %parallel_loop3A_356 : i32
          %parallel_loop3A_358 = arith.index_cast %parallel_loop3A_357 : i32 to index
          %parallel_loop3A_359 = arith.constant 32 : index
          %parallel_loop3A_360 = tpu.vector_load %arg14[%parallel_loop3A_358, %parallel_loop3A_359] {strides = array<i32>} : memref<128x64xf32, #tpu.memory_space<vmem>>, vector<16xf32>,
          tpu.vector_store %arg14[%parallel_loop3A_358, %parallel_loop3A_359], %parallel_loop3A_344 {strides = array<i32>} : memref<128x64xf32, #tpu.memory_space<vmem>>, vector<16xf32>,
          %parallel_loop3A_361 = arith.constant 2 : i32
          %parallel_loop3A_362 = arith.addi %parallel_loop3A_116, %parallel_loop3A_361 : i32
          %parallel_loop3A_363 = arith.index_cast %parallel_loop3A_362 : i32 to index
          %parallel_loop3A_364 = arith.constant 48 : index
          %parallel_loop3A_365 = tpu.vector_load %arg14[%parallel_loop3A_363, %parallel_loop3A_364] {strides = array<i32>} : memref<128x64xf32, #tpu.memory_space<vmem>>, vector<16xf32>,
          tpu.vector_store %arg14[%parallel_loop3A_363, %parallel_loop3A_364], %parallel_loop3A_345 {strides = array<i32>} : memref<128x64xf32, #tpu.memory_space<vmem>>, vector<16xf32>,
          %parallel_loop3A_366 = arith.constant 3 : i32
          %parallel_loop3A_367 = arith.addi %parallel_loop3A_116, %parallel_loop3A_366 : i32
          %parallel_loop3A_368 = arith.index_cast %parallel_loop3A_367 : i32 to index
          %parallel_loop3A_369 = arith.constant 0 : index
          %parallel_loop3A_370 = tpu.vector_load %arg12[%parallel_loop3A_368, %parallel_loop3A_369] {strides = array<i32>} : memref<128x64xbf16, #tpu.memory_space<vmem>>, vector<32xbf16>,
          %parallel_loop3A_371 = arith.constant 3 : i32
          %parallel_loop3A_372 = arith.addi %parallel_loop3A_116, %parallel_loop3A_371 : i32
          %parallel_loop3A_373 = arith.index_cast %parallel_loop3A_372 : i32 to index
          %parallel_loop3A_374 = arith.constant 32 : index
          %parallel_loop3A_375 = tpu.vector_load %arg12[%parallel_loop3A_373, %parallel_loop3A_374] {strides = array<i32>} : memref<128x64xbf16, #tpu.memory_space<vmem>>, vector<32xbf16>,
          %parallel_loop3A_376 = tpu.unpack_subelements %parallel_loop3A_370, 0 {pack_format = #tpu.pack_format<interleaved>} : vector<32xbf16> -> vector<16xf32>
          %parallel_loop3A_377 = tpu.unpack_subelements %parallel_loop3A_370, 1 {pack_format = #tpu.pack_format<interleaved>} : vector<32xbf16> -> vector<16xf32>
          %parallel_loop3A_378 = tpu.unpack_subelements %parallel_loop3A_375, 0 {pack_format = #tpu.pack_format<interleaved>} : vector<32xbf16> -> vector<16xf32>
          %parallel_loop3A_379 = tpu.unpack_subelements %parallel_loop3A_375, 1 {pack_format = #tpu.pack_format<interleaved>} : vector<32xbf16> -> vector<16xf32>
          %parallel_loop3A_380 = arith.mulf %parallel_loop3A_376, %parallel_loop3A_139 : vector<16xf32>
          %parallel_loop3A_381 = arith.mulf %parallel_loop3A_377, %parallel_loop3A_139 : vector<16xf32>
          %parallel_loop3A_382 = arith.mulf %parallel_loop3A_378, %parallel_loop3A_139 : vector<16xf32>
          %parallel_loop3A_383 = arith.mulf %parallel_loop3A_379, %parallel_loop3A_139 : vector<16xf32>
          %parallel_loop3A_384 = arith.constant 3 : i32
          %parallel_loop3A_385 = arith.addi %parallel_loop3A_116, %parallel_loop3A_384 : i32
          %parallel_loop3A_386 = arith.index_cast %parallel_loop3A_385 : i32 to index
          %parallel_loop3A_387 = arith.constant 0 : index
          %parallel_loop3A_388 = tpu.vector_load %arg14[%parallel_loop3A_386, %parallel_loop3A_387] {strides = array<i32>} : memref<128x64xf32, #tpu.memory_space<vmem>>, vector<16xf32>,
          tpu.vector_store %arg14[%parallel_loop3A_386, %parallel_loop3A_387], %parallel_loop3A_380 {strides = array<i32>} : memref<128x64xf32, #tpu.memory_space<vmem>>, vector<16xf32>,
          %parallel_loop3A_389 = arith.constant 3 : i32
          %parallel_loop3A_390 = arith.addi %parallel_loop3A_116, %parallel_loop3A_389 : i32
          %parallel_loop3A_391 = arith.index_cast %parallel_loop3A_390 : i32 to index
          %parallel_loop3A_392 = arith.constant 16 : index
          %parallel_loop3A_393 = tpu.vector_load %arg14[%parallel_loop3A_391, %parallel_loop3A_392] {strides = array<i32>} : memref<128x64xf32, #tpu.memory_space<vmem>>, vector<16xf32>,
          tpu.vector_store %arg14[%parallel_loop3A_391, %parallel_loop3A_392], %parallel_loop3A_381 {strides = array<i32>} : memref<128x64xf32, #tpu.memory_space<vmem>>, vector<16xf32>,
          %parallel_loop3A_394 = arith.constant 3 : i32
          %parallel_loop3A_395 = arith.addi %parallel_loop3A_116, %parallel_loop3A_394 : i32
          %parallel_loop3A_396 = arith.index_cast %parallel_loop3A_395 : i32 to index
          %parallel_loop3A_397 = arith.constant 32 : index
          %parallel_loop3A_398 = tpu.vector_load %arg14[%parallel_loop3A_396, %parallel_loop3A_397] {strides = array<i32>} : memref<128x64xf32, #tpu.memory_space<vmem>>, vector<16xf32>,
          tpu.vector_store %arg14[%parallel_loop3A_396, %parallel_loop3A_397], %parallel_loop3A_382 {strides = array<i32>} : memref<128x64xf32, #tpu.memory_space<vmem>>, vector<16xf32>,
          %parallel_loop3A_399 = arith.constant 3 : i32
          %parallel_loop3A_400 = arith.addi %parallel_loop3A_116, %parallel_loop3A_399 : i32
          %parallel_loop3A_401 = arith.index_cast %parallel_loop3A_400 : i32 to index
          %parallel_loop3A_402 = arith.constant 48 : index
          %parallel_loop3A_403 = tpu.vector_load %arg14[%parallel_loop3A_401, %parallel_loop3A_402] {strides = array<i32>} : memref<128x64xf32, #tpu.memory_space<vmem>>, vector<16xf32>,
          tpu.vector_store %arg14[%parallel_loop3A_401, %parallel_loop3A_402], %parallel_loop3A_383 {strides = array<i32>} : memref<128x64xf32, #tpu.memory_space<vmem>>, vector<16xf32>,
          %parallel_loop3A_404 = arith.constant 4 : i32
          %parallel_loop3A_405 = arith.addi %parallel_loop3A_116, %parallel_loop3A_404 : i32
          %parallel_loop3A_406 = arith.index_cast %parallel_loop3A_405 : i32 to index
          %parallel_loop3A_407 = arith.constant 0 : index
          %parallel_loop3A_408 = tpu.vector_load %arg12[%parallel_loop3A_406, %parallel_loop3A_407] {strides = array<i32>} : memref<128x64xbf16, #tpu.memory_space<vmem>>, vector<32xbf16>,
          %parallel_loop3A_409 = arith.constant 4 : i32
          %parallel_loop3A_410 = arith.addi %parallel_loop3A_116, %parallel_loop3A_409 : i32
          %parallel_loop3A_411 = arith.index_cast %parallel_loop3A_410 : i32 to index
          %parallel_loop3A_412 = arith.constant 32 : index
          %parallel_loop3A_413 = tpu.vector_load %arg12[%parallel_loop3A_411, %parallel_loop3A_412] {strides = array<i32>} : memref<128x64xbf16, #tpu.memory_space<vmem>>, vector<32xbf16>,
          %parallel_loop3A_414 = tpu.unpack_subelements %parallel_loop3A_408, 0 {pack_format = #tpu.pack_format<interleaved>} : vector<32xbf16> -> vector<16xf32>
          %parallel_loop3A_415 = tpu.unpack_subelements %parallel_loop3A_408, 1 {pack_format = #tpu.pack_format<interleaved>} : vector<32xbf16> -> vector<16xf32>
          %parallel_loop3A_416 = tpu.unpack_subelements %parallel_loop3A_413, 0 {pack_format = #tpu.pack_format<interleaved>} : vector<32xbf16> -> vector<16xf32>
          %parallel_loop3A_417 = tpu.unpack_subelements %parallel_loop3A_413, 1 {pack_format = #tpu.pack_format<interleaved>} : vector<32xbf16> -> vector<16xf32>
          %parallel_loop3A_418 = arith.mulf %parallel_loop3A_414, %parallel_loop3A_143 : vector<16xf32>
          %parallel_loop3A_419 = arith.mulf %parallel_loop3A_415, %parallel_loop3A_143 : vector<16xf32>
          %parallel_loop3A_420 = arith.mulf %parallel_loop3A_416, %parallel_loop3A_143 : vector<16xf32>
          %parallel_loop3A_421 = arith.mulf %parallel_loop3A_417, %parallel_loop3A_143 : vector<16xf32>
          %parallel_loop3A_422 = arith.constant 4 : i32
          %parallel_loop3A_423 = arith.addi %parallel_loop3A_116, %parallel_loop3A_422 : i32
          %parallel_loop3A_424 = arith.index_cast %parallel_loop3A_423 : i32 to index
          %parallel_loop3A_425 = arith.constant 0 : index
          %parallel_loop3A_426 = tpu.vector_load %arg14[%parallel_loop3A_424, %parallel_loop3A_425] {strides = array<i32>} : memref<128x64xf32, #tpu.memory_space<vmem>>, vector<16xf32>,
          tpu.vector_store %arg14[%parallel_loop3A_424, %parallel_loop3A_425], %parallel_loop3A_418 {strides = array<i32>} : memref<128x64xf32, #tpu.memory_space<vmem>>, vector<16xf32>,
          %parallel_loop3A_427 = arith.constant 4 : i32
          %parallel_loop3A_428 = arith.addi %parallel_loop3A_116, %parallel_loop3A_427 : i32
          %parallel_loop3A_429 = arith.index_cast %parallel_loop3A_428 : i32 to index
          %parallel_loop3A_430 = arith.constant 16 : index
          %parallel_loop3A_431 = tpu.vector_load %arg14[%parallel_loop3A_429, %parallel_loop3A_430] {strides = array<i32>} : memref<128x64xf32, #tpu.memory_space<vmem>>, vector<16xf32>,
          tpu.vector_store %arg14[%parallel_loop3A_429, %parallel_loop3A_430], %parallel_loop3A_419 {strides = array<i32>} : memref<128x64xf32, #tpu.memory_space<vmem>>, vector<16xf32>,
          %parallel_loop3A_432 = arith.constant 4 : i32
          %parallel_loop3A_433 = arith.addi %parallel_loop3A_116, %parallel_loop3A_432 : i32
          %parallel_loop3A_434 = arith.index_cast %parallel_loop3A_433 : i32 to index
          %parallel_loop3A_435 = arith.constant 32 : index
          %parallel_loop3A_436 = tpu.vector_load %arg14[%parallel_loop3A_434, %parallel_loop3A_435] {strides = array<i32>} : memref<128x64xf32, #tpu.memory_space<vmem>>, vector<16xf32>,
          tpu.vector_store %arg14[%parallel_loop3A_434, %parallel_loop3A_435], %parallel_loop3A_420 {strides = array<i32>} : memref<128x64xf32, #tpu.memory_space<vmem>>, vector<16xf32>,
          %parallel_loop3A_437 = arith.constant 4 : i32
          %parallel_loop3A_438 = arith.addi %parallel_loop3A_116, %parallel_loop3A_437 : i32
          %parallel_loop3A_439 = arith.index_cast %parallel_loop3A_438 : i32 to index
          %parallel_loop3A_440 = arith.constant 48 : index
          %parallel_loop3A_441 = tpu.vector_load %arg14[%parallel_loop3A_439, %parallel_loop3A_440] {strides = array<i32>} : memref<128x64xf32, #tpu.memory_space<vmem>>, vector<16xf32>,
          tpu.vector_store %arg14[%parallel_loop3A_439, %parallel_loop3A_440], %parallel_loop3A_421 {strides = array<i32>} : memref<128x64xf32, #tpu.memory_space<vmem>>, vector<16xf32>,
          %parallel_loop3A_442 = arith.constant 5 : i32
          %parallel_loop3A_443 = arith.addi %parallel_loop3A_116, %parallel_loop3A_442 : i32
          %parallel_loop3A_444 = arith.index_cast %parallel_loop3A_443 : i32 to index
          %parallel_loop3A_445 = arith.constant 0 : index
          %parallel_loop3A_446 = tpu.vector_load %arg12[%parallel_loop3A_444, %parallel_loop3A_445] {strides = array<i32>} : memref<128x64xbf16, #tpu.memory_space<vmem>>, vector<32xbf16>,
          %parallel_loop3A_447 = arith.constant 5 : i32
          %parallel_loop3A_448 = arith.addi %parallel_loop3A_116, %parallel_loop3A_447 : i32
          %parallel_loop3A_449 = arith.index_cast %parallel_loop3A_448 : i32 to index
          %parallel_loop3A_450 = arith.constant 32 : index
          %parallel_loop3A_451 = tpu.vector_load %arg12[%parallel_loop3A_449, %parallel_loop3A_450] {strides = array<i32>} : memref<128x64xbf16, #tpu.memory_space<vmem>>, vector<32xbf16>,
          %parallel_loop3A_452 = tpu.unpack_subelements %parallel_loop3A_446, 0 {pack_format = #tpu.pack_format<interleaved>} : vector<32xbf16> -> vector<16xf32>
          %parallel_loop3A_453 = tpu.unpack_subelements %parallel_loop3A_446, 1 {pack_format = #tpu.pack_format<interleaved>} : vector<32xbf16> -> vector<16xf32>
          %parallel_loop3A_454 = tpu.unpack_subelements %parallel_loop3A_451, 0 {pack_format = #tpu.pack_format<interleaved>} : vector<32xbf16> -> vector<16xf32>
          %parallel_loop3A_455 = tpu.unpack_subelements %parallel_loop3A_451, 1 {pack_format = #tpu.pack_format<interleaved>} : vector<32xbf16> -> vector<16xf32>
          %parallel_loop3A_456 = arith.mulf %parallel_loop3A_452, %parallel_loop3A_147 : vector<16xf32>
          %parallel_loop3A_457 = arith.mulf %parallel_loop3A_453, %parallel_loop3A_147 : vector<16xf32>
          %parallel_loop3A_458 = arith.mulf %parallel_loop3A_454, %parallel_loop3A_147 : vector<16xf32>
          %parallel_loop3A_459 = arith.mulf %parallel_loop3A_455, %parallel_loop3A_147 : vector<16xf32>
          %parallel_loop3A_460 = arith.constant 5 : i32
          %parallel_loop3A_461 = arith.addi %parallel_loop3A_116, %parallel_loop3A_460 : i32
          %parallel_loop3A_462 = arith.index_cast %parallel_loop3A_461 : i32 to index
          %parallel_loop3A_463 = arith.constant 0 : index
          %parallel_loop3A_464 = tpu.vector_load %arg14[%parallel_loop3A_462, %parallel_loop3A_463] {strides = array<i32>} : memref<128x64xf32, #tpu.memory_space<vmem>>, vector<16xf32>,
          tpu.vector_store %arg14[%parallel_loop3A_462, %parallel_loop3A_463], %parallel_loop3A_456 {strides = array<i32>} : memref<128x64xf32, #tpu.memory_space<vmem>>, vector<16xf32>,
          %parallel_loop3A_465 = arith.constant 5 : i32
          %parallel_loop3A_466 = arith.addi %parallel_loop3A_116, %parallel_loop3A_465 : i32
          %parallel_loop3A_467 = arith.index_cast %parallel_loop3A_466 : i32 to index
          %parallel_loop3A_468 = arith.constant 16 : index
          %parallel_loop3A_469 = tpu.vector_load %arg14[%parallel_loop3A_467, %parallel_loop3A_468] {strides = array<i32>} : memref<128x64xf32, #tpu.memory_space<vmem>>, vector<16xf32>,
          tpu.vector_store %arg14[%parallel_loop3A_467, %parallel_loop3A_468], %parallel_loop3A_457 {strides = array<i32>} : memref<128x64xf32, #tpu.memory_space<vmem>>, vector<16xf32>,
          %parallel_loop3A_470 = arith.constant 5 : i32
          %parallel_loop3A_471 = arith.addi %parallel_loop3A_116, %parallel_loop3A_470 : i32
          %parallel_loop3A_472 = arith.index_cast %parallel_loop3A_471 : i32 to index
          %parallel_loop3A_473 = arith.constant 32 : index
          %parallel_loop3A_474 = tpu.vector_load %arg14[%parallel_loop3A_472, %parallel_loop3A_473] {strides = array<i32>} : memref<128x64xf32, #tpu.memory_space<vmem>>, vector<16xf32>,
          tpu.vector_store %arg14[%parallel_loop3A_472, %parallel_loop3A_473], %parallel_loop3A_458 {strides = array<i32>} : memref<128x64xf32, #tpu.memory_space<vmem>>, vector<16xf32>,
          %parallel_loop3A_475 = arith.constant 5 : i32
          %parallel_loop3A_476 = arith.addi %parallel_loop3A_116, %parallel_loop3A_475 : i32
          %parallel_loop3A_477 = arith.index_cast %parallel_loop3A_476 : i32 to index
          %parallel_loop3A_478 = arith.constant 48 : index
          %parallel_loop3A_479 = tpu.vector_load %arg14[%parallel_loop3A_477, %parallel_loop3A_478] {strides = array<i32>} : memref<128x64xf32, #tpu.memory_space<vmem>>, vector<16xf32>,
          tpu.vector_store %arg14[%parallel_loop3A_477, %parallel_loop3A_478], %parallel_loop3A_459 {strides = array<i32>} : memref<128x64xf32, #tpu.memory_space<vmem>>, vector<16xf32>,
          %parallel_loop3A_480 = arith.constant 6 : i32
          %parallel_loop3A_481 = arith.addi %parallel_loop3A_116, %parallel_loop3A_480 : i32
          %parallel_loop3A_482 = arith.index_cast %parallel_loop3A_481 : i32 to index
          %parallel_loop3A_483 = arith.constant 0 : index
          %parallel_loop3A_484 = tpu.vector_load %arg12[%parallel_loop3A_482, %parallel_loop3A_483] {strides = array<i32>} : memref<128x64xbf16, #tpu.memory_space<vmem>>, vector<32xbf16>,
          %parallel_loop3A_485 = arith.constant 6 : i32
          %parallel_loop3A_486 = arith.addi %parallel_loop3A_116, %parallel_loop3A_485 : i32
          %parallel_loop3A_487 = arith.index_cast %parallel_loop3A_486 : i32 to index
          %parallel_loop3A_488 = arith.constant 32 : index
          %parallel_loop3A_489 = tpu.vector_load %arg12[%parallel_loop3A_487, %parallel_loop3A_488] {strides = array<i32>} : memref<128x64xbf16, #tpu.memory_space<vmem>>, vector<32xbf16>,
          %parallel_loop3A_490 = tpu.unpack_subelements %parallel_loop3A_484, 0 {pack_format = #tpu.pack_format<interleaved>} : vector<32xbf16> -> vector<16xf32>
          %parallel_loop3A_491 = tpu.unpack_subelements %parallel_loop3A_484, 1 {pack_format = #tpu.pack_format<interleaved>} : vector<32xbf16> -> vector<16xf32>
          %parallel_loop3A_492 = tpu.unpack_subelements %parallel_loop3A_489, 0 {pack_format = #tpu.pack_format<interleaved>} : vector<32xbf16> -> vector<16xf32>
          %parallel_loop3A_493 = tpu.unpack_subelements %parallel_loop3A_489, 1 {pack_format = #tpu.pack_format<interleaved>} : vector<32xbf16> -> vector<16xf32>
          %parallel_loop3A_494 = arith.mulf %parallel_loop3A_490, %parallel_loop3A_151 : vector<16xf32>
          %parallel_loop3A_495 = arith.mulf %parallel_loop3A_491, %parallel_loop3A_151 : vector<16xf32>
          %parallel_loop3A_496 = arith.mulf %parallel_loop3A_492, %parallel_loop3A_151 : vector<16xf32>
          %parallel_loop3A_497 = arith.mulf %parallel_loop3A_493, %parallel_loop3A_151 : vector<16xf32>
          %parallel_loop3A_498 = arith.constant 6 : i32
          %parallel_loop3A_499 = arith.addi %parallel_loop3A_116, %parallel_loop3A_498 : i32
          %parallel_loop3A_500 = arith.index_cast %parallel_loop3A_499 : i32 to index
          %parallel_loop3A_501 = arith.constant 0 : index
          %parallel_loop3A_502 = tpu.vector_load %arg14[%parallel_loop3A_500, %parallel_loop3A_501] {strides = array<i32>} : memref<128x64xf32, #tpu.memory_space<vmem>>, vector<16xf32>,
          tpu.vector_store %arg14[%parallel_loop3A_500, %parallel_loop3A_501], %parallel_loop3A_494 {strides = array<i32>} : memref<128x64xf32, #tpu.memory_space<vmem>>, vector<16xf32>,
          %parallel_loop3A_503 = arith.constant 6 : i32
          %parallel_loop3A_504 = arith.addi %parallel_loop3A_116, %parallel_loop3A_503 : i32
          %parallel_loop3A_505 = arith.index_cast %parallel_loop3A_504 : i32 to index
          %parallel_loop3A_506 = arith.constant 16 : index
          %parallel_loop3A_507 = tpu.vector_load %arg14[%parallel_loop3A_505, %parallel_loop3A_506] {strides = array<i32>} : memref<128x64xf32, #tpu.memory_space<vmem>>, vector<16xf32>,
          tpu.vector_store %arg14[%parallel_loop3A_505, %parallel_loop3A_506], %parallel_loop3A_495 {strides = array<i32>} : memref<128x64xf32, #tpu.memory_space<vmem>>, vector<16xf32>,
          %parallel_loop3A_508 = arith.constant 6 : i32
          %parallel_loop3A_509 = arith.addi %parallel_loop3A_116, %parallel_loop3A_508 : i32
          %parallel_loop3A_510 = arith.index_cast %parallel_loop3A_509 : i32 to index
          %parallel_loop3A_511 = arith.constant 32 : index
          %parallel_loop3A_512 = tpu.vector_load %arg14[%parallel_loop3A_510, %parallel_loop3A_511] {strides = array<i32>} : memref<128x64xf32, #tpu.memory_space<vmem>>, vector<16xf32>,
          tpu.vector_store %arg14[%parallel_loop3A_510, %parallel_loop3A_511], %parallel_loop3A_496 {strides = array<i32>} : memref<128x64xf32, #tpu.memory_space<vmem>>, vector<16xf32>,
          %parallel_loop3A_513 = arith.constant 6 : i32
          %parallel_loop3A_514 = arith.addi %parallel_loop3A_116, %parallel_loop3A_513 : i32
          %parallel_loop3A_515 = arith.index_cast %parallel_loop3A_514 : i32 to index
          %parallel_loop3A_516 = arith.constant 48 : index
          %parallel_loop3A_517 = tpu.vector_load %arg14[%parallel_loop3A_515, %parallel_loop3A_516] {strides = array<i32>} : memref<128x64xf32, #tpu.memory_space<vmem>>, vector<16xf32>,
          tpu.vector_store %arg14[%parallel_loop3A_515, %parallel_loop3A_516], %parallel_loop3A_497 {strides = array<i32>} : memref<128x64xf32, #tpu.memory_space<vmem>>, vector<16xf32>,
          %parallel_loop3A_518 = arith.constant 7 : i32
          %parallel_loop3A_519 = arith.addi %parallel_loop3A_116, %parallel_loop3A_518 : i32
          %parallel_loop3A_520 = arith.index_cast %parallel_loop3A_519 : i32 to index
          %parallel_loop3A_521 = arith.constant 0 : index
          %parallel_loop3A_522 = tpu.vector_load %arg12[%parallel_loop3A_520, %parallel_loop3A_521] {strides = array<i32>} : memref<128x64xbf16, #tpu.memory_space<vmem>>, vector<32xbf16>,
          %parallel_loop3A_523 = arith.constant 7 : i32
          %parallel_loop3A_524 = arith.addi %parallel_loop3A_116, %parallel_loop3A_523 : i32
          %parallel_loop3A_525 = arith.index_cast %parallel_loop3A_524 : i32 to index
          %parallel_loop3A_526 = arith.constant 32 : index
          %parallel_loop3A_527 = tpu.vector_load %arg12[%parallel_loop3A_525, %parallel_loop3A_526] {strides = array<i32>} : memref<128x64xbf16, #tpu.memory_space<vmem>>, vector<32xbf16>,
          %parallel_loop3A_528 = tpu.unpack_subelements %parallel_loop3A_522, 0 {pack_format = #tpu.pack_format<interleaved>} : vector<32xbf16> -> vector<16xf32>
          %parallel_loop3A_529 = tpu.unpack_subelements %parallel_loop3A_522, 1 {pack_format = #tpu.pack_format<interleaved>} : vector<32xbf16> -> vector<16xf32>
          %parallel_loop3A_530 = tpu.unpack_subelements %parallel_loop3A_527, 0 {pack_format = #tpu.pack_format<interleaved>} : vector<32xbf16> -> vector<16xf32>
          %parallel_loop3A_531 = tpu.unpack_subelements %parallel_loop3A_527, 1 {pack_format = #tpu.pack_format<interleaved>} : vector<32xbf16> -> vector<16xf32>
          %parallel_loop3A_532 = arith.mulf %parallel_loop3A_528, %parallel_loop3A_155 : vector<16xf32>
          %parallel_loop3A_533 = arith.mulf %parallel_loop3A_529, %parallel_loop3A_155 : vector<16xf32>
          %parallel_loop3A_534 = arith.mulf %parallel_loop3A_530, %parallel_loop3A_155 : vector<16xf32>
          %parallel_loop3A_535 = arith.mulf %parallel_loop3A_531, %parallel_loop3A_155 : vector<16xf32>
          %parallel_loop3A_536 = arith.constant 7 : i32
          %parallel_loop3A_537 = arith.addi %parallel_loop3A_116, %parallel_loop3A_536 : i32
          %parallel_loop3A_538 = arith.index_cast %parallel_loop3A_537 : i32 to index
          %parallel_loop3A_539 = arith.constant 0 : index
          %parallel_loop3A_540 = tpu.vector_load %arg14[%parallel_loop3A_538, %parallel_loop3A_539] {strides = array<i32>} : memref<128x64xf32, #tpu.memory_space<vmem>>, vector<16xf32>,
          tpu.vector_store %arg14[%parallel_loop3A_538, %parallel_loop3A_539], %parallel_loop3A_532 {strides = array<i32>} : memref<128x64xf32, #tpu.memory_space<vmem>>, vector<16xf32>,
          %parallel_loop3A_541 = arith.constant 7 : i32
          %parallel_loop3A_542 = arith.addi %parallel_loop3A_116, %parallel_loop3A_541 : i32
          %parallel_loop3A_543 = arith.index_cast %parallel_loop3A_542 : i32 to index
          %parallel_loop3A_544 = arith.constant 16 : index
          %parallel_loop3A_545 = tpu.vector_load %arg14[%parallel_loop3A_543, %parallel_loop3A_544] {strides = array<i32>} : memref<128x64xf32, #tpu.memory_space<vmem>>, vector<16xf32>,
          tpu.vector_store %arg14[%parallel_loop3A_543, %parallel_loop3A_544], %parallel_loop3A_533 {strides = array<i32>} : memref<128x64xf32, #tpu.memory_space<vmem>>, vector<16xf32>,
          %parallel_loop3A_546 = arith.constant 7 : i32
          %parallel_loop3A_547 = arith.addi %parallel_loop3A_116, %parallel_loop3A_546 : i32
          %parallel_loop3A_548 = arith.index_cast %parallel_loop3A_547 : i32 to index
          %parallel_loop3A_549 = arith.constant 32 : index
          %parallel_loop3A_550 = tpu.vector_load %arg14[%parallel_loop3A_548, %parallel_loop3A_549] {strides = array<i32>} : memref<128x64xf32, #tpu.memory_space<vmem>>, vector<16xf32>,
          tpu.vector_store %arg14[%parallel_loop3A_548, %parallel_loop3A_549], %parallel_loop3A_534 {strides = array<i32>} : memref<128x64xf32, #tpu.memory_space<vmem>>, vector<16xf32>,
          %parallel_loop3A_551 = arith.constant 7 : i32
          %parallel_loop3A_552 = arith.addi %parallel_loop3A_116, %parallel_loop3A_551 : i32
          %parallel_loop3A_553 = arith.index_cast %parallel_loop3A_552 : i32 to index
          %parallel_loop3A_554 = arith.constant 48 : index
          %parallel_loop3A_555 = tpu.vector_load %arg14[%parallel_loop3A_553, %parallel_loop3A_554] {strides = array<i32>} : memref<128x64xf32, #tpu.memory_space<vmem>>, vector<16xf32>,
          tpu.vector_store %arg14[%parallel_loop3A_553, %parallel_loop3A_554], %parallel_loop3A_535 {strides = array<i32>} : memref<128x64xf32, #tpu.memory_space<vmem>>, vector<16xf32>,
          %parallel_loop3A_556 = arith.constant 8 : i32
          %parallel_loop3A_557 = arith.addi %parallel_loop3A_116, %parallel_loop3A_556 : i32
          %parallel_loop3A_558 = arith.index_cast %parallel_loop3A_557 : i32 to index
          %parallel_loop3A_559 = arith.constant 0 : index
          %parallel_loop3A_560 = tpu.vector_load %arg12[%parallel_loop3A_558, %parallel_loop3A_559] {strides = array<i32>} : memref<128x64xbf16, #tpu.memory_space<vmem>>, vector<32xbf16>,
          %parallel_loop3A_561 = arith.constant 8 : i32
          %parallel_loop3A_562 = arith.addi %parallel_loop3A_116, %parallel_loop3A_561 : i32
          %parallel_loop3A_563 = arith.index_cast %parallel_loop3A_562 : i32 to index
          %parallel_loop3A_564 = arith.constant 32 : index
          %parallel_loop3A_565 = tpu.vector_load %arg12[%parallel_loop3A_563, %parallel_loop3A_564] {strides = array<i32>} : memref<128x64xbf16, #tpu.memory_space<vmem>>, vector<32xbf16>,
          %parallel_loop3A_566 = tpu.unpack_subelements %parallel_loop3A_560, 0 {pack_format = #tpu.pack_format<interleaved>} : vector<32xbf16> -> vector<16xf32>
          %parallel_loop3A_567 = tpu.unpack_subelements %parallel_loop3A_560, 1 {pack_format = #tpu.pack_format<interleaved>} : vector<32xbf16> -> vector<16xf32>
          %parallel_loop3A_568 = tpu.unpack_subelements %parallel_loop3A_565, 0 {pack_format = #tpu.pack_format<interleaved>} : vector<32xbf16> -> vector<16xf32>
          %parallel_loop3A_569 = tpu.unpack_subelements %parallel_loop3A_565, 1 {pack_format = #tpu.pack_format<interleaved>} : vector<32xbf16> -> vector<16xf32>
          %parallel_loop3A_570 = arith.mulf %parallel_loop3A_566, %parallel_loop3A_159 : vector<16xf32>
          %parallel_loop3A_571 = arith.mulf %parallel_loop3A_567, %parallel_loop3A_159 : vector<16xf32>
          %parallel_loop3A_572 = arith.mulf %parallel_loop3A_568, %parallel_loop3A_159 : vector<16xf32>
          %parallel_loop3A_573 = arith.mulf %parallel_loop3A_569, %parallel_loop3A_159 : vector<16xf32>
          %parallel_loop3A_574 = arith.constant 8 : i32
          %parallel_loop3A_575 = arith.addi %parallel_loop3A_116, %parallel_loop3A_574 : i32
          %parallel_loop3A_576 = arith.index_cast %parallel_loop3A_575 : i32 to index
          %parallel_loop3A_577 = arith.constant 0 : index
          %parallel_loop3A_578 = tpu.vector_load %arg14[%parallel_loop3A_576, %parallel_loop3A_577] {strides = array<i32>} : memref<128x64xf32, #tpu.memory_space<vmem>>, vector<16xf32>,
          tpu.vector_store %arg14[%parallel_loop3A_576, %parallel_loop3A_577], %parallel_loop3A_570 {strides = array<i32>} : memref<128x64xf32, #tpu.memory_space<vmem>>, vector<16xf32>,
          %parallel_loop3A_579 = arith.constant 8 : i32
          %parallel_loop3A_580 = arith.addi %parallel_loop3A_116, %parallel_loop3A_579 : i32
          %parallel_loop3A_581 = arith.index_cast %parallel_loop3A_580 : i32 to index
          %parallel_loop3A_582 = arith.constant 16 : index
          %parallel_loop3A_583 = tpu.vector_load %arg14[%parallel_loop3A_581, %parallel_loop3A_582] {strides = array<i32>} : memref<128x64xf32, #tpu.memory_space<vmem>>, vector<16xf32>,
          tpu.vector_store %arg14[%parallel_loop3A_581, %parallel_loop3A_582], %parallel_loop3A_571 {strides = array<i32>} : memref<128x64xf32, #tpu.memory_space<vmem>>, vector<16xf32>,
          %parallel_loop3A_584 = arith.constant 8 : i32
          %parallel_loop3A_585 = arith.addi %parallel_loop3A_116, %parallel_loop3A_584 : i32
          %parallel_loop3A_586 = arith.index_cast %parallel_loop3A_585 : i32 to index
          %parallel_loop3A_587 = arith.constant 32 : index
          %parallel_loop3A_588 = tpu.vector_load %arg14[%parallel_loop3A_586, %parallel_loop3A_587] {strides = array<i32>} : memref<128x64xf32, #tpu.memory_space<vmem>>, vector<16xf32>,
          tpu.vector_store %arg14[%parallel_loop3A_586, %parallel_loop3A_587], %parallel_loop3A_572 {strides = array<i32>} : memref<128x64xf32, #tpu.memory_space<vmem>>, vector<16xf32>,
          %parallel_loop3A_589 = arith.constant 8 : i32
          %parallel_loop3A_590 = arith.addi %parallel_loop3A_116, %parallel_loop3A_589 : i32
          %parallel_loop3A_591 = arith.index_cast %parallel_loop3A_590 : i32 to index
          %parallel_loop3A_592 = arith.constant 48 : index
          %parallel_loop3A_593 = tpu.vector_load %arg14[%parallel_loop3A_591, %parallel_loop3A_592] {strides = array<i32>} : memref<128x64xf32, #tpu.memory_space<vmem>>, vector<16xf32>,
          tpu.vector_store %arg14[%parallel_loop3A_591, %parallel_loop3A_592], %parallel_loop3A_573 {strides = array<i32>} : memref<128x64xf32, #tpu.memory_space<vmem>>, vector<16xf32>,
          %parallel_loop3A_594 = arith.constant 9 : i32
          %parallel_loop3A_595 = arith.addi %parallel_loop3A_116, %parallel_loop3A_594 : i32
          %parallel_loop3A_596 = arith.index_cast %parallel_loop3A_595 : i32 to index
          %parallel_loop3A_597 = arith.constant 0 : index
          %parallel_loop3A_598 = tpu.vector_load %arg12[%parallel_loop3A_596, %parallel_loop3A_597] {strides = array<i32>} : memref<128x64xbf16, #tpu.memory_space<vmem>>, vector<32xbf16>,
          %parallel_loop3A_599 = arith.constant 9 : i32
          %parallel_loop3A_600 = arith.addi %parallel_loop3A_116, %parallel_loop3A_599 : i32
          %parallel_loop3A_601 = arith.index_cast %parallel_loop3A_600 : i32 to index
          %parallel_loop3A_602 = arith.constant 32 : index
          %parallel_loop3A_603 = tpu.vector_load %arg12[%parallel_loop3A_601, %parallel_loop3A_602] {strides = array<i32>} : memref<128x64xbf16, #tpu.memory_space<vmem>>, vector<32xbf16>,
          %parallel_loop3A_604 = tpu.unpack_subelements %parallel_loop3A_598, 0 {pack_format = #tpu.pack_format<interleaved>} : vector<32xbf16> -> vector<16xf32>
          %parallel_loop3A_605 = tpu.unpack_subelements %parallel_loop3A_598, 1 {pack_format = #tpu.pack_format<interleaved>} : vector<32xbf16> -> vector<16xf32>
          %parallel_loop3A_606 = tpu.unpack_subelements %parallel_loop3A_603, 0 {pack_format = #tpu.pack_format<interleaved>} : vector<32xbf16> -> vector<16xf32>
          %parallel_loop3A_607 = tpu.unpack_subelements %parallel_loop3A_603, 1 {pack_format = #tpu.pack_format<interleaved>} : vector<32xbf16> -> vector<16xf32>
          %parallel_loop3A_608 = arith.mulf %parallel_loop3A_604, %parallel_loop3A_163 : vector<16xf32>
          %parallel_loop3A_609 = arith.mulf %parallel_loop3A_605, %parallel_loop3A_163 : vector<16xf32>
          %parallel_loop3A_610 = arith.mulf %parallel_loop3A_606, %parallel_loop3A_163 : vector<16xf32>
          %parallel_loop3A_611 = arith.mulf %parallel_loop3A_607, %parallel_loop3A_163 : vector<16xf32>
          %parallel_loop3A_612 = arith.constant 9 : i32
          %parallel_loop3A_613 = arith.addi %parallel_loop3A_116, %parallel_loop3A_612 : i32
          %parallel_loop3A_614 = arith.index_cast %parallel_loop3A_613 : i32 to index
          %parallel_loop3A_615 = arith.constant 0 : index
          %parallel_loop3A_616 = tpu.vector_load %arg14[%parallel_loop3A_614, %parallel_loop3A_615] {strides = array<i32>} : memref<128x64xf32, #tpu.memory_space<vmem>>, vector<16xf32>,
          tpu.vector_store %arg14[%parallel_loop3A_614, %parallel_loop3A_615], %parallel_loop3A_608 {strides = array<i32>} : memref<128x64xf32, #tpu.memory_space<vmem>>, vector<16xf32>,
          %parallel_loop3A_617 = arith.constant 9 : i32
          %parallel_loop3A_618 = arith.addi %parallel_loop3A_116, %parallel_loop3A_617 : i32
          %parallel_loop3A_619 = arith.index_cast %parallel_loop3A_618 : i32 to index
          %parallel_loop3A_620 = arith.constant 16 : index
          %parallel_loop3A_621 = tpu.vector_load %arg14[%parallel_loop3A_619, %parallel_loop3A_620] {strides = array<i32>} : memref<128x64xf32, #tpu.memory_space<vmem>>, vector<16xf32>,
          tpu.vector_store %arg14[%parallel_loop3A_619, %parallel_loop3A_620], %parallel_loop3A_609 {strides = array<i32>} : memref<128x64xf32, #tpu.memory_space<vmem>>, vector<16xf32>,
          %parallel_loop3A_622 = arith.constant 9 : i32
          %parallel_loop3A_623 = arith.addi %parallel_loop3A_116, %parallel_loop3A_622 : i32
          %parallel_loop3A_624 = arith.index_cast %parallel_loop3A_623 : i32 to index
          %parallel_loop3A_625 = arith.constant 32 : index
          %parallel_loop3A_626 = tpu.vector_load %arg14[%parallel_loop3A_624, %parallel_loop3A_625] {strides = array<i32>} : memref<128x64xf32, #tpu.memory_space<vmem>>, vector<16xf32>,
          tpu.vector_store %arg14[%parallel_loop3A_624, %parallel_loop3A_625], %parallel_loop3A_610 {strides = array<i32>} : memref<128x64xf32, #tpu.memory_space<vmem>>, vector<16xf32>,
          %parallel_loop3A_627 = arith.constant 9 : i32
          %parallel_loop3A_628 = arith.addi %parallel_loop3A_116, %parallel_loop3A_627 : i32
          %parallel_loop3A_629 = arith.index_cast %parallel_loop3A_628 : i32 to index
          %parallel_loop3A_630 = arith.constant 48 : index
          %parallel_loop3A_631 = tpu.vector_load %arg14[%parallel_loop3A_629, %parallel_loop3A_630] {strides = array<i32>} : memref<128x64xf32, #tpu.memory_space<vmem>>, vector<16xf32>,
          tpu.vector_store %arg14[%parallel_loop3A_629, %parallel_loop3A_630], %parallel_loop3A_611 {strides = array<i32>} : memref<128x64xf32, #tpu.memory_space<vmem>>, vector<16xf32>,
          %parallel_loop3A_632 = arith.constant 10 : i32
          %parallel_loop3A_633 = arith.addi %parallel_loop3A_116, %parallel_loop3A_632 : i32
          %parallel_loop3A_634 = arith.index_cast %parallel_loop3A_633 : i32 to index
          %parallel_loop3A_635 = arith.constant 0 : index
          %parallel_loop3A_636 = tpu.vector_load %arg12[%parallel_loop3A_634, %parallel_loop3A_635] {strides = array<i32>} : memref<128x64xbf16, #tpu.memory_space<vmem>>, vector<32xbf16>,
          %parallel_loop3A_637 = arith.constant 10 : i32
          %parallel_loop3A_638 = arith.addi %parallel_loop3A_116, %parallel_loop3A_637 : i32
          %parallel_loop3A_639 = arith.index_cast %parallel_loop3A_638 : i32 to index
          %parallel_loop3A_640 = arith.constant 32 : index
          %parallel_loop3A_641 = tpu.vector_load %arg12[%parallel_loop3A_639, %parallel_loop3A_640] {strides = array<i32>} : memref<128x64xbf16, #tpu.memory_space<vmem>>, vector<32xbf16>,
          %parallel_loop3A_642 = tpu.unpack_subelements %parallel_loop3A_636, 0 {pack_format = #tpu.pack_format<interleaved>} : vector<32xbf16> -> vector<16xf32>
          %parallel_loop3A_643 = tpu.unpack_subelements %parallel_loop3A_636, 1 {pack_format = #tpu.pack_format<interleaved>} : vector<32xbf16> -> vector<16xf32>
          %parallel_loop3A_644 = tpu.unpack_subelements %parallel_loop3A_641, 0 {pack_format = #tpu.pack_format<interleaved>} : vector<32xbf16> -> vector<16xf32>
          %parallel_loop3A_645 = tpu.unpack_subelements %parallel_loop3A_641, 1 {pack_format = #tpu.pack_format<interleaved>} : vector<32xbf16> -> vector<16xf32>
          %parallel_loop3A_646 = arith.mulf %parallel_loop3A_642, %parallel_loop3A_167 : vector<16xf32>
          %parallel_loop3A_647 = arith.mulf %parallel_loop3A_643, %parallel_loop3A_167 : vector<16xf32>
          %parallel_loop3A_648 = arith.mulf %parallel_loop3A_644, %parallel_loop3A_167 : vector<16xf32>
          %parallel_loop3A_649 = arith.mulf %parallel_loop3A_645, %parallel_loop3A_167 : vector<16xf32>
          %parallel_loop3A_650 = arith.constant 10 : i32
          %parallel_loop3A_651 = arith.addi %parallel_loop3A_116, %parallel_loop3A_650 : i32
          %parallel_loop3A_652 = arith.index_cast %parallel_loop3A_651 : i32 to index
          %parallel_loop3A_653 = arith.constant 0 : index
          %parallel_loop3A_654 = tpu.vector_load %arg14[%parallel_loop3A_652, %parallel_loop3A_653] {strides = array<i32>} : memref<128x64xf32, #tpu.memory_space<vmem>>, vector<16xf32>,
          tpu.vector_store %arg14[%parallel_loop3A_652, %parallel_loop3A_653], %parallel_loop3A_646 {strides = array<i32>} : memref<128x64xf32, #tpu.memory_space<vmem>>, vector<16xf32>,
          %parallel_loop3A_655 = arith.constant 10 : i32
          %parallel_loop3A_656 = arith.addi %parallel_loop3A_116, %parallel_loop3A_655 : i32
          %parallel_loop3A_657 = arith.index_cast %parallel_loop3A_656 : i32 to index
          %parallel_loop3A_658 = arith.constant 16 : index
          %parallel_loop3A_659 = tpu.vector_load %arg14[%parallel_loop3A_657, %parallel_loop3A_658] {strides = array<i32>} : memref<128x64xf32, #tpu.memory_space<vmem>>, vector<16xf32>,
          tpu.vector_store %arg14[%parallel_loop3A_657, %parallel_loop3A_658], %parallel_loop3A_647 {strides = array<i32>} : memref<128x64xf32, #tpu.memory_space<vmem>>, vector<16xf32>,
          %parallel_loop3A_660 = arith.constant 10 : i32
          %parallel_loop3A_661 = arith.addi %parallel_loop3A_116, %parallel_loop3A_660 : i32
          %parallel_loop3A_662 = arith.index_cast %parallel_loop3A_661 : i32 to index
          %parallel_loop3A_663 = arith.constant 32 : index
          %parallel_loop3A_664 = tpu.vector_load %arg14[%parallel_loop3A_662, %parallel_loop3A_663] {strides = array<i32>} : memref<128x64xf32, #tpu.memory_space<vmem>>, vector<16xf32>,
          tpu.vector_store %arg14[%parallel_loop3A_662, %parallel_loop3A_663], %parallel_loop3A_648 {strides = array<i32>} : memref<128x64xf32, #tpu.memory_space<vmem>>, vector<16xf32>,
          %parallel_loop3A_665 = arith.constant 10 : i32
          %parallel_loop3A_666 = arith.addi %parallel_loop3A_116, %parallel_loop3A_665 : i32
          %parallel_loop3A_667 = arith.index_cast %parallel_loop3A_666 : i32 to index
          %parallel_loop3A_668 = arith.constant 48 : index
          %parallel_loop3A_669 = tpu.vector_load %arg14[%parallel_loop3A_667, %parallel_loop3A_668] {strides = array<i32>} : memref<128x64xf32, #tpu.memory_space<vmem>>, vector<16xf32>,
          tpu.vector_store %arg14[%parallel_loop3A_667, %parallel_loop3A_668], %parallel_loop3A_649 {strides = array<i32>} : memref<128x64xf32, #tpu.memory_space<vmem>>, vector<16xf32>,
          %parallel_loop3A_670 = arith.constant 11 : i32
          %parallel_loop3A_671 = arith.addi %parallel_loop3A_116, %parallel_loop3A_670 : i32
          %parallel_loop3A_672 = arith.index_cast %parallel_loop3A_671 : i32 to index
          %parallel_loop3A_673 = arith.constant 0 : index
          %parallel_loop3A_674 = tpu.vector_load %arg12[%parallel_loop3A_672, %parallel_loop3A_673] {strides = array<i32>} : memref<128x64xbf16, #tpu.memory_space<vmem>>, vector<32xbf16>,
          %parallel_loop3A_675 = arith.constant 11 : i32
          %parallel_loop3A_676 = arith.addi %parallel_loop3A_116, %parallel_loop3A_675 : i32
          %parallel_loop3A_677 = arith.index_cast %parallel_loop3A_676 : i32 to index
          %parallel_loop3A_678 = arith.constant 32 : index
          %parallel_loop3A_679 = tpu.vector_load %arg12[%parallel_loop3A_677, %parallel_loop3A_678] {strides = array<i32>} : memref<128x64xbf16, #tpu.memory_space<vmem>>, vector<32xbf16>,
          %parallel_loop3A_680 = tpu.unpack_subelements %parallel_loop3A_674, 0 {pack_format = #tpu.pack_format<interleaved>} : vector<32xbf16> -> vector<16xf32>
          %parallel_loop3A_681 = tpu.unpack_subelements %parallel_loop3A_674, 1 {pack_format = #tpu.pack_format<interleaved>} : vector<32xbf16> -> vector<16xf32>
          %parallel_loop3A_682 = tpu.unpack_subelements %parallel_loop3A_679, 0 {pack_format = #tpu.pack_format<interleaved>} : vector<32xbf16> -> vector<16xf32>
          %parallel_loop3A_683 = tpu.unpack_subelements %parallel_loop3A_679, 1 {pack_format = #tpu.pack_format<interleaved>} : vector<32xbf16> -> vector<16xf32>
          %parallel_loop3A_684 = arith.mulf %parallel_loop3A_680, %parallel_loop3A_171 : vector<16xf32>
          %parallel_loop3A_685 = arith.mulf %parallel_loop3A_681, %parallel_loop3A_171 : vector<16xf32>
          %parallel_loop3A_686 = arith.mulf %parallel_loop3A_682, %parallel_loop3A_171 : vector<16xf32>
          %parallel_loop3A_687 = arith.mulf %parallel_loop3A_683, %parallel_loop3A_171 : vector<16xf32>
          %parallel_loop3A_688 = arith.constant 11 : i32
          %parallel_loop3A_689 = arith.addi %parallel_loop3A_116, %parallel_loop3A_688 : i32
          %parallel_loop3A_690 = arith.index_cast %parallel_loop3A_689 : i32 to index
          %parallel_loop3A_691 = arith.constant 0 : index
          %parallel_loop3A_692 = tpu.vector_load %arg14[%parallel_loop3A_690, %parallel_loop3A_691] {strides = array<i32>} : memref<128x64xf32, #tpu.memory_space<vmem>>, vector<16xf32>,
          tpu.vector_store %arg14[%parallel_loop3A_690, %parallel_loop3A_691], %parallel_loop3A_684 {strides = array<i32>} : memref<128x64xf32, #tpu.memory_space<vmem>>, vector<16xf32>,
          %parallel_loop3A_693 = arith.constant 11 : i32
          %parallel_loop3A_694 = arith.addi %parallel_loop3A_116, %parallel_loop3A_693 : i32
          %parallel_loop3A_695 = arith.index_cast %parallel_loop3A_694 : i32 to index
          %parallel_loop3A_696 = arith.constant 16 : index
          %parallel_loop3A_697 = tpu.vector_load %arg14[%parallel_loop3A_695, %parallel_loop3A_696] {strides = array<i32>} : memref<128x64xf32, #tpu.memory_space<vmem>>, vector<16xf32>,
          tpu.vector_store %arg14[%parallel_loop3A_695, %parallel_loop3A_696], %parallel_loop3A_685 {strides = array<i32>} : memref<128x64xf32, #tpu.memory_space<vmem>>, vector<16xf32>,
          %parallel_loop3A_698 = arith.constant 11 : i32
          %parallel_loop3A_699 = arith.addi %parallel_loop3A_116, %parallel_loop3A_698 : i32
          %parallel_loop3A_700 = arith.index_cast %parallel_loop3A_699 : i32 to index
          %parallel_loop3A_701 = arith.constant 32 : index
          %parallel_loop3A_702 = tpu.vector_load %arg14[%parallel_loop3A_700, %parallel_loop3A_701] {strides = array<i32>} : memref<128x64xf32, #tpu.memory_space<vmem>>, vector<16xf32>,
          tpu.vector_store %arg14[%parallel_loop3A_700, %parallel_loop3A_701], %parallel_loop3A_686 {strides = array<i32>} : memref<128x64xf32, #tpu.memory_space<vmem>>, vector<16xf32>,
          %parallel_loop3A_703 = arith.constant 11 : i32
          %parallel_loop3A_704 = arith.addi %parallel_loop3A_116, %parallel_loop3A_703 : i32
          %parallel_loop3A_705 = arith.index_cast %parallel_loop3A_704 : i32 to index
          %parallel_loop3A_706 = arith.constant 48 : index
          %parallel_loop3A_707 = tpu.vector_load %arg14[%parallel_loop3A_705, %parallel_loop3A_706] {strides = array<i32>} : memref<128x64xf32, #tpu.memory_space<vmem>>, vector<16xf32>,
          tpu.vector_store %arg14[%parallel_loop3A_705, %parallel_loop3A_706], %parallel_loop3A_687 {strides = array<i32>} : memref<128x64xf32, #tpu.memory_space<vmem>>, vector<16xf32>,
          %parallel_loop3A_708 = arith.constant 12 : i32
          %parallel_loop3A_709 = arith.addi %parallel_loop3A_116, %parallel_loop3A_708 : i32
          %parallel_loop3A_710 = arith.index_cast %parallel_loop3A_709 : i32 to index
          %parallel_loop3A_711 = arith.constant 0 : index
          %parallel_loop3A_712 = tpu.vector_load %arg12[%parallel_loop3A_710, %parallel_loop3A_711] {strides = array<i32>} : memref<128x64xbf16, #tpu.memory_space<vmem>>, vector<32xbf16>,
          %parallel_loop3A_713 = arith.constant 12 : i32
          %parallel_loop3A_714 = arith.addi %parallel_loop3A_116, %parallel_loop3A_713 : i32
          %parallel_loop3A_715 = arith.index_cast %parallel_loop3A_714 : i32 to index
          %parallel_loop3A_716 = arith.constant 32 : index
          %parallel_loop3A_717 = tpu.vector_load %arg12[%parallel_loop3A_715, %parallel_loop3A_716] {strides = array<i32>} : memref<128x64xbf16, #tpu.memory_space<vmem>>, vector<32xbf16>,
          %parallel_loop3A_718 = tpu.unpack_subelements %parallel_loop3A_712, 0 {pack_format = #tpu.pack_format<interleaved>} : vector<32xbf16> -> vector<16xf32>
          %parallel_loop3A_719 = tpu.unpack_subelements %parallel_loop3A_712, 1 {pack_format = #tpu.pack_format<interleaved>} : vector<32xbf16> -> vector<16xf32>
          %parallel_loop3A_720 = tpu.unpack_subelements %parallel_loop3A_717, 0 {pack_format = #tpu.pack_format<interleaved>} : vector<32xbf16> -> vector<16xf32>
          %parallel_loop3A_721 = tpu.unpack_subelements %parallel_loop3A_717, 1 {pack_format = #tpu.pack_format<interleaved>} : vector<32xbf16> -> vector<16xf32>
          %parallel_loop3A_722 = arith.mulf %parallel_loop3A_718, %parallel_loop3A_175 : vector<16xf32>
          %parallel_loop3A_723 = arith.mulf %parallel_loop3A_719, %parallel_loop3A_175 : vector<16xf32>
          %parallel_loop3A_724 = arith.mulf %parallel_loop3A_720, %parallel_loop3A_175 : vector<16xf32>
          %parallel_loop3A_725 = arith.mulf %parallel_loop3A_721, %parallel_loop3A_175 : vector<16xf32>
          %parallel_loop3A_726 = arith.constant 12 : i32
          %parallel_loop3A_727 = arith.addi %parallel_loop3A_116, %parallel_loop3A_726 : i32
          %parallel_loop3A_728 = arith.index_cast %parallel_loop3A_727 : i32 to index
          %parallel_loop3A_729 = arith.constant 0 : index
          %parallel_loop3A_730 = tpu.vector_load %arg14[%parallel_loop3A_728, %parallel_loop3A_729] {strides = array<i32>} : memref<128x64xf32, #tpu.memory_space<vmem>>, vector<16xf32>,
          tpu.vector_store %arg14[%parallel_loop3A_728, %parallel_loop3A_729], %parallel_loop3A_722 {strides = array<i32>} : memref<128x64xf32, #tpu.memory_space<vmem>>, vector<16xf32>,
          %parallel_loop3A_731 = arith.constant 12 : i32
          %parallel_loop3A_732 = arith.addi %parallel_loop3A_116, %parallel_loop3A_731 : i32
          %parallel_loop3A_733 = arith.index_cast %parallel_loop3A_732 : i32 to index
          %parallel_loop3A_734 = arith.constant 16 : index
          %parallel_loop3A_735 = tpu.vector_load %arg14[%parallel_loop3A_733, %parallel_loop3A_734] {strides = array<i32>} : memref<128x64xf32, #tpu.memory_space<vmem>>, vector<16xf32>,
          tpu.vector_store %arg14[%parallel_loop3A_733, %parallel_loop3A_734], %parallel_loop3A_723 {strides = array<i32>} : memref<128x64xf32, #tpu.memory_space<vmem>>, vector<16xf32>,
          %parallel_loop3A_736 = arith.constant 12 : i32
          %parallel_loop3A_737 = arith.addi %parallel_loop3A_116, %parallel_loop3A_736 : i32
          %parallel_loop3A_738 = arith.index_cast %parallel_loop3A_737 : i32 to index
          %parallel_loop3A_739 = arith.constant 32 : index
          %parallel_loop3A_740 = tpu.vector_load %arg14[%parallel_loop3A_738, %parallel_loop3A_739] {strides = array<i32>} : memref<128x64xf32, #tpu.memory_space<vmem>>, vector<16xf32>,
          tpu.vector_store %arg14[%parallel_loop3A_738, %parallel_loop3A_739], %parallel_loop3A_724 {strides = array<i32>} : memref<128x64xf32, #tpu.memory_space<vmem>>, vector<16xf32>,
          %parallel_loop3A_741 = arith.constant 12 : i32
          %parallel_loop3A_742 = arith.addi %parallel_loop3A_116, %parallel_loop3A_741 : i32
          %parallel_loop3A_743 = arith.index_cast %parallel_loop3A_742 : i32 to index
          %parallel_loop3A_744 = arith.constant 48 : index
          %parallel_loop3A_745 = tpu.vector_load %arg14[%parallel_loop3A_743, %parallel_loop3A_744] {strides = array<i32>} : memref<128x64xf32, #tpu.memory_space<vmem>>, vector<16xf32>,
          tpu.vector_store %arg14[%parallel_loop3A_743, %parallel_loop3A_744], %parallel_loop3A_725 {strides = array<i32>} : memref<128x64xf32, #tpu.memory_space<vmem>>, vector<16xf32>,
          %parallel_loop3A_746 = arith.constant 13 : i32
          %parallel_loop3A_747 = arith.addi %parallel_loop3A_116, %parallel_loop3A_746 : i32
          %parallel_loop3A_748 = arith.index_cast %parallel_loop3A_747 : i32 to index
          %parallel_loop3A_749 = arith.constant 0 : index
          %parallel_loop3A_750 = tpu.vector_load %arg12[%parallel_loop3A_748, %parallel_loop3A_749] {strides = array<i32>} : memref<128x64xbf16, #tpu.memory_space<vmem>>, vector<32xbf16>,
          %parallel_loop3A_751 = arith.constant 13 : i32
          %parallel_loop3A_752 = arith.addi %parallel_loop3A_116, %parallel_loop3A_751 : i32
          %parallel_loop3A_753 = arith.index_cast %parallel_loop3A_752 : i32 to index
          %parallel_loop3A_754 = arith.constant 32 : index
          %parallel_loop3A_755 = tpu.vector_load %arg12[%parallel_loop3A_753, %parallel_loop3A_754] {strides = array<i32>} : memref<128x64xbf16, #tpu.memory_space<vmem>>, vector<32xbf16>,
          %parallel_loop3A_756 = tpu.unpack_subelements %parallel_loop3A_750, 0 {pack_format = #tpu.pack_format<interleaved>} : vector<32xbf16> -> vector<16xf32>
          %parallel_loop3A_757 = tpu.unpack_subelements %parallel_loop3A_750, 1 {pack_format = #tpu.pack_format<interleaved>} : vector<32xbf16> -> vector<16xf32>
          %parallel_loop3A_758 = tpu.unpack_subelements %parallel_loop3A_755, 0 {pack_format = #tpu.pack_format<interleaved>} : vector<32xbf16> -> vector<16xf32>
          %parallel_loop3A_759 = tpu.unpack_subelements %parallel_loop3A_755, 1 {pack_format = #tpu.pack_format<interleaved>} : vector<32xbf16> -> vector<16xf32>
          %parallel_loop3A_760 = arith.mulf %parallel_loop3A_756, %parallel_loop3A_179 : vector<16xf32>
          %parallel_loop3A_761 = arith.mulf %parallel_loop3A_757, %parallel_loop3A_179 : vector<16xf32>
          %parallel_loop3A_762 = arith.mulf %parallel_loop3A_758, %parallel_loop3A_179 : vector<16xf32>
          %parallel_loop3A_763 = arith.mulf %parallel_loop3A_759, %parallel_loop3A_179 : vector<16xf32>
          %parallel_loop3A_764 = arith.constant 13 : i32
          %parallel_loop3A_765 = arith.addi %parallel_loop3A_116, %parallel_loop3A_764 : i32
          %parallel_loop3A_766 = arith.index_cast %parallel_loop3A_765 : i32 to index
          %parallel_loop3A_767 = arith.constant 0 : index
          %parallel_loop3A_768 = tpu.vector_load %arg14[%parallel_loop3A_766, %parallel_loop3A_767] {strides = array<i32>} : memref<128x64xf32, #tpu.memory_space<vmem>>, vector<16xf32>,
          tpu.vector_store %arg14[%parallel_loop3A_766, %parallel_loop3A_767], %parallel_loop3A_760 {strides = array<i32>} : memref<128x64xf32, #tpu.memory_space<vmem>>, vector<16xf32>,
          %parallel_loop3A_769 = arith.constant 13 : i32
          %parallel_loop3A_770 = arith.addi %parallel_loop3A_116, %parallel_loop3A_769 : i32
          %parallel_loop3A_771 = arith.index_cast %parallel_loop3A_770 : i32 to index
          %parallel_loop3A_772 = arith.constant 16 : index
          %parallel_loop3A_773 = tpu.vector_load %arg14[%parallel_loop3A_771, %parallel_loop3A_772] {strides = array<i32>} : memref<128x64xf32, #tpu.memory_space<vmem>>, vector<16xf32>,
          tpu.vector_store %arg14[%parallel_loop3A_771, %parallel_loop3A_772], %parallel_loop3A_761 {strides = array<i32>} : memref<128x64xf32, #tpu.memory_space<vmem>>, vector<16xf32>,
          %parallel_loop3A_774 = arith.constant 13 : i32
          %parallel_loop3A_775 = arith.addi %parallel_loop3A_116, %parallel_loop3A_774 : i32
          %parallel_loop3A_776 = arith.index_cast %parallel_loop3A_775 : i32 to index
          %parallel_loop3A_777 = arith.constant 32 : index
          %parallel_loop3A_778 = tpu.vector_load %arg14[%parallel_loop3A_776, %parallel_loop3A_777] {strides = array<i32>} : memref<128x64xf32, #tpu.memory_space<vmem>>, vector<16xf32>,
          tpu.vector_store %arg14[%parallel_loop3A_776, %parallel_loop3A_777], %parallel_loop3A_762 {strides = array<i32>} : memref<128x64xf32, #tpu.memory_space<vmem>>, vector<16xf32>,
          %parallel_loop3A_779 = arith.constant 13 : i32
          %parallel_loop3A_780 = arith.addi %parallel_loop3A_116, %parallel_loop3A_779 : i32
          %parallel_loop3A_781 = arith.index_cast %parallel_loop3A_780 : i32 to index
          %parallel_loop3A_782 = arith.constant 48 : index
          %parallel_loop3A_783 = tpu.vector_load %arg14[%parallel_loop3A_781, %parallel_loop3A_782] {strides = array<i32>} : memref<128x64xf32, #tpu.memory_space<vmem>>, vector<16xf32>,
          tpu.vector_store %arg14[%parallel_loop3A_781, %parallel_loop3A_782], %parallel_loop3A_763 {strides = array<i32>} : memref<128x64xf32, #tpu.memory_space<vmem>>, vector<16xf32>,
          %parallel_loop3A_784 = arith.constant 14 : i32
          %parallel_loop3A_785 = arith.addi %parallel_loop3A_116, %parallel_loop3A_784 : i32
          %parallel_loop3A_786 = arith.index_cast %parallel_loop3A_785 : i32 to index
          %parallel_loop3A_787 = arith.constant 0 : index
          %parallel_loop3A_788 = tpu.vector_load %arg12[%parallel_loop3A_786, %parallel_loop3A_787] {strides = array<i32>} : memref<128x64xbf16, #tpu.memory_space<vmem>>, vector<32xbf16>,
          %parallel_loop3A_789 = arith.constant 14 : i32
          %parallel_loop3A_790 = arith.addi %parallel_loop3A_116, %parallel_loop3A_789 : i32
          %parallel_loop3A_791 = arith.index_cast %parallel_loop3A_790 : i32 to index
          %parallel_loop3A_792 = arith.constant 32 : index
          %parallel_loop3A_793 = tpu.vector_load %arg12[%parallel_loop3A_791, %parallel_loop3A_792] {strides = array<i32>} : memref<128x64xbf16, #tpu.memory_space<vmem>>, vector<32xbf16>,
          %parallel_loop3A_794 = tpu.unpack_subelements %parallel_loop3A_788, 0 {pack_format = #tpu.pack_format<interleaved>} : vector<32xbf16> -> vector<16xf32>
          %parallel_loop3A_795 = tpu.unpack_subelements %parallel_loop3A_788, 1 {pack_format = #tpu.pack_format<interleaved>} : vector<32xbf16> -> vector<16xf32>
          %parallel_loop3A_796 = tpu.unpack_subelements %parallel_loop3A_793, 0 {pack_format = #tpu.pack_format<interleaved>} : vector<32xbf16> -> vector<16xf32>
          %parallel_loop3A_797 = tpu.unpack_subelements %parallel_loop3A_793, 1 {pack_format = #tpu.pack_format<interleaved>} : vector<32xbf16> -> vector<16xf32>
          %parallel_loop3A_798 = arith.mulf %parallel_loop3A_794, %parallel_loop3A_183 : vector<16xf32>
          %parallel_loop3A_799 = arith.mulf %parallel_loop3A_795, %parallel_loop3A_183 : vector<16xf32>
          %parallel_loop3A_800 = arith.mulf %parallel_loop3A_796, %parallel_loop3A_183 : vector<16xf32>
          %parallel_loop3A_801 = arith.mulf %parallel_loop3A_797, %parallel_loop3A_183 : vector<16xf32>
          %parallel_loop3A_802 = arith.constant 14 : i32
          %parallel_loop3A_803 = arith.addi %parallel_loop3A_116, %parallel_loop3A_802 : i32
          %parallel_loop3A_804 = arith.index_cast %parallel_loop3A_803 : i32 to index
          %parallel_loop3A_805 = arith.constant 0 : index
          %parallel_loop3A_806 = tpu.vector_load %arg14[%parallel_loop3A_804, %parallel_loop3A_805] {strides = array<i32>} : memref<128x64xf32, #tpu.memory_space<vmem>>, vector<16xf32>,
          tpu.vector_store %arg14[%parallel_loop3A_804, %parallel_loop3A_805], %parallel_loop3A_798 {strides = array<i32>} : memref<128x64xf32, #tpu.memory_space<vmem>>, vector<16xf32>,
          %parallel_loop3A_807 = arith.constant 14 : i32
          %parallel_loop3A_808 = arith.addi %parallel_loop3A_116, %parallel_loop3A_807 : i32
          %parallel_loop3A_809 = arith.index_cast %parallel_loop3A_808 : i32 to index
          %parallel_loop3A_810 = arith.constant 16 : index
          %parallel_loop3A_811 = tpu.vector_load %arg14[%parallel_loop3A_809, %parallel_loop3A_810] {strides = array<i32>} : memref<128x64xf32, #tpu.memory_space<vmem>>, vector<16xf32>,
          tpu.vector_store %arg14[%parallel_loop3A_809, %parallel_loop3A_810], %parallel_loop3A_799 {strides = array<i32>} : memref<128x64xf32, #tpu.memory_space<vmem>>, vector<16xf32>,
          %parallel_loop3A_812 = arith.constant 14 : i32
          %parallel_loop3A_813 = arith.addi %parallel_loop3A_116, %parallel_loop3A_812 : i32
          %parallel_loop3A_814 = arith.index_cast %parallel_loop3A_813 : i32 to index
          %parallel_loop3A_815 = arith.constant 32 : index
          %parallel_loop3A_816 = tpu.vector_load %arg14[%parallel_loop3A_814, %parallel_loop3A_815] {strides = array<i32>} : memref<128x64xf32, #tpu.memory_space<vmem>>, vector<16xf32>,
          tpu.vector_store %arg14[%parallel_loop3A_814, %parallel_loop3A_815], %parallel_loop3A_800 {strides = array<i32>} : memref<128x64xf32, #tpu.memory_space<vmem>>, vector<16xf32>,
          %parallel_loop3A_817 = arith.constant 14 : i32
          %parallel_loop3A_818 = arith.addi %parallel_loop3A_116, %parallel_loop3A_817 : i32
          %parallel_loop3A_819 = arith.index_cast %parallel_loop3A_818 : i32 to index
          %parallel_loop3A_820 = arith.constant 48 : index
          %parallel_loop3A_821 = tpu.vector_load %arg14[%parallel_loop3A_819, %parallel_loop3A_820] {strides = array<i32>} : memref<128x64xf32, #tpu.memory_space<vmem>>, vector<16xf32>,
          tpu.vector_store %arg14[%parallel_loop3A_819, %parallel_loop3A_820], %parallel_loop3A_801 {strides = array<i32>} : memref<128x64xf32, #tpu.memory_space<vmem>>, vector<16xf32>,
          %parallel_loop3A_822 = arith.constant 15 : i32
          %parallel_loop3A_823 = arith.addi %parallel_loop3A_116, %parallel_loop3A_822 : i32
          %parallel_loop3A_824 = arith.index_cast %parallel_loop3A_823 : i32 to index
          %parallel_loop3A_825 = arith.constant 0 : index
          %parallel_loop3A_826 = tpu.vector_load %arg12[%parallel_loop3A_824, %parallel_loop3A_825] {strides = array<i32>} : memref<128x64xbf16, #tpu.memory_space<vmem>>, vector<32xbf16>,
          %parallel_loop3A_827 = arith.constant 15 : i32
          %parallel_loop3A_828 = arith.addi %parallel_loop3A_116, %parallel_loop3A_827 : i32
          %parallel_loop3A_829 = arith.index_cast %parallel_loop3A_828 : i32 to index
          %parallel_loop3A_830 = arith.constant 32 : index
          %parallel_loop3A_831 = tpu.vector_load %arg12[%parallel_loop3A_829, %parallel_loop3A_830] {strides = array<i32>} : memref<128x64xbf16, #tpu.memory_space<vmem>>, vector<32xbf16>,
          %parallel_loop3A_832 = tpu.unpack_subelements %parallel_loop3A_826, 0 {pack_format = #tpu.pack_format<interleaved>} : vector<32xbf16> -> vector<16xf32>
          %parallel_loop3A_833 = tpu.unpack_subelements %parallel_loop3A_826, 1 {pack_format = #tpu.pack_format<interleaved>} : vector<32xbf16> -> vector<16xf32>
          %parallel_loop3A_834 = tpu.unpack_subelements %parallel_loop3A_831, 0 {pack_format = #tpu.pack_format<interleaved>} : vector<32xbf16> -> vector<16xf32>
          %parallel_loop3A_835 = tpu.unpack_subelements %parallel_loop3A_831, 1 {pack_format = #tpu.pack_format<interleaved>} : vector<32xbf16> -> vector<16xf32>
          %parallel_loop3A_836 = arith.mulf %parallel_loop3A_832, %parallel_loop3A_187 : vector<16xf32>
          %parallel_loop3A_837 = arith.mulf %parallel_loop3A_833, %parallel_loop3A_187 : vector<16xf32>
          %parallel_loop3A_838 = arith.mulf %parallel_loop3A_834, %parallel_loop3A_187 : vector<16xf32>
          %parallel_loop3A_839 = arith.mulf %parallel_loop3A_835, %parallel_loop3A_187 : vector<16xf32>
          %parallel_loop3A_840 = arith.constant 15 : i32
          %parallel_loop3A_841 = arith.addi %parallel_loop3A_116, %parallel_loop3A_840 : i32
          %parallel_loop3A_842 = arith.index_cast %parallel_loop3A_841 : i32 to index
          %parallel_loop3A_843 = arith.constant 0 : index
          %parallel_loop3A_844 = tpu.vector_load %arg14[%parallel_loop3A_842, %parallel_loop3A_843] {strides = array<i32>} : memref<128x64xf32, #tpu.memory_space<vmem>>, vector<16xf32>,
          tpu.vector_store %arg14[%parallel_loop3A_842, %parallel_loop3A_843], %parallel_loop3A_836 {strides = array<i32>} : memref<128x64xf32, #tpu.memory_space<vmem>>, vector<16xf32>,
          %parallel_loop3A_845 = arith.constant 15 : i32
          %parallel_loop3A_846 = arith.addi %parallel_loop3A_116, %parallel_loop3A_845 : i32
          %parallel_loop3A_847 = arith.index_cast %parallel_loop3A_846 : i32 to index
          %parallel_loop3A_848 = arith.constant 16 : index
          %parallel_loop3A_849 = tpu.vector_load %arg14[%parallel_loop3A_847, %parallel_loop3A_848] {strides = array<i32>} : memref<128x64xf32, #tpu.memory_space<vmem>>, vector<16xf32>,
          tpu.vector_store %arg14[%parallel_loop3A_847, %parallel_loop3A_848], %parallel_loop3A_837 {strides = array<i32>} : memref<128x64xf32, #tpu.memory_space<vmem>>, vector<16xf32>,
          %parallel_loop3A_850 = arith.constant 15 : i32
          %parallel_loop3A_851 = arith.addi %parallel_loop3A_116, %parallel_loop3A_850 : i32
          %parallel_loop3A_852 = arith.index_cast %parallel_loop3A_851 : i32 to index
          %parallel_loop3A_853 = arith.constant 32 : index
          %parallel_loop3A_854 = tpu.vector_load %arg14[%parallel_loop3A_852, %parallel_loop3A_853] {strides = array<i32>} : memref<128x64xf32, #tpu.memory_space<vmem>>, vector<16xf32>,
          tpu.vector_store %arg14[%parallel_loop3A_852, %parallel_loop3A_853], %parallel_loop3A_838 {strides = array<i32>} : memref<128x64xf32, #tpu.memory_space<vmem>>, vector<16xf32>,
          %parallel_loop3A_855 = arith.constant 15 : i32
          %parallel_loop3A_856 = arith.addi %parallel_loop3A_116, %parallel_loop3A_855 : i32
          %parallel_loop3A_857 = arith.index_cast %parallel_loop3A_856 : i32 to index
          %parallel_loop3A_858 = arith.constant 48 : index
          %parallel_loop3A_859 = tpu.vector_load %arg14[%parallel_loop3A_857, %parallel_loop3A_858] {strides = array<i32>} : memref<128x64xf32, #tpu.memory_space<vmem>>, vector<16xf32>,
          tpu.vector_store %arg14[%parallel_loop3A_857, %parallel_loop3A_858], %parallel_loop3A_839 {strides = array<i32>} : memref<128x64xf32, #tpu.memory_space<vmem>>, vector<16xf32>,
          %parallel_loop3A_860 = arith.constant 16 : i32
          %parallel_loop3A_861 = arith.addi %parallel_loop3A_116, %parallel_loop3A_860 : i32
          %parallel_loop3A_862 = arith.index_cast %parallel_loop3A_861 : i32 to index
          %parallel_loop3A_863 = arith.constant 0 : index
          %parallel_loop3A_864 = tpu.vector_load %arg12[%parallel_loop3A_862, %parallel_loop3A_863] {strides = array<i32>} : memref<128x64xbf16, #tpu.memory_space<vmem>>, vector<32xbf16>,
          %parallel_loop3A_865 = arith.constant 16 : i32
          %parallel_loop3A_866 = arith.addi %parallel_loop3A_116, %parallel_loop3A_865 : i32
          %parallel_loop3A_867 = arith.index_cast %parallel_loop3A_866 : i32 to index
          %parallel_loop3A_868 = arith.constant 32 : index
          %parallel_loop3A_869 = tpu.vector_load %arg12[%parallel_loop3A_867, %parallel_loop3A_868] {strides = array<i32>} : memref<128x64xbf16, #tpu.memory_space<vmem>>, vector<32xbf16>,
          %parallel_loop3A_870 = tpu.unpack_subelements %parallel_loop3A_864, 0 {pack_format = #tpu.pack_format<interleaved>} : vector<32xbf16> -> vector<16xf32>
          %parallel_loop3A_871 = tpu.unpack_subelements %parallel_loop3A_864, 1 {pack_format = #tpu.pack_format<interleaved>} : vector<32xbf16> -> vector<16xf32>
          %parallel_loop3A_872 = tpu.unpack_subelements %parallel_loop3A_869, 0 {pack_format = #tpu.pack_format<interleaved>} : vector<32xbf16> -> vector<16xf32>
          %parallel_loop3A_873 = tpu.unpack_subelements %parallel_loop3A_869, 1 {pack_format = #tpu.pack_format<interleaved>} : vector<32xbf16> -> vector<16xf32>
          %parallel_loop3A_874 = arith.mulf %parallel_loop3A_870, %parallel_loop3A_191 : vector<16xf32>
          %parallel_loop3A_875 = arith.mulf %parallel_loop3A_871, %parallel_loop3A_191 : vector<16xf32>
          %parallel_loop3A_876 = arith.mulf %parallel_loop3A_872, %parallel_loop3A_191 : vector<16xf32>
          %parallel_loop3A_877 = arith.mulf %parallel_loop3A_873, %parallel_loop3A_191 : vector<16xf32>
          %parallel_loop3A_878 = arith.constant 16 : i32
          %parallel_loop3A_879 = arith.addi %parallel_loop3A_116, %parallel_loop3A_878 : i32
          %parallel_loop3A_880 = arith.index_cast %parallel_loop3A_879 : i32 to index
          %parallel_loop3A_881 = arith.constant 0 : index
          %parallel_loop3A_882 = tpu.vector_load %arg14[%parallel_loop3A_880, %parallel_loop3A_881] {strides = array<i32>} : memref<128x64xf32, #tpu.memory_space<vmem>>, vector<16xf32>,
          tpu.vector_store %arg14[%parallel_loop3A_880, %parallel_loop3A_881], %parallel_loop3A_874 {strides = array<i32>} : memref<128x64xf32, #tpu.memory_space<vmem>>, vector<16xf32>,
          %parallel_loop3A_883 = arith.constant 16 : i32
          %parallel_loop3A_884 = arith.addi %parallel_loop3A_116, %parallel_loop3A_883 : i32
          %parallel_loop3A_885 = arith.index_cast %parallel_loop3A_884 : i32 to index
          %parallel_loop3A_886 = arith.constant 16 : index
          %parallel_loop3A_887 = tpu.vector_load %arg14[%parallel_loop3A_885, %parallel_loop3A_886] {strides = array<i32>} : memref<128x64xf32, #tpu.memory_space<vmem>>, vector<16xf32>,
          tpu.vector_store %arg14[%parallel_loop3A_885, %parallel_loop3A_886], %parallel_loop3A_875 {strides = array<i32>} : memref<128x64xf32, #tpu.memory_space<vmem>>, vector<16xf32>,
          %parallel_loop3A_888 = arith.constant 16 : i32
          %parallel_loop3A_889 = arith.addi %parallel_loop3A_116, %parallel_loop3A_888 : i32
          %parallel_loop3A_890 = arith.index_cast %parallel_loop3A_889 : i32 to index
          %parallel_loop3A_891 = arith.constant 32 : index
          %parallel_loop3A_892 = tpu.vector_load %arg14[%parallel_loop3A_890, %parallel_loop3A_891] {strides = array<i32>} : memref<128x64xf32, #tpu.memory_space<vmem>>, vector<16xf32>,
          tpu.vector_store %arg14[%parallel_loop3A_890, %parallel_loop3A_891], %parallel_loop3A_876 {strides = array<i32>} : memref<128x64xf32, #tpu.memory_space<vmem>>, vector<16xf32>,
          %parallel_loop3A_893 = arith.constant 16 : i32
          %parallel_loop3A_894 = arith.addi %parallel_loop3A_116, %parallel_loop3A_893 : i32
          %parallel_loop3A_895 = arith.index_cast %parallel_loop3A_894 : i32 to index
          %parallel_loop3A_896 = arith.constant 48 : index
          %parallel_loop3A_897 = tpu.vector_load %arg14[%parallel_loop3A_895, %parallel_loop3A_896] {strides = array<i32>} : memref<128x64xf32, #tpu.memory_space<vmem>>, vector<16xf32>,
          tpu.vector_store %arg14[%parallel_loop3A_895, %parallel_loop3A_896], %parallel_loop3A_877 {strides = array<i32>} : memref<128x64xf32, #tpu.memory_space<vmem>>, vector<16xf32>,
          %parallel_loop3A_898 = arith.constant 17 : i32
          %parallel_loop3A_899 = arith.addi %parallel_loop3A_116, %parallel_loop3A_898 : i32
          %parallel_loop3A_900 = arith.index_cast %parallel_loop3A_899 : i32 to index
          %parallel_loop3A_901 = arith.constant 0 : index
          %parallel_loop3A_902 = tpu.vector_load %arg12[%parallel_loop3A_900, %parallel_loop3A_901] {strides = array<i32>} : memref<128x64xbf16, #tpu.memory_space<vmem>>, vector<32xbf16>,
          %parallel_loop3A_903 = arith.constant 17 : i32
          %parallel_loop3A_904 = arith.addi %parallel_loop3A_116, %parallel_loop3A_903 : i32
          %parallel_loop3A_905 = arith.index_cast %parallel_loop3A_904 : i32 to index
          %parallel_loop3A_906 = arith.constant 32 : index
          %parallel_loop3A_907 = tpu.vector_load %arg12[%parallel_loop3A_905, %parallel_loop3A_906] {strides = array<i32>} : memref<128x64xbf16, #tpu.memory_space<vmem>>, vector<32xbf16>,
          %parallel_loop3A_908 = tpu.unpack_subelements %parallel_loop3A_902, 0 {pack_format = #tpu.pack_format<interleaved>} : vector<32xbf16> -> vector<16xf32>
          %parallel_loop3A_909 = tpu.unpack_subelements %parallel_loop3A_902, 1 {pack_format = #tpu.pack_format<interleaved>} : vector<32xbf16> -> vector<16xf32>
          %parallel_loop3A_910 = tpu.unpack_subelements %parallel_loop3A_907, 0 {pack_format = #tpu.pack_format<interleaved>} : vector<32xbf16> -> vector<16xf32>
          %parallel_loop3A_911 = tpu.unpack_subelements %parallel_loop3A_907, 1 {pack_format = #tpu.pack_format<interleaved>} : vector<32xbf16> -> vector<16xf32>
          %parallel_loop3A_912 = arith.mulf %parallel_loop3A_908, %parallel_loop3A_195 : vector<16xf32>
          %parallel_loop3A_913 = arith.mulf %parallel_loop3A_909, %parallel_loop3A_195 : vector<16xf32>
          %parallel_loop3A_914 = arith.mulf %parallel_loop3A_910, %parallel_loop3A_195 : vector<16xf32>
          %parallel_loop3A_915 = arith.mulf %parallel_loop3A_911, %parallel_loop3A_195 : vector<16xf32>
          %parallel_loop3A_916 = arith.constant 17 : i32
          %parallel_loop3A_917 = arith.addi %parallel_loop3A_116, %parallel_loop3A_916 : i32
          %parallel_loop3A_918 = arith.index_cast %parallel_loop3A_917 : i32 to index
          %parallel_loop3A_919 = arith.constant 0 : index
          %parallel_loop3A_920 = tpu.vector_load %arg14[%parallel_loop3A_918, %parallel_loop3A_919] {strides = array<i32>} : memref<128x64xf32, #tpu.memory_space<vmem>>, vector<16xf32>,
          tpu.vector_store %arg14[%parallel_loop3A_918, %parallel_loop3A_919], %parallel_loop3A_912 {strides = array<i32>} : memref<128x64xf32, #tpu.memory_space<vmem>>, vector<16xf32>,
          %parallel_loop3A_921 = arith.constant 17 : i32
          %parallel_loop3A_922 = arith.addi %parallel_loop3A_116, %parallel_loop3A_921 : i32
          %parallel_loop3A_923 = arith.index_cast %parallel_loop3A_922 : i32 to index
          %parallel_loop3A_924 = arith.constant 16 : index
          %parallel_loop3A_925 = tpu.vector_load %arg14[%parallel_loop3A_923, %parallel_loop3A_924] {strides = array<i32>} : memref<128x64xf32, #tpu.memory_space<vmem>>, vector<16xf32>,
          tpu.vector_store %arg14[%parallel_loop3A_923, %parallel_loop3A_924], %parallel_loop3A_913 {strides = array<i32>} : memref<128x64xf32, #tpu.memory_space<vmem>>, vector<16xf32>,
          %parallel_loop3A_926 = arith.constant 17 : i32
          %parallel_loop3A_927 = arith.addi %parallel_loop3A_116, %parallel_loop3A_926 : i32
          %parallel_loop3A_928 = arith.index_cast %parallel_loop3A_927 : i32 to index
          %parallel_loop3A_929 = arith.constant 32 : index
          %parallel_loop3A_930 = tpu.vector_load %arg14[%parallel_loop3A_928, %parallel_loop3A_929] {strides = array<i32>} : memref<128x64xf32, #tpu.memory_space<vmem>>, vector<16xf32>,
          tpu.vector_store %arg14[%parallel_loop3A_928, %parallel_loop3A_929], %parallel_loop3A_914 {strides = array<i32>} : memref<128x64xf32, #tpu.memory_space<vmem>>, vector<16xf32>,
          %parallel_loop3A_931 = arith.constant 17 : i32
          %parallel_loop3A_932 = arith.addi %parallel_loop3A_116, %parallel_loop3A_931 : i32
          %parallel_loop3A_933 = arith.index_cast %parallel_loop3A_932 : i32 to index
          %parallel_loop3A_934 = arith.constant 48 : index
          %parallel_loop3A_935 = tpu.vector_load %arg14[%parallel_loop3A_933, %parallel_loop3A_934] {strides = array<i32>} : memref<128x64xf32, #tpu.memory_space<vmem>>, vector<16xf32>,
          tpu.vector_store %arg14[%parallel_loop3A_933, %parallel_loop3A_934], %parallel_loop3A_915 {strides = array<i32>} : memref<128x64xf32, #tpu.memory_space<vmem>>, vector<16xf32>,
          %parallel_loop3A_936 = arith.constant 18 : i32
          %parallel_loop3A_937 = arith.addi %parallel_loop3A_116, %parallel_loop3A_936 : i32
          %parallel_loop3A_938 = arith.index_cast %parallel_loop3A_937 : i32 to index
          %parallel_loop3A_939 = arith.constant 0 : index
          %parallel_loop3A_940 = tpu.vector_load %arg12[%parallel_loop3A_938, %parallel_loop3A_939] {strides = array<i32>} : memref<128x64xbf16, #tpu.memory_space<vmem>>, vector<32xbf16>,
          %parallel_loop3A_941 = arith.constant 18 : i32
          %parallel_loop3A_942 = arith.addi %parallel_loop3A_116, %parallel_loop3A_941 : i32
          %parallel_loop3A_943 = arith.index_cast %parallel_loop3A_942 : i32 to index
          %parallel_loop3A_944 = arith.constant 32 : index
          %parallel_loop3A_945 = tpu.vector_load %arg12[%parallel_loop3A_943, %parallel_loop3A_944] {strides = array<i32>} : memref<128x64xbf16, #tpu.memory_space<vmem>>, vector<32xbf16>,
          %parallel_loop3A_946 = tpu.unpack_subelements %parallel_loop3A_940, 0 {pack_format = #tpu.pack_format<interleaved>} : vector<32xbf16> -> vector<16xf32>
          %parallel_loop3A_947 = tpu.unpack_subelements %parallel_loop3A_940, 1 {pack_format = #tpu.pack_format<interleaved>} : vector<32xbf16> -> vector<16xf32>
          %parallel_loop3A_948 = tpu.unpack_subelements %parallel_loop3A_945, 0 {pack_format = #tpu.pack_format<interleaved>} : vector<32xbf16> -> vector<16xf32>
          %parallel_loop3A_949 = tpu.unpack_subelements %parallel_loop3A_945, 1 {pack_format = #tpu.pack_format<interleaved>} : vector<32xbf16> -> vector<16xf32>
          %parallel_loop3A_950 = arith.mulf %parallel_loop3A_946, %parallel_loop3A_199 : vector<16xf32>
          %parallel_loop3A_951 = arith.mulf %parallel_loop3A_947, %parallel_loop3A_199 : vector<16xf32>
          %parallel_loop3A_952 = arith.mulf %parallel_loop3A_948, %parallel_loop3A_199 : vector<16xf32>
          %parallel_loop3A_953 = arith.mulf %parallel_loop3A_949, %parallel_loop3A_199 : vector<16xf32>
          %parallel_loop3A_954 = arith.constant 18 : i32
          %parallel_loop3A_955 = arith.addi %parallel_loop3A_116, %parallel_loop3A_954 : i32
          %parallel_loop3A_956 = arith.index_cast %parallel_loop3A_955 : i32 to index
          %parallel_loop3A_957 = arith.constant 0 : index
          %parallel_loop3A_958 = tpu.vector_load %arg14[%parallel_loop3A_956, %parallel_loop3A_957] {strides = array<i32>} : memref<128x64xf32, #tpu.memory_space<vmem>>, vector<16xf32>,
          tpu.vector_store %arg14[%parallel_loop3A_956, %parallel_loop3A_957], %parallel_loop3A_950 {strides = array<i32>} : memref<128x64xf32, #tpu.memory_space<vmem>>, vector<16xf32>,
          %parallel_loop3A_959 = arith.constant 18 : i32
          %parallel_loop3A_960 = arith.addi %parallel_loop3A_116, %parallel_loop3A_959 : i32
          %parallel_loop3A_961 = arith.index_cast %parallel_loop3A_960 : i32 to index
          %parallel_loop3A_962 = arith.constant 16 : index
          %parallel_loop3A_963 = tpu.vector_load %arg14[%parallel_loop3A_961, %parallel_loop3A_962] {strides = array<i32>} : memref<128x64xf32, #tpu.memory_space<vmem>>, vector<16xf32>,
          tpu.vector_store %arg14[%parallel_loop3A_961, %parallel_loop3A_962], %parallel_loop3A_951 {strides = array<i32>} : memref<128x64xf32, #tpu.memory_space<vmem>>, vector<16xf32>,
          %parallel_loop3A_964 = arith.constant 18 : i32
          %parallel_loop3A_965 = arith.addi %parallel_loop3A_116, %parallel_loop3A_964 : i32
          %parallel_loop3A_966 = arith.index_cast %parallel_loop3A_965 : i32 to index
          %parallel_loop3A_967 = arith.constant 32 : index
          %parallel_loop3A_968 = tpu.vector_load %arg14[%parallel_loop3A_966, %parallel_loop3A_967] {strides = array<i32>} : memref<128x64xf32, #tpu.memory_space<vmem>>, vector<16xf32>,
          tpu.vector_store %arg14[%parallel_loop3A_966, %parallel_loop3A_967], %parallel_loop3A_952 {strides = array<i32>} : memref<128x64xf32, #tpu.memory_space<vmem>>, vector<16xf32>,
          %parallel_loop3A_969 = arith.constant 18 : i32
          %parallel_loop3A_970 = arith.addi %parallel_loop3A_116, %parallel_loop3A_969 : i32
          %parallel_loop3A_971 = arith.index_cast %parallel_loop3A_970 : i32 to index
          %parallel_loop3A_972 = arith.constant 48 : index
          %parallel_loop3A_973 = tpu.vector_load %arg14[%parallel_loop3A_971, %parallel_loop3A_972] {strides = array<i32>} : memref<128x64xf32, #tpu.memory_space<vmem>>, vector<16xf32>,
          tpu.vector_store %arg14[%parallel_loop3A_971, %parallel_loop3A_972], %parallel_loop3A_953 {strides = array<i32>} : memref<128x64xf32, #tpu.memory_space<vmem>>, vector<16xf32>,
          %parallel_loop3A_974 = arith.constant 19 : i32
          %parallel_loop3A_975 = arith.addi %parallel_loop3A_116, %parallel_loop3A_974 : i32
          %parallel_loop3A_976 = arith.index_cast %parallel_loop3A_975 : i32 to index
          %parallel_loop3A_977 = arith.constant 0 : index
          %parallel_loop3A_978 = tpu.vector_load %arg12[%parallel_loop3A_976, %parallel_loop3A_977] {strides = array<i32>} : memref<128x64xbf16, #tpu.memory_space<vmem>>, vector<32xbf16>,
          %parallel_loop3A_979 = arith.constant 19 : i32
          %parallel_loop3A_980 = arith.addi %parallel_loop3A_116, %parallel_loop3A_979 : i32
          %parallel_loop3A_981 = arith.index_cast %parallel_loop3A_980 : i32 to index
          %parallel_loop3A_982 = arith.constant 32 : index
          %parallel_loop3A_983 = tpu.vector_load %arg12[%parallel_loop3A_981, %parallel_loop3A_982] {strides = array<i32>} : memref<128x64xbf16, #tpu.memory_space<vmem>>, vector<32xbf16>,
          %parallel_loop3A_984 = tpu.unpack_subelements %parallel_loop3A_978, 0 {pack_format = #tpu.pack_format<interleaved>} : vector<32xbf16> -> vector<16xf32>
          %parallel_loop3A_985 = tpu.unpack_subelements %parallel_loop3A_978, 1 {pack_format = #tpu.pack_format<interleaved>} : vector<32xbf16> -> vector<16xf32>
          %parallel_loop3A_986 = tpu.unpack_subelements %parallel_loop3A_983, 0 {pack_format = #tpu.pack_format<interleaved>} : vector<32xbf16> -> vector<16xf32>
          %parallel_loop3A_987 = tpu.unpack_subelements %parallel_loop3A_983, 1 {pack_format = #tpu.pack_format<interleaved>} : vector<32xbf16> -> vector<16xf32>
          %parallel_loop3A_988 = arith.mulf %parallel_loop3A_984, %parallel_loop3A_203 : vector<16xf32>
          %parallel_loop3A_989 = arith.mulf %parallel_loop3A_985, %parallel_loop3A_203 : vector<16xf32>
          %parallel_loop3A_990 = arith.mulf %parallel_loop3A_986, %parallel_loop3A_203 : vector<16xf32>
          %parallel_loop3A_991 = arith.mulf %parallel_loop3A_987, %parallel_loop3A_203 : vector<16xf32>
          %parallel_loop3A_992 = arith.constant 19 : i32
          %parallel_loop3A_993 = arith.addi %parallel_loop3A_116, %parallel_loop3A_992 : i32
          %parallel_loop3A_994 = arith.index_cast %parallel_loop3A_993 : i32 to index
          %parallel_loop3A_995 = arith.constant 0 : index
          %parallel_loop3A_996 = tpu.vector_load %arg14[%parallel_loop3A_994, %parallel_loop3A_995] {strides = array<i32>} : memref<128x64xf32, #tpu.memory_space<vmem>>, vector<16xf32>,
          tpu.vector_store %arg14[%parallel_loop3A_994, %parallel_loop3A_995], %parallel_loop3A_988 {strides = array<i32>} : memref<128x64xf32, #tpu.memory_space<vmem>>, vector<16xf32>,
          %parallel_loop3A_997 = arith.constant 19 : i32
          %parallel_loop3A_998 = arith.addi %parallel_loop3A_116, %parallel_loop3A_997 : i32
          %parallel_loop3A_999 = arith.index_cast %parallel_loop3A_998 : i32 to index
          %parallel_loop3A_1000 = arith.constant 16 : index
          %parallel_loop3A_1001 = tpu.vector_load %arg14[%parallel_loop3A_999, %parallel_loop3A_1000] {strides = array<i32>} : memref<128x64xf32, #tpu.memory_space<vmem>>, vector<16xf32>,
          tpu.vector_store %arg14[%parallel_loop3A_999, %parallel_loop3A_1000], %parallel_loop3A_989 {strides = array<i32>} : memref<128x64xf32, #tpu.memory_space<vmem>>, vector<16xf32>,
          %parallel_loop3A_1002 = arith.constant 19 : i32
          %parallel_loop3A_1003 = arith.addi %parallel_loop3A_116, %parallel_loop3A_1002 : i32
          %parallel_loop3A_1004 = arith.index_cast %parallel_loop3A_1003 : i32 to index
          %parallel_loop3A_1005 = arith.constant 32 : index
          %parallel_loop3A_1006 = tpu.vector_load %arg14[%parallel_loop3A_1004, %parallel_loop3A_1005] {strides = array<i32>} : memref<128x64xf32, #tpu.memory_space<vmem>>, vector<16xf32>,
          tpu.vector_store %arg14[%parallel_loop3A_1004, %parallel_loop3A_1005], %parallel_loop3A_990 {strides = array<i32>} : memref<128x64xf32, #tpu.memory_space<vmem>>, vector<16xf32>,
          %parallel_loop3A_1007 = arith.constant 19 : i32
          %parallel_loop3A_1008 = arith.addi %parallel_loop3A_116, %parallel_loop3A_1007 : i32
          %parallel_loop3A_1009 = arith.index_cast %parallel_loop3A_1008 : i32 to index
          %parallel_loop3A_1010 = arith.constant 48 : index
          %parallel_loop3A_1011 = tpu.vector_load %arg14[%parallel_loop3A_1009, %parallel_loop3A_1010] {strides = array<i32>} : memref<128x64xf32, #tpu.memory_space<vmem>>, vector<16xf32>,
          tpu.vector_store %arg14[%parallel_loop3A_1009, %parallel_loop3A_1010], %parallel_loop3A_991 {strides = array<i32>} : memref<128x64xf32, #tpu.memory_space<vmem>>, vector<16xf32>,
          %parallel_loop3A_1012 = arith.constant 20 : i32
          %parallel_loop3A_1013 = arith.addi %parallel_loop3A_116, %parallel_loop3A_1012 : i32
          %parallel_loop3A_1014 = arith.index_cast %parallel_loop3A_1013 : i32 to index
          %parallel_loop3A_1015 = arith.constant 0 : index
          %parallel_loop3A_1016 = tpu.vector_load %arg12[%parallel_loop3A_1014, %parallel_loop3A_1015] {strides = array<i32>} : memref<128x64xbf16, #tpu.memory_space<vmem>>, vector<32xbf16>,
          %parallel_loop3A_1017 = arith.constant 20 : i32
          %parallel_loop3A_1018 = arith.addi %parallel_loop3A_116, %parallel_loop3A_1017 : i32
          %parallel_loop3A_1019 = arith.index_cast %parallel_loop3A_1018 : i32 to index
          %parallel_loop3A_1020 = arith.constant 32 : index
          %parallel_loop3A_1021 = tpu.vector_load %arg12[%parallel_loop3A_1019, %parallel_loop3A_1020] {strides = array<i32>} : memref<128x64xbf16, #tpu.memory_space<vmem>>, vector<32xbf16>,
          %parallel_loop3A_1022 = tpu.unpack_subelements %parallel_loop3A_1016, 0 {pack_format = #tpu.pack_format<interleaved>} : vector<32xbf16> -> vector<16xf32>
          %parallel_loop3A_1023 = tpu.unpack_subelements %parallel_loop3A_1016, 1 {pack_format = #tpu.pack_format<interleaved>} : vector<32xbf16> -> vector<16xf32>
          %parallel_loop3A_1024 = tpu.unpack_subelements %parallel_loop3A_1021, 0 {pack_format = #tpu.pack_format<interleaved>} : vector<32xbf16> -> vector<16xf32>
          %parallel_loop3A_1025 = tpu.unpack_subelements %parallel_loop3A_1021, 1 {pack_format = #tpu.pack_format<interleaved>} : vector<32xbf16> -> vector<16xf32>
          %parallel_loop3A_1026 = arith.mulf %parallel_loop3A_1022, %parallel_loop3A_207 : vector<16xf32>
          %parallel_loop3A_1027 = arith.mulf %parallel_loop3A_1023, %parallel_loop3A_207 : vector<16xf32>
          %parallel_loop3A_1028 = arith.mulf %parallel_loop3A_1024, %parallel_loop3A_207 : vector<16xf32>
          %parallel_loop3A_1029 = arith.mulf %parallel_loop3A_1025, %parallel_loop3A_207 : vector<16xf32>
          %parallel_loop3A_1030 = arith.constant 20 : i32
          %parallel_loop3A_1031 = arith.addi %parallel_loop3A_116, %parallel_loop3A_1030 : i32
          %parallel_loop3A_1032 = arith.index_cast %parallel_loop3A_1031 : i32 to index
          %parallel_loop3A_1033 = arith.constant 0 : index
          %parallel_loop3A_1034 = tpu.vector_load %arg14[%parallel_loop3A_1032, %parallel_loop3A_1033] {strides = array<i32>} : memref<128x64xf32, #tpu.memory_space<vmem>>, vector<16xf32>,
          tpu.vector_store %arg14[%parallel_loop3A_1032, %parallel_loop3A_1033], %parallel_loop3A_1026 {strides = array<i32>} : memref<128x64xf32, #tpu.memory_space<vmem>>, vector<16xf32>,
          %parallel_loop3A_1035 = arith.constant 20 : i32
          %parallel_loop3A_1036 = arith.addi %parallel_loop3A_116, %parallel_loop3A_1035 : i32
          %parallel_loop3A_1037 = arith.index_cast %parallel_loop3A_1036 : i32 to index
          %parallel_loop3A_1038 = arith.constant 16 : index
          %parallel_loop3A_1039 = tpu.vector_load %arg14[%parallel_loop3A_1037, %parallel_loop3A_1038] {strides = array<i32>} : memref<128x64xf32, #tpu.memory_space<vmem>>, vector<16xf32>,
          tpu.vector_store %arg14[%parallel_loop3A_1037, %parallel_loop3A_1038], %parallel_loop3A_1027 {strides = array<i32>} : memref<128x64xf32, #tpu.memory_space<vmem>>, vector<16xf32>,
          %parallel_loop3A_1040 = arith.constant 20 : i32
          %parallel_loop3A_1041 = arith.addi %parallel_loop3A_116, %parallel_loop3A_1040 : i32
          %parallel_loop3A_1042 = arith.index_cast %parallel_loop3A_1041 : i32 to index
          %parallel_loop3A_1043 = arith.constant 32 : index
          %parallel_loop3A_1044 = tpu.vector_load %arg14[%parallel_loop3A_1042, %parallel_loop3A_1043] {strides = array<i32>} : memref<128x64xf32, #tpu.memory_space<vmem>>, vector<16xf32>,
          tpu.vector_store %arg14[%parallel_loop3A_1042, %parallel_loop3A_1043], %parallel_loop3A_1028 {strides = array<i32>} : memref<128x64xf32, #tpu.memory_space<vmem>>, vector<16xf32>,
          %parallel_loop3A_1045 = arith.constant 20 : i32
          %parallel_loop3A_1046 = arith.addi %parallel_loop3A_116, %parallel_loop3A_1045 : i32
          %parallel_loop3A_1047 = arith.index_cast %parallel_loop3A_1046 : i32 to index
          %parallel_loop3A_1048 = arith.constant 48 : index
          %parallel_loop3A_1049 = tpu.vector_load %arg14[%parallel_loop3A_1047, %parallel_loop3A_1048] {strides = array<i32>} : memref<128x64xf32, #tpu.memory_space<vmem>>, vector<16xf32>,
          tpu.vector_store %arg14[%parallel_loop3A_1047, %parallel_loop3A_1048], %parallel_loop3A_1029 {strides = array<i32>} : memref<128x64xf32, #tpu.memory_space<vmem>>, vector<16xf32>,
          %parallel_loop3A_1050 = arith.constant 21 : i32
          %parallel_loop3A_1051 = arith.addi %parallel_loop3A_116, %parallel_loop3A_1050 : i32
          %parallel_loop3A_1052 = arith.index_cast %parallel_loop3A_1051 : i32 to index
          %parallel_loop3A_1053 = arith.constant 0 : index
          %parallel_loop3A_1054 = tpu.vector_load %arg12[%parallel_loop3A_1052, %parallel_loop3A_1053] {strides = array<i32>} : memref<128x64xbf16, #tpu.memory_space<vmem>>, vector<32xbf16>,
          %parallel_loop3A_1055 = arith.constant 21 : i32
          %parallel_loop3A_1056 = arith.addi %parallel_loop3A_116, %parallel_loop3A_1055 : i32
          %parallel_loop3A_1057 = arith.index_cast %parallel_loop3A_1056 : i32 to index
          %parallel_loop3A_1058 = arith.constant 32 : index
          %parallel_loop3A_1059 = tpu.vector_load %arg12[%parallel_loop3A_1057, %parallel_loop3A_1058] {strides = array<i32>} : memref<128x64xbf16, #tpu.memory_space<vmem>>, vector<32xbf16>,
          %parallel_loop3A_1060 = tpu.unpack_subelements %parallel_loop3A_1054, 0 {pack_format = #tpu.pack_format<interleaved>} : vector<32xbf16> -> vector<16xf32>
          %parallel_loop3A_1061 = tpu.unpack_subelements %parallel_loop3A_1054, 1 {pack_format = #tpu.pack_format<interleaved>} : vector<32xbf16> -> vector<16xf32>
          %parallel_loop3A_1062 = tpu.unpack_subelements %parallel_loop3A_1059, 0 {pack_format = #tpu.pack_format<interleaved>} : vector<32xbf16> -> vector<16xf32>
          %parallel_loop3A_1063 = tpu.unpack_subelements %parallel_loop3A_1059, 1 {pack_format = #tpu.pack_format<interleaved>} : vector<32xbf16> -> vector<16xf32>
          %parallel_loop3A_1064 = arith.mulf %parallel_loop3A_1060, %parallel_loop3A_211 : vector<16xf32>
          %parallel_loop3A_1065 = arith.mulf %parallel_loop3A_1061, %parallel_loop3A_211 : vector<16xf32>
          %parallel_loop3A_1066 = arith.mulf %parallel_loop3A_1062, %parallel_loop3A_211 : vector<16xf32>
          %parallel_loop3A_1067 = arith.mulf %parallel_loop3A_1063, %parallel_loop3A_211 : vector<16xf32>
          %parallel_loop3A_1068 = arith.constant 21 : i32
          %parallel_loop3A_1069 = arith.addi %parallel_loop3A_116, %parallel_loop3A_1068 : i32
          %parallel_loop3A_1070 = arith.index_cast %parallel_loop3A_1069 : i32 to index
          %parallel_loop3A_1071 = arith.constant 0 : index
          %parallel_loop3A_1072 = tpu.vector_load %arg14[%parallel_loop3A_1070, %parallel_loop3A_1071] {strides = array<i32>} : memref<128x64xf32, #tpu.memory_space<vmem>>, vector<16xf32>,
          tpu.vector_store %arg14[%parallel_loop3A_1070, %parallel_loop3A_1071], %parallel_loop3A_1064 {strides = array<i32>} : memref<128x64xf32, #tpu.memory_space<vmem>>, vector<16xf32>,
          %parallel_loop3A_1073 = arith.constant 21 : i32
          %parallel_loop3A_1074 = arith.addi %parallel_loop3A_116, %parallel_loop3A_1073 : i32
          %parallel_loop3A_1075 = arith.index_cast %parallel_loop3A_1074 : i32 to index
          %parallel_loop3A_1076 = arith.constant 16 : index
          %parallel_loop3A_1077 = tpu.vector_load %arg14[%parallel_loop3A_1075, %parallel_loop3A_1076] {strides = array<i32>} : memref<128x64xf32, #tpu.memory_space<vmem>>, vector<16xf32>,
          tpu.vector_store %arg14[%parallel_loop3A_1075, %parallel_loop3A_1076], %parallel_loop3A_1065 {strides = array<i32>} : memref<128x64xf32, #tpu.memory_space<vmem>>, vector<16xf32>,
          %parallel_loop3A_1078 = arith.constant 21 : i32
          %parallel_loop3A_1079 = arith.addi %parallel_loop3A_116, %parallel_loop3A_1078 : i32
          %parallel_loop3A_1080 = arith.index_cast %parallel_loop3A_1079 : i32 to index
          %parallel_loop3A_1081 = arith.constant 32 : index
          %parallel_loop3A_1082 = tpu.vector_load %arg14[%parallel_loop3A_1080, %parallel_loop3A_1081] {strides = array<i32>} : memref<128x64xf32, #tpu.memory_space<vmem>>, vector<16xf32>,
          tpu.vector_store %arg14[%parallel_loop3A_1080, %parallel_loop3A_1081], %parallel_loop3A_1066 {strides = array<i32>} : memref<128x64xf32, #tpu.memory_space<vmem>>, vector<16xf32>,
          %parallel_loop3A_1083 = arith.constant 21 : i32
          %parallel_loop3A_1084 = arith.addi %parallel_loop3A_116, %parallel_loop3A_1083 : i32
          %parallel_loop3A_1085 = arith.index_cast %parallel_loop3A_1084 : i32 to index
          %parallel_loop3A_1086 = arith.constant 48 : index
          %parallel_loop3A_1087 = tpu.vector_load %arg14[%parallel_loop3A_1085, %parallel_loop3A_1086] {strides = array<i32>} : memref<128x64xf32, #tpu.memory_space<vmem>>, vector<16xf32>,
          tpu.vector_store %arg14[%parallel_loop3A_1085, %parallel_loop3A_1086], %parallel_loop3A_1067 {strides = array<i32>} : memref<128x64xf32, #tpu.memory_space<vmem>>, vector<16xf32>,
          %parallel_loop3A_1088 = arith.constant 22 : i32
          %parallel_loop3A_1089 = arith.addi %parallel_loop3A_116, %parallel_loop3A_1088 : i32
          %parallel_loop3A_1090 = arith.index_cast %parallel_loop3A_1089 : i32 to index
          %parallel_loop3A_1091 = arith.constant 0 : index
          %parallel_loop3A_1092 = tpu.vector_load %arg12[%parallel_loop3A_1090, %parallel_loop3A_1091] {strides = array<i32>} : memref<128x64xbf16, #tpu.memory_space<vmem>>, vector<32xbf16>,
          %parallel_loop3A_1093 = arith.constant 22 : i32
          %parallel_loop3A_1094 = arith.addi %parallel_loop3A_116, %parallel_loop3A_1093 : i32
          %parallel_loop3A_1095 = arith.index_cast %parallel_loop3A_1094 : i32 to index
          %parallel_loop3A_1096 = arith.constant 32 : index
          %parallel_loop3A_1097 = tpu.vector_load %arg12[%parallel_loop3A_1095, %parallel_loop3A_1096] {strides = array<i32>} : memref<128x64xbf16, #tpu.memory_space<vmem>>, vector<32xbf16>,
          %parallel_loop3A_1098 = tpu.unpack_subelements %parallel_loop3A_1092, 0 {pack_format = #tpu.pack_format<interleaved>} : vector<32xbf16> -> vector<16xf32>
          %parallel_loop3A_1099 = tpu.unpack_subelements %parallel_loop3A_1092, 1 {pack_format = #tpu.pack_format<interleaved>} : vector<32xbf16> -> vector<16xf32>
          %parallel_loop3A_1100 = tpu.unpack_subelements %parallel_loop3A_1097, 0 {pack_format = #tpu.pack_format<interleaved>} : vector<32xbf16> -> vector<16xf32>
          %parallel_loop3A_1101 = tpu.unpack_subelements %parallel_loop3A_1097, 1 {pack_format = #tpu.pack_format<interleaved>} : vector<32xbf16> -> vector<16xf32>
          %parallel_loop3A_1102 = arith.mulf %parallel_loop3A_1098, %parallel_loop3A_215 : vector<16xf32>
          %parallel_loop3A_1103 = arith.mulf %parallel_loop3A_1099, %parallel_loop3A_215 : vector<16xf32>
          %parallel_loop3A_1104 = arith.mulf %parallel_loop3A_1100, %parallel_loop3A_215 : vector<16xf32>
          %parallel_loop3A_1105 = arith.mulf %parallel_loop3A_1101, %parallel_loop3A_215 : vector<16xf32>
          %parallel_loop3A_1106 = arith.constant 22 : i32
          %parallel_loop3A_1107 = arith.addi %parallel_loop3A_116, %parallel_loop3A_1106 : i32
          %parallel_loop3A_1108 = arith.index_cast %parallel_loop3A_1107 : i32 to index
          %parallel_loop3A_1109 = arith.constant 0 : index
          %parallel_loop3A_1110 = tpu.vector_load %arg14[%parallel_loop3A_1108, %parallel_loop3A_1109] {strides = array<i32>} : memref<128x64xf32, #tpu.memory_space<vmem>>, vector<16xf32>,
          tpu.vector_store %arg14[%parallel_loop3A_1108, %parallel_loop3A_1109], %parallel_loop3A_1102 {strides = array<i32>} : memref<128x64xf32, #tpu.memory_space<vmem>>, vector<16xf32>,
          %parallel_loop3A_1111 = arith.constant 22 : i32
          %parallel_loop3A_1112 = arith.addi %parallel_loop3A_116, %parallel_loop3A_1111 : i32
          %parallel_loop3A_1113 = arith.index_cast %parallel_loop3A_1112 : i32 to index
          %parallel_loop3A_1114 = arith.constant 16 : index
          %parallel_loop3A_1115 = tpu.vector_load %arg14[%parallel_loop3A_1113, %parallel_loop3A_1114] {strides = array<i32>} : memref<128x64xf32, #tpu.memory_space<vmem>>, vector<16xf32>,
          tpu.vector_store %arg14[%parallel_loop3A_1113, %parallel_loop3A_1114], %parallel_loop3A_1103 {strides = array<i32>} : memref<128x64xf32, #tpu.memory_space<vmem>>, vector<16xf32>,
          %parallel_loop3A_1116 = arith.constant 22 : i32
          %parallel_loop3A_1117 = arith.addi %parallel_loop3A_116, %parallel_loop3A_1116 : i32
          %parallel_loop3A_1118 = arith.index_cast %parallel_loop3A_1117 : i32 to index
          %parallel_loop3A_1119 = arith.constant 32 : index
          %parallel_loop3A_1120 = tpu.vector_load %arg14[%parallel_loop3A_1118, %parallel_loop3A_1119] {strides = array<i32>} : memref<128x64xf32, #tpu.memory_space<vmem>>, vector<16xf32>,
          tpu.vector_store %arg14[%parallel_loop3A_1118, %parallel_loop3A_1119], %parallel_loop3A_1104 {strides = array<i32>} : memref<128x64xf32, #tpu.memory_space<vmem>>, vector<16xf32>,
          %parallel_loop3A_1121 = arith.constant 22 : i32
          %parallel_loop3A_1122 = arith.addi %parallel_loop3A_116, %parallel_loop3A_1121 : i32
          %parallel_loop3A_1123 = arith.index_cast %parallel_loop3A_1122 : i32 to index
          %parallel_loop3A_1124 = arith.constant 48 : index
          %parallel_loop3A_1125 = tpu.vector_load %arg14[%parallel_loop3A_1123, %parallel_loop3A_1124] {strides = array<i32>} : memref<128x64xf32, #tpu.memory_space<vmem>>, vector<16xf32>,
          tpu.vector_store %arg14[%parallel_loop3A_1123, %parallel_loop3A_1124], %parallel_loop3A_1105 {strides = array<i32>} : memref<128x64xf32, #tpu.memory_space<vmem>>, vector<16xf32>,
          %parallel_loop3A_1126 = arith.constant 23 : i32
          %parallel_loop3A_1127 = arith.addi %parallel_loop3A_116, %parallel_loop3A_1126 : i32
          %parallel_loop3A_1128 = arith.index_cast %parallel_loop3A_1127 : i32 to index
          %parallel_loop3A_1129 = arith.constant 0 : index
          %parallel_loop3A_1130 = tpu.vector_load %arg12[%parallel_loop3A_1128, %parallel_loop3A_1129] {strides = array<i32>} : memref<128x64xbf16, #tpu.memory_space<vmem>>, vector<32xbf16>,
          %parallel_loop3A_1131 = arith.constant 23 : i32
          %parallel_loop3A_1132 = arith.addi %parallel_loop3A_116, %parallel_loop3A_1131 : i32
          %parallel_loop3A_1133 = arith.index_cast %parallel_loop3A_1132 : i32 to index
          %parallel_loop3A_1134 = arith.constant 32 : index
          %parallel_loop3A_1135 = tpu.vector_load %arg12[%parallel_loop3A_1133, %parallel_loop3A_1134] {strides = array<i32>} : memref<128x64xbf16, #tpu.memory_space<vmem>>, vector<32xbf16>,
          %parallel_loop3A_1136 = tpu.unpack_subelements %parallel_loop3A_1130, 0 {pack_format = #tpu.pack_format<interleaved>} : vector<32xbf16> -> vector<16xf32>
          %parallel_loop3A_1137 = tpu.unpack_subelements %parallel_loop3A_1130, 1 {pack_format = #tpu.pack_format<interleaved>} : vector<32xbf16> -> vector<16xf32>
          %parallel_loop3A_1138 = tpu.unpack_subelements %parallel_loop3A_1135, 0 {pack_format = #tpu.pack_format<interleaved>} : vector<32xbf16> -> vector<16xf32>
          %parallel_loop3A_1139 = tpu.unpack_subelements %parallel_loop3A_1135, 1 {pack_format = #tpu.pack_format<interleaved>} : vector<32xbf16> -> vector<16xf32>
          %parallel_loop3A_1140 = arith.mulf %parallel_loop3A_1136, %parallel_loop3A_219 : vector<16xf32>
          %parallel_loop3A_1141 = arith.mulf %parallel_loop3A_1137, %parallel_loop3A_219 : vector<16xf32>
          %parallel_loop3A_1142 = arith.mulf %parallel_loop3A_1138, %parallel_loop3A_219 : vector<16xf32>
          %parallel_loop3A_1143 = arith.mulf %parallel_loop3A_1139, %parallel_loop3A_219 : vector<16xf32>
          %parallel_loop3A_1144 = arith.constant 23 : i32
          %parallel_loop3A_1145 = arith.addi %parallel_loop3A_116, %parallel_loop3A_1144 : i32
          %parallel_loop3A_1146 = arith.index_cast %parallel_loop3A_1145 : i32 to index
          %parallel_loop3A_1147 = arith.constant 0 : index
          %parallel_loop3A_1148 = tpu.vector_load %arg14[%parallel_loop3A_1146, %parallel_loop3A_1147] {strides = array<i32>} : memref<128x64xf32, #tpu.memory_space<vmem>>, vector<16xf32>,
          tpu.vector_store %arg14[%parallel_loop3A_1146, %parallel_loop3A_1147], %parallel_loop3A_1140 {strides = array<i32>} : memref<128x64xf32, #tpu.memory_space<vmem>>, vector<16xf32>,
          %parallel_loop3A_1149 = arith.constant 23 : i32
          %parallel_loop3A_1150 = arith.addi %parallel_loop3A_116, %parallel_loop3A_1149 : i32
          %parallel_loop3A_1151 = arith.index_cast %parallel_loop3A_1150 : i32 to index
          %parallel_loop3A_1152 = arith.constant 16 : index
          %parallel_loop3A_1153 = tpu.vector_load %arg14[%parallel_loop3A_1151, %parallel_loop3A_1152] {strides = array<i32>} : memref<128x64xf32, #tpu.memory_space<vmem>>, vector<16xf32>,
          tpu.vector_store %arg14[%parallel_loop3A_1151, %parallel_loop3A_1152], %parallel_loop3A_1141 {strides = array<i32>} : memref<128x64xf32, #tpu.memory_space<vmem>>, vector<16xf32>,
          %parallel_loop3A_1154 = arith.constant 23 : i32
          %parallel_loop3A_1155 = arith.addi %parallel_loop3A_116, %parallel_loop3A_1154 : i32
          %parallel_loop3A_1156 = arith.index_cast %parallel_loop3A_1155 : i32 to index
          %parallel_loop3A_1157 = arith.constant 32 : index
          %parallel_loop3A_1158 = tpu.vector_load %arg14[%parallel_loop3A_1156, %parallel_loop3A_1157] {strides = array<i32>} : memref<128x64xf32, #tpu.memory_space<vmem>>, vector<16xf32>,
          tpu.vector_store %arg14[%parallel_loop3A_1156, %parallel_loop3A_1157], %parallel_loop3A_1142 {strides = array<i32>} : memref<128x64xf32, #tpu.memory_space<vmem>>, vector<16xf32>,
          %parallel_loop3A_1159 = arith.constant 23 : i32
          %parallel_loop3A_1160 = arith.addi %parallel_loop3A_116, %parallel_loop3A_1159 : i32
          %parallel_loop3A_1161 = arith.index_cast %parallel_loop3A_1160 : i32 to index
          %parallel_loop3A_1162 = arith.constant 48 : index
          %parallel_loop3A_1163 = tpu.vector_load %arg14[%parallel_loop3A_1161, %parallel_loop3A_1162] {strides = array<i32>} : memref<128x64xf32, #tpu.memory_space<vmem>>, vector<16xf32>,
          tpu.vector_store %arg14[%parallel_loop3A_1161, %parallel_loop3A_1162], %parallel_loop3A_1143 {strides = array<i32>} : memref<128x64xf32, #tpu.memory_space<vmem>>, vector<16xf32>,
          %parallel_loop3A_1164 = arith.constant 24 : i32
          %parallel_loop3A_1165 = arith.addi %parallel_loop3A_116, %parallel_loop3A_1164 : i32
          %parallel_loop3A_1166 = arith.index_cast %parallel_loop3A_1165 : i32 to index
          %parallel_loop3A_1167 = arith.constant 0 : index
          %parallel_loop3A_1168 = tpu.vector_load %arg12[%parallel_loop3A_1166, %parallel_loop3A_1167] {strides = array<i32>} : memref<128x64xbf16, #tpu.memory_space<vmem>>, vector<32xbf16>,
          %parallel_loop3A_1169 = arith.constant 24 : i32
          %parallel_loop3A_1170 = arith.addi %parallel_loop3A_116, %parallel_loop3A_1169 : i32
          %parallel_loop3A_1171 = arith.index_cast %parallel_loop3A_1170 : i32 to index
          %parallel_loop3A_1172 = arith.constant 32 : index
          %parallel_loop3A_1173 = tpu.vector_load %arg12[%parallel_loop3A_1171, %parallel_loop3A_1172] {strides = array<i32>} : memref<128x64xbf16, #tpu.memory_space<vmem>>, vector<32xbf16>,
          %parallel_loop3A_1174 = tpu.unpack_subelements %parallel_loop3A_1168, 0 {pack_format = #tpu.pack_format<interleaved>} : vector<32xbf16> -> vector<16xf32>
          %parallel_loop3A_1175 = tpu.unpack_subelements %parallel_loop3A_1168, 1 {pack_format = #tpu.pack_format<interleaved>} : vector<32xbf16> -> vector<16xf32>
          %parallel_loop3A_1176 = tpu.unpack_subelements %parallel_loop3A_1173, 0 {pack_format = #tpu.pack_format<interleaved>} : vector<32xbf16> -> vector<16xf32>
          %parallel_loop3A_1177 = tpu.unpack_subelements %parallel_loop3A_1173, 1 {pack_format = #tpu.pack_format<interleaved>} : vector<32xbf16> -> vector<16xf32>
          %parallel_loop3A_1178 = arith.mulf %parallel_loop3A_1174, %parallel_loop3A_223 : vector<16xf32>
          %parallel_loop3A_1179 = arith.mulf %parallel_loop3A_1175, %parallel_loop3A_223 : vector<16xf32>
          %parallel_loop3A_1180 = arith.mulf %parallel_loop3A_1176, %parallel_loop3A_223 : vector<16xf32>
          %parallel_loop3A_1181 = arith.mulf %parallel_loop3A_1177, %parallel_loop3A_223 : vector<16xf32>
          %parallel_loop3A_1182 = arith.constant 24 : i32
          %parallel_loop3A_1183 = arith.addi %parallel_loop3A_116, %parallel_loop3A_1182 : i32
          %parallel_loop3A_1184 = arith.index_cast %parallel_loop3A_1183 : i32 to index
          %parallel_loop3A_1185 = arith.constant 0 : index
          %parallel_loop3A_1186 = tpu.vector_load %arg14[%parallel_loop3A_1184, %parallel_loop3A_1185] {strides = array<i32>} : memref<128x64xf32, #tpu.memory_space<vmem>>, vector<16xf32>,
          tpu.vector_store %arg14[%parallel_loop3A_1184, %parallel_loop3A_1185], %parallel_loop3A_1178 {strides = array<i32>} : memref<128x64xf32, #tpu.memory_space<vmem>>, vector<16xf32>,
          %parallel_loop3A_1187 = arith.constant 24 : i32
          %parallel_loop3A_1188 = arith.addi %parallel_loop3A_116, %parallel_loop3A_1187 : i32
          %parallel_loop3A_1189 = arith.index_cast %parallel_loop3A_1188 : i32 to index
          %parallel_loop3A_1190 = arith.constant 16 : index
          %parallel_loop3A_1191 = tpu.vector_load %arg14[%parallel_loop3A_1189, %parallel_loop3A_1190] {strides = array<i32>} : memref<128x64xf32, #tpu.memory_space<vmem>>, vector<16xf32>,
          tpu.vector_store %arg14[%parallel_loop3A_1189, %parallel_loop3A_1190], %parallel_loop3A_1179 {strides = array<i32>} : memref<128x64xf32, #tpu.memory_space<vmem>>, vector<16xf32>,
          %parallel_loop3A_1192 = arith.constant 24 : i32
          %parallel_loop3A_1193 = arith.addi %parallel_loop3A_116, %parallel_loop3A_1192 : i32
          %parallel_loop3A_1194 = arith.index_cast %parallel_loop3A_1193 : i32 to index
          %parallel_loop3A_1195 = arith.constant 32 : index
          %parallel_loop3A_1196 = tpu.vector_load %arg14[%parallel_loop3A_1194, %parallel_loop3A_1195] {strides = array<i32>} : memref<128x64xf32, #tpu.memory_space<vmem>>, vector<16xf32>,
          tpu.vector_store %arg14[%parallel_loop3A_1194, %parallel_loop3A_1195], %parallel_loop3A_1180 {strides = array<i32>} : memref<128x64xf32, #tpu.memory_space<vmem>>, vector<16xf32>,
          %parallel_loop3A_1197 = arith.constant 24 : i32
          %parallel_loop3A_1198 = arith.addi %parallel_loop3A_116, %parallel_loop3A_1197 : i32
          %parallel_loop3A_1199 = arith.index_cast %parallel_loop3A_1198 : i32 to index
          %parallel_loop3A_1200 = arith.constant 48 : index
          %parallel_loop3A_1201 = tpu.vector_load %arg14[%parallel_loop3A_1199, %parallel_loop3A_1200] {strides = array<i32>} : memref<128x64xf32, #tpu.memory_space<vmem>>, vector<16xf32>,
          tpu.vector_store %arg14[%parallel_loop3A_1199, %parallel_loop3A_1200], %parallel_loop3A_1181 {strides = array<i32>} : memref<128x64xf32, #tpu.memory_space<vmem>>, vector<16xf32>,
          %parallel_loop3A_1202 = arith.constant 25 : i32
          %parallel_loop3A_1203 = arith.addi %parallel_loop3A_116, %parallel_loop3A_1202 : i32
          %parallel_loop3A_1204 = arith.index_cast %parallel_loop3A_1203 : i32 to index
          %parallel_loop3A_1205 = arith.constant 0 : index
          %parallel_loop3A_1206 = tpu.vector_load %arg12[%parallel_loop3A_1204, %parallel_loop3A_1205] {strides = array<i32>} : memref<128x64xbf16, #tpu.memory_space<vmem>>, vector<32xbf16>,
          %parallel_loop3A_1207 = arith.constant 25 : i32
          %parallel_loop3A_1208 = arith.addi %parallel_loop3A_116, %parallel_loop3A_1207 : i32
          %parallel_loop3A_1209 = arith.index_cast %parallel_loop3A_1208 : i32 to index
          %parallel_loop3A_1210 = arith.constant 32 : index
          %parallel_loop3A_1211 = tpu.vector_load %arg12[%parallel_loop3A_1209, %parallel_loop3A_1210] {strides = array<i32>} : memref<128x64xbf16, #tpu.memory_space<vmem>>, vector<32xbf16>,
          %parallel_loop3A_1212 = tpu.unpack_subelements %parallel_loop3A_1206, 0 {pack_format = #tpu.pack_format<interleaved>} : vector<32xbf16> -> vector<16xf32>
          %parallel_loop3A_1213 = tpu.unpack_subelements %parallel_loop3A_1206, 1 {pack_format = #tpu.pack_format<interleaved>} : vector<32xbf16> -> vector<16xf32>
          %parallel_loop3A_1214 = tpu.unpack_subelements %parallel_loop3A_1211, 0 {pack_format = #tpu.pack_format<interleaved>} : vector<32xbf16> -> vector<16xf32>
          %parallel_loop3A_1215 = tpu.unpack_subelements %parallel_loop3A_1211, 1 {pack_format = #tpu.pack_format<interleaved>} : vector<32xbf16> -> vector<16xf32>
          %parallel_loop3A_1216 = arith.mulf %parallel_loop3A_1212, %parallel_loop3A_227 : vector<16xf32>
          %parallel_loop3A_1217 = arith.mulf %parallel_loop3A_1213, %parallel_loop3A_227 : vector<16xf32>
          %parallel_loop3A_1218 = arith.mulf %parallel_loop3A_1214, %parallel_loop3A_227 : vector<16xf32>
          %parallel_loop3A_1219 = arith.mulf %parallel_loop3A_1215, %parallel_loop3A_227 : vector<16xf32>
          %parallel_loop3A_1220 = arith.constant 25 : i32
          %parallel_loop3A_1221 = arith.addi %parallel_loop3A_116, %parallel_loop3A_1220 : i32
          %parallel_loop3A_1222 = arith.index_cast %parallel_loop3A_1221 : i32 to index
          %parallel_loop3A_1223 = arith.constant 0 : index
          %parallel_loop3A_1224 = tpu.vector_load %arg14[%parallel_loop3A_1222, %parallel_loop3A_1223] {strides = array<i32>} : memref<128x64xf32, #tpu.memory_space<vmem>>, vector<16xf32>,
          tpu.vector_store %arg14[%parallel_loop3A_1222, %parallel_loop3A_1223], %parallel_loop3A_1216 {strides = array<i32>} : memref<128x64xf32, #tpu.memory_space<vmem>>, vector<16xf32>,
          %parallel_loop3A_1225 = arith.constant 25 : i32
          %parallel_loop3A_1226 = arith.addi %parallel_loop3A_116, %parallel_loop3A_1225 : i32
          %parallel_loop3A_1227 = arith.index_cast %parallel_loop3A_1226 : i32 to index
          %parallel_loop3A_1228 = arith.constant 16 : index
          %parallel_loop3A_1229 = tpu.vector_load %arg14[%parallel_loop3A_1227, %parallel_loop3A_1228] {strides = array<i32>} : memref<128x64xf32, #tpu.memory_space<vmem>>, vector<16xf32>,
          tpu.vector_store %arg14[%parallel_loop3A_1227, %parallel_loop3A_1228], %parallel_loop3A_1217 {strides = array<i32>} : memref<128x64xf32, #tpu.memory_space<vmem>>, vector<16xf32>,
          %parallel_loop3A_1230 = arith.constant 25 : i32
          %parallel_loop3A_1231 = arith.addi %parallel_loop3A_116, %parallel_loop3A_1230 : i32
          %parallel_loop3A_1232 = arith.index_cast %parallel_loop3A_1231 : i32 to index
          %parallel_loop3A_1233 = arith.constant 32 : index
          %parallel_loop3A_1234 = tpu.vector_load %arg14[%parallel_loop3A_1232, %parallel_loop3A_1233] {strides = array<i32>} : memref<128x64xf32, #tpu.memory_space<vmem>>, vector<16xf32>,
          tpu.vector_store %arg14[%parallel_loop3A_1232, %parallel_loop3A_1233], %parallel_loop3A_1218 {strides = array<i32>} : memref<128x64xf32, #tpu.memory_space<vmem>>, vector<16xf32>,
          %parallel_loop3A_1235 = arith.constant 25 : i32
          %parallel_loop3A_1236 = arith.addi %parallel_loop3A_116, %parallel_loop3A_1235 : i32
          %parallel_loop3A_1237 = arith.index_cast %parallel_loop3A_1236 : i32 to index
          %parallel_loop3A_1238 = arith.constant 48 : index
          %parallel_loop3A_1239 = tpu.vector_load %arg14[%parallel_loop3A_1237, %parallel_loop3A_1238] {strides = array<i32>} : memref<128x64xf32, #tpu.memory_space<vmem>>, vector<16xf32>,
          tpu.vector_store %arg14[%parallel_loop3A_1237, %parallel_loop3A_1238], %parallel_loop3A_1219 {strides = array<i32>} : memref<128x64xf32, #tpu.memory_space<vmem>>, vector<16xf32>,
          %parallel_loop3A_1240 = arith.constant 26 : i32
          %parallel_loop3A_1241 = arith.addi %parallel_loop3A_116, %parallel_loop3A_1240 : i32
          %parallel_loop3A_1242 = arith.index_cast %parallel_loop3A_1241 : i32 to index
          %parallel_loop3A_1243 = arith.constant 0 : index
          %parallel_loop3A_1244 = tpu.vector_load %arg12[%parallel_loop3A_1242, %parallel_loop3A_1243] {strides = array<i32>} : memref<128x64xbf16, #tpu.memory_space<vmem>>, vector<32xbf16>,
          %parallel_loop3A_1245 = arith.constant 26 : i32
          %parallel_loop3A_1246 = arith.addi %parallel_loop3A_116, %parallel_loop3A_1245 : i32
          %parallel_loop3A_1247 = arith.index_cast %parallel_loop3A_1246 : i32 to index
          %parallel_loop3A_1248 = arith.constant 32 : index
          %parallel_loop3A_1249 = tpu.vector_load %arg12[%parallel_loop3A_1247, %parallel_loop3A_1248] {strides = array<i32>} : memref<128x64xbf16, #tpu.memory_space<vmem>>, vector<32xbf16>,
          %parallel_loop3A_1250 = tpu.unpack_subelements %parallel_loop3A_1244, 0 {pack_format = #tpu.pack_format<interleaved>} : vector<32xbf16> -> vector<16xf32>
          %parallel_loop3A_1251 = tpu.unpack_subelements %parallel_loop3A_1244, 1 {pack_format = #tpu.pack_format<interleaved>} : vector<32xbf16> -> vector<16xf32>
          %parallel_loop3A_1252 = tpu.unpack_subelements %parallel_loop3A_1249, 0 {pack_format = #tpu.pack_format<interleaved>} : vector<32xbf16> -> vector<16xf32>
          %parallel_loop3A_1253 = tpu.unpack_subelements %parallel_loop3A_1249, 1 {pack_format = #tpu.pack_format<interleaved>} : vector<32xbf16> -> vector<16xf32>
          %parallel_loop3A_1254 = arith.mulf %parallel_loop3A_1250, %parallel_loop3A_231 : vector<16xf32>
          %parallel_loop3A_1255 = arith.mulf %parallel_loop3A_1251, %parallel_loop3A_231 : vector<16xf32>
          %parallel_loop3A_1256 = arith.mulf %parallel_loop3A_1252, %parallel_loop3A_231 : vector<16xf32>
          %parallel_loop3A_1257 = arith.mulf %parallel_loop3A_1253, %parallel_loop3A_231 : vector<16xf32>
          %parallel_loop3A_1258 = arith.constant 26 : i32
          %parallel_loop3A_1259 = arith.addi %parallel_loop3A_116, %parallel_loop3A_1258 : i32
          %parallel_loop3A_1260 = arith.index_cast %parallel_loop3A_1259 : i32 to index
          %parallel_loop3A_1261 = arith.constant 0 : index
          %parallel_loop3A_1262 = tpu.vector_load %arg14[%parallel_loop3A_1260, %parallel_loop3A_1261] {strides = array<i32>} : memref<128x64xf32, #tpu.memory_space<vmem>>, vector<16xf32>,
          tpu.vector_store %arg14[%parallel_loop3A_1260, %parallel_loop3A_1261], %parallel_loop3A_1254 {strides = array<i32>} : memref<128x64xf32, #tpu.memory_space<vmem>>, vector<16xf32>,
          %parallel_loop3A_1263 = arith.constant 26 : i32
          %parallel_loop3A_1264 = arith.addi %parallel_loop3A_116, %parallel_loop3A_1263 : i32
          %parallel_loop3A_1265 = arith.index_cast %parallel_loop3A_1264 : i32 to index
          %parallel_loop3A_1266 = arith.constant 16 : index
          %parallel_loop3A_1267 = tpu.vector_load %arg14[%parallel_loop3A_1265, %parallel_loop3A_1266] {strides = array<i32>} : memref<128x64xf32, #tpu.memory_space<vmem>>, vector<16xf32>,
          tpu.vector_store %arg14[%parallel_loop3A_1265, %parallel_loop3A_1266], %parallel_loop3A_1255 {strides = array<i32>} : memref<128x64xf32, #tpu.memory_space<vmem>>, vector<16xf32>,
          %parallel_loop3A_1268 = arith.constant 26 : i32
          %parallel_loop3A_1269 = arith.addi %parallel_loop3A_116, %parallel_loop3A_1268 : i32
          %parallel_loop3A_1270 = arith.index_cast %parallel_loop3A_1269 : i32 to index
          %parallel_loop3A_1271 = arith.constant 32 : index
          %parallel_loop3A_1272 = tpu.vector_load %arg14[%parallel_loop3A_1270, %parallel_loop3A_1271] {strides = array<i32>} : memref<128x64xf32, #tpu.memory_space<vmem>>, vector<16xf32>,
          tpu.vector_store %arg14[%parallel_loop3A_1270, %parallel_loop3A_1271], %parallel_loop3A_1256 {strides = array<i32>} : memref<128x64xf32, #tpu.memory_space<vmem>>, vector<16xf32>,
          %parallel_loop3A_1273 = arith.constant 26 : i32
          %parallel_loop3A_1274 = arith.addi %parallel_loop3A_116, %parallel_loop3A_1273 : i32
          %parallel_loop3A_1275 = arith.index_cast %parallel_loop3A_1274 : i32 to index
          %parallel_loop3A_1276 = arith.constant 48 : index
          %parallel_loop3A_1277 = tpu.vector_load %arg14[%parallel_loop3A_1275, %parallel_loop3A_1276] {strides = array<i32>} : memref<128x64xf32, #tpu.memory_space<vmem>>, vector<16xf32>,
          tpu.vector_store %arg14[%parallel_loop3A_1275, %parallel_loop3A_1276], %parallel_loop3A_1257 {strides = array<i32>} : memref<128x64xf32, #tpu.memory_space<vmem>>, vector<16xf32>,
          %parallel_loop3A_1278 = arith.constant 27 : i32
          %parallel_loop3A_1279 = arith.addi %parallel_loop3A_116, %parallel_loop3A_1278 : i32
          %parallel_loop3A_1280 = arith.index_cast %parallel_loop3A_1279 : i32 to index
          %parallel_loop3A_1281 = arith.constant 0 : index
          %parallel_loop3A_1282 = tpu.vector_load %arg12[%parallel_loop3A_1280, %parallel_loop3A_1281] {strides = array<i32>} : memref<128x64xbf16, #tpu.memory_space<vmem>>, vector<32xbf16>,
          %parallel_loop3A_1283 = arith.constant 27 : i32
          %parallel_loop3A_1284 = arith.addi %parallel_loop3A_116, %parallel_loop3A_1283 : i32
          %parallel_loop3A_1285 = arith.index_cast %parallel_loop3A_1284 : i32 to index
          %parallel_loop3A_1286 = arith.constant 32 : index
          %parallel_loop3A_1287 = tpu.vector_load %arg12[%parallel_loop3A_1285, %parallel_loop3A_1286] {strides = array<i32>} : memref<128x64xbf16, #tpu.memory_space<vmem>>, vector<32xbf16>,
          %parallel_loop3A_1288 = tpu.unpack_subelements %parallel_loop3A_1282, 0 {pack_format = #tpu.pack_format<interleaved>} : vector<32xbf16> -> vector<16xf32>
          %parallel_loop3A_1289 = tpu.unpack_subelements %parallel_loop3A_1282, 1 {pack_format = #tpu.pack_format<interleaved>} : vector<32xbf16> -> vector<16xf32>
          %parallel_loop3A_1290 = tpu.unpack_subelements %parallel_loop3A_1287, 0 {pack_format = #tpu.pack_format<interleaved>} : vector<32xbf16> -> vector<16xf32>
          %parallel_loop3A_1291 = tpu.unpack_subelements %parallel_loop3A_1287, 1 {pack_format = #tpu.pack_format<interleaved>} : vector<32xbf16> -> vector<16xf32>
          %parallel_loop3A_1292 = arith.mulf %parallel_loop3A_1288, %parallel_loop3A_235 : vector<16xf32>
          %parallel_loop3A_1293 = arith.mulf %parallel_loop3A_1289, %parallel_loop3A_235 : vector<16xf32>
          %parallel_loop3A_1294 = arith.mulf %parallel_loop3A_1290, %parallel_loop3A_235 : vector<16xf32>
          %parallel_loop3A_1295 = arith.mulf %parallel_loop3A_1291, %parallel_loop3A_235 : vector<16xf32>
          %parallel_loop3A_1296 = arith.constant 27 : i32
          %parallel_loop3A_1297 = arith.addi %parallel_loop3A_116, %parallel_loop3A_1296 : i32
          %parallel_loop3A_1298 = arith.index_cast %parallel_loop3A_1297 : i32 to index
          %parallel_loop3A_1299 = arith.constant 0 : index
          %parallel_loop3A_1300 = tpu.vector_load %arg14[%parallel_loop3A_1298, %parallel_loop3A_1299] {strides = array<i32>} : memref<128x64xf32, #tpu.memory_space<vmem>>, vector<16xf32>,
          tpu.vector_store %arg14[%parallel_loop3A_1298, %parallel_loop3A_1299], %parallel_loop3A_1292 {strides = array<i32>} : memref<128x64xf32, #tpu.memory_space<vmem>>, vector<16xf32>,
          %parallel_loop3A_1301 = arith.constant 27 : i32
          %parallel_loop3A_1302 = arith.addi %parallel_loop3A_116, %parallel_loop3A_1301 : i32
          %parallel_loop3A_1303 = arith.index_cast %parallel_loop3A_1302 : i32 to index
          %parallel_loop3A_1304 = arith.constant 16 : index
          %parallel_loop3A_1305 = tpu.vector_load %arg14[%parallel_loop3A_1303, %parallel_loop3A_1304] {strides = array<i32>} : memref<128x64xf32, #tpu.memory_space<vmem>>, vector<16xf32>,
          tpu.vector_store %arg14[%parallel_loop3A_1303, %parallel_loop3A_1304], %parallel_loop3A_1293 {strides = array<i32>} : memref<128x64xf32, #tpu.memory_space<vmem>>, vector<16xf32>,
          %parallel_loop3A_1306 = arith.constant 27 : i32
          %parallel_loop3A_1307 = arith.addi %parallel_loop3A_116, %parallel_loop3A_1306 : i32
          %parallel_loop3A_1308 = arith.index_cast %parallel_loop3A_1307 : i32 to index
          %parallel_loop3A_1309 = arith.constant 32 : index
          %parallel_loop3A_1310 = tpu.vector_load %arg14[%parallel_loop3A_1308, %parallel_loop3A_1309] {strides = array<i32>} : memref<128x64xf32, #tpu.memory_space<vmem>>, vector<16xf32>,
          tpu.vector_store %arg14[%parallel_loop3A_1308, %parallel_loop3A_1309], %parallel_loop3A_1294 {strides = array<i32>} : memref<128x64xf32, #tpu.memory_space<vmem>>, vector<16xf32>,
          %parallel_loop3A_1311 = arith.constant 27 : i32
          %parallel_loop3A_1312 = arith.addi %parallel_loop3A_116, %parallel_loop3A_1311 : i32
          %parallel_loop3A_1313 = arith.index_cast %parallel_loop3A_1312 : i32 to index
          %parallel_loop3A_1314 = arith.constant 48 : index
          %parallel_loop3A_1315 = tpu.vector_load %arg14[%parallel_loop3A_1313, %parallel_loop3A_1314] {strides = array<i32>} : memref<128x64xf32, #tpu.memory_space<vmem>>, vector<16xf32>,
          tpu.vector_store %arg14[%parallel_loop3A_1313, %parallel_loop3A_1314], %parallel_loop3A_1295 {strides = array<i32>} : memref<128x64xf32, #tpu.memory_space<vmem>>, vector<16xf32>,
          %parallel_loop3A_1316 = arith.constant 28 : i32
          %parallel_loop3A_1317 = arith.addi %parallel_loop3A_116, %parallel_loop3A_1316 : i32
          %parallel_loop3A_1318 = arith.index_cast %parallel_loop3A_1317 : i32 to index
          %parallel_loop3A_1319 = arith.constant 0 : index
          %parallel_loop3A_1320 = tpu.vector_load %arg12[%parallel_loop3A_1318, %parallel_loop3A_1319] {strides = array<i32>} : memref<128x64xbf16, #tpu.memory_space<vmem>>, vector<32xbf16>,
          %parallel_loop3A_1321 = arith.constant 28 : i32
          %parallel_loop3A_1322 = arith.addi %parallel_loop3A_116, %parallel_loop3A_1321 : i32
          %parallel_loop3A_1323 = arith.index_cast %parallel_loop3A_1322 : i32 to index
          %parallel_loop3A_1324 = arith.constant 32 : index
          %parallel_loop3A_1325 = tpu.vector_load %arg12[%parallel_loop3A_1323, %parallel_loop3A_1324] {strides = array<i32>} : memref<128x64xbf16, #tpu.memory_space<vmem>>, vector<32xbf16>,
          %parallel_loop3A_1326 = tpu.unpack_subelements %parallel_loop3A_1320, 0 {pack_format = #tpu.pack_format<interleaved>} : vector<32xbf16> -> vector<16xf32>
          %parallel_loop3A_1327 = tpu.unpack_subelements %parallel_loop3A_1320, 1 {pack_format = #tpu.pack_format<interleaved>} : vector<32xbf16> -> vector<16xf32>
          %parallel_loop3A_1328 = tpu.unpack_subelements %parallel_loop3A_1325, 0 {pack_format = #tpu.pack_format<interleaved>} : vector<32xbf16> -> vector<16xf32>
          %parallel_loop3A_1329 = tpu.unpack_subelements %parallel_loop3A_1325, 1 {pack_format = #tpu.pack_format<interleaved>} : vector<32xbf16> -> vector<16xf32>
          %parallel_loop3A_1330 = arith.mulf %parallel_loop3A_1326, %parallel_loop3A_239 : vector<16xf32>
          %parallel_loop3A_1331 = arith.mulf %parallel_loop3A_1327, %parallel_loop3A_239 : vector<16xf32>
          %parallel_loop3A_1332 = arith.mulf %parallel_loop3A_1328, %parallel_loop3A_239 : vector<16xf32>
          %parallel_loop3A_1333 = arith.mulf %parallel_loop3A_1329, %parallel_loop3A_239 : vector<16xf32>
          %parallel_loop3A_1334 = arith.constant 28 : i32
          %parallel_loop3A_1335 = arith.addi %parallel_loop3A_116, %parallel_loop3A_1334 : i32
          %parallel_loop3A_1336 = arith.index_cast %parallel_loop3A_1335 : i32 to index
          %parallel_loop3A_1337 = arith.constant 0 : index
          %parallel_loop3A_1338 = tpu.vector_load %arg14[%parallel_loop3A_1336, %parallel_loop3A_1337] {strides = array<i32>} : memref<128x64xf32, #tpu.memory_space<vmem>>, vector<16xf32>,
          tpu.vector_store %arg14[%parallel_loop3A_1336, %parallel_loop3A_1337], %parallel_loop3A_1330 {strides = array<i32>} : memref<128x64xf32, #tpu.memory_space<vmem>>, vector<16xf32>,
          %parallel_loop3A_1339 = arith.constant 28 : i32
          %parallel_loop3A_1340 = arith.addi %parallel_loop3A_116, %parallel_loop3A_1339 : i32
          %parallel_loop3A_1341 = arith.index_cast %parallel_loop3A_1340 : i32 to index
          %parallel_loop3A_1342 = arith.constant 16 : index
          %parallel_loop3A_1343 = tpu.vector_load %arg14[%parallel_loop3A_1341, %parallel_loop3A_1342] {strides = array<i32>} : memref<128x64xf32, #tpu.memory_space<vmem>>, vector<16xf32>,
          tpu.vector_store %arg14[%parallel_loop3A_1341, %parallel_loop3A_1342], %parallel_loop3A_1331 {strides = array<i32>} : memref<128x64xf32, #tpu.memory_space<vmem>>, vector<16xf32>,
          %parallel_loop3A_1344 = arith.constant 28 : i32
          %parallel_loop3A_1345 = arith.addi %parallel_loop3A_116, %parallel_loop3A_1344 : i32
          %parallel_loop3A_1346 = arith.index_cast %parallel_loop3A_1345 : i32 to index
          %parallel_loop3A_1347 = arith.constant 32 : index
          %parallel_loop3A_1348 = tpu.vector_load %arg14[%parallel_loop3A_1346, %parallel_loop3A_1347] {strides = array<i32>} : memref<128x64xf32, #tpu.memory_space<vmem>>, vector<16xf32>,
          tpu.vector_store %arg14[%parallel_loop3A_1346, %parallel_loop3A_1347], %parallel_loop3A_1332 {strides = array<i32>} : memref<128x64xf32, #tpu.memory_space<vmem>>, vector<16xf32>,
          %parallel_loop3A_1349 = arith.constant 28 : i32
          %parallel_loop3A_1350 = arith.addi %parallel_loop3A_116, %parallel_loop3A_1349 : i32
          %parallel_loop3A_1351 = arith.index_cast %parallel_loop3A_1350 : i32 to index
          %parallel_loop3A_1352 = arith.constant 48 : index
          %parallel_loop3A_1353 = tpu.vector_load %arg14[%parallel_loop3A_1351, %parallel_loop3A_1352] {strides = array<i32>} : memref<128x64xf32, #tpu.memory_space<vmem>>, vector<16xf32>,
          tpu.vector_store %arg14[%parallel_loop3A_1351, %parallel_loop3A_1352], %parallel_loop3A_1333 {strides = array<i32>} : memref<128x64xf32, #tpu.memory_space<vmem>>, vector<16xf32>,
          %parallel_loop3A_1354 = arith.constant 29 : i32
          %parallel_loop3A_1355 = arith.addi %parallel_loop3A_116, %parallel_loop3A_1354 : i32
          %parallel_loop3A_1356 = arith.index_cast %parallel_loop3A_1355 : i32 to index
          %parallel_loop3A_1357 = arith.constant 0 : index
          %parallel_loop3A_1358 = tpu.vector_load %arg12[%parallel_loop3A_1356, %parallel_loop3A_1357] {strides = array<i32>} : memref<128x64xbf16, #tpu.memory_space<vmem>>, vector<32xbf16>,
          %parallel_loop3A_1359 = arith.constant 29 : i32
          %parallel_loop3A_1360 = arith.addi %parallel_loop3A_116, %parallel_loop3A_1359 : i32
          %parallel_loop3A_1361 = arith.index_cast %parallel_loop3A_1360 : i32 to index
          %parallel_loop3A_1362 = arith.constant 32 : index
          %parallel_loop3A_1363 = tpu.vector_load %arg12[%parallel_loop3A_1361, %parallel_loop3A_1362] {strides = array<i32>} : memref<128x64xbf16, #tpu.memory_space<vmem>>, vector<32xbf16>,
          %parallel_loop3A_1364 = tpu.unpack_subelements %parallel_loop3A_1358, 0 {pack_format = #tpu.pack_format<interleaved>} : vector<32xbf16> -> vector<16xf32>
          %parallel_loop3A_1365 = tpu.unpack_subelements %parallel_loop3A_1358, 1 {pack_format = #tpu.pack_format<interleaved>} : vector<32xbf16> -> vector<16xf32>
          %parallel_loop3A_1366 = tpu.unpack_subelements %parallel_loop3A_1363, 0 {pack_format = #tpu.pack_format<interleaved>} : vector<32xbf16> -> vector<16xf32>
          %parallel_loop3A_1367 = tpu.unpack_subelements %parallel_loop3A_1363, 1 {pack_format = #tpu.pack_format<interleaved>} : vector<32xbf16> -> vector<16xf32>
          %parallel_loop3A_1368 = arith.mulf %parallel_loop3A_1364, %parallel_loop3A_243 : vector<16xf32>
          %parallel_loop3A_1369 = arith.mulf %parallel_loop3A_1365, %parallel_loop3A_243 : vector<16xf32>
          %parallel_loop3A_1370 = arith.mulf %parallel_loop3A_1366, %parallel_loop3A_243 : vector<16xf32>
          %parallel_loop3A_1371 = arith.mulf %parallel_loop3A_1367, %parallel_loop3A_243 : vector<16xf32>
          %parallel_loop3A_1372 = arith.constant 29 : i32
          %parallel_loop3A_1373 = arith.addi %parallel_loop3A_116, %parallel_loop3A_1372 : i32
          %parallel_loop3A_1374 = arith.index_cast %parallel_loop3A_1373 : i32 to index
          %parallel_loop3A_1375 = arith.constant 0 : index
          %parallel_loop3A_1376 = tpu.vector_load %arg14[%parallel_loop3A_1374, %parallel_loop3A_1375] {strides = array<i32>} : memref<128x64xf32, #tpu.memory_space<vmem>>, vector<16xf32>,
          tpu.vector_store %arg14[%parallel_loop3A_1374, %parallel_loop3A_1375], %parallel_loop3A_1368 {strides = array<i32>} : memref<128x64xf32, #tpu.memory_space<vmem>>, vector<16xf32>,
          %parallel_loop3A_1377 = arith.constant 29 : i32
          %parallel_loop3A_1378 = arith.addi %parallel_loop3A_116, %parallel_loop3A_1377 : i32
          %parallel_loop3A_1379 = arith.index_cast %parallel_loop3A_1378 : i32 to index
          %parallel_loop3A_1380 = arith.constant 16 : index
          %parallel_loop3A_1381 = tpu.vector_load %arg14[%parallel_loop3A_1379, %parallel_loop3A_1380] {strides = array<i32>} : memref<128x64xf32, #tpu.memory_space<vmem>>, vector<16xf32>,
          tpu.vector_store %arg14[%parallel_loop3A_1379, %parallel_loop3A_1380], %parallel_loop3A_1369 {strides = array<i32>} : memref<128x64xf32, #tpu.memory_space<vmem>>, vector<16xf32>,
          %parallel_loop3A_1382 = arith.constant 29 : i32
          %parallel_loop3A_1383 = arith.addi %parallel_loop3A_116, %parallel_loop3A_1382 : i32
          %parallel_loop3A_1384 = arith.index_cast %parallel_loop3A_1383 : i32 to index
          %parallel_loop3A_1385 = arith.constant 32 : index
          %parallel_loop3A_1386 = tpu.vector_load %arg14[%parallel_loop3A_1384, %parallel_loop3A_1385] {strides = array<i32>} : memref<128x64xf32, #tpu.memory_space<vmem>>, vector<16xf32>,
          tpu.vector_store %arg14[%parallel_loop3A_1384, %parallel_loop3A_1385], %parallel_loop3A_1370 {strides = array<i32>} : memref<128x64xf32, #tpu.memory_space<vmem>>, vector<16xf32>,
          %parallel_loop3A_1387 = arith.constant 29 : i32
          %parallel_loop3A_1388 = arith.addi %parallel_loop3A_116, %parallel_loop3A_1387 : i32
          %parallel_loop3A_1389 = arith.index_cast %parallel_loop3A_1388 : i32 to index
          %parallel_loop3A_1390 = arith.constant 48 : index
          %parallel_loop3A_1391 = tpu.vector_load %arg14[%parallel_loop3A_1389, %parallel_loop3A_1390] {strides = array<i32>} : memref<128x64xf32, #tpu.memory_space<vmem>>, vector<16xf32>,
          tpu.vector_store %arg14[%parallel_loop3A_1389, %parallel_loop3A_1390], %parallel_loop3A_1371 {strides = array<i32>} : memref<128x64xf32, #tpu.memory_space<vmem>>, vector<16xf32>,
          %parallel_loop3A_1392 = arith.constant 30 : i32
          %parallel_loop3A_1393 = arith.addi %parallel_loop3A_116, %parallel_loop3A_1392 : i32
          %parallel_loop3A_1394 = arith.index_cast %parallel_loop3A_1393 : i32 to index
          %parallel_loop3A_1395 = arith.constant 0 : index
          %parallel_loop3A_1396 = tpu.vector_load %arg12[%parallel_loop3A_1394, %parallel_loop3A_1395] {strides = array<i32>} : memref<128x64xbf16, #tpu.memory_space<vmem>>, vector<32xbf16>,
          %parallel_loop3A_1397 = arith.constant 30 : i32
          %parallel_loop3A_1398 = arith.addi %parallel_loop3A_116, %parallel_loop3A_1397 : i32
          %parallel_loop3A_1399 = arith.index_cast %parallel_loop3A_1398 : i32 to index
          %parallel_loop3A_1400 = arith.constant 32 : index
          %parallel_loop3A_1401 = tpu.vector_load %arg12[%parallel_loop3A_1399, %parallel_loop3A_1400] {strides = array<i32>} : memref<128x64xbf16, #tpu.memory_space<vmem>>, vector<32xbf16>,
          %parallel_loop3A_1402 = tpu.unpack_subelements %parallel_loop3A_1396, 0 {pack_format = #tpu.pack_format<interleaved>} : vector<32xbf16> -> vector<16xf32>
          %parallel_loop3A_1403 = tpu.unpack_subelements %parallel_loop3A_1396, 1 {pack_format = #tpu.pack_format<interleaved>} : vector<32xbf16> -> vector<16xf32>
          %parallel_loop3A_1404 = tpu.unpack_subelements %parallel_loop3A_1401, 0 {pack_format = #tpu.pack_format<interleaved>} : vector<32xbf16> -> vector<16xf32>
          %parallel_loop3A_1405 = tpu.unpack_subelements %parallel_loop3A_1401, 1 {pack_format = #tpu.pack_format<interleaved>} : vector<32xbf16> -> vector<16xf32>
          %parallel_loop3A_1406 = arith.mulf %parallel_loop3A_1402, %parallel_loop3A_247 : vector<16xf32>
          %parallel_loop3A_1407 = arith.mulf %parallel_loop3A_1403, %parallel_loop3A_247 : vector<16xf32>
          %parallel_loop3A_1408 = arith.mulf %parallel_loop3A_1404, %parallel_loop3A_247 : vector<16xf32>
          %parallel_loop3A_1409 = arith.mulf %parallel_loop3A_1405, %parallel_loop3A_247 : vector<16xf32>
          %parallel_loop3A_1410 = arith.constant 30 : i32
          %parallel_loop3A_1411 = arith.addi %parallel_loop3A_116, %parallel_loop3A_1410 : i32
          %parallel_loop3A_1412 = arith.index_cast %parallel_loop3A_1411 : i32 to index
          %parallel_loop3A_1413 = arith.constant 0 : index
          %parallel_loop3A_1414 = tpu.vector_load %arg14[%parallel_loop3A_1412, %parallel_loop3A_1413] {strides = array<i32>} : memref<128x64xf32, #tpu.memory_space<vmem>>, vector<16xf32>,
          tpu.vector_store %arg14[%parallel_loop3A_1412, %parallel_loop3A_1413], %parallel_loop3A_1406 {strides = array<i32>} : memref<128x64xf32, #tpu.memory_space<vmem>>, vector<16xf32>,
          %parallel_loop3A_1415 = arith.constant 30 : i32
          %parallel_loop3A_1416 = arith.addi %parallel_loop3A_116, %parallel_loop3A_1415 : i32
          %parallel_loop3A_1417 = arith.index_cast %parallel_loop3A_1416 : i32 to index
          %parallel_loop3A_1418 = arith.constant 16 : index
          %parallel_loop3A_1419 = tpu.vector_load %arg14[%parallel_loop3A_1417, %parallel_loop3A_1418] {strides = array<i32>} : memref<128x64xf32, #tpu.memory_space<vmem>>, vector<16xf32>,
          tpu.vector_store %arg14[%parallel_loop3A_1417, %parallel_loop3A_1418], %parallel_loop3A_1407 {strides = array<i32>} : memref<128x64xf32, #tpu.memory_space<vmem>>, vector<16xf32>,
          %parallel_loop3A_1420 = arith.constant 30 : i32
          %parallel_loop3A_1421 = arith.addi %parallel_loop3A_116, %parallel_loop3A_1420 : i32
          %parallel_loop3A_1422 = arith.index_cast %parallel_loop3A_1421 : i32 to index
          %parallel_loop3A_1423 = arith.constant 32 : index
          %parallel_loop3A_1424 = tpu.vector_load %arg14[%parallel_loop3A_1422, %parallel_loop3A_1423] {strides = array<i32>} : memref<128x64xf32, #tpu.memory_space<vmem>>, vector<16xf32>,
          tpu.vector_store %arg14[%parallel_loop3A_1422, %parallel_loop3A_1423], %parallel_loop3A_1408 {strides = array<i32>} : memref<128x64xf32, #tpu.memory_space<vmem>>, vector<16xf32>,
          %parallel_loop3A_1425 = arith.constant 30 : i32
          %parallel_loop3A_1426 = arith.addi %parallel_loop3A_116, %parallel_loop3A_1425 : i32
          %parallel_loop3A_1427 = arith.index_cast %parallel_loop3A_1426 : i32 to index
          %parallel_loop3A_1428 = arith.constant 48 : index
          %parallel_loop3A_1429 = tpu.vector_load %arg14[%parallel_loop3A_1427, %parallel_loop3A_1428] {strides = array<i32>} : memref<128x64xf32, #tpu.memory_space<vmem>>, vector<16xf32>,
          tpu.vector_store %arg14[%parallel_loop3A_1427, %parallel_loop3A_1428], %parallel_loop3A_1409 {strides = array<i32>} : memref<128x64xf32, #tpu.memory_space<vmem>>, vector<16xf32>,
          %parallel_loop3A_1430 = arith.constant 31 : i32
          %parallel_loop3A_1431 = arith.addi %parallel_loop3A_116, %parallel_loop3A_1430 : i32
          %parallel_loop3A_1432 = arith.index_cast %parallel_loop3A_1431 : i32 to index
          %parallel_loop3A_1433 = arith.constant 0 : index
          %parallel_loop3A_1434 = tpu.vector_load %arg12[%parallel_loop3A_1432, %parallel_loop3A_1433] {strides = array<i32>} : memref<128x64xbf16, #tpu.memory_space<vmem>>, vector<32xbf16>,
          %parallel_loop3A_1435 = arith.constant 31 : i32
          %parallel_loop3A_1436 = arith.addi %parallel_loop3A_116, %parallel_loop3A_1435 : i32
          %parallel_loop3A_1437 = arith.index_cast %parallel_loop3A_1436 : i32 to index
          %parallel_loop3A_1438 = arith.constant 32 : index
          %parallel_loop3A_1439 = tpu.vector_load %arg12[%parallel_loop3A_1437, %parallel_loop3A_1438] {strides = array<i32>} : memref<128x64xbf16, #tpu.memory_space<vmem>>, vector<32xbf16>,
          %parallel_loop3A_1440 = tpu.unpack_subelements %parallel_loop3A_1434, 0 {pack_format = #tpu.pack_format<interleaved>} : vector<32xbf16> -> vector<16xf32>
          %parallel_loop3A_1441 = tpu.unpack_subelements %parallel_loop3A_1434, 1 {pack_format = #tpu.pack_format<interleaved>} : vector<32xbf16> -> vector<16xf32>
          %parallel_loop3A_1442 = tpu.unpack_subelements %parallel_loop3A_1439, 0 {pack_format = #tpu.pack_format<interleaved>} : vector<32xbf16> -> vector<16xf32>
          %parallel_loop3A_1443 = tpu.unpack_subelements %parallel_loop3A_1439, 1 {pack_format = #tpu.pack_format<interleaved>} : vector<32xbf16> -> vector<16xf32>
          %parallel_loop3A_1444 = arith.mulf %parallel_loop3A_1440, %parallel_loop3A_251 : vector<16xf32>
          %parallel_loop3A_1445 = arith.mulf %parallel_loop3A_1441, %parallel_loop3A_251 : vector<16xf32>
          %parallel_loop3A_1446 = arith.mulf %parallel_loop3A_1442, %parallel_loop3A_251 : vector<16xf32>
          %parallel_loop3A_1447 = arith.mulf %parallel_loop3A_1443, %parallel_loop3A_251 : vector<16xf32>
          %parallel_loop3A_1448 = arith.constant 31 : i32
          %parallel_loop3A_1449 = arith.addi %parallel_loop3A_116, %parallel_loop3A_1448 : i32
          %parallel_loop3A_1450 = arith.index_cast %parallel_loop3A_1449 : i32 to index
          %parallel_loop3A_1451 = arith.constant 0 : index
          %parallel_loop3A_1452 = tpu.vector_load %arg14[%parallel_loop3A_1450, %parallel_loop3A_1451] {strides = array<i32>} : memref<128x64xf32, #tpu.memory_space<vmem>>, vector<16xf32>,
          tpu.vector_store %arg14[%parallel_loop3A_1450, %parallel_loop3A_1451], %parallel_loop3A_1444 {strides = array<i32>} : memref<128x64xf32, #tpu.memory_space<vmem>>, vector<16xf32>,
          %parallel_loop3A_1453 = arith.constant 31 : i32
          %parallel_loop3A_1454 = arith.addi %parallel_loop3A_116, %parallel_loop3A_1453 : i32
          %parallel_loop3A_1455 = arith.index_cast %parallel_loop3A_1454 : i32 to index
          %parallel_loop3A_1456 = arith.constant 16 : index
          %parallel_loop3A_1457 = tpu.vector_load %arg14[%parallel_loop3A_1455, %parallel_loop3A_1456] {strides = array<i32>} : memref<128x64xf32, #tpu.memory_space<vmem>>, vector<16xf32>,
          tpu.vector_store %arg14[%parallel_loop3A_1455, %parallel_loop3A_1456], %parallel_loop3A_1445 {strides = array<i32>} : memref<128x64xf32, #tpu.memory_space<vmem>>, vector<16xf32>,
          %parallel_loop3A_1458 = arith.constant 31 : i32
          %parallel_loop3A_1459 = arith.addi %parallel_loop3A_116, %parallel_loop3A_1458 : i32
          %parallel_loop3A_1460 = arith.index_cast %parallel_loop3A_1459 : i32 to index
          %parallel_loop3A_1461 = arith.constant 32 : index
          %parallel_loop3A_1462 = tpu.vector_load %arg14[%parallel_loop3A_1460, %parallel_loop3A_1461] {strides = array<i32>} : memref<128x64xf32, #tpu.memory_space<vmem>>, vector<16xf32>,
          tpu.vector_store %arg14[%parallel_loop3A_1460, %parallel_loop3A_1461], %parallel_loop3A_1446 {strides = array<i32>} : memref<128x64xf32, #tpu.memory_space<vmem>>, vector<16xf32>,
          %parallel_loop3A_1463 = arith.constant 31 : i32
          %parallel_loop3A_1464 = arith.addi %parallel_loop3A_116, %parallel_loop3A_1463 : i32
          %parallel_loop3A_1465 = arith.index_cast %parallel_loop3A_1464 : i32 to index
          %parallel_loop3A_1466 = arith.constant 48 : index
          %parallel_loop3A_1467 = tpu.vector_load %arg14[%parallel_loop3A_1465, %parallel_loop3A_1466] {strides = array<i32>} : memref<128x64xf32, #tpu.memory_space<vmem>>, vector<16xf32>,
          tpu.vector_store %arg14[%parallel_loop3A_1465, %parallel_loop3A_1466], %parallel_loop3A_1447 {strides = array<i32>} : memref<128x64xf32, #tpu.memory_space<vmem>>, vector<16xf32>,
        } {sc.loop_unroll_factor = 2 : i64, sc.parallel_access}
        %add3A_103 = arith.constant 2 : i32
        %add3A_104 = arith.addi %add3A_84, %add3A_103 : i32
        %lt3A_105 = arith.constant 128 : i32
        %lt3A_106 = arith.cmpi slt, %add3A_104, %lt3A_105 : i32
        %convert_element_type3A_107 = arith.extui %lt3A_106 : i1 to i32
        %cond3A_108 = arith.constant 0 : i32
        %cond3A_109 = arith.cmpi ne, %convert_element_type3A_107, %cond3A_108 : i32
        scf.if %cond3A_109 {
          %mul3A_116 = arith.constant 128 : i32
          %mul3A_117 = arith.muli %add3A_104, %mul3A_116 : i32
          %dma_start3A_118 = tpu.memref_slice %arg8[%mul3A_117] : memref<16384xi32, #tpu.memory_space<vmem>> -> memref<128xi32, #tpu.memory_space<vmem>>
          %dma_start3A_119 = arith.constant 0 : i32
          %dma_start3A_120 = arith.constant 0 : i32
          %dma_start3A_121 = tpu.memref_slice %arg2[%add3A_13, %dma_start3A_119, %dma_start3A_120] : memref<32x16384x64xbf16, #tpu.memory_space<hbm>> -> memref<1x16384x64xbf16, #tpu.memory_space<hbm>>
          %dma_start3A_122 = tpu.memref_squeeze %dma_start3A_121 : memref<1x16384x64xbf16, #tpu.memory_space<hbm>> -> memref<16384x64xbf16, #tpu.memory_space<hbm>>
          %dma_start3A_123 = arith.constant 0 : i32
          %dma_start3A_124 = arith.constant 0 : i32
          %dma_start3A_125 = tpu.memref_slice %dma_start3A_122[%dma_start3A_123, %dma_start3A_124] : memref<16384x64xbf16, #tpu.memory_space<hbm>> -> memref<16384x64xbf16, #tpu.memory_space<hbm>>
          tpu.enqueue_indirect_dma source(%dma_start3A_125 : memref<16384x64xbf16, #tpu.memory_space<hbm>>) target(%arg12 : memref<128x64xbf16, #tpu.memory_space<vmem>>) offsets(%dma_start3A_118 : memref<128xi32, #tpu.memory_space<vmem>>) semaphore(%arg17 : memref<!tpu.dma_semaphore, #tpu.memory_space<semaphore_mem>>)
        } else {
        }
        %dma_start3A_110 = arith.constant 0 : i32
        %dma_start3A_111 = tpu.memref_slice %arg9[%add3A_84, %dma_start3A_110] : memref<128x128xi32, #tpu.memory_space<vmem>> -> memref<1x128xi32, #tpu.memory_space<vmem>>
        %dma_start3A_112 = tpu.memref_squeeze %dma_start3A_111 : memref<1x128xi32, #tpu.memory_space<vmem>> -> memref<128xi32, #tpu.memory_space<vmem>>
        %dma_start3A_113 = arith.constant 0 : i32
        %dma_start3A_114 = arith.constant 0 : i32
        %dma_start3A_115 = tpu.memref_slice %arg15[%dma_start3A_113, %dma_start3A_114] : memref<16384x64xf32, #tpu.memory_space<vmem_shared>> -> memref<16384x64xf32, #tpu.memory_space<vmem_shared>>
        tpu.enqueue_indirect_dma source(%arg14 : memref<128x64xf32, #tpu.memory_space<vmem>>) target(%dma_start3A_115 : memref<16384x64xf32, #tpu.memory_space<vmem_shared>>) offsets(%dma_start3A_112 : memref<128xi32, #tpu.memory_space<vmem>>) semaphore(%arg19 : memref<!tpu.dma_semaphore, #tpu.memory_space<semaphore_mem>>) {add = true}
      }
      %scan3A_35 = arith.constant 64 : i32
      %dma_wait3A = arith.constant 126 : i32
      %dma_wait3A_36 = arith.constant 0 : i32
      %dma_wait3A_37 = tpu.memref_slice %arg9[%dma_wait3A, %dma_wait3A_36] : memref<128x128xi32, #tpu.memory_space<vmem>> -> memref<1x128xi32, #tpu.memory_space<vmem>>
      %dma_wait3A_38 = tpu.memref_squeeze %dma_wait3A_37 : memref<1x128xi32, #tpu.memory_space<vmem>> -> memref<128xi32, #tpu.memory_space<vmem>>
      %dma_wait3A_39 = arith.constant 0 : i32
      %dma_wait3A_40 = arith.constant 0 : i32
      %dma_wait3A_41 = tpu.memref_slice %arg15[%dma_wait3A_39, %dma_wait3A_40] : memref<16384x64xf32, #tpu.memory_space<vmem_shared>> -> memref<16384x64xf32, #tpu.memory_space<vmem_shared>>
      tpu.wait_indirect_dma semaphore(%arg18 : memref<!tpu.dma_semaphore, #tpu.memory_space<semaphore_mem>>) src(%arg13 : memref<128x64xf32, #tpu.memory_space<vmem>>) dst(%dma_wait3A_41 : memref<16384x64xf32, #tpu.memory_space<vmem_shared>>)
      %dma_wait3A_42 = arith.constant 127 : i32
      %dma_wait3A_43 = arith.constant 0 : i32
      %dma_wait3A_44 = tpu.memref_slice %arg9[%dma_wait3A_42, %dma_wait3A_43] : memref<128x128xi32, #tpu.memory_space<vmem>> -> memref<1x128xi32, #tpu.memory_space<vmem>>
      %dma_wait3A_45 = tpu.memref_squeeze %dma_wait3A_44 : memref<1x128xi32, #tpu.memory_space<vmem>> -> memref<128xi32, #tpu.memory_space<vmem>>
      %dma_wait3A_46 = arith.constant 0 : i32
      %dma_wait3A_47 = arith.constant 0 : i32
      %dma_wait3A_48 = tpu.memref_slice %arg15[%dma_wait3A_46, %dma_wait3A_47] : memref<16384x64xf32, #tpu.memory_space<vmem_shared>> -> memref<16384x64xf32, #tpu.memory_space<vmem_shared>>
      tpu.wait_indirect_dma semaphore(%arg19 : memref<!tpu.dma_semaphore, #tpu.memory_space<semaphore_mem>>) src(%arg14 : memref<128x64xf32, #tpu.memory_space<vmem>>) dst(%dma_wait3A_48 : memref<16384x64xf32, #tpu.memory_space<vmem_shared>>)
      %barrier3A_49 = arith.constant 0 : index
      tpu.barrier barrier_id(%barrier3A_49)
      "tpu.region"() ({
        %run_scoped3A = tpu.sem_alloc : memref<!tpu.dma_semaphore, #tpu.memory_space<semaphore_mem>>
        %dma_start3A_50 = arith.constant 0 : i32
        %dma_start3A_51 = tpu.memref_slice %arg7[%add3A_13, %mul3A_2, %dma_start3A_50] : memref<32x16384x64xf32, #tpu.memory_space<hbm>> -> memref<1x1024x64xf32, #tpu.memory_space<hbm>>
        %dma_start3A_52 = tpu.memref_squeeze %dma_start3A_51 : memref<1x1024x64xf32, #tpu.memory_space<hbm>> -> memref<1024x64xf32, #tpu.memory_space<hbm>>
        %dma_start3A_53 = arith.constant 0 : i32
        %dma_start3A_54 = tpu.memref_slice %arg15[%mul3A_2, %dma_start3A_53] : memref<16384x64xf32, #tpu.memory_space<vmem_shared>> -> memref<1024x64xf32, #tpu.memory_space<vmem_shared>>
        tpu.enqueue_dma source(%dma_start3A_54 : memref<1024x64xf32, #tpu.memory_space<vmem_shared>>) target(%dma_start3A_52 : memref<1024x64xf32, #tpu.memory_space<hbm>>) target_semaphore(%run_scoped3A : memref<!tpu.dma_semaphore, #tpu.memory_space<semaphore_mem>>)
        %dma_wait3A_55 = arith.constant 0 : i32
        %dma_wait3A_56 = tpu.memref_slice %arg7[%add3A_13, %mul3A_2, %dma_wait3A_55] : memref<32x16384x64xf32, #tpu.memory_space<hbm>> -> memref<1x1024x64xf32, #tpu.memory_space<hbm>>
        %dma_wait3A_57 = tpu.memref_squeeze %dma_wait3A_56 : memref<1x1024x64xf32, #tpu.memory_space<hbm>> -> memref<1024x64xf32, #tpu.memory_space<hbm>>
        %dma_wait3A_58 = arith.constant 0 : i32
        %dma_wait3A_59 = tpu.memref_slice %arg15[%mul3A_2, %dma_wait3A_58] : memref<16384x64xf32, #tpu.memory_space<vmem_shared>> -> memref<1024x64xf32, #tpu.memory_space<vmem_shared>>
        tpu.wait_dma2 semaphore(%run_scoped3A : memref<!tpu.dma_semaphore, #tpu.memory_space<semaphore_mem>>) src(%dma_wait3A_59 : memref<1024x64xf32, #tpu.memory_space<vmem_shared>>) dst(%dma_wait3A_57 : memref<1024x64xf32, #tpu.memory_space<hbm>>)
        tpu.yield
      }) : () -> ()
    }
    %scan3A_6 = arith.constant 16 : i32
    return
  }
}

module attributes {stable_mosaic.version = 14 : i64} {
  func.func @_mm_body(%arg0: i32, %arg1: memref<2048x64xf32, #tpu.memory_space<vmem>>, %arg2: memref<64x64xf32, #tpu.memory_space<vmem>>, %arg3: memref<2048x64xbf16, #tpu.memory_space<vmem>>) attributes {dimension_semantics = [#tpu.dimension_semantics<arbitrary>], iteration_bounds = array<i64: 256>, scalar_prefetch = 0 : i64, scratch_operands = 0 : i64, tpu.core_type = #tpu.core_type<tc>, window_params = [{transform_indices = @transform_0, window_bounds = array<i64: 2048, 64>}, {pipeline_mode = #tpu.pipeline_mode<synchronous>, transform_indices = @transform_1, window_bounds = array<i64: 64, 64>}, {transform_indices = @transform_2, window_bounds = array<i64: 2048, 64>}]} {
    %get3A = arith.constant 0 : index
    %get3A_0 = arith.constant 0 : index
    %get3A_1 = vector.load %arg1[%get3A, %get3A_0] : memref<2048x64xf32, #tpu.memory_space<vmem>>, vector<2048x64xf32>
    %get3A_2 = arith.constant 0 : index
    %get3A_3 = arith.constant 0 : index
    %get3A_4 = vector.load %arg2[%get3A_2, %get3A_3] : memref<64x64xf32, #tpu.memory_space<vmem>>, vector<64x64xf32>
    %dot_general3A = arith.constant dense<0.000000e+00> : vector<2048x64xf32>
    %dot_general3A_5 = tpu.matmul %get3A_1, %get3A_4, %dot_general3A {dimension_numbers = #tpu.dot_dimension_numbers<[1], [0], [0], [1], [0, 0, 1, 1], [], []>, precision = #tpu.contract_precision<fp32>, transpose_lhs_hint = false} : vector<2048x64xf32>, vector<64x64xf32>, vector<2048x64xf32> -> vector<2048x64xf32>
    %convert_element_type3A = arith.truncf %dot_general3A_5 : vector<2048x64xf32> to vector<2048x64xbf16>
    %swap3A = arith.constant 0 : index
    %swap3A_6 = arith.constant 0 : index
    %swap3A_7 = vector.load %arg3[%swap3A, %swap3A_6] : memref<2048x64xbf16, #tpu.memory_space<vmem>>, vector<2048x64xbf16>
    tpu.vector_store %arg3[%swap3A, %swap3A_6], %convert_element_type3A {strides = array<i32>} : memref<2048x64xbf16, #tpu.memory_space<vmem>>, vector<2048x64xbf16>,
    return
  }
  func.func @transform_0(%arg0: i32) -> (i32, i32) {
    %c0_i32 = arith.constant 0 : i32
    %c0_i32_0 = arith.constant 0 : i32
    return %arg0, %c0_i32 : i32, i32
  }
  func.func @transform_1(%arg0: i32) -> (i32, i32) {
    %c0_i32 = arith.constant 0 : i32
    %c0_i32_0 = arith.constant 0 : i32
    %c0_i32_1 = arith.constant 0 : i32
    return %c0_i32, %c0_i32_0 : i32, i32
  }
  func.func @transform_2(%arg0: i32) -> (i32, i32) {
    %c0_i32 = arith.constant 0 : i32
    %c0_i32_0 = arith.constant 0 : i32
    return %arg0, %c0_i32 : i32, i32
  }
}

</mosaic_0001>

<sc_bundles>
// kernel: kernel.4.cloned.1.call-start
scs
__scs_entry_jumppad:
0x0: {  	(pc) =	sbr.rel $0x88, $3  }
0x1: {  	(tag) =	ssettag $0x0;
	lr =	simm.s32 $0x1  }
0x2: {  	[smem:$0x3F9B] =	sst lr;
	_ =	strace $0xD0000000  }
0x3: {  	_ = 	snop  }
0x4: {  	_ = 	snop  }
0x5: {  	_ = 	snop  }
0x6: {  	_ = 	snop  }
0x7: {  	_ = 	snop  }
__scs_overlays_trampoline_lowered:
0x8: {  	[smem:$0x3FAA] =	sst s0  }
0x9: {  	[smem:$0x3FAB] =	sst s1  }
0xa: {  	[smem:$0x3FAC] =	sst s2  }
0xb: {  	[smem:$0x3FAD] =	sst s3  }
0xc: {  	[smem:$0x3FAE] =	sst s4  }
0xd: {  	[smem:$0x3FAF] =	sst s5  }
0xe: {  	[smem:$0x3FB0] =	sst s6  }
0xf: {  	[smem:$0x3FB1] =	sst s7  }
0x10: {  	[smem:$0x3FB2] =	sst s8  }
0x11: {  	[smem:$0x3FB3] =	sst s9;
	s0 =	simm.s32 @!p0 $0x0  }
0x12: {  	s1 =	sld [smem:$0x3F99];
	s0 =	simm.s32 @p0 $0x1  }
0x13: {  	[smem:$0x3FB4] =	sst s0;
	s0 =	simm.s32 @!p1 $0x0  }
0x14: {  	s2 =	sld [smem:$0x3F98];
	s0 =	simm.s32 @p1 $0x1  }
0x15: {  	[smem:$0x3FB5] =	sst s0;
	s0 =	simm.s32 @!p2 $0x0  }
0x16: {  	s3 =	sld [smem:$0x3FDB];
	s0 =	simm.s32 @p2 $0x1  }
0x17: {  	s4 =	simm.s32 $0x1BF5;
	[smem:$0x3FB7] =	sst s0  }
0x18: {  	s0 =	sld [smem:$0x3F9A];
	_ =	swait.ge [sflag:s4], $0x0  }
0x19: {  	s7 =	sld [smem:$0x3F9B]  }
0x1a: {  	s8 =	sadd.s32 $0xFFFFE003, lr  }
0x1b: {  	s9 =	sadd.s32 $0xFFFFFEF7, lr;
	s5 =	simm.s32 $0xFFFFFFFF;
	p2 =	slt.u32 s8, $0xFFFFF086  }
0x1c: {  	p1 =	slt.u32 s9, $0xF7A;
	s5 =	simm.s32 @!p2 $0x0  }
0x1d: {  	s5 =	simm.s32 @p1 $0x1;
	p0 =	seq.s32 s7, s2  }
0x1e: {  	s7 =	smul.u32 @!p0 $0xF7A, s2;
	p2 =	seq.s32 @!p0 s5, $0x0  }
0x1f: {  	s9 =	smul.u32 $0xF7A, s1;
	s8 =	simm.s32 @!p0 $0x1BF5;
	p2 =	por !p2, p0  }
0x20: {  	[sflag:s8] =	ssyncset.s32 @!p0 $0xFFFFF086;
	s6 =	sadd.s32 @!p0 s3, s7;
	s7 =	simm.s32 @!p0 $0x108  }
0x21: {  	s3 =	sadd.s32 s3, s9;
	s6 =	sadd.s32 @!p0 $0x88, s6;
	s7 =	simm.s32 @p2 $0x1082  }
0x22: {  	[simem:s7], [sflag:s8] =	dma.local @!p0 [hbm:s6], $0xF7A  }
0x23: {  	s9 =	sor.u32 $0xD0000000, s2;
	s6 =	simm.s32 $0x108;
	_ =	swait.ge @!p0 [sflag:s8], $0x0  }
0x24: {  	s3 =	sadd.s32 $0x88, s3;
	s6 =	simm.s32 @!p1 $0x1082;
	[sflag:s4] =	ssyncset.s32 $0xFFFFF086  }
0x25: {  	[simem:s6], [sflag:s4] =	dma.local [hbm:s3], $0xF7A  }
0x26: {  	[smem:$0x3F9B] =	sst s1;
	(tag) =	ssettag s2;
	_ =	strace s9  }
0x27: {  	s1 =	sld [smem:$0x3FAB]  }
0x28: {  	s2 =	sld [smem:$0x3FAC]  }
0x29: {  	s4 =	sld [smem:$0x3FAE]  }
0x2a: {  	p0 =	seq.s32 s5, $0x0;
	s5 =	sld [smem:$0x3FAF]  }
0x2b: {  	s6 =	sld [smem:$0x3FB0]  }
0x2c: {  	s7 =	sld [smem:$0x3FB1]  }
0x2d: {  	s3 =	simm.s32 $0x108;
	s8 =	sld [smem:$0x3FB2]  }
0x2e: {  	s3 =	simm.s32 @!p0 $0x1082;
	s9 =	sld [smem:$0x3FB3]  }
0x2f: {  	lr =	sadd.s32 s0, s3;
	s0 =	sld [smem:$0x3FAA]  }
0x30: {  	s3 =	sld [smem:$0x3FAD]  }
0x31: {  	[smem:$0x3FB6] =	sst s10  }
0x32: {  	s10 =	sld [smem:$0x3FB4];
	_ =	sdelay $0x3  }
0x33: {  	p0 =	seq.s32 s10, $0x1;
	s10 =	sld [smem:$0x3FB6];
	_ =	sdelay $0x3  }
0x34: {  	[smem:$0x3FB6] =	sst s10  }
0x35: {  	s10 =	sld [smem:$0x3FB5];
	_ =	sdelay $0x3  }
0x36: {  	p1 =	seq.s32 s10, $0x1;
	s10 =	sld [smem:$0x3FB6];
	_ =	sdelay $0x3  }
0x37: {  	[smem:$0x3FB6] =	sst s10  }
0x38: {  	s10 =	sld [smem:$0x3FB7]  }
0x39: {  	_ = 	snop;
	(pc) =	sbr.ind lr, $3  }
0x3a: {  	_ = 	snop  }
0x3b: {  	_ = 	snop  }
0x3c: {  	p2 =	seq.s32 s10, $0x1;
	s10 =	sld [smem:$0x3FB6]  }
0x3d: {  	_ =	shalt  }
0x3e: {  	_ =	shalt  }
0x3f: {  	_ =	shalt  }
0x40: {  	_ =	shalt  }
0x41: {  	_ =	shalt  }
0x42: {  	_ =	shalt  }
0x43: {  	_ =	shalt  }
0x44: {  	_ =	shalt  }
0x45: {  	_ =	shalt  }
0x46: {  	_ =	shalt  }
0x47: {  	_ =	shalt  }
0x48: {  	_ =	shalt  }
0x49: {  	_ =	shalt  }
0x4a: {  	_ =	shalt  }
0x4b: {  	_ =	shalt  }
0x4c: {  	_ =	shalt  }
0x4d: {  	_ =	shalt  }
0x4e: {  	_ =	shalt  }
0x4f: {  	_ =	shalt  }
0x50: {  	_ =	shalt  }
0x51: {  	_ =	shalt  }
0x52: {  	_ =	shalt  }
0x53: {  	_ =	shalt  }
0x54: {  	_ =	shalt  }
0x55: {  	_ =	shalt  }
0x56: {  	_ =	shalt  }
0x57: {  	_ =	shalt  }
0x58: {  	_ =	shalt  }
0x59: {  	_ =	shalt  }
0x5a: {  	_ =	shalt  }
0x5b: {  	_ =	shalt  }
0x5c: {  	_ =	shalt  }
0x5d: {  	_ =	shalt  }
0x5e: {  	_ =	shalt  }
0x5f: {  	_ =	shalt  }
0x60: {  	_ =	shalt  }
0x61: {  	_ =	shalt  }
0x62: {  	_ =	shalt  }
0x63: {  	_ =	shalt  }
0x64: {  	_ =	shalt  }
0x65: {  	_ =	shalt  }
0x66: {  	_ =	shalt  }
0x67: {  	_ =	shalt  }
0x68: {  	_ =	shalt  }
0x69: {  	_ =	shalt  }
0x6a: {  	_ =	shalt  }
0x6b: {  	_ =	shalt  }
0x6c: {  	_ =	shalt  }
0x6d: {  	_ =	shalt  }
0x6e: {  	_ =	shalt  }
0x6f: {  	_ =	shalt  }
0x70: {  	_ =	shalt  }
0x71: {  	_ =	shalt  }
0x72: {  	_ =	shalt  }
0x73: {  	_ =	shalt  }
0x74: {  	_ =	shalt  }
0x75: {  	_ =	shalt  }
0x76: {  	_ =	shalt  }
0x77: {  	_ =	shalt  }
0x78: {  	_ =	shalt  }
0x79: {  	_ =	shalt  }
0x7a: {  	_ =	shalt  }
0x7b: {  	_ =	shalt  }
0x7c: {  	_ =	shalt  }
0x7d: {  	_ =	shalt  }
0x7e: {  	_ =	shalt  }
0x7f: {  	_ =	shalt  }
0x80: {  	_ =	shalt  }
0x81: {  	_ =	shalt  }
0x82: {  	_ =	shalt  }
0x83: {  	_ =	shalt  }
0x84: {  	_ =	shalt  }
0x85: {  	_ =	shalt  }
0x86: {  	_ =	shalt  }
0x87: {  	_ =	shalt  }
.Lfunc_end0:
.L_simem_size_0:
called_computation.2_lowered:
.L_overlay_start_0:
0x88: {  	s2 =	sld [smem:$0x3FD9]  }
0x89: {  	s3 =	sld [smem:$0x3FFE];
	_ =	sdelay $0x1  }
0x8a: {  	s1 =	srdreg.scid  }
0x8b: {  	s0 =	sand.u32 $0x1, s1  }
0x8c: {  	s17 =	sshll.u32 s0, $0xA;
	s2 =	sadd.s32 s3, s2  }
0x8d: {  	s2 =	sadd.s32 s2, s17  }
0x8e: {  	[smem:$0x3FC2] =	sst s2  }
0x8f: {  	_ = 	snop  }
0x90: {  	s2 =	sld [smem:$0x3FC8]  }
0x91: {  	s18 =	sld [smem:$0x3FC7]  }
0x92: {  	s4 =	sld [smem:$0x3FD0];
	(tm) =	ssettm $0x1  }
0x93: {  	s5 =	sld [smem:$0x3FFB];
	_ =	sdelay $0x3  }
0x94: {  	_ =	strace s5  }
0x95: {  	s5 =	sld [smem:$0x3FFC];
	_ =	sdelay $0x3  }
0x96: {  	_ =	strace s5  }
0x97: {  	s5 =	sld [smem:$0x3FFD];
	_ =	sdelay $0x3  }
0x98: {  	_ =	strace s5  }
0x99: {  	_ =	strace $0x8FFFFFFF  }
0x9a: {  	s19 =	sld [smem:$0x3FDB];
	_ =	sdelay $0x1  }
0x9b: {  	s6 =	simm.s32 $_scs_section_size  }
0x9c: {  	s7 =	simm.s32 $_size__tile_overlayer_lowered;
	s8 =	simm.s32 $_tile_overlayer_lowered  }
0x9d: {  	s22 =	simm.s32 $0x1BFF;
	s21 =	sshll.u32 s8, $0x1;
	s5 =	sadd.s32 s6, s19  }
0x9e: {  	s9 =	simm.s32 $0x0;
	s20 =	sshll.u32 s7, $0x1;
	s7 =	sadd.s32 s21, s5  }
0x9f: {  	[timem:s9], [sflag:s22] =	dma.local [hbm:s7], s20  }
0xa0: {  	_ =	swait.ge [sflag:s22], s20  }
0xa1: {  	s6 =	ssub.s32 $0x0, s20;
	[sflag:s22] =	ssyncset.done $0x0  }
0xa2: {  	[sflag:s22] =	ssyncadd.s32 s6;
	_ =	sdelay $0x1  }
0xa3: {  	s23 =	simm.s32 $0x1B8B  }
0xa4: {  	_ =	swait.ge [sflag:s23], $0x1  }
0xa5: {  	[sflag:s23] =	ssyncset.done $0x0  }
0xa6: {  	s25 =	simm.s32 $0x1B8E;
	s24 =	sld [smem:$0x3FFE];
	[sflag:s23] =	ssyncadd.s32 $0xFFFFFFFF  }
0xa7: {  	s26 =	simm.s32 $execute0_lowered;
	[smem:$0x3FD2] =	sst s25  }
0xa8: {  	s7 =	sshll.u32 s26, $0x1;
	_ =	strace $0x80000049;
	[dreg:$0x1] =	wrdreg $0xFFFFFFFF  }
0xa9: {  	s28 =	simm.s32 $_size_execute0_lowered;
	s5 =	sadd.s32 s5, s7;
	[dreg:$0x0] =	wrdreg $0x0  }
0xaa: {  	s7 =	sshll.u32 s28, $0x1;
	[dreg:$0x2] =	wrdreg s5  }
0xab: {  	[dreg:$0x3] =	wrdreg s7  }
0xac: {  	[dreg:$0x4] =	wrdreg $0xC0  }
0xad: {  	_ =	task [dreg:s9], $0x5FFFF  }
0xae: {  	[dreg:$0x1] =	wrdreg $0xFFFFFFFF  }
0xaf: {  	[dreg:$0x0] =	wrdreg $0x60  }
0xb0: {  	[dreg:$0x2] =	wrdreg s24  }
0xb1: {  	[dreg:$0x3] =	wrdreg s2  }
0xb2: {  	[dreg:$0x4] =	wrdreg s18  }
0xb3: {  	[dreg:$0x5] =	wrdreg s4  }
0xb4: {  	[dreg:$0x6] =	wrdreg $0x100000  }
0xb5: {  	[dreg:$0x7] =	wrdreg $0x9  }
0xb6: {  	_ =	task.clear_ibuf [dreg:s9], $0x8FFFF;
	_ =	strace $0x90000049  }
0xb7: {  	s29 =	simm.s32 $0x9;
	_ =	strace $0x8000004B  }
0xb8: {  	_ =	swait.ge [sflag:s29], $0x1  }
0xb9: {  	[sflag:s29] =	ssyncadd.s32 $0xFFFFFFFF  }
0xba: {  	_ =	strace $0x9000004B  }
0xbb: {  	_ =	sfence  }
0xbc: {  	s30 =	sld [smem:$0x0];
	_ =	sdelay $0x2  }
0xbd: {  	s31 =	sshll.u32 s1, $0xD;
	s1 =	sshrl.u32 s1, $0x2  }
0xbe: {  	s3 =	sand.u32 $0x4000, s31;
	s1 =	sadd.s32 s1, s30  }
0xbf: {  	s0 =	sor.u32 s3, s0;
	s1 =	sshll.u32 s1, $0x11  }
0xc0: {  	s0 =	sor.u32 s1, s0  }
0xc1: {  	s0 =	sadd.s32 $0x8F2B, s0  }
0xc2: {  	[sflag:s0] =	ssyncadd.remote.s32 $0x1  }
0xc3: {  	_ =	sfence.sel $0xFFFF  }
0xc4: {  	[dreg:$0x0] =	wrdreg $0xFFFFFFFF;
	(pc) =	sbr.abs _section_cstart, $3  }
0xc5: {  	[dreg:$0x1] =	wrdreg $0xFFFFFFFF  }
0xc6: {  	_ =	task.clear_ibuf [dreg:s9], $0x2FFFF;
	_ =	strace $0x9FFFFFFF  }
0xc7: {  	(tm) =	ssettm $0x7FFFFFFF  }
tec
execute0_lowered:
.L_overlay_start_1:
0x0: {  	(tag) =	ssettag $0x1  }
0x1: {  	s0 =	rddreg [dreg:$0x0]  }
0x2: {  	s2 =	rddreg [dreg:$0x1]  }
0x3: {  	s6 =	rddreg [dreg:$0x2]  }
0x4: {  	s1 =	rddreg [dreg:$0x3]  }
0x5: {  	s3 =	rddreg [dreg:$0x4];
	s4 =	simm.s32 $0x0  }
0x6: {  	s14 =	stileid.u32;
	s5 =	srdreg.scid;
	s18 =	simm.s32 $0x80  }
0x7: {  	s19 =	simm.s32 $0xA000;
	s20 =	simm.s32 $0xB000;
	s21 =	simm.s32 $0x1  }
0x8: {  	s22 =	simm.s32 $0xC000;
	s23 =	simm.s32 $0x2;
	s28 =	simm.s32 $0x4  }
0x9: {  	s29 =	simm.s32 $0x0;
	[smem:$0x7FF] =	sst s4;
	s7 =	sshll.u32 s14, $0xA  }
0xa: {  	s8 =	sand.u32 $0x1, s5;
	s5 =	sadd.s32 $0x1400, s0;
	s10 =	sshll.u32 s14, $0xD  }
0xb: {  	s12 =	sshll.u32 s14, $0xB;
	s31 =	sshll.u32 s14, $0x6;
	_ =	strace $0x8000004A  }
0xc: {  	s7 =	sadd.s32 s7, s0;
	s9 =	ssub.s32 $0x2, s8;
	s0 =	sadd.s32 s10, s0  }
0xd: {  	s2 =	sadd.s32 s2, s12;
	s24 =	sadd.s32 s6, s12;
	s16 =	sor.u32 $0x1C05, s31  }
0xe: {  	v0 =	vimm.s32 $0x0;
	s11 =	sshrl.u32 s9, $0x1;
	[dreg:$0x6] =	wrdreg s2;
	s25 =	sadd.s32 $0x221400, s7  }
.Ltmp0:
0xf: {  	v1 =	vimm.s32 $0x1;
	v2 =	vimm.s32 $0x2;
	v3 =	vimm.s32 $0x3;
	[dreg:$0x7] =	wrdreg s24;
	s10 =	sadd.s32 $0x201400, s0;
	(pc) =	sbr.rel .LBB2_1-.Ltmp0, $4  }
0x10: {  	v4 =	vimm.s32 $0x4;
	v5 =	vimm.s32 $0x5;
	v6 =	vimm.s32 $0x6;
	s24 =	simm.s32 $0x7F80;
	s13 =	ssub.s32 s9, s11;
	[dreg:$0x8] =	wrdreg s25  }
0x11: {  	v7 =	vimm.s32 $0x7;
	v8 =	vimm.s32 $0x8;
	v9 =	vimm.s32 $0x9;
	s9 =	sshll.u32 s14, $0x10;
	s11 =	sshll.u32 s8, $0x18;
	s14 =	simm.s32 $0x5  }
0x12: {  	v10 =	vimm.s32 $0xA;
	v11 =	vimm.s32 $0xB;
	v12 =	vimm.s32 $0xC;
	s25 =	simm.s32 $0xE000;
	s26 =	sadd.s32 s9, s3;
	s30 =	smax.u32 s13, $0x1  }
0x13: {  	v13 =	vimm.s32 $0xD;
	v14 =	vimm.s32 $0xE;
	v15 =	vimm.s32 $0xF;
	[dreg:$0x9] =	wrdreg s30;
	s17 =	sshrl.u32 s26, $0x3;
	s26 =	simm.s32 $0x3  }
.LBB2_10:
0x14: {  	s29 =	sadd.s32 $0x1, s29;
	s0 =	rddreg [dreg:$0x9]  }
0x15: {  	p0 =	sne.s32 s29, s0  }
.Ltmp1:
0x16: {  	_ = 	snop;
	(pc) =	sbr.rel @!p0 .LBB2_11-.Ltmp1, $1  }
0x17: {  	_ =	sdelay $0x3  }
.LBB2_1:
0x18: {  	s0 =	rddreg [dreg:$0x6];
	s2 =	simm.s32 $0x4000  }
0x19: {  	[tilespmem:s2], [sflag:$0x5] =	stream.linear.gather [hbm4b:s0+s4], $0x4000, $0x38;
	v63 =	vld [tilespmem:$0x0]  }
0x1a: {  	_ =	swait.ge [sflag:s14], $0x4000  }
0x1b: {  	[sflag:s14] =	ssyncset.done $0x0  }
0x1c: {  	s13 =	rddreg [dreg:$0x7];
	[sflag:s14] =	ssyncadd.s32 $0xFFFFC000  }
0x1d: {  	[tilespmem:s4], [sflag:$0x5] =	stream.linear.gather [hbm4b:s13+s4], $0x4000, $0x38;
	v63 =	vld [tilespmem:$0x0]  }
0x1e: {  	_ =	swait.ge [sflag:s14], $0x4000  }
0x1f: {  	s31 =	simm.s32 $0x8000;
	[sflag:s14] =	ssyncset.done $0x0  }
.Ltmp2:
0x20: {  	s15 =	rddreg [dreg:$0x8];
	[sflag:s14] =	ssyncadd.s32 $0xFFFFC000;
	(pc) =	sbr.rel .LBB2_2-.Ltmp2, $4  }
0x21: {  	[tilespmem:s31], [sflag:$0x5] =	stream.linear.gather [hbm4b:s15+s4], $0x2000, $0x38;
	v63 =	vld [tilespmem:$0x0]  }
0x22: {  	_ =	swait.ge [sflag:s14], $0x2000  }
0x23: {  	[sflag:s14] =	ssyncset.done $0x0  }
0x24: {  	s30 =	simm.s32 $0x0;
	[sflag:s14] =	ssyncadd.s32 $0xFFFFE000  }
.LBB2_9:
0x25: {  	[spmem:s3] =	stream.indirect.scatter.add.f32 [tilespmem:s25], [sflag:$0x4], $0x40, s24, s18, $0xb8;
	v63 =	vld [tilespmem:$0x0]  }
0x26: {  	_ =	swait.ge [sflag:s26], $0x2000  }
0x27: {  	[sflag:s26] =	ssyncset.done $0x0  }
0x28: {  	[sflag:s26] =	ssyncadd.s32 $0xFFFFE000  }
0x29: {  	_ =	swait.ge [sflag:s28], $0x2000  }
0x2a: {  	s0 =	sor.u32 s9, s31;
	s30 =	sadd.s32 $0x1, s30;
	[sflag:s28] =	ssyncset.done $0x0  }
0x2b: {  	s0 =	sshrl.u32 s0, $0x3;
	p0 =	sne.s32 s30, $0x10;
	[sflag:s28] =	ssyncadd.s32 $0xFFFFE000  }
.Ltmp3:
0x2c: {  	s0 =	sadd.s32 s1, s0;
	[bflag:$0x0] =	sbarrier.arrive $0xFFFF;
	(pc) =	sbr.rel @!p0 .LBB2_10-.Ltmp3, $4  }
0x2d: {  	[hbm:s0], [sflag:s16] =	dma.local [spmem:s17], $0x2000  }
0x2e: {  	_ =	swait.ge [sflag:s14], $0x2000  }
0x2f: {  	[sflag:s14] =	ssyncset.done $0x0  }
0x30: {  	[sflag:s14] =	ssyncadd.s32 $0xFFFFE000  }
.LBB2_2:
0x31: {  	[spmem:s17], [sflag:s16] =	dma.local [hbm:s10], $0x2000  }
0x32: {  	s0 =	sshll.u32 s30, $0x14;
	_ =	swait.ge [sflag:s14], $0x2000  }
0x33: {  	s31 =	sadd.s32 s11, s0;
	[sflag:s14] =	ssyncset.done $0x0  }
0x34: {  	s0 =	sshrl.u32 s31, $0x4;
	[sflag:s14] =	ssyncadd.s32 $0xFFFFE000  }
0x35: {  	s2 =	simm.s32 $0x0;
	s0 =	sadd.s32 s5, s0;
	[bflag:$0x0] =	sbarrier.arrive $0xFFFF  }
0x36: {  	[tilespmem:s19], [sflag:$0x1] =	stream.indirect.gather [hbm4b:s0+s18], $0x20, s2, s18, $0xb8;
	v63 =	vld [tilespmem:$0x0]  }
0x37: {  	_ = 	snop  }
0x38: {  	[tilespmem:s20], [sflag:$0x2] =	stream.indirect.gather [hbm4b:s0+s18], $0x20, s18, s18, $0xb8;
	v63 =	vld [tilespmem:$0x0]  }
.LBB2_3:
0x39: {  	s7 =	sshll.u32 s2, $0x7  }
0x3a: {  	_ =	swait.ge [sflag:s21], $0x1000;
	s7 =	sand.u32 $0x3FFFFF80, s7  }
0x3b: {  	p0 =	seq.s32 s2, $0x0;
	[sflag:s21] =	ssyncset.done $0x0;
	s7 =	sadd.s32 $0x8000, s7  }
0x3c: {  	s6 =	simm.s32 @!p0 $0x3;
	[sflag:s21] =	ssyncadd.s32 $0xFFFFF000;
	v16 =	vmov s7  }
0x3d: {  	_ =	swait.ge @!p0 [sflag:s6], $0x2000  }
0x3e: {  	s15 =	sshll.u32 s2, $0x1;
	[sflag:s6] =	ssyncset.done @!p0 $0x0  }
0x3f: {  	p1 =	por $0x1, $0x1;
	s7 =	simm.s32 $0x0;
	[sflag:s6] =	ssyncadd.s32 @!p0 $0xFFFFE000  }
.LBB2_4:
0x40: {  	s6 =	sshra.s32 s7, $0x1  }
0x41: {  	s13 =	sshll.u32 s7, $0x6;
	v18 =	vld.idx.msk [tilespmem:v16+s6+$0x0 ss:$0x1], $0xffff  }
0x42: {  	s6 =	sshrl.u32 s13, $0x1  }
0x43: {  	s12 =	sor.u32 $0x20, s7;
	v17 =	vld [tilespmem:s6+$0xA000]  }
0x44: {  	s8 =	sshra.s32 s12, $0x1;
	v20 =	vld [tilespmem:s6+$0xA010]  }
0x45: {  	s7 =	sshll.u32 s12, $0x6;
	v21 =	vld.idx.msk [tilespmem:v16+s8+$0x0 ss:$0x1], $0xffff  }
0x46: {  	s12 =	sshrl.u32 s7, $0x1;
	v19 =	vunpack.i.l.bf16.f32 v18  }
0x47: {  	v23 =	vld [tilespmem:s12+$0xA000];
	v22 =	vperm.xlane v19, v0  }
0x48: {  	v24 =	vunpack.i.l.bf16.f32 v17  }
0x49: {  	v25 =	vld [tilespmem:s12+$0xA010];
	v17 =	vunpack.i.u.bf16.f32 v17;
	v24 =	vmul.f32 v24, v22  }
0x4a: {  	v26 =	vunpack.i.l.bf16.f32 v20;
	v27 =	vmul.f32 v17, v22;
	v17 =	vunpack.i.l.bf16.f32 v21  }
0x4b: {  	v20 =	vunpack.i.u.bf16.f32 v20;
	v26 =	vmul.f32 v26, v22;
	v28 =	vperm.xlane v17, v0;
	[tilespmem:s13+$0xC000] =	vst v24  }
0x4c: {  	v29 =	vunpack.i.l.bf16.f32 v23;
	v20 =	vmul.f32 v20, v22;
	[tilespmem:s13+$0xC010] =	vst v27  }
0x4d: {  	v23 =	vunpack.i.u.bf16.f32 v23;
	[tilespmem:s13+$0xC020] =	vst v26;
	v22 =	vmul.f32 v29, v28  }
0x4e: {  	s12 =	sor.u32 $0x20, s6;
	v30 =	vunpack.i.l.bf16.f32 v25;
	[tilespmem:s13+$0xC030] =	vst v20;
	v23 =	vmul.f32 v23, v28  }
0x4f: {  	v25 =	vunpack.i.u.bf16.f32 v25;
	v26 =	vld [tilespmem:s12+$0xA000];
	v20 =	vmul.f32 v30, v28;
	[tilespmem:s7+$0xC000] =	vst v22  }
0x50: {  	s12 =	sor.u32 $0x30, s6;
	v31 =	vmul.f32 v25, v28;
	[tilespmem:s7+$0xC010] =	vst v23  }
0x51: {  	v32 =	vld [tilespmem:s12+$0xA000];
	[tilespmem:s7+$0xC020] =	vst v20  }
0x52: {  	v18 =	vunpack.i.u.bf16.f32 v18;
	s12 =	sor.u32 $0x420, s6;
	[tilespmem:s7+$0xC030] =	vst v31  }
0x53: {  	v33 =	vperm.xlane v18, v0;
	v34 =	vld [tilespmem:s12+$0xA000]  }
0x54: {  	s8 =	sor.u32 $0x430, s6;
	v35 =	vunpack.i.l.bf16.f32 v26  }
0x55: {  	v38 =	vld [tilespmem:s8+$0xA000];
	v36 =	vunpack.i.u.bf16.f32 v26;
	v37 =	vmul.f32 v35, v33  }
0x56: {  	v20 =	vunpack.i.u.bf16.f32 v21;
	v28 =	vunpack.i.l.bf16.f32 v32;
	v25 =	vmul.f32 v36, v33  }
0x57: {  	v41 =	vperm.xlane v20, v0;
	v39 =	vunpack.i.u.bf16.f32 v32;
	v40 =	vmul.f32 v28, v33;
	[tilespmem:s13+$0xC040] =	vst v37  }
0x58: {  	v21 =	vmul.f32 v39, v33;
	[tilespmem:s13+$0xC050] =	vst v25;
	v42 =	vunpack.i.l.bf16.f32 v34  }
0x59: {  	v43 =	vunpack.i.u.bf16.f32 v34;
	[tilespmem:s13+$0xC060] =	vst v40;
	v22 =	vmul.f32 v42, v41  }
0x5a: {  	s12 =	sor.u32 $0x40, s6;
	v44 =	vunpack.i.l.bf16.f32 v38;
	[tilespmem:s13+$0xC070] =	vst v21;
	v23 =	vmul.f32 v43, v41  }
0x5b: {  	v46 =	vunpack.i.u.bf16.f32 v38;
	v21 =	vmul.f32 v44, v41;
	v45 =	vld [tilespmem:s12+$0xA000];
	[tilespmem:s13+$0xC840] =	vst v22  }
0x5c: {  	s8 =	sor.u32 $0x50, s6;
	v47 =	vmul.f32 v46, v41;
	[tilespmem:s13+$0xC850] =	vst v23  }
0x5d: {  	v48 =	vld [tilespmem:s8+$0xA000];
	[tilespmem:s13+$0xC860] =	vst v21  }
0x5e: {  	s12 =	sor.u32 $0x440, s6;
	[tilespmem:s13+$0xC870] =	vst v47  }
0x5f: {  	v49 =	vperm.xlane v19, v1;
	v22 =	vld [tilespmem:s12+$0xA000]  }
0x60: {  	s8 =	sor.u32 $0x450, s6;
	v50 =	vunpack.i.l.bf16.f32 v45  }
0x61: {  	v51 =	vld [tilespmem:s8+$0xA000];
	v24 =	vunpack.i.u.bf16.f32 v45;
	v25 =	vmul.f32 v50, v49  }
0x62: {  	v52 =	vunpack.i.l.bf16.f32 v48;
	v24 =	vmul.f32 v24, v49  }
0x63: {  	v53 =	vperm.xlane v17, v1;
	v23 =	vunpack.i.u.bf16.f32 v48;
	v27 =	vmul.f32 v52, v49;
	[tilespmem:s13+$0xC080] =	vst v25  }
0x64: {  	v21 =	vmul.f32 v23, v49;
	v54 =	vunpack.i.l.bf16.f32 v22;
	[tilespmem:s13+$0xC090] =	vst v24  }
0x65: {  	v22 =	vunpack.i.u.bf16.f32 v22;
	[tilespmem:s13+$0xC0A0] =	vst v27;
	v23 =	vmul.f32 v54, v53  }
0x66: {  	s12 =	sor.u32 $0x60, s6;
	v55 =	vunpack.i.l.bf16.f32 v51;
	[tilespmem:s13+$0xC0B0] =	vst v21;
	v22 =	vmul.f32 v22, v53  }
0x67: {  	v26 =	vunpack.i.u.bf16.f32 v51;
	v21 =	vmul.f32 v55, v53;
	v24 =	vld [tilespmem:s12+$0xA000];
	[tilespmem:s13+$0xC880] =	vst v23  }
0x68: {  	s8 =	sor.u32 $0x70, s6;
	v56 =	vmul.f32 v26, v53;
	[tilespmem:s13+$0xC890] =	vst v22  }
0x69: {  	v57 =	vld [tilespmem:s8+$0xA000];
	[tilespmem:s13+$0xC8A0] =	vst v21  }
0x6a: {  	s8 =	sor.u32 $0x470, s6;
	[tilespmem:s13+$0xC8B0] =	vst v56  }
0x6b: {  	v58 =	vperm.xlane v18, v1;
	v60 =	vld [tilespmem:s8+$0xA000]  }
0x6c: {  	s12 =	sor.u32 $0x460, s6;
	v59 =	vunpack.i.l.bf16.f32 v24  }
0x6d: {  	v23 =	vld [tilespmem:s12+$0xA000];
	v24 =	vunpack.i.u.bf16.f32 v24;
	v25 =	vmul.f32 v59, v58  }
0x6e: {  	v22 =	vunpack.i.u.bf16.f32 v57;
	v24 =	vmul.f32 v24, v58  }
0x6f: {  	v62 =	vperm.xlane v20, v1;
	v61 =	vunpack.i.l.bf16.f32 v57;
	v21 =	vmul.f32 v22, v58;
	[tilespmem:s13+$0xC0C0] =	vst v25  }
0x70: {  	v27 =	vmul.f32 v61, v58;
	v28 =	vunpack.i.l.bf16.f32 v60;
	[tilespmem:s13+$0xC0D0] =	vst v24  }
0x71: {  	v26 =	vunpack.i.u.bf16.f32 v60;
	[tilespmem:s13+$0xC0F0] =	vst v21;
	v21 =	vmul.f32 v28, v62  }
0x72: {  	s12 =	sor.u32 $0x80, s6;
	v24 =	vunpack.i.l.bf16.f32 v23;
	[tilespmem:s13+$0xC0E0] =	vst v27;
	v29 =	vmul.f32 v26, v62  }
0x73: {  	v23 =	vunpack.i.u.bf16.f32 v23;
	v22 =	vmul.f32 v24, v62;
	v24 =	vld [tilespmem:s12+$0xA000];
	[tilespmem:s13+$0xC8E0] =	vst v21  }
0x74: {  	s8 =	sor.u32 $0x90, s6;
	v23 =	vmul.f32 v23, v62;
	[tilespmem:s13+$0xC8F0] =	vst v29  }
0x75: {  	v30 =	vld [tilespmem:s8+$0xA000];
	[tilespmem:s13+$0xC8C0] =	vst v22  }
0x76: {  	s12 =	sor.u32 $0x480, s6;
	[tilespmem:s13+$0xC8D0] =	vst v23  }
0x77: {  	v31 =	vperm.xlane v19, v2;
	v22 =	vld [tilespmem:s12+$0xA000]  }
0x78: {  	s8 =	sor.u32 $0x490, s6;
	v32 =	vunpack.i.l.bf16.f32 v24  }
0x79: {  	v33 =	vld [tilespmem:s8+$0xA000];
	v24 =	vunpack.i.u.bf16.f32 v24;
	v25 =	vmul.f32 v32, v31  }
0x7a: {  	v34 =	vunpack.i.l.bf16.f32 v30;
	v24 =	vmul.f32 v24, v31  }
0x7b: {  	v35 =	vperm.xlane v17, v2;
	v23 =	vunpack.i.u.bf16.f32 v30;
	v27 =	vmul.f32 v34, v31;
	[tilespmem:s13+$0xC100] =	vst v25  }
0x7c: {  	v21 =	vmul.f32 v23, v31;
	[tilespmem:s13+$0xC110] =	vst v24;
	v36 =	vunpack.i.l.bf16.f32 v22  }
0x7d: {  	[tilespmem:s13+$0xC120] =	vst v27;
	v22 =	vunpack.i.u.bf16.f32 v22;
	v23 =	vmul.f32 v36, v35  }
0x7e: {  	s12 =	sor.u32 $0xA0, s6;
	[tilespmem:s13+$0xC130] =	vst v21;
	v37 =	vunpack.i.l.bf16.f32 v33;
	v22 =	vmul.f32 v22, v35  }
0x7f: {  	v26 =	vunpack.i.u.bf16.f32 v33;
	v24 =	vld [tilespmem:s12+$0xA000];
	v21 =	vmul.f32 v37, v35;
	[tilespmem:s13+$0xC900] =	vst v23  }
0x80: {  	s8 =	sor.u32 $0xB0, s6;
	v38 =	vmul.f32 v26, v35;
	[tilespmem:s13+$0xC910] =	vst v22  }
0x81: {  	v39 =	vld [tilespmem:s8+$0xA000];
	[tilespmem:s13+$0xC920] =	vst v21  }
0x82: {  	s12 =	sor.u32 $0x4A0, s6;
	[tilespmem:s13+$0xC930] =	vst v38  }
0x83: {  	v40 =	vperm.xlane v18, v2;
	v23 =	vld [tilespmem:s12+$0xA000]  }
0x84: {  	s8 =	sor.u32 $0x4B0, s6;
	v41 =	vunpack.i.l.bf16.f32 v24  }
0x85: {  	v42 =	vld [tilespmem:s8+$0xA000];
	v24 =	vunpack.i.u.bf16.f32 v24;
	v25 =	vmul.f32 v41, v40  }
0x86: {  	v43 =	vunpack.i.l.bf16.f32 v39;
	v24 =	vmul.f32 v24, v40  }
0x87: {  	v44 =	vperm.xlane v20, v2;
	v22 =	vunpack.i.u.bf16.f32 v39;
	v27 =	vmul.f32 v43, v40;
	[tilespmem:s13+$0xC140] =	vst v25  }
0x88: {  	v21 =	vmul.f32 v22, v40;
	[tilespmem:s13+$0xC150] =	vst v24;
	v45 =	vunpack.i.l.bf16.f32 v23  }
0x89: {  	[tilespmem:s13+$0xC160] =	vst v27;
	v23 =	vunpack.i.u.bf16.f32 v23;
	v22 =	vmul.f32 v45, v44  }
0x8a: {  	s12 =	sor.u32 $0xC0, s6;
	[tilespmem:s13+$0xC170] =	vst v21;
	v46 =	vunpack.i.l.bf16.f32 v42;
	v23 =	vmul.f32 v23, v44  }
0x8b: {  	v26 =	vunpack.i.u.bf16.f32 v42;
	v24 =	vld [tilespmem:s12+$0xA000];
	v21 =	vmul.f32 v46, v44;
	[tilespmem:s13+$0xC940] =	vst v22  }
0x8c: {  	s8 =	sor.u32 $0xD0, s6;
	v47 =	vmul.f32 v26, v44;
	[tilespmem:s13+$0xC950] =	vst v23  }
0x8d: {  	v48 =	vld [tilespmem:s8+$0xA000];
	[tilespmem:s13+$0xC960] =	vst v21  }
0x8e: {  	s12 =	sor.u32 $0x4C0, s6;
	[tilespmem:s13+$0xC970] =	vst v47  }
0x8f: {  	v49 =	vperm.xlane v19, v3;
	v22 =	vld [tilespmem:s12+$0xA000]  }
0x90: {  	s8 =	sor.u32 $0x4D0, s6;
	v50 =	vunpack.i.l.bf16.f32 v24  }
0x91: {  	v51 =	vld [tilespmem:s8+$0xA000];
	v24 =	vunpack.i.u.bf16.f32 v24;
	v25 =	vmul.f32 v50, v49  }
0x92: {  	v52 =	vunpack.i.l.bf16.f32 v48;
	v24 =	vmul.f32 v24, v49  }
0x93: {  	v53 =	vperm.xlane v17, v3;
	v23 =	vunpack.i.u.bf16.f32 v48;
	v27 =	vmul.f32 v52, v49;
	[tilespmem:s13+$0xC180] =	vst v25  }
0x94: {  	v21 =	vmul.f32 v23, v49;
	[tilespmem:s13+$0xC190] =	vst v24;
	v54 =	vunpack.i.l.bf16.f32 v22  }
0x95: {  	[tilespmem:s13+$0xC1A0] =	vst v27;
	v22 =	vunpack.i.u.bf16.f32 v22;
	v23 =	vmul.f32 v54, v53  }
0x96: {  	s12 =	sor.u32 $0xE0, s6;
	[tilespmem:s13+$0xC1B0] =	vst v21;
	v55 =	vunpack.i.l.bf16.f32 v51;
	v22 =	vmul.f32 v22, v53  }
0x97: {  	v26 =	vunpack.i.u.bf16.f32 v51;
	v24 =	vld [tilespmem:s12+$0xA000];
	v21 =	vmul.f32 v55, v53;
	[tilespmem:s13+$0xC980] =	vst v23  }
0x98: {  	s8 =	sor.u32 $0xF0, s6;
	v56 =	vmul.f32 v26, v53;
	[tilespmem:s13+$0xC990] =	vst v22  }
0x99: {  	v57 =	vld [tilespmem:s8+$0xA000];
	[tilespmem:s13+$0xC9A0] =	vst v21  }
0x9a: {  	s12 =	sor.u32 $0x4E0, s6;
	[tilespmem:s13+$0xC9B0] =	vst v56  }
0x9b: {  	v58 =	vperm.xlane v18, v3;
	v23 =	vld [tilespmem:s12+$0xA000]  }
0x9c: {  	s8 =	sor.u32 $0x4F0, s6;
	v59 =	vunpack.i.l.bf16.f32 v24  }
0x9d: {  	v60 =	vld [tilespmem:s8+$0xA000];
	v24 =	vunpack.i.u.bf16.f32 v24;
	v25 =	vmul.f32 v59, v58  }
0x9e: {  	v61 =	vunpack.i.l.bf16.f32 v57;
	v24 =	vmul.f32 v24, v58  }
0x9f: {  	v62 =	vperm.xlane v20, v3;
	v22 =	vunpack.i.u.bf16.f32 v57;
	v27 =	vmul.f32 v61, v58;
	[tilespmem:s13+$0xC1C0] =	vst v25  }
0xa0: {  	v21 =	vmul.f32 v22, v58;
	[tilespmem:s13+$0xC1D0] =	vst v24;
	v24 =	vunpack.i.l.bf16.f32 v23  }
0xa1: {  	[tilespmem:s13+$0xC1E0] =	vst v27;
	v23 =	vunpack.i.u.bf16.f32 v23;
	v22 =	vmul.f32 v24, v62  }
0xa2: {  	s12 =	sor.u32 $0x100, s6;
	[tilespmem:s13+$0xC1F0] =	vst v21;
	v28 =	vunpack.i.l.bf16.f32 v60;
	v23 =	vmul.f32 v23, v62  }
0xa3: {  	v26 =	vunpack.i.u.bf16.f32 v60;
	v24 =	vld [tilespmem:s12+$0xA000];
	v21 =	vmul.f32 v28, v62;
	[tilespmem:s13+$0xC9C0] =	vst v22  }
0xa4: {  	s8 =	sor.u32 $0x110, s6;
	v29 =	vmul.f32 v26, v62;
	[tilespmem:s13+$0xC9D0] =	vst v23  }
0xa5: {  	v30 =	vld [tilespmem:s8+$0xA000];
	[tilespmem:s13+$0xC9E0] =	vst v21  }
0xa6: {  	s12 =	sor.u32 $0x500, s6;
	[tilespmem:s13+$0xC9F0] =	vst v29  }
0xa7: {  	v31 =	vperm.xlane v19, v4;
	v22 =	vld [tilespmem:s12+$0xA000]  }
0xa8: {  	s8 =	sor.u32 $0x510, s6;
	v32 =	vunpack.i.l.bf16.f32 v24  }
0xa9: {  	v33 =	vld [tilespmem:s8+$0xA000];
	v24 =	vunpack.i.u.bf16.f32 v24;
	v25 =	vmul.f32 v32, v31  }
0xaa: {  	v34 =	vunpack.i.l.bf16.f32 v30;
	v24 =	vmul.f32 v24, v31  }
0xab: {  	v35 =	vperm.xlane v17, v4;
	v23 =	vunpack.i.u.bf16.f32 v30;
	v27 =	vmul.f32 v34, v31;
	[tilespmem:s13+$0xC200] =	vst v25  }
0xac: {  	v21 =	vmul.f32 v23, v31;
	[tilespmem:s13+$0xC210] =	vst v24;
	v36 =	vunpack.i.l.bf16.f32 v22  }
0xad: {  	[tilespmem:s13+$0xC220] =	vst v27;
	v22 =	vunpack.i.u.bf16.f32 v22;
	v23 =	vmul.f32 v36, v35  }
0xae: {  	s12 =	sor.u32 $0x120, s6;
	[tilespmem:s13+$0xC230] =	vst v21;
	v37 =	vunpack.i.l.bf16.f32 v33;
	v22 =	vmul.f32 v22, v35  }
0xaf: {  	v26 =	vunpack.i.u.bf16.f32 v33;
	v24 =	vld [tilespmem:s12+$0xA000];
	v21 =	vmul.f32 v37, v35;
	[tilespmem:s13+$0xCA00] =	vst v23  }
0xb0: {  	s8 =	sor.u32 $0x130, s6;
	v38 =	vmul.f32 v26, v35;
	[tilespmem:s13+$0xCA10] =	vst v22  }
0xb1: {  	v39 =	vld [tilespmem:s8+$0xA000];
	[tilespmem:s13+$0xCA20] =	vst v21  }
0xb2: {  	s12 =	sor.u32 $0x520, s6;
	[tilespmem:s13+$0xCA30] =	vst v38  }
0xb3: {  	v40 =	vperm.xlane v18, v4;
	v23 =	vld [tilespmem:s12+$0xA000]  }
0xb4: {  	s8 =	sor.u32 $0x530, s6;
	v41 =	vunpack.i.l.bf16.f32 v24  }
0xb5: {  	v42 =	vld [tilespmem:s8+$0xA000];
	v24 =	vunpack.i.u.bf16.f32 v24;
	v25 =	vmul.f32 v41, v40  }
0xb6: {  	v43 =	vunpack.i.l.bf16.f32 v39;
	v24 =	vmul.f32 v24, v40  }
0xb7: {  	v44 =	vperm.xlane v20, v4;
	v22 =	vunpack.i.u.bf16.f32 v39;
	v27 =	vmul.f32 v43, v40;
	[tilespmem:s13+$0xC240] =	vst v25  }
0xb8: {  	v21 =	vmul.f32 v22, v40;
	[tilespmem:s13+$0xC250] =	vst v24;
	v45 =	vunpack.i.l.bf16.f32 v23  }
0xb9: {  	[tilespmem:s13+$0xC260] =	vst v27;
	v23 =	vunpack.i.u.bf16.f32 v23;
	v22 =	vmul.f32 v45, v44  }
0xba: {  	s12 =	sor.u32 $0x140, s6;
	[tilespmem:s13+$0xC270] =	vst v21;
	v46 =	vunpack.i.l.bf16.f32 v42;
	v23 =	vmul.f32 v23, v44  }
0xbb: {  	v26 =	vunpack.i.u.bf16.f32 v42;
	v24 =	vld [tilespmem:s12+$0xA000];
	v21 =	vmul.f32 v46, v44;
	[tilespmem:s13+$0xCA40] =	vst v22  }
0xbc: {  	s8 =	sor.u32 $0x150, s6;
	v47 =	vmul.f32 v26, v44;
	[tilespmem:s13+$0xCA50] =	vst v23  }
0xbd: {  	v48 =	vld [tilespmem:s8+$0xA000];
	[tilespmem:s13+$0xCA60] =	vst v21  }
0xbe: {  	s12 =	sor.u32 $0x540, s6;
	[tilespmem:s13+$0xCA70] =	vst v47  }
0xbf: {  	v49 =	vperm.xlane v19, v5;
	v22 =	vld [tilespmem:s12+$0xA000]  }
0xc0: {  	s8 =	sor.u32 $0x550, s6;
	v50 =	vunpack.i.l.bf16.f32 v24  }
0xc1: {  	v51 =	vld [tilespmem:s8+$0xA000];
	v24 =	vunpack.i.u.bf16.f32 v24;
	v25 =	vmul.f32 v50, v49  }
0xc2: {  	v52 =	vunpack.i.l.bf16.f32 v48;
	v24 =	vmul.f32 v24, v49  }
0xc3: {  	v53 =	vperm.xlane v17, v5;
	v23 =	vunpack.i.u.bf16.f32 v48;
	v27 =	vmul.f32 v52, v49;
	[tilespmem:s13+$0xC280] =	vst v25  }
0xc4: {  	v21 =	vmul.f32 v23, v49;
	[tilespmem:s13+$0xC290] =	vst v24;
	v54 =	vunpack.i.l.bf16.f32 v22  }
0xc5: {  	[tilespmem:s13+$0xC2A0] =	vst v27;
	v22 =	vunpack.i.u.bf16.f32 v22;
	v23 =	vmul.f32 v54, v53  }
0xc6: {  	s12 =	sor.u32 $0x160, s6;
	[tilespmem:s13+$0xC2B0] =	vst v21;
	v55 =	vunpack.i.l.bf16.f32 v51;
	v22 =	vmul.f32 v22, v53  }
0xc7: {  	v26 =	vunpack.i.u.bf16.f32 v51;
	v24 =	vld [tilespmem:s12+$0xA000];
	v21 =	vmul.f32 v55, v53;
	[tilespmem:s13+$0xCA80] =	vst v23  }
0xc8: {  	s8 =	sor.u32 $0x170, s6;
	v56 =	vmul.f32 v26, v53;
	[tilespmem:s13+$0xCA90] =	vst v22  }
0xc9: {  	v57 =	vld [tilespmem:s8+$0xA000];
	[tilespmem:s13+$0xCAA0] =	vst v21  }
0xca: {  	s12 =	sor.u32 $0x560, s6;
	[tilespmem:s13+$0xCAB0] =	vst v56  }
0xcb: {  	v58 =	vperm.xlane v18, v5;
	v23 =	vld [tilespmem:s12+$0xA000]  }
0xcc: {  	s8 =	sor.u32 $0x570, s6;
	v59 =	vunpack.i.l.bf16.f32 v24  }
0xcd: {  	v60 =	vld [tilespmem:s8+$0xA000];
	v24 =	vunpack.i.u.bf16.f32 v24;
	v25 =	vmul.f32 v59, v58  }
0xce: {  	v61 =	vunpack.i.l.bf16.f32 v57;
	v24 =	vmul.f32 v24, v58  }
0xcf: {  	v62 =	vperm.xlane v20, v5;
	v22 =	vunpack.i.u.bf16.f32 v57;
	v27 =	vmul.f32 v61, v58;
	[tilespmem:s13+$0xC2C0] =	vst v25  }
0xd0: {  	v21 =	vmul.f32 v22, v58;
	[tilespmem:s13+$0xC2D0] =	vst v24;
	v24 =	vunpack.i.l.bf16.f32 v23  }
0xd1: {  	[tilespmem:s13+$0xC2E0] =	vst v27;
	v23 =	vunpack.i.u.bf16.f32 v23;
	v22 =	vmul.f32 v24, v62  }
0xd2: {  	s12 =	sor.u32 $0x180, s6;
	[tilespmem:s13+$0xC2F0] =	vst v21;
	v28 =	vunpack.i.l.bf16.f32 v60;
	v23 =	vmul.f32 v23, v62  }
0xd3: {  	v26 =	vunpack.i.u.bf16.f32 v60;
	v24 =	vld [tilespmem:s12+$0xA000];
	v21 =	vmul.f32 v28, v62;
	[tilespmem:s13+$0xCAC0] =	vst v22  }
0xd4: {  	s8 =	sor.u32 $0x190, s6;
	v29 =	vmul.f32 v26, v62;
	[tilespmem:s13+$0xCAD0] =	vst v23  }
0xd5: {  	v30 =	vld [tilespmem:s8+$0xA000];
	[tilespmem:s13+$0xCAE0] =	vst v21  }
0xd6: {  	s12 =	sor.u32 $0x580, s6;
	[tilespmem:s13+$0xCAF0] =	vst v29  }
0xd7: {  	v31 =	vperm.xlane v19, v6;
	v22 =	vld [tilespmem:s12+$0xA000]  }
0xd8: {  	s8 =	sor.u32 $0x590, s6;
	v32 =	vunpack.i.l.bf16.f32 v24  }
0xd9: {  	v33 =	vld [tilespmem:s8+$0xA000];
	v24 =	vunpack.i.u.bf16.f32 v24;
	v25 =	vmul.f32 v32, v31  }
0xda: {  	v34 =	vunpack.i.l.bf16.f32 v30;
	v24 =	vmul.f32 v24, v31  }
0xdb: {  	v35 =	vperm.xlane v17, v6;
	v23 =	vunpack.i.u.bf16.f32 v30;
	v27 =	vmul.f32 v34, v31;
	[tilespmem:s13+$0xC300] =	vst v25  }
0xdc: {  	v21 =	vmul.f32 v23, v31;
	[tilespmem:s13+$0xC310] =	vst v24;
	v36 =	vunpack.i.l.bf16.f32 v22  }
0xdd: {  	[tilespmem:s13+$0xC320] =	vst v27;
	v22 =	vunpack.i.u.bf16.f32 v22;
	v23 =	vmul.f32 v36, v35  }
0xde: {  	s12 =	sor.u32 $0x1A0, s6;
	[tilespmem:s13+$0xC330] =	vst v21;
	v37 =	vunpack.i.l.bf16.f32 v33;
	v22 =	vmul.f32 v22, v35  }
0xdf: {  	v26 =	vunpack.i.u.bf16.f32 v33;
	v24 =	vld [tilespmem:s12+$0xA000];
	v21 =	vmul.f32 v37, v35;
	[tilespmem:s13+$0xCB00] =	vst v23  }
0xe0: {  	s8 =	sor.u32 $0x1B0, s6;
	v38 =	vmul.f32 v26, v35;
	[tilespmem:s13+$0xCB10] =	vst v22  }
0xe1: {  	v39 =	vld [tilespmem:s8+$0xA000];
	[tilespmem:s13+$0xCB20] =	vst v21  }
0xe2: {  	s12 =	sor.u32 $0x5A0, s6;
	[tilespmem:s13+$0xCB30] =	vst v38  }
0xe3: {  	v40 =	vperm.xlane v18, v6;
	v23 =	vld [tilespmem:s12+$0xA000]  }
0xe4: {  	s8 =	sor.u32 $0x5B0, s6;
	v41 =	vunpack.i.l.bf16.f32 v24  }
0xe5: {  	v42 =	vld [tilespmem:s8+$0xA000];
	v24 =	vunpack.i.u.bf16.f32 v24;
	v25 =	vmul.f32 v41, v40  }
0xe6: {  	v43 =	vunpack.i.l.bf16.f32 v39;
	v24 =	vmul.f32 v24, v40  }
0xe7: {  	v44 =	vperm.xlane v20, v6;
	v22 =	vunpack.i.u.bf16.f32 v39;
	v27 =	vmul.f32 v43, v40;
	[tilespmem:s13+$0xC340] =	vst v25  }
0xe8: {  	v21 =	vmul.f32 v22, v40;
	[tilespmem:s13+$0xC350] =	vst v24;
	v45 =	vunpack.i.l.bf16.f32 v23  }
0xe9: {  	[tilespmem:s13+$0xC360] =	vst v27;
	v23 =	vunpack.i.u.bf16.f32 v23;
	v22 =	vmul.f32 v45, v44  }
0xea: {  	s12 =	sor.u32 $0x1C0, s6;
	[tilespmem:s13+$0xC370] =	vst v21;
	v46 =	vunpack.i.l.bf16.f32 v42;
	v23 =	vmul.f32 v23, v44  }
0xeb: {  	v26 =	vunpack.i.u.bf16.f32 v42;
	v24 =	vld [tilespmem:s12+$0xA000];
	v21 =	vmul.f32 v46, v44;
	[tilespmem:s13+$0xCB40] =	vst v22  }
0xec: {  	s8 =	sor.u32 $0x1D0, s6;
	v47 =	vmul.f32 v26, v44;
	[tilespmem:s13+$0xCB50] =	vst v23  }
0xed: {  	v48 =	vld [tilespmem:s8+$0xA000];
	[tilespmem:s13+$0xCB60] =	vst v21  }
0xee: {  	s12 =	sor.u32 $0x5C0, s6;
	[tilespmem:s13+$0xCB70] =	vst v47  }
0xef: {  	v49 =	vperm.xlane v19, v7;
	v22 =	vld [tilespmem:s12+$0xA000]  }
0xf0: {  	s8 =	sor.u32 $0x5D0, s6;
	v50 =	vunpack.i.l.bf16.f32 v24  }
0xf1: {  	v51 =	vld [tilespmem:s8+$0xA000];
	v24 =	vunpack.i.u.bf16.f32 v24;
	v25 =	vmul.f32 v50, v49  }
0xf2: {  	v52 =	vunpack.i.l.bf16.f32 v48;
	v24 =	vmul.f32 v24, v49  }
0xf3: {  	v53 =	vperm.xlane v17, v7;
	v23 =	vunpack.i.u.bf16.f32 v48;
	v27 =	vmul.f32 v52, v49;
	[tilespmem:s13+$0xC380] =	vst v25  }
0xf4: {  	v21 =	vmul.f32 v23, v49;
	[tilespmem:s13+$0xC390] =	vst v24;
	v54 =	vunpack.i.l.bf16.f32 v22  }
0xf5: {  	[tilespmem:s13+$0xC3A0] =	vst v27;
	v22 =	vunpack.i.u.bf16.f32 v22;
	v23 =	vmul.f32 v54, v53  }
0xf6: {  	s12 =	sor.u32 $0x1E0, s6;
	[tilespmem:s13+$0xC3B0] =	vst v21;
	v55 =	vunpack.i.l.bf16.f32 v51;
	v22 =	vmul.f32 v22, v53  }
0xf7: {  	v26 =	vunpack.i.u.bf16.f32 v51;
	v24 =	vld [tilespmem:s12+$0xA000];
	v21 =	vmul.f32 v55, v53;
	[tilespmem:s13+$0xCB80] =	vst v23  }
0xf8: {  	s8 =	sor.u32 $0x1F0, s6;
	v56 =	vmul.f32 v26, v53;
	[tilespmem:s13+$0xCB90] =	vst v22  }
0xf9: {  	v57 =	vld [tilespmem:s8+$0xA000];
	[tilespmem:s13+$0xCBA0] =	vst v21  }
0xfa: {  	s12 =	sor.u32 $0x5E0, s6;
	[tilespmem:s13+$0xCBB0] =	vst v56  }
0xfb: {  	v58 =	vperm.xlane v18, v7;
	v23 =	vld [tilespmem:s12+$0xA000]  }
0xfc: {  	s8 =	sor.u32 $0x5F0, s6;
	v59 =	vunpack.i.l.bf16.f32 v24  }
0xfd: {  	v60 =	vld [tilespmem:s8+$0xA000];
	v24 =	vunpack.i.u.bf16.f32 v24;
	v25 =	vmul.f32 v59, v58  }
0xfe: {  	v61 =	vunpack.i.l.bf16.f32 v57;
	v24 =	vmul.f32 v24, v58  }
0xff: {  	v62 =	vperm.xlane v20, v7;
	v22 =	vunpack.i.u.bf16.f32 v57;
	v27 =	vmul.f32 v61, v58;
	[tilespmem:s13+$0xC3C0] =	vst v25  }
0x100: {  	v21 =	vmul.f32 v22, v58;
	[tilespmem:s13+$0xC3D0] =	vst v24;
	v24 =	vunpack.i.l.bf16.f32 v23  }
0x101: {  	[tilespmem:s13+$0xC3E0] =	vst v27;
	v23 =	vunpack.i.u.bf16.f32 v23;
	v22 =	vmul.f32 v24, v62  }
0x102: {  	s12 =	sor.u32 $0x200, s6;
	[tilespmem:s13+$0xC3F0] =	vst v21;
	v28 =	vunpack.i.l.bf16.f32 v60;
	v23 =	vmul.f32 v23, v62  }
0x103: {  	v26 =	vunpack.i.u.bf16.f32 v60;
	v24 =	vld [tilespmem:s12+$0xA000];
	v21 =	vmul.f32 v28, v62;
	[tilespmem:s13+$0xCBC0] =	vst v22  }
0x104: {  	s8 =	sor.u32 $0x210, s6;
	v29 =	vmul.f32 v26, v62;
	[tilespmem:s13+$0xCBD0] =	vst v23  }
0x105: {  	v30 =	vld [tilespmem:s8+$0xA000];
	[tilespmem:s13+$0xCBE0] =	vst v21  }
0x106: {  	s12 =	sor.u32 $0x600, s6;
	[tilespmem:s13+$0xCBF0] =	vst v29  }
0x107: {  	v31 =	vperm.xlane v19, v8;
	v22 =	vld [tilespmem:s12+$0xA000]  }
0x108: {  	s8 =	sor.u32 $0x610, s6;
	v32 =	vunpack.i.l.bf16.f32 v24  }
0x109: {  	v33 =	vld [tilespmem:s8+$0xA000];
	v24 =	vunpack.i.u.bf16.f32 v24;
	v25 =	vmul.f32 v32, v31  }
0x10a: {  	v34 =	vunpack.i.l.bf16.f32 v30;
	v24 =	vmul.f32 v24, v31  }
0x10b: {  	v35 =	vperm.xlane v17, v8;
	v23 =	vunpack.i.u.bf16.f32 v30;
	v27 =	vmul.f32 v34, v31;
	[tilespmem:s13+$0xC400] =	vst v25  }
0x10c: {  	v21 =	vmul.f32 v23, v31;
	[tilespmem:s13+$0xC410] =	vst v24;
	v36 =	vunpack.i.l.bf16.f32 v22  }
0x10d: {  	[tilespmem:s13+$0xC420] =	vst v27;
	v22 =	vunpack.i.u.bf16.f32 v22;
	v23 =	vmul.f32 v36, v35  }
0x10e: {  	s12 =	sor.u32 $0x220, s6;
	[tilespmem:s13+$0xC430] =	vst v21;
	v37 =	vunpack.i.l.bf16.f32 v33;
	v22 =	vmul.f32 v22, v35  }
0x10f: {  	v26 =	vunpack.i.u.bf16.f32 v33;
	v24 =	vld [tilespmem:s12+$0xA000];
	v21 =	vmul.f32 v37, v35;
	[tilespmem:s13+$0xCC00] =	vst v23  }
0x110: {  	s8 =	sor.u32 $0x230, s6;
	v38 =	vmul.f32 v26, v35;
	[tilespmem:s13+$0xCC10] =	vst v22  }
0x111: {  	v39 =	vld [tilespmem:s8+$0xA000];
	[tilespmem:s13+$0xCC20] =	vst v21  }
0x112: {  	s12 =	sor.u32 $0x620, s6;
	[tilespmem:s13+$0xCC30] =	vst v38  }
0x113: {  	v40 =	vperm.xlane v18, v8;
	v23 =	vld [tilespmem:s12+$0xA000]  }
0x114: {  	s8 =	sor.u32 $0x630, s6;
	v41 =	vunpack.i.l.bf16.f32 v24  }
0x115: {  	v42 =	vld [tilespmem:s8+$0xA000];
	v24 =	vunpack.i.u.bf16.f32 v24;
	v25 =	vmul.f32 v41, v40  }
0x116: {  	v43 =	vunpack.i.l.bf16.f32 v39;
	v24 =	vmul.f32 v24, v40  }
0x117: {  	v44 =	vperm.xlane v20, v8;
	v22 =	vunpack.i.u.bf16.f32 v39;
	v27 =	vmul.f32 v43, v40;
	[tilespmem:s13+$0xC440] =	vst v25  }
0x118: {  	v21 =	vmul.f32 v22, v40;
	[tilespmem:s13+$0xC450] =	vst v24;
	v45 =	vunpack.i.l.bf16.f32 v23  }
0x119: {  	[tilespmem:s13+$0xC460] =	vst v27;
	v23 =	vunpack.i.u.bf16.f32 v23;
	v22 =	vmul.f32 v45, v44  }
0x11a: {  	s12 =	sor.u32 $0x240, s6;
	[tilespmem:s13+$0xC470] =	vst v21;
	v46 =	vunpack.i.l.bf16.f32 v42;
	v23 =	vmul.f32 v23, v44  }
0x11b: {  	v26 =	vunpack.i.u.bf16.f32 v42;
	v24 =	vld [tilespmem:s12+$0xA000];
	v21 =	vmul.f32 v46, v44;
	[tilespmem:s13+$0xCC40] =	vst v22  }
0x11c: {  	s8 =	sor.u32 $0x250, s6;
	v47 =	vmul.f32 v26, v44;
	[tilespmem:s13+$0xCC50] =	vst v23  }
0x11d: {  	v48 =	vld [tilespmem:s8+$0xA000];
	[tilespmem:s13+$0xCC60] =	vst v21  }
0x11e: {  	s12 =	sor.u32 $0x640, s6;
	[tilespmem:s13+$0xCC70] =	vst v47  }
0x11f: {  	v49 =	vperm.xlane v19, v9;
	v22 =	vld [tilespmem:s12+$0xA000]  }
0x120: {  	s8 =	sor.u32 $0x650, s6;
	v50 =	vunpack.i.l.bf16.f32 v24  }
0x121: {  	v51 =	vld [tilespmem:s8+$0xA000];
	v24 =	vunpack.i.u.bf16.f32 v24;
	v25 =	vmul.f32 v50, v49  }
0x122: {  	v52 =	vunpack.i.l.bf16.f32 v48;
	v24 =	vmul.f32 v24, v49  }
0x123: {  	v53 =	vperm.xlane v17, v9;
	v23 =	vunpack.i.u.bf16.f32 v48;
	v27 =	vmul.f32 v52, v49;
	[tilespmem:s13+$0xC480] =	vst v25  }
0x124: {  	v21 =	vmul.f32 v23, v49;
	[tilespmem:s13+$0xC490] =	vst v24;
	v54 =	vunpack.i.l.bf16.f32 v22  }
0x125: {  	[tilespmem:s13+$0xC4A0] =	vst v27;
	v22 =	vunpack.i.u.bf16.f32 v22;
	v23 =	vmul.f32 v54, v53  }
0x126: {  	s12 =	sor.u32 $0x260, s6;
	[tilespmem:s13+$0xC4B0] =	vst v21;
	v55 =	vunpack.i.l.bf16.f32 v51;
	v22 =	vmul.f32 v22, v53  }
0x127: {  	v26 =	vunpack.i.u.bf16.f32 v51;
	v24 =	vld [tilespmem:s12+$0xA000];
	v21 =	vmul.f32 v55, v53;
	[tilespmem:s13+$0xCC80] =	vst v23  }
0x128: {  	s8 =	sor.u32 $0x270, s6;
	v56 =	vmul.f32 v26, v53;
	[tilespmem:s13+$0xCC90] =	vst v22  }
0x129: {  	v57 =	vld [tilespmem:s8+$0xA000];
	[tilespmem:s13+$0xCCA0] =	vst v21  }
0x12a: {  	s12 =	sor.u32 $0x660, s6;
	[tilespmem:s13+$0xCCB0] =	vst v56  }
0x12b: {  	v58 =	vperm.xlane v18, v9;
	v23 =	vld [tilespmem:s12+$0xA000]  }
0x12c: {  	s8 =	sor.u32 $0x670, s6;
	v59 =	vunpack.i.l.bf16.f32 v24  }
0x12d: {  	v60 =	vld [tilespmem:s8+$0xA000];
	v24 =	vunpack.i.u.bf16.f32 v24;
	v25 =	vmul.f32 v59, v58  }
0x12e: {  	v61 =	vunpack.i.l.bf16.f32 v57;
	v24 =	vmul.f32 v24, v58  }
0x12f: {  	v62 =	vperm.xlane v20, v9;
	v22 =	vunpack.i.u.bf16.f32 v57;
	v27 =	vmul.f32 v61, v58;
	[tilespmem:s13+$0xC4C0] =	vst v25  }
0x130: {  	v21 =	vmul.f32 v22, v58;
	[tilespmem:s13+$0xC4D0] =	vst v24;
	v24 =	vunpack.i.l.bf16.f32 v23  }
0x131: {  	[tilespmem:s13+$0xC4E0] =	vst v27;
	v23 =	vunpack.i.u.bf16.f32 v23;
	v22 =	vmul.f32 v24, v62  }
0x132: {  	s12 =	sor.u32 $0x280, s6;
	[tilespmem:s13+$0xC4F0] =	vst v21;
	v28 =	vunpack.i.l.bf16.f32 v60;
	v23 =	vmul.f32 v23, v62  }
0x133: {  	v26 =	vunpack.i.u.bf16.f32 v60;
	v24 =	vld [tilespmem:s12+$0xA000];
	v21 =	vmul.f32 v28, v62;
	[tilespmem:s13+$0xCCC0] =	vst v22  }
0x134: {  	s8 =	sor.u32 $0x290, s6;
	v29 =	vmul.f32 v26, v62;
	[tilespmem:s13+$0xCCD0] =	vst v23  }
0x135: {  	v30 =	vld [tilespmem:s8+$0xA000];
	[tilespmem:s13+$0xCCE0] =	vst v21  }
0x136: {  	s12 =	sor.u32 $0x680, s6;
	[tilespmem:s13+$0xCCF0] =	vst v29  }
0x137: {  	v31 =	vperm.xlane v19, v10;
	v22 =	vld [tilespmem:s12+$0xA000]  }
0x138: {  	s8 =	sor.u32 $0x690, s6;
	v32 =	vunpack.i.l.bf16.f32 v24  }
0x139: {  	v33 =	vld [tilespmem:s8+$0xA000];
	v24 =	vunpack.i.u.bf16.f32 v24;
	v25 =	vmul.f32 v32, v31  }
0x13a: {  	v34 =	vunpack.i.l.bf16.f32 v30;
	v24 =	vmul.f32 v24, v31  }
0x13b: {  	v35 =	vperm.xlane v17, v10;
	v23 =	vunpack.i.u.bf16.f32 v30;
	v27 =	vmul.f32 v34, v31;
	[tilespmem:s13+$0xC500] =	vst v25  }
0x13c: {  	v21 =	vmul.f32 v23, v31;
	[tilespmem:s13+$0xC510] =	vst v24;
	v36 =	vunpack.i.l.bf16.f32 v22  }
0x13d: {  	[tilespmem:s13+$0xC520] =	vst v27;
	v22 =	vunpack.i.u.bf16.f32 v22;
	v23 =	vmul.f32 v36, v35  }
0x13e: {  	s12 =	sor.u32 $0x2A0, s6;
	[tilespmem:s13+$0xC530] =	vst v21;
	v37 =	vunpack.i.l.bf16.f32 v33;
	v22 =	vmul.f32 v22, v35  }
0x13f: {  	v26 =	vunpack.i.u.bf16.f32 v33;
	v24 =	vld [tilespmem:s12+$0xA000];
	v21 =	vmul.f32 v37, v35;
	[tilespmem:s13+$0xCD00] =	vst v23  }
0x140: {  	s8 =	sor.u32 $0x2B0, s6;
	v38 =	vmul.f32 v26, v35;
	[tilespmem:s13+$0xCD10] =	vst v22  }
0x141: {  	v39 =	vld [tilespmem:s8+$0xA000];
	[tilespmem:s13+$0xCD20] =	vst v21  }
0x142: {  	s12 =	sor.u32 $0x6A0, s6;
	[tilespmem:s13+$0xCD30] =	vst v38  }
0x143: {  	v40 =	vperm.xlane v18, v10;
	v23 =	vld [tilespmem:s12+$0xA000]  }
0x144: {  	s8 =	sor.u32 $0x6B0, s6;
	v41 =	vunpack.i.l.bf16.f32 v24  }
0x145: {  	v42 =	vld [tilespmem:s8+$0xA000];
	v24 =	vunpack.i.u.bf16.f32 v24;
	v25 =	vmul.f32 v41, v40  }
0x146: {  	v43 =	vunpack.i.l.bf16.f32 v39;
	v24 =	vmul.f32 v24, v40  }
0x147: {  	v44 =	vperm.xlane v20, v10;
	v22 =	vunpack.i.u.bf16.f32 v39;
	v27 =	vmul.f32 v43, v40;
	[tilespmem:s13+$0xC540] =	vst v25  }
0x148: {  	v21 =	vmul.f32 v22, v40;
	[tilespmem:s13+$0xC550] =	vst v24;
	v45 =	vunpack.i.l.bf16.f32 v23  }
0x149: {  	[tilespmem:s13+$0xC560] =	vst v27;
	v23 =	vunpack.i.u.bf16.f32 v23;
	v22 =	vmul.f32 v45, v44  }
0x14a: {  	s12 =	sor.u32 $0x2C0, s6;
	[tilespmem:s13+$0xC570] =	vst v21;
	v46 =	vunpack.i.l.bf16.f32 v42;
	v23 =	vmul.f32 v23, v44  }
0x14b: {  	v26 =	vunpack.i.u.bf16.f32 v42;
	v24 =	vld [tilespmem:s12+$0xA000];
	v21 =	vmul.f32 v46, v44;
	[tilespmem:s13+$0xCD40] =	vst v22  }
0x14c: {  	s8 =	sor.u32 $0x2D0, s6;
	v47 =	vmul.f32 v26, v44;
	[tilespmem:s13+$0xCD50] =	vst v23  }
0x14d: {  	v48 =	vld [tilespmem:s8+$0xA000];
	[tilespmem:s13+$0xCD60] =	vst v21  }
0x14e: {  	s12 =	sor.u32 $0x6C0, s6;
	[tilespmem:s13+$0xCD70] =	vst v47  }
0x14f: {  	v49 =	vperm.xlane v19, v11;
	v22 =	vld [tilespmem:s12+$0xA000]  }
0x150: {  	s8 =	sor.u32 $0x6D0, s6;
	v50 =	vunpack.i.l.bf16.f32 v24  }
0x151: {  	v51 =	vld [tilespmem:s8+$0xA000];
	v24 =	vunpack.i.u.bf16.f32 v24;
	v25 =	vmul.f32 v50, v49  }
0x152: {  	v52 =	vunpack.i.l.bf16.f32 v48;
	v24 =	vmul.f32 v24, v49  }
0x153: {  	v53 =	vperm.xlane v17, v11;
	v23 =	vunpack.i.u.bf16.f32 v48;
	v27 =	vmul.f32 v52, v49;
	[tilespmem:s13+$0xC580] =	vst v25  }
0x154: {  	v21 =	vmul.f32 v23, v49;
	[tilespmem:s13+$0xC590] =	vst v24;
	v54 =	vunpack.i.l.bf16.f32 v22  }
0x155: {  	[tilespmem:s13+$0xC5A0] =	vst v27;
	v22 =	vunpack.i.u.bf16.f32 v22;
	v23 =	vmul.f32 v54, v53  }
0x156: {  	s12 =	sor.u32 $0x2E0, s6;
	[tilespmem:s13+$0xC5B0] =	vst v21;
	v55 =	vunpack.i.l.bf16.f32 v51;
	v22 =	vmul.f32 v22, v53  }
0x157: {  	v26 =	vunpack.i.u.bf16.f32 v51;
	v24 =	vld [tilespmem:s12+$0xA000];
	v21 =	vmul.f32 v55, v53;
	[tilespmem:s13+$0xCD80] =	vst v23  }
0x158: {  	s8 =	sor.u32 $0x2F0, s6;
	v56 =	vmul.f32 v26, v53;
	[tilespmem:s13+$0xCD90] =	vst v22  }
0x159: {  	v57 =	vld [tilespmem:s8+$0xA000];
	[tilespmem:s13+$0xCDA0] =	vst v21  }
0x15a: {  	s12 =	sor.u32 $0x6E0, s6;
	[tilespmem:s13+$0xCDB0] =	vst v56  }
0x15b: {  	v58 =	vperm.xlane v18, v11;
	v23 =	vld [tilespmem:s12+$0xA000]  }
0x15c: {  	s8 =	sor.u32 $0x6F0, s6;
	v59 =	vunpack.i.l.bf16.f32 v24  }
0x15d: {  	v60 =	vld [tilespmem:s8+$0xA000];
	v24 =	vunpack.i.u.bf16.f32 v24;
	v25 =	vmul.f32 v59, v58  }
0x15e: {  	v61 =	vunpack.i.l.bf16.f32 v57;
	v24 =	vmul.f32 v24, v58  }
0x15f: {  	v62 =	vperm.xlane v20, v11;
	v22 =	vunpack.i.u.bf16.f32 v57;
	v27 =	vmul.f32 v61, v58;
	[tilespmem:s13+$0xC5C0] =	vst v25  }
0x160: {  	v21 =	vmul.f32 v22, v58;
	[tilespmem:s13+$0xC5D0] =	vst v24;
	v28 =	vunpack.i.l.bf16.f32 v23  }
0x161: {  	[tilespmem:s13+$0xC5E0] =	vst v27;
	v23 =	vunpack.i.u.bf16.f32 v23;
	v22 =	vmul.f32 v28, v62  }
0x162: {  	s12 =	sor.u32 $0x300, s6;
	[tilespmem:s13+$0xC5F0] =	vst v21;
	v29 =	vunpack.i.l.bf16.f32 v60;
	v23 =	vmul.f32 v23, v62  }
0x163: {  	v26 =	vunpack.i.u.bf16.f32 v60;
	v24 =	vld [tilespmem:s12+$0xA000];
	v21 =	vmul.f32 v29, v62;
	[tilespmem:s13+$0xCDC0] =	vst v22  }
0x164: {  	s8 =	sor.u32 $0x310, s6;
	v30 =	vmul.f32 v26, v62;
	[tilespmem:s13+$0xCDD0] =	vst v23  }
0x165: {  	v31 =	vld [tilespmem:s8+$0xA000];
	[tilespmem:s13+$0xCDE0] =	vst v21  }
0x166: {  	s12 =	sor.u32 $0x700, s6;
	[tilespmem:s13+$0xCDF0] =	vst v30  }
0x167: {  	v32 =	vperm.xlane v19, v12;
	v22 =	vld [tilespmem:s12+$0xA000]  }
0x168: {  	s8 =	sor.u32 $0x710, s6;
	v33 =	vunpack.i.l.bf16.f32 v24  }
0x169: {  	v34 =	vld [tilespmem:s8+$0xA000];
	v24 =	vunpack.i.u.bf16.f32 v24;
	v25 =	vmul.f32 v33, v32  }
0x16a: {  	v35 =	vunpack.i.l.bf16.f32 v31;
	v24 =	vmul.f32 v24, v32  }
0x16b: {  	v36 =	vperm.xlane v17, v12;
	v23 =	vunpack.i.u.bf16.f32 v31;
	v27 =	vmul.f32 v35, v32;
	[tilespmem:s13+$0xC600] =	vst v25  }
0x16c: {  	v21 =	vmul.f32 v23, v32;
	[tilespmem:s13+$0xC610] =	vst v24;
	v37 =	vunpack.i.l.bf16.f32 v22  }
0x16d: {  	[tilespmem:s13+$0xC620] =	vst v27;
	v22 =	vunpack.i.u.bf16.f32 v22;
	v23 =	vmul.f32 v37, v36  }
0x16e: {  	s12 =	sor.u32 $0x320, s6;
	[tilespmem:s13+$0xC630] =	vst v21;
	v38 =	vunpack.i.l.bf16.f32 v34;
	v22 =	vmul.f32 v22, v36  }
0x16f: {  	v26 =	vunpack.i.u.bf16.f32 v34;
	v24 =	vld [tilespmem:s12+$0xA000];
	v21 =	vmul.f32 v38, v36;
	[tilespmem:s13+$0xCE00] =	vst v23  }
0x170: {  	s8 =	sor.u32 $0x330, s6;
	v39 =	vmul.f32 v26, v36;
	[tilespmem:s13+$0xCE10] =	vst v22  }
0x171: {  	v40 =	vld [tilespmem:s8+$0xA000];
	[tilespmem:s13+$0xCE20] =	vst v21  }
0x172: {  	s12 =	sor.u32 $0x720, s6;
	[tilespmem:s13+$0xCE30] =	vst v39  }
0x173: {  	v41 =	vperm.xlane v18, v12;
	v23 =	vld [tilespmem:s12+$0xA000]  }
0x174: {  	s8 =	sor.u32 $0x730, s6;
	v42 =	vunpack.i.l.bf16.f32 v24  }
0x175: {  	v43 =	vld [tilespmem:s8+$0xA000];
	v24 =	vunpack.i.u.bf16.f32 v24;
	v25 =	vmul.f32 v42, v41  }
0x176: {  	v44 =	vunpack.i.l.bf16.f32 v40;
	v24 =	vmul.f32 v24, v41  }
0x177: {  	v45 =	vperm.xlane v20, v12;
	v22 =	vunpack.i.u.bf16.f32 v40;
	v27 =	vmul.f32 v44, v41;
	[tilespmem:s13+$0xC640] =	vst v25  }
0x178: {  	v21 =	vmul.f32 v22, v41;
	[tilespmem:s13+$0xC650] =	vst v24;
	v46 =	vunpack.i.l.bf16.f32 v23  }
0x179: {  	[tilespmem:s13+$0xC660] =	vst v27;
	v23 =	vunpack.i.u.bf16.f32 v23;
	v22 =	vmul.f32 v46, v45  }
0x17a: {  	s12 =	sor.u32 $0x340, s6;
	[tilespmem:s13+$0xC670] =	vst v21;
	v47 =	vunpack.i.l.bf16.f32 v43;
	v23 =	vmul.f32 v23, v45  }
0x17b: {  	v26 =	vunpack.i.u.bf16.f32 v43;
	v24 =	vld [tilespmem:s12+$0xA000];
	v21 =	vmul.f32 v47, v45;
	[tilespmem:s13+$0xCE40] =	vst v22  }
0x17c: {  	s8 =	sor.u32 $0x350, s6;
	v48 =	vmul.f32 v26, v45;
	[tilespmem:s13+$0xCE50] =	vst v23  }
0x17d: {  	v49 =	vld [tilespmem:s8+$0xA000];
	[tilespmem:s13+$0xCE60] =	vst v21  }
0x17e: {  	s12 =	sor.u32 $0x740, s6;
	[tilespmem:s13+$0xCE70] =	vst v48  }
0x17f: {  	v50 =	vperm.xlane v19, v13;
	v22 =	vld [tilespmem:s12+$0xA000]  }
0x180: {  	s8 =	sor.u32 $0x750, s6;
	v51 =	vunpack.i.l.bf16.f32 v24  }
0x181: {  	v52 =	vld [tilespmem:s8+$0xA000];
	v24 =	vunpack.i.u.bf16.f32 v24;
	v25 =	vmul.f32 v51, v50  }
0x182: {  	v53 =	vunpack.i.l.bf16.f32 v49;
	v24 =	vmul.f32 v24, v50  }
0x183: {  	v54 =	vperm.xlane v17, v13;
	v23 =	vunpack.i.u.bf16.f32 v49;
	v27 =	vmul.f32 v53, v50;
	[tilespmem:s13+$0xC680] =	vst v25  }
0x184: {  	v21 =	vmul.f32 v23, v50;
	[tilespmem:s13+$0xC690] =	vst v24;
	v55 =	vunpack.i.l.bf16.f32 v22  }
0x185: {  	[tilespmem:s13+$0xC6A0] =	vst v27;
	v22 =	vunpack.i.u.bf16.f32 v22;
	v23 =	vmul.f32 v55, v54  }
0x186: {  	s12 =	sor.u32 $0x360, s6;
	[tilespmem:s13+$0xC6B0] =	vst v21;
	v56 =	vunpack.i.l.bf16.f32 v52;
	v22 =	vmul.f32 v22, v54  }
0x187: {  	v26 =	vunpack.i.u.bf16.f32 v52;
	v24 =	vld [tilespmem:s12+$0xA000];
	v21 =	vmul.f32 v56, v54;
	[tilespmem:s13+$0xCE80] =	vst v23  }
0x188: {  	s8 =	sor.u32 $0x370, s6;
	v57 =	vmul.f32 v26, v54;
	[tilespmem:s13+$0xCE90] =	vst v22  }
0x189: {  	v58 =	vld [tilespmem:s8+$0xA000];
	[tilespmem:s13+$0xCEA0] =	vst v21  }
0x18a: {  	s12 =	sor.u32 $0x760, s6;
	[tilespmem:s13+$0xCEB0] =	vst v57  }
0x18b: {  	v59 =	vperm.xlane v18, v13;
	v23 =	vld [tilespmem:s12+$0xA000]  }
0x18c: {  	s8 =	sor.u32 $0x770, s6;
	v60 =	vunpack.i.l.bf16.f32 v24  }
0x18d: {  	v61 =	vld [tilespmem:s8+$0xA000];
	v24 =	vunpack.i.u.bf16.f32 v24;
	v25 =	vmul.f32 v60, v59  }
0x18e: {  	v62 =	vunpack.i.l.bf16.f32 v58;
	v24 =	vmul.f32 v24, v59  }
0x18f: {  	v28 =	vperm.xlane v20, v13;
	v22 =	vunpack.i.u.bf16.f32 v58;
	v27 =	vmul.f32 v62, v59;
	[tilespmem:s13+$0xC6C0] =	vst v25  }
0x190: {  	v21 =	vmul.f32 v22, v59;
	[tilespmem:s13+$0xC6D0] =	vst v24;
	v29 =	vunpack.i.l.bf16.f32 v23  }
0x191: {  	[tilespmem:s13+$0xC6E0] =	vst v27;
	v23 =	vunpack.i.u.bf16.f32 v23;
	v22 =	vmul.f32 v29, v28  }
0x192: {  	s12 =	sor.u32 $0x380, s6;
	[tilespmem:s13+$0xC6F0] =	vst v21;
	v30 =	vunpack.i.l.bf16.f32 v61;
	v23 =	vmul.f32 v23, v28  }
0x193: {  	v26 =	vunpack.i.u.bf16.f32 v61;
	v24 =	vld [tilespmem:s12+$0xA000];
	v21 =	vmul.f32 v30, v28;
	[tilespmem:s13+$0xCEC0] =	vst v22  }
0x194: {  	s8 =	sor.u32 $0x390, s6;
	v31 =	vmul.f32 v26, v28;
	[tilespmem:s13+$0xCED0] =	vst v23  }
0x195: {  	v32 =	vld [tilespmem:s8+$0xA000];
	[tilespmem:s13+$0xCEE0] =	vst v21  }
0x196: {  	s12 =	sor.u32 $0x780, s6;
	[tilespmem:s13+$0xCEF0] =	vst v31  }
0x197: {  	v33 =	vperm.xlane v19, v14;
	v22 =	vld [tilespmem:s12+$0xA000]  }
0x198: {  	s8 =	sor.u32 $0x790, s6;
	v34 =	vunpack.i.l.bf16.f32 v24  }
0x199: {  	v35 =	vld [tilespmem:s8+$0xA000];
	v24 =	vunpack.i.u.bf16.f32 v24;
	v25 =	vmul.f32 v34, v33  }
0x19a: {  	v36 =	vunpack.i.l.bf16.f32 v32;
	v24 =	vmul.f32 v24, v33  }
0x19b: {  	v37 =	vperm.xlane v17, v14;
	v23 =	vunpack.i.u.bf16.f32 v32;
	v27 =	vmul.f32 v36, v33;
	[tilespmem:s13+$0xC700] =	vst v25  }
0x19c: {  	v21 =	vmul.f32 v23, v33;
	[tilespmem:s13+$0xC710] =	vst v24;
	v38 =	vunpack.i.l.bf16.f32 v22  }
0x19d: {  	[tilespmem:s13+$0xC720] =	vst v27;
	v22 =	vunpack.i.u.bf16.f32 v22;
	v23 =	vmul.f32 v38, v37  }
0x19e: {  	s12 =	sor.u32 $0x3A0, s6;
	[tilespmem:s13+$0xC730] =	vst v21;
	v39 =	vunpack.i.l.bf16.f32 v35;
	v22 =	vmul.f32 v22, v37  }
0x19f: {  	v26 =	vunpack.i.u.bf16.f32 v35;
	v24 =	vld [tilespmem:s12+$0xA000];
	v21 =	vmul.f32 v39, v37;
	[tilespmem:s13+$0xCF00] =	vst v23  }
0x1a0: {  	s8 =	sor.u32 $0x3B0, s6;
	v40 =	vmul.f32 v26, v37;
	[tilespmem:s13+$0xCF10] =	vst v22  }
0x1a1: {  	v41 =	vld [tilespmem:s8+$0xA000];
	[tilespmem:s13+$0xCF20] =	vst v21  }
0x1a2: {  	s12 =	sor.u32 $0x7A0, s6;
	[tilespmem:s13+$0xCF30] =	vst v40  }
0x1a3: {  	v42 =	vperm.xlane v18, v14;
	v23 =	vld [tilespmem:s12+$0xA000]  }
0x1a4: {  	s8 =	sor.u32 $0x7B0, s6;
	v43 =	vunpack.i.l.bf16.f32 v24  }
0x1a5: {  	v44 =	vld [tilespmem:s8+$0xA000];
	v24 =	vunpack.i.u.bf16.f32 v24;
	v25 =	vmul.f32 v43, v42  }
0x1a6: {  	v45 =	vunpack.i.l.bf16.f32 v41;
	v24 =	vmul.f32 v24, v42  }
0x1a7: {  	v46 =	vperm.xlane v20, v14;
	v22 =	vunpack.i.u.bf16.f32 v41;
	v27 =	vmul.f32 v45, v42;
	[tilespmem:s13+$0xC740] =	vst v25  }
0x1a8: {  	v21 =	vmul.f32 v22, v42;
	[tilespmem:s13+$0xC750] =	vst v24;
	v47 =	vunpack.i.l.bf16.f32 v23  }
0x1a9: {  	[tilespmem:s13+$0xC760] =	vst v27;
	v23 =	vunpack.i.u.bf16.f32 v23;
	v22 =	vmul.f32 v47, v46  }
0x1aa: {  	s12 =	sor.u32 $0x3C0, s6;
	[tilespmem:s13+$0xC770] =	vst v21;
	v48 =	vunpack.i.l.bf16.f32 v44;
	v23 =	vmul.f32 v23, v46  }
0x1ab: {  	v26 =	vunpack.i.u.bf16.f32 v44;
	v24 =	vld [tilespmem:s12+$0xA000];
	v21 =	vmul.f32 v48, v46;
	[tilespmem:s13+$0xCF40] =	vst v22  }
0x1ac: {  	s8 =	sor.u32 $0x3D0, s6;
	v49 =	vmul.f32 v26, v46;
	[tilespmem:s13+$0xCF50] =	vst v23  }
0x1ad: {  	v50 =	vld [tilespmem:s8+$0xA000];
	[tilespmem:s13+$0xCF60] =	vst v21  }
0x1ae: {  	s12 =	sor.u32 $0x7C0, s6;
	[tilespmem:s13+$0xCF70] =	vst v49  }
0x1af: {  	v19 =	vperm.xlane v19, v15;
	v21 =	vld [tilespmem:s12+$0xA000]  }
0x1b0: {  	s8 =	sor.u32 $0x7D0, s6;
	v51 =	vunpack.i.l.bf16.f32 v24  }
0x1b1: {  	v52 =	vld [tilespmem:s8+$0xA000];
	v24 =	vunpack.i.u.bf16.f32 v24;
	v22 =	vmul.f32 v51, v19  }
0x1b2: {  	v53 =	vunpack.i.l.bf16.f32 v50;
	v24 =	vmul.f32 v24, v19  }
0x1b3: {  	v17 =	vperm.xlane v17, v15;
	v23 =	vunpack.i.u.bf16.f32 v50;
	v26 =	vmul.f32 v53, v19;
	[tilespmem:s13+$0xC780] =	vst v22  }
0x1b4: {  	v19 =	vmul.f32 v23, v19;
	[tilespmem:s13+$0xC790] =	vst v24;
	v54 =	vunpack.i.l.bf16.f32 v21  }
0x1b5: {  	[tilespmem:s13+$0xC7A0] =	vst v26;
	v21 =	vunpack.i.u.bf16.f32 v21;
	v22 =	vmul.f32 v54, v17  }
0x1b6: {  	s12 =	sor.u32 $0x3E0, s6;
	[tilespmem:s13+$0xC7B0] =	vst v19;
	v19 =	vunpack.i.l.bf16.f32 v52;
	v21 =	vmul.f32 v21, v17  }
0x1b7: {  	v56 =	vunpack.i.u.bf16.f32 v52;
	v55 =	vld [tilespmem:s12+$0xA000];
	v19 =	vmul.f32 v19, v17;
	[tilespmem:s13+$0xCF80] =	vst v22  }
0x1b8: {  	s8 =	sor.u32 $0x3F0, s6;
	v17 =	vmul.f32 v56, v17;
	[tilespmem:s13+$0xCF90] =	vst v21  }
0x1b9: {  	v57 =	vld [tilespmem:s8+$0xA000];
	[tilespmem:s13+$0xCFA0] =	vst v19  }
0x1ba: {  	s12 =	sor.u32 $0x7E0, s6;
	[tilespmem:s13+$0xCFB0] =	vst v17  }
0x1bb: {  	v17 =	vperm.xlane v18, v15;
	v18 =	vld [tilespmem:s12+$0xA000]  }
0x1bc: {  	s6 =	sor.u32 $0x7F0, s6;
	v19 =	vunpack.i.l.bf16.f32 v55  }
0x1bd: {  	v59 =	vld [tilespmem:s6+$0xA000];
	v58 =	vunpack.i.u.bf16.f32 v55;
	v19 =	vmul.f32 v19, v17  }
0x1be: {  	v60 =	vunpack.i.l.bf16.f32 v57;
	v22 =	vmul.f32 v58, v17  }
0x1bf: {  	v21 =	vunpack.i.u.bf16.f32 v57;
	v24 =	vmul.f32 v60, v17;
	[tilespmem:s13+$0xC7C0] =	vst v19;
	v19 =	vperm.xlane v20, v15  }
0x1c0: {  	v17 =	vmul.f32 v21, v17;
	[tilespmem:s13+$0xC7D0] =	vst v22;
	v61 =	vunpack.i.l.bf16.f32 v18  }
0x1c1: {  	p2 =	por p1, p1;
	[tilespmem:s13+$0xC7E0] =	vst v24;
	v18 =	vunpack.i.u.bf16.f32 v18;
	v20 =	vmul.f32 v61, v19  }
.Ltmp4:
0x1c2: {  	[tilespmem:s13+$0xC7F0] =	vst v17;
	v17 =	vunpack.i.l.bf16.f32 v59;
	v18 =	vmul.f32 v18, v19;
	(pc) =	sbr.rel @p2 .LBB2_4-.Ltmp4, $4  }
0x1c3: {  	v62 =	vunpack.i.u.bf16.f32 v59;
	v17 =	vmul.f32 v17, v19;
	[tilespmem:s13+$0xCFC0] =	vst v20  }
0x1c4: {  	v19 =	vmul.f32 v62, v19;
	[tilespmem:s13+$0xCFD0] =	vst v18  }
0x1c5: {  	[tilespmem:s13+$0xCFE0] =	vst v17  }
0x1c6: {  	p1 =	por $0x0, $0x0;
	s7 =	simm.s32 $0x40;
	[tilespmem:s13+$0xCFF0] =	vst v19  }
0x1c7: {  	p1 =	seq.s32 s2, $0x3F  }
0x1c8: {  	s6 =	sshll.u32 @!p1 s2, $0xA  }
0x1c9: {  	s8 =	simm.s32 @!p1 $0x80;
	s7 =	sshrl.u32 @!p1 s6, $0x2  }
0x1ca: {  	s13 =	simm.s32 @!p1 $0xA000;
	s6 =	simm.s32 @p1 $0xFC00;
	s7 =	sadd.s32 @!p1 $0x100, s7  }
0x1cb: {  	[tilespmem:s13], [sflag:$0x1] =	stream.indirect.gather @!p1 [hbm4b:s0+s8], $0x20, s7, s8, $0xb8;
	v63 =	vld [tilespmem:$0x0]  }
0x1cc: {  	s15 =	sor.u32 $0x1, s15;
	s13 =	sshrl.u32 s6, $0x2  }
0x1cd: {  	s12 =	sshll.u32 s15, $0x6;
	s6 =	sadd.s32 $0x4000, s13  }
0x1ce: {  	[spmem:s3] =	stream.indirect.scatter.add.f32 [tilespmem:s22], [sflag:$0x3], $0x40, s6, s18, $0xb8;
	v63 =	vld [tilespmem:$0x0]  }
0x1cf: {  	s7 =	sand.u32 $0x3FFFFFC0, s12;
	_ =	swait.ge [sflag:s23], $0x1000  }
0x1d0: {  	s7 =	sadd.s32 $0x8000, s7;
	[sflag:s23] =	ssyncset.done $0x0  }
0x1d1: {  	s6 =	simm.s32 @!p0 $0x4;
	v16 =	vmov s7;
	[sflag:s23] =	ssyncadd.s32 $0xFFFFF000  }
0x1d2: {  	_ =	swait.ge @!p0 [sflag:s6], $0x2000  }
0x1d3: {  	[sflag:s6] =	ssyncset.done @!p0 $0x0  }
0x1d4: {  	s8 =	simm.s32 $0x0;
	[sflag:s6] =	ssyncadd.s32 @!p0 $0xFFFFE000;
	p0 =	por $0x1, $0x1  }
.LBB2_6:
0x1d5: {  	s6 =	sshra.s32 s8, $0x1  }
0x1d6: {  	v18 =	vld.idx.msk [tilespmem:v16+s6+$0x0 ss:$0x1], $0xffff;
	s6 =	sshll.u32 s8, $0x6  }
0x1d7: {  	s7 =	sshrl.u32 s6, $0x1  }
0x1d8: {  	s8 =	sor.u32 $0x20, s8;
	v17 =	vld [tilespmem:s7+$0xB000]  }
0x1d9: {  	s12 =	sshra.s32 s8, $0x1;
	v20 =	vld [tilespmem:s7+$0xB010]  }
0x1da: {  	s8 =	sshll.u32 s8, $0x6;
	v21 =	vld.idx.msk [tilespmem:v16+s12+$0x0 ss:$0x1], $0xffff  }
0x1db: {  	s12 =	sshrl.u32 s8, $0x1;
	v19 =	vunpack.i.l.bf16.f32 v18  }
0x1dc: {  	v23 =	vld [tilespmem:s12+$0xB000];
	v22 =	vperm.xlane v19, v0  }
0x1dd: {  	v24 =	vunpack.i.l.bf16.f32 v17  }
0x1de: {  	v25 =	vld [tilespmem:s12+$0xB010];
	v17 =	vunpack.i.u.bf16.f32 v17;
	v24 =	vmul.f32 v24, v22  }
0x1df: {  	v26 =	vunpack.i.l.bf16.f32 v20;
	v27 =	vmul.f32 v17, v22;
	v17 =	vunpack.i.l.bf16.f32 v21  }
0x1e0: {  	v20 =	vunpack.i.u.bf16.f32 v20;
	v26 =	vmul.f32 v26, v22;
	v28 =	vperm.xlane v17, v0;
	[tilespmem:s6+$0xE000] =	vst v24  }
0x1e1: {  	v20 =	vmul.f32 v20, v22;
	v29 =	vunpack.i.l.bf16.f32 v23;
	[tilespmem:s6+$0xE010] =	vst v27  }
0x1e2: {  	v23 =	vunpack.i.u.bf16.f32 v23;
	[tilespmem:s6+$0xE020] =	vst v26;
	v22 =	vmul.f32 v29, v28  }
0x1e3: {  	s12 =	sor.u32 $0x20, s7;
	v30 =	vunpack.i.l.bf16.f32 v25;
	[tilespmem:s6+$0xE030] =	vst v20;
	v23 =	vmul.f32 v23, v28  }
0x1e4: {  	v25 =	vunpack.i.u.bf16.f32 v25;
	v26 =	vld [tilespmem:s12+$0xB000];
	v20 =	vmul.f32 v30, v28;
	[tilespmem:s8+$0xE000] =	vst v22  }
0x1e5: {  	s12 =	sor.u32 $0x30, s7;
	v31 =	vmul.f32 v25, v28;
	[tilespmem:s8+$0xE010] =	vst v23  }
0x1e6: {  	v32 =	vld [tilespmem:s12+$0xB000];
	[tilespmem:s8+$0xE020] =	vst v20  }
0x1e7: {  	v18 =	vunpack.i.u.bf16.f32 v18;
	s12 =	sor.u32 $0x420, s7;
	[tilespmem:s8+$0xE030] =	vst v31  }
0x1e8: {  	v33 =	vperm.xlane v18, v0;
	v34 =	vld [tilespmem:s12+$0xB000]  }
0x1e9: {  	s12 =	sor.u32 $0x430, s7;
	v35 =	vunpack.i.l.bf16.f32 v26  }
0x1ea: {  	v38 =	vld [tilespmem:s12+$0xB000];
	v36 =	vunpack.i.u.bf16.f32 v26;
	v37 =	vmul.f32 v35, v33  }
0x1eb: {  	v20 =	vunpack.i.u.bf16.f32 v21;
	v28 =	vunpack.i.l.bf16.f32 v32;
	v25 =	vmul.f32 v36, v33  }
0x1ec: {  	v41 =	vperm.xlane v20, v0;
	v39 =	vunpack.i.u.bf16.f32 v32;
	v40 =	vmul.f32 v28, v33;
	[tilespmem:s6+$0xE040] =	vst v37  }
0x1ed: {  	v21 =	vmul.f32 v39, v33;
	[tilespmem:s6+$0xE050] =	vst v25;
	v42 =	vunpack.i.l.bf16.f32 v34  }
0x1ee: {  	v43 =	vunpack.i.u.bf16.f32 v34;
	[tilespmem:s6+$0xE060] =	vst v40;
	v22 =	vmul.f32 v42, v41  }
0x1ef: {  	s12 =	sor.u32 $0x40, s7;
	[tilespmem:s6+$0xE070] =	vst v21;
	v44 =	vunpack.i.l.bf16.f32 v38;
	v23 =	vmul.f32 v43, v41  }
0x1f0: {  	v46 =	vunpack.i.u.bf16.f32 v38;
	v45 =	vld [tilespmem:s12+$0xB000];
	v21 =	vmul.f32 v44, v41;
	[tilespmem:s6+$0xE840] =	vst v22  }
0x1f1: {  	s12 =	sor.u32 $0x50, s7;
	v47 =	vmul.f32 v46, v41;
	[tilespmem:s6+$0xE850] =	vst v23  }
0x1f2: {  	v48 =	vld [tilespmem:s12+$0xB000];
	[tilespmem:s6+$0xE860] =	vst v21  }
0x1f3: {  	s12 =	sor.u32 $0x440, s7;
	[tilespmem:s6+$0xE870] =	vst v47  }
0x1f4: {  	v49 =	vperm.xlane v19, v1;
	v22 =	vld [tilespmem:s12+$0xB000]  }
0x1f5: {  	s12 =	sor.u32 $0x450, s7;
	v50 =	vunpack.i.l.bf16.f32 v45  }
0x1f6: {  	v51 =	vld [tilespmem:s12+$0xB000];
	v24 =	vunpack.i.u.bf16.f32 v45;
	v25 =	vmul.f32 v50, v49  }
0x1f7: {  	v52 =	vunpack.i.l.bf16.f32 v48;
	v24 =	vmul.f32 v24, v49  }
0x1f8: {  	v53 =	vperm.xlane v17, v1;
	v23 =	vunpack.i.u.bf16.f32 v48;
	v27 =	vmul.f32 v52, v49;
	[tilespmem:s6+$0xE080] =	vst v25  }
0x1f9: {  	v21 =	vmul.f32 v23, v49;
	[tilespmem:s6+$0xE090] =	vst v24;
	v54 =	vunpack.i.l.bf16.f32 v22  }
0x1fa: {  	v22 =	vunpack.i.u.bf16.f32 v22;
	[tilespmem:s6+$0xE0A0] =	vst v27;
	v23 =	vmul.f32 v54, v53  }
0x1fb: {  	s12 =	sor.u32 $0x60, s7;
	[tilespmem:s6+$0xE0B0] =	vst v21;
	v55 =	vunpack.i.l.bf16.f32 v51;
	v22 =	vmul.f32 v22, v53  }
0x1fc: {  	v26 =	vunpack.i.u.bf16.f32 v51;
	v24 =	vld [tilespmem:s12+$0xB000];
	v21 =	vmul.f32 v55, v53;
	[tilespmem:s6+$0xE880] =	vst v23  }
0x1fd: {  	s12 =	sor.u32 $0x70, s7;
	v56 =	vmul.f32 v26, v53;
	[tilespmem:s6+$0xE890] =	vst v22  }
0x1fe: {  	v57 =	vld [tilespmem:s12+$0xB000];
	[tilespmem:s6+$0xE8A0] =	vst v21  }
0x1ff: {  	s12 =	sor.u32 $0x460, s7;
	[tilespmem:s6+$0xE8B0] =	vst v56  }
0x200: {  	v58 =	vperm.xlane v18, v1;
	v23 =	vld [tilespmem:s12+$0xB000]  }
0x201: {  	s12 =	sor.u32 $0x470, s7;
	v59 =	vunpack.i.l.bf16.f32 v24  }
0x202: {  	v60 =	vld [tilespmem:s12+$0xB000];
	v24 =	vunpack.i.u.bf16.f32 v24;
	v25 =	vmul.f32 v59, v58  }
0x203: {  	v61 =	vunpack.i.l.bf16.f32 v57;
	v24 =	vmul.f32 v24, v58  }
0x204: {  	v62 =	vperm.xlane v20, v1;
	v22 =	vunpack.i.u.bf16.f32 v57;
	v27 =	vmul.f32 v61, v58;
	[tilespmem:s6+$0xE0C0] =	vst v25  }
0x205: {  	v21 =	vmul.f32 v22, v58;
	[tilespmem:s6+$0xE0D0] =	vst v24;
	v24 =	vunpack.i.l.bf16.f32 v23  }
0x206: {  	v23 =	vunpack.i.u.bf16.f32 v23;
	[tilespmem:s6+$0xE0E0] =	vst v27;
	v22 =	vmul.f32 v24, v62  }
0x207: {  	s12 =	sor.u32 $0x80, s7;
	[tilespmem:s6+$0xE0F0] =	vst v21;
	v28 =	vunpack.i.l.bf16.f32 v60;
	v23 =	vmul.f32 v23, v62  }
0x208: {  	v26 =	vunpack.i.u.bf16.f32 v60;
	v24 =	vld [tilespmem:s12+$0xB000];
	v21 =	vmul.f32 v28, v62;
	[tilespmem:s6+$0xE8C0] =	vst v22  }
0x209: {  	s12 =	sor.u32 $0x90, s7;
	v29 =	vmul.f32 v26, v62;
	[tilespmem:s6+$0xE8D0] =	vst v23  }
0x20a: {  	v30 =	vld [tilespmem:s12+$0xB000];
	[tilespmem:s6+$0xE8E0] =	vst v21  }
0x20b: {  	s12 =	sor.u32 $0x480, s7;
	[tilespmem:s6+$0xE8F0] =	vst v29  }
0x20c: {  	v31 =	vperm.xlane v19, v2;
	v22 =	vld [tilespmem:s12+$0xB000]  }
0x20d: {  	s12 =	sor.u32 $0x490, s7;
	v32 =	vunpack.i.l.bf16.f32 v24  }
0x20e: {  	v33 =	vld [tilespmem:s12+$0xB000];
	v24 =	vunpack.i.u.bf16.f32 v24;
	v25 =	vmul.f32 v32, v31  }
0x20f: {  	v34 =	vunpack.i.l.bf16.f32 v30;
	v24 =	vmul.f32 v24, v31  }
0x210: {  	v35 =	vperm.xlane v17, v2;
	v23 =	vunpack.i.u.bf16.f32 v30;
	v27 =	vmul.f32 v34, v31;
	[tilespmem:s6+$0xE100] =	vst v25  }
0x211: {  	v21 =	vmul.f32 v23, v31;
	[tilespmem:s6+$0xE110] =	vst v24;
	v36 =	vunpack.i.l.bf16.f32 v22  }
0x212: {  	v22 =	vunpack.i.u.bf16.f32 v22;
	[tilespmem:s6+$0xE120] =	vst v27;
	v23 =	vmul.f32 v36, v35  }
0x213: {  	s12 =	sor.u32 $0xA0, s7;
	[tilespmem:s6+$0xE130] =	vst v21;
	v37 =	vunpack.i.l.bf16.f32 v33;
	v22 =	vmul.f32 v22, v35  }
0x214: {  	v26 =	vunpack.i.u.bf16.f32 v33;
	v24 =	vld [tilespmem:s12+$0xB000];
	v21 =	vmul.f32 v37, v35;
	[tilespmem:s6+$0xE900] =	vst v23  }
0x215: {  	s12 =	sor.u32 $0xB0, s7;
	v38 =	vmul.f32 v26, v35;
	[tilespmem:s6+$0xE910] =	vst v22  }
0x216: {  	v39 =	vld [tilespmem:s12+$0xB000];
	[tilespmem:s6+$0xE920] =	vst v21  }
0x217: {  	s12 =	sor.u32 $0x4A0, s7;
	[tilespmem:s6+$0xE930] =	vst v38  }
0x218: {  	v40 =	vperm.xlane v18, v2;
	v23 =	vld [tilespmem:s12+$0xB000]  }
0x219: {  	s12 =	sor.u32 $0x4B0, s7;
	v41 =	vunpack.i.l.bf16.f32 v24  }
0x21a: {  	v42 =	vld [tilespmem:s12+$0xB000];
	v24 =	vunpack.i.u.bf16.f32 v24;
	v25 =	vmul.f32 v41, v40  }
0x21b: {  	v43 =	vunpack.i.l.bf16.f32 v39;
	v24 =	vmul.f32 v24, v40  }
0x21c: {  	v44 =	vperm.xlane v20, v2;
	v22 =	vunpack.i.u.bf16.f32 v39;
	v27 =	vmul.f32 v43, v40;
	[tilespmem:s6+$0xE140] =	vst v25  }
0x21d: {  	v21 =	vmul.f32 v22, v40;
	[tilespmem:s6+$0xE150] =	vst v24;
	v45 =	vunpack.i.l.bf16.f32 v23  }
0x21e: {  	v23 =	vunpack.i.u.bf16.f32 v23;
	[tilespmem:s6+$0xE160] =	vst v27;
	v22 =	vmul.f32 v45, v44  }
0x21f: {  	s12 =	sor.u32 $0xC0, s7;
	[tilespmem:s6+$0xE170] =	vst v21;
	v46 =	vunpack.i.l.bf16.f32 v42;
	v23 =	vmul.f32 v23, v44  }
0x220: {  	v26 =	vunpack.i.u.bf16.f32 v42;
	v24 =	vld [tilespmem:s12+$0xB000];
	v21 =	vmul.f32 v46, v44;
	[tilespmem:s6+$0xE940] =	vst v22  }
0x221: {  	s12 =	sor.u32 $0xD0, s7;
	v47 =	vmul.f32 v26, v44;
	[tilespmem:s6+$0xE950] =	vst v23  }
0x222: {  	v48 =	vld [tilespmem:s12+$0xB000];
	[tilespmem:s6+$0xE960] =	vst v21  }
0x223: {  	s12 =	sor.u32 $0x4C0, s7;
	[tilespmem:s6+$0xE970] =	vst v47  }
0x224: {  	v49 =	vperm.xlane v19, v3;
	v22 =	vld [tilespmem:s12+$0xB000]  }
0x225: {  	s12 =	sor.u32 $0x4D0, s7;
	v50 =	vunpack.i.l.bf16.f32 v24  }
0x226: {  	v51 =	vld [tilespmem:s12+$0xB000];
	v24 =	vunpack.i.u.bf16.f32 v24;
	v25 =	vmul.f32 v50, v49  }
0x227: {  	v52 =	vunpack.i.l.bf16.f32 v48;
	v24 =	vmul.f32 v24, v49  }
0x228: {  	v53 =	vperm.xlane v17, v3;
	v23 =	vunpack.i.u.bf16.f32 v48;
	v27 =	vmul.f32 v52, v49;
	[tilespmem:s6+$0xE180] =	vst v25  }
0x229: {  	v21 =	vmul.f32 v23, v49;
	[tilespmem:s6+$0xE190] =	vst v24;
	v54 =	vunpack.i.l.bf16.f32 v22  }
0x22a: {  	v22 =	vunpack.i.u.bf16.f32 v22;
	[tilespmem:s6+$0xE1A0] =	vst v27;
	v23 =	vmul.f32 v54, v53  }
0x22b: {  	s12 =	sor.u32 $0xE0, s7;
	[tilespmem:s6+$0xE1B0] =	vst v21;
	v55 =	vunpack.i.l.bf16.f32 v51;
	v22 =	vmul.f32 v22, v53  }
0x22c: {  	v26 =	vunpack.i.u.bf16.f32 v51;
	v24 =	vld [tilespmem:s12+$0xB000];
	v21 =	vmul.f32 v55, v53;
	[tilespmem:s6+$0xE980] =	vst v23  }
0x22d: {  	s12 =	sor.u32 $0xF0, s7;
	v56 =	vmul.f32 v26, v53;
	[tilespmem:s6+$0xE990] =	vst v22  }
0x22e: {  	v57 =	vld [tilespmem:s12+$0xB000];
	[tilespmem:s6+$0xE9A0] =	vst v21  }
0x22f: {  	s12 =	sor.u32 $0x4E0, s7;
	[tilespmem:s6+$0xE9B0] =	vst v56  }
0x230: {  	v58 =	vperm.xlane v18, v3;
	v23 =	vld [tilespmem:s12+$0xB000]  }
0x231: {  	s12 =	sor.u32 $0x4F0, s7;
	v59 =	vunpack.i.l.bf16.f32 v24  }
0x232: {  	v60 =	vld [tilespmem:s12+$0xB000];
	v24 =	vunpack.i.u.bf16.f32 v24;
	v25 =	vmul.f32 v59, v58  }
0x233: {  	v61 =	vunpack.i.l.bf16.f32 v57;
	v24 =	vmul.f32 v24, v58  }
0x234: {  	v62 =	vperm.xlane v20, v3;
	v22 =	vunpack.i.u.bf16.f32 v57;
	v27 =	vmul.f32 v61, v58;
	[tilespmem:s6+$0xE1C0] =	vst v25  }
0x235: {  	v21 =	vmul.f32 v22, v58;
	[tilespmem:s6+$0xE1D0] =	vst v24;
	v24 =	vunpack.i.l.bf16.f32 v23  }
0x236: {  	v23 =	vunpack.i.u.bf16.f32 v23;
	[tilespmem:s6+$0xE1E0] =	vst v27;
	v22 =	vmul.f32 v24, v62  }
0x237: {  	s12 =	sor.u32 $0x100, s7;
	[tilespmem:s6+$0xE1F0] =	vst v21;
	v28 =	vunpack.i.l.bf16.f32 v60;
	v23 =	vmul.f32 v23, v62  }
0x238: {  	v26 =	vunpack.i.u.bf16.f32 v60;
	v24 =	vld [tilespmem:s12+$0xB000];
	v21 =	vmul.f32 v28, v62;
	[tilespmem:s6+$0xE9C0] =	vst v22  }
0x239: {  	s12 =	sor.u32 $0x110, s7;
	v29 =	vmul.f32 v26, v62;
	[tilespmem:s6+$0xE9D0] =	vst v23  }
0x23a: {  	v30 =	vld [tilespmem:s12+$0xB000];
	[tilespmem:s6+$0xE9E0] =	vst v21  }
0x23b: {  	s12 =	sor.u32 $0x500, s7;
	[tilespmem:s6+$0xE9F0] =	vst v29  }
0x23c: {  	v31 =	vperm.xlane v19, v4;
	v22 =	vld [tilespmem:s12+$0xB000]  }
0x23d: {  	s12 =	sor.u32 $0x510, s7;
	v32 =	vunpack.i.l.bf16.f32 v24  }
0x23e: {  	v33 =	vld [tilespmem:s12+$0xB000];
	v24 =	vunpack.i.u.bf16.f32 v24;
	v25 =	vmul.f32 v32, v31  }
0x23f: {  	v34 =	vunpack.i.l.bf16.f32 v30;
	v24 =	vmul.f32 v24, v31  }
0x240: {  	v35 =	vperm.xlane v17, v4;
	v23 =	vunpack.i.u.bf16.f32 v30;
	v27 =	vmul.f32 v34, v31;
	[tilespmem:s6+$0xE200] =	vst v25  }
0x241: {  	v21 =	vmul.f32 v23, v31;
	[tilespmem:s6+$0xE210] =	vst v24;
	v36 =	vunpack.i.l.bf16.f32 v22  }
0x242: {  	v22 =	vunpack.i.u.bf16.f32 v22;
	[tilespmem:s6+$0xE220] =	vst v27;
	v23 =	vmul.f32 v36, v35  }
0x243: {  	s12 =	sor.u32 $0x120, s7;
	[tilespmem:s6+$0xE230] =	vst v21;
	v37 =	vunpack.i.l.bf16.f32 v33;
	v22 =	vmul.f32 v22, v35  }
0x244: {  	v26 =	vunpack.i.u.bf16.f32 v33;
	v24 =	vld [tilespmem:s12+$0xB000];
	v21 =	vmul.f32 v37, v35;
	[tilespmem:s6+$0xEA00] =	vst v23  }
0x245: {  	s12 =	sor.u32 $0x130, s7;
	v38 =	vmul.f32 v26, v35;
	[tilespmem:s6+$0xEA10] =	vst v22  }
0x246: {  	v39 =	vld [tilespmem:s12+$0xB000];
	[tilespmem:s6+$0xEA20] =	vst v21  }
0x247: {  	s12 =	sor.u32 $0x520, s7;
	[tilespmem:s6+$0xEA30] =	vst v38  }
0x248: {  	v40 =	vperm.xlane v18, v4;
	v23 =	vld [tilespmem:s12+$0xB000]  }
0x249: {  	s12 =	sor.u32 $0x530, s7;
	v41 =	vunpack.i.l.bf16.f32 v24  }
0x24a: {  	v42 =	vld [tilespmem:s12+$0xB000];
	v24 =	vunpack.i.u.bf16.f32 v24;
	v25 =	vmul.f32 v41, v40  }
0x24b: {  	v43 =	vunpack.i.l.bf16.f32 v39;
	v24 =	vmul.f32 v24, v40  }
0x24c: {  	v44 =	vperm.xlane v20, v4;
	v22 =	vunpack.i.u.bf16.f32 v39;
	v27 =	vmul.f32 v43, v40;
	[tilespmem:s6+$0xE240] =	vst v25  }
0x24d: {  	v21 =	vmul.f32 v22, v40;
	[tilespmem:s6+$0xE250] =	vst v24;
	v45 =	vunpack.i.l.bf16.f32 v23  }
0x24e: {  	v23 =	vunpack.i.u.bf16.f32 v23;
	[tilespmem:s6+$0xE260] =	vst v27;
	v22 =	vmul.f32 v45, v44  }
0x24f: {  	s12 =	sor.u32 $0x140, s7;
	[tilespmem:s6+$0xE270] =	vst v21;
	v46 =	vunpack.i.l.bf16.f32 v42;
	v23 =	vmul.f32 v23, v44  }
0x250: {  	v26 =	vunpack.i.u.bf16.f32 v42;
	v24 =	vld [tilespmem:s12+$0xB000];
	v21 =	vmul.f32 v46, v44;
	[tilespmem:s6+$0xEA40] =	vst v22  }
0x251: {  	s12 =	sor.u32 $0x150, s7;
	v47 =	vmul.f32 v26, v44;
	[tilespmem:s6+$0xEA50] =	vst v23  }
0x252: {  	v48 =	vld [tilespmem:s12+$0xB000];
	[tilespmem:s6+$0xEA60] =	vst v21  }
0x253: {  	s12 =	sor.u32 $0x540, s7;
	[tilespmem:s6+$0xEA70] =	vst v47  }
0x254: {  	v49 =	vperm.xlane v19, v5;
	v22 =	vld [tilespmem:s12+$0xB000]  }
0x255: {  	s12 =	sor.u32 $0x550, s7;
	v50 =	vunpack.i.l.bf16.f32 v24  }
0x256: {  	v51 =	vld [tilespmem:s12+$0xB000];
	v24 =	vunpack.i.u.bf16.f32 v24;
	v25 =	vmul.f32 v50, v49  }
0x257: {  	v52 =	vunpack.i.l.bf16.f32 v48;
	v24 =	vmul.f32 v24, v49  }
0x258: {  	v53 =	vperm.xlane v17, v5;
	v23 =	vunpack.i.u.bf16.f32 v48;
	v27 =	vmul.f32 v52, v49;
	[tilespmem:s6+$0xE280] =	vst v25  }
0x259: {  	v21 =	vmul.f32 v23, v49;
	[tilespmem:s6+$0xE290] =	vst v24;
	v54 =	vunpack.i.l.bf16.f32 v22  }
0x25a: {  	v22 =	vunpack.i.u.bf16.f32 v22;
	[tilespmem:s6+$0xE2A0] =	vst v27;
	v23 =	vmul.f32 v54, v53  }
0x25b: {  	s12 =	sor.u32 $0x160, s7;
	[tilespmem:s6+$0xE2B0] =	vst v21;
	v55 =	vunpack.i.l.bf16.f32 v51;
	v22 =	vmul.f32 v22, v53  }
0x25c: {  	v26 =	vunpack.i.u.bf16.f32 v51;
	v24 =	vld [tilespmem:s12+$0xB000];
	v21 =	vmul.f32 v55, v53;
	[tilespmem:s6+$0xEA80] =	vst v23  }
0x25d: {  	s12 =	sor.u32 $0x170, s7;
	v56 =	vmul.f32 v26, v53;
	[tilespmem:s6+$0xEA90] =	vst v22  }
0x25e: {  	v57 =	vld [tilespmem:s12+$0xB000];
	[tilespmem:s6+$0xEAA0] =	vst v21  }
0x25f: {  	s12 =	sor.u32 $0x560, s7;
	[tilespmem:s6+$0xEAB0] =	vst v56  }
0x260: {  	v58 =	vperm.xlane v18, v5;
	v23 =	vld [tilespmem:s12+$0xB000]  }
0x261: {  	s12 =	sor.u32 $0x570, s7;
	v59 =	vunpack.i.l.bf16.f32 v24  }
0x262: {  	v60 =	vld [tilespmem:s12+$0xB000];
	v24 =	vunpack.i.u.bf16.f32 v24;
	v25 =	vmul.f32 v59, v58  }
0x263: {  	v61 =	vunpack.i.l.bf16.f32 v57;
	v24 =	vmul.f32 v24, v58  }
0x264: {  	v62 =	vperm.xlane v20, v5;
	v22 =	vunpack.i.u.bf16.f32 v57;
	v27 =	vmul.f32 v61, v58;
	[tilespmem:s6+$0xE2C0] =	vst v25  }
0x265: {  	v21 =	vmul.f32 v22, v58;
	[tilespmem:s6+$0xE2D0] =	vst v24;
	v24 =	vunpack.i.l.bf16.f32 v23  }
0x266: {  	v23 =	vunpack.i.u.bf16.f32 v23;
	[tilespmem:s6+$0xE2E0] =	vst v27;
	v22 =	vmul.f32 v24, v62  }
0x267: {  	s12 =	sor.u32 $0x180, s7;
	[tilespmem:s6+$0xE2F0] =	vst v21;
	v28 =	vunpack.i.l.bf16.f32 v60;
	v23 =	vmul.f32 v23, v62  }
0x268: {  	v26 =	vunpack.i.u.bf16.f32 v60;
	v24 =	vld [tilespmem:s12+$0xB000];
	v21 =	vmul.f32 v28, v62;
	[tilespmem:s6+$0xEAC0] =	vst v22  }
0x269: {  	s12 =	sor.u32 $0x190, s7;
	v29 =	vmul.f32 v26, v62;
	[tilespmem:s6+$0xEAD0] =	vst v23  }
0x26a: {  	v30 =	vld [tilespmem:s12+$0xB000];
	[tilespmem:s6+$0xEAE0] =	vst v21  }
0x26b: {  	s12 =	sor.u32 $0x580, s7;
	[tilespmem:s6+$0xEAF0] =	vst v29  }
0x26c: {  	v31 =	vperm.xlane v19, v6;
	v22 =	vld [tilespmem:s12+$0xB000]  }
0x26d: {  	s12 =	sor.u32 $0x590, s7;
	v32 =	vunpack.i.l.bf16.f32 v24  }
0x26e: {  	v33 =	vld [tilespmem:s12+$0xB000];
	v24 =	vunpack.i.u.bf16.f32 v24;
	v25 =	vmul.f32 v32, v31  }
0x26f: {  	v34 =	vunpack.i.l.bf16.f32 v30;
	v24 =	vmul.f32 v24, v31  }
0x270: {  	v35 =	vperm.xlane v17, v6;
	v23 =	vunpack.i.u.bf16.f32 v30;
	v27 =	vmul.f32 v34, v31;
	[tilespmem:s6+$0xE300] =	vst v25  }
0x271: {  	v21 =	vmul.f32 v23, v31;
	[tilespmem:s6+$0xE310] =	vst v24;
	v36 =	vunpack.i.l.bf16.f32 v22  }
0x272: {  	v22 =	vunpack.i.u.bf16.f32 v22;
	[tilespmem:s6+$0xE320] =	vst v27;
	v23 =	vmul.f32 v36, v35  }
0x273: {  	s12 =	sor.u32 $0x1A0, s7;
	[tilespmem:s6+$0xE330] =	vst v21;
	v37 =	vunpack.i.l.bf16.f32 v33;
	v22 =	vmul.f32 v22, v35  }
0x274: {  	v26 =	vunpack.i.u.bf16.f32 v33;
	v24 =	vld [tilespmem:s12+$0xB000];
	v21 =	vmul.f32 v37, v35;
	[tilespmem:s6+$0xEB00] =	vst v23  }
0x275: {  	s12 =	sor.u32 $0x1B0, s7;
	v38 =	vmul.f32 v26, v35;
	[tilespmem:s6+$0xEB10] =	vst v22  }
0x276: {  	v39 =	vld [tilespmem:s12+$0xB000];
	[tilespmem:s6+$0xEB20] =	vst v21  }
0x277: {  	s12 =	sor.u32 $0x5A0, s7;
	[tilespmem:s6+$0xEB30] =	vst v38  }
0x278: {  	v40 =	vperm.xlane v18, v6;
	v23 =	vld [tilespmem:s12+$0xB000]  }
0x279: {  	s12 =	sor.u32 $0x5B0, s7;
	v41 =	vunpack.i.l.bf16.f32 v24  }
0x27a: {  	v42 =	vld [tilespmem:s12+$0xB000];
	v24 =	vunpack.i.u.bf16.f32 v24;
	v25 =	vmul.f32 v41, v40  }
0x27b: {  	v43 =	vunpack.i.l.bf16.f32 v39;
	v24 =	vmul.f32 v24, v40  }
0x27c: {  	v44 =	vperm.xlane v20, v6;
	v22 =	vunpack.i.u.bf16.f32 v39;
	v27 =	vmul.f32 v43, v40;
	[tilespmem:s6+$0xE340] =	vst v25  }
0x27d: {  	v21 =	vmul.f32 v22, v40;
	[tilespmem:s6+$0xE350] =	vst v24;
	v45 =	vunpack.i.l.bf16.f32 v23  }
0x27e: {  	v23 =	vunpack.i.u.bf16.f32 v23;
	[tilespmem:s6+$0xE360] =	vst v27;
	v22 =	vmul.f32 v45, v44  }
0x27f: {  	s12 =	sor.u32 $0x1C0, s7;
	[tilespmem:s6+$0xE370] =	vst v21;
	v46 =	vunpack.i.l.bf16.f32 v42;
	v23 =	vmul.f32 v23, v44  }
0x280: {  	v26 =	vunpack.i.u.bf16.f32 v42;
	v24 =	vld [tilespmem:s12+$0xB000];
	v21 =	vmul.f32 v46, v44;
	[tilespmem:s6+$0xEB40] =	vst v22  }
0x281: {  	s12 =	sor.u32 $0x1D0, s7;
	v47 =	vmul.f32 v26, v44;
	[tilespmem:s6+$0xEB50] =	vst v23  }
0x282: {  	v48 =	vld [tilespmem:s12+$0xB000];
	[tilespmem:s6+$0xEB60] =	vst v21  }
0x283: {  	s12 =	sor.u32 $0x5C0, s7;
	[tilespmem:s6+$0xEB70] =	vst v47  }
0x284: {  	v49 =	vperm.xlane v19, v7;
	v22 =	vld [tilespmem:s12+$0xB000]  }
0x285: {  	s12 =	sor.u32 $0x5D0, s7;
	v50 =	vunpack.i.l.bf16.f32 v24  }
0x286: {  	v51 =	vld [tilespmem:s12+$0xB000];
	v24 =	vunpack.i.u.bf16.f32 v24;
	v25 =	vmul.f32 v50, v49  }
0x287: {  	v52 =	vunpack.i.l.bf16.f32 v48;
	v24 =	vmul.f32 v24, v49  }
0x288: {  	v53 =	vperm.xlane v17, v7;
	v23 =	vunpack.i.u.bf16.f32 v48;
	v27 =	vmul.f32 v52, v49;
	[tilespmem:s6+$0xE380] =	vst v25  }
0x289: {  	v21 =	vmul.f32 v23, v49;
	[tilespmem:s6+$0xE390] =	vst v24;
	v54 =	vunpack.i.l.bf16.f32 v22  }
0x28a: {  	v22 =	vunpack.i.u.bf16.f32 v22;
	[tilespmem:s6+$0xE3A0] =	vst v27;
	v23 =	vmul.f32 v54, v53  }
0x28b: {  	s12 =	sor.u32 $0x1E0, s7;
	[tilespmem:s6+$0xE3B0] =	vst v21;
	v55 =	vunpack.i.l.bf16.f32 v51;
	v22 =	vmul.f32 v22, v53  }
0x28c: {  	v26 =	vunpack.i.u.bf16.f32 v51;
	v24 =	vld [tilespmem:s12+$0xB000];
	v21 =	vmul.f32 v55, v53;
	[tilespmem:s6+$0xEB80] =	vst v23  }
0x28d: {  	s12 =	sor.u32 $0x1F0, s7;
	v56 =	vmul.f32 v26, v53;
	[tilespmem:s6+$0xEB90] =	vst v22  }
0x28e: {  	v57 =	vld [tilespmem:s12+$0xB000];
	[tilespmem:s6+$0xEBA0] =	vst v21  }
0x28f: {  	s12 =	sor.u32 $0x5E0, s7;
	[tilespmem:s6+$0xEBB0] =	vst v56  }
0x290: {  	v58 =	vperm.xlane v18, v7;
	v23 =	vld [tilespmem:s12+$0xB000]  }
0x291: {  	s12 =	sor.u32 $0x5F0, s7;
	v59 =	vunpack.i.l.bf16.f32 v24  }
0x292: {  	v60 =	vld [tilespmem:s12+$0xB000];
	v24 =	vunpack.i.u.bf16.f32 v24;
	v25 =	vmul.f32 v59, v58  }
0x293: {  	v61 =	vunpack.i.l.bf16.f32 v57;
	v24 =	vmul.f32 v24, v58  }
0x294: {  	v62 =	vperm.xlane v20, v7;
	v22 =	vunpack.i.u.bf16.f32 v57;
	v27 =	vmul.f32 v61, v58;
	[tilespmem:s6+$0xE3C0] =	vst v25  }
0x295: {  	v21 =	vmul.f32 v22, v58;
	[tilespmem:s6+$0xE3D0] =	vst v24;
	v24 =	vunpack.i.l.bf16.f32 v23  }
0x296: {  	v23 =	vunpack.i.u.bf16.f32 v23;
	[tilespmem:s6+$0xE3E0] =	vst v27;
	v22 =	vmul.f32 v24, v62  }
0x297: {  	s12 =	sor.u32 $0x200, s7;
	[tilespmem:s6+$0xE3F0] =	vst v21;
	v28 =	vunpack.i.l.bf16.f32 v60;
	v23 =	vmul.f32 v23, v62  }
0x298: {  	v26 =	vunpack.i.u.bf16.f32 v60;
	v24 =	vld [tilespmem:s12+$0xB000];
	v21 =	vmul.f32 v28, v62;
	[tilespmem:s6+$0xEBC0] =	vst v22  }
0x299: {  	s12 =	sor.u32 $0x210, s7;
	v29 =	vmul.f32 v26, v62;
	[tilespmem:s6+$0xEBD0] =	vst v23  }
0x29a: {  	v30 =	vld [tilespmem:s12+$0xB000];
	[tilespmem:s6+$0xEBE0] =	vst v21  }
0x29b: {  	s12 =	sor.u32 $0x600, s7;
	[tilespmem:s6+$0xEBF0] =	vst v29  }
0x29c: {  	v31 =	vperm.xlane v19, v8;
	v22 =	vld [tilespmem:s12+$0xB000]  }
0x29d: {  	s12 =	sor.u32 $0x610, s7;
	v32 =	vunpack.i.l.bf16.f32 v24  }
0x29e: {  	v33 =	vld [tilespmem:s12+$0xB000];
	v24 =	vunpack.i.u.bf16.f32 v24;
	v25 =	vmul.f32 v32, v31  }
0x29f: {  	v34 =	vunpack.i.l.bf16.f32 v30;
	v24 =	vmul.f32 v24, v31  }
0x2a0: {  	v35 =	vperm.xlane v17, v8;
	v23 =	vunpack.i.u.bf16.f32 v30;
	v27 =	vmul.f32 v34, v31;
	[tilespmem:s6+$0xE400] =	vst v25  }
0x2a1: {  	v21 =	vmul.f32 v23, v31;
	[tilespmem:s6+$0xE410] =	vst v24;
	v36 =	vunpack.i.l.bf16.f32 v22  }
0x2a2: {  	v22 =	vunpack.i.u.bf16.f32 v22;
	[tilespmem:s6+$0xE420] =	vst v27;
	v23 =	vmul.f32 v36, v35  }
0x2a3: {  	s12 =	sor.u32 $0x220, s7;
	[tilespmem:s6+$0xE430] =	vst v21;
	v37 =	vunpack.i.l.bf16.f32 v33;
	v22 =	vmul.f32 v22, v35  }
0x2a4: {  	v26 =	vunpack.i.u.bf16.f32 v33;
	v24 =	vld [tilespmem:s12+$0xB000];
	v21 =	vmul.f32 v37, v35;
	[tilespmem:s6+$0xEC00] =	vst v23  }
0x2a5: {  	s12 =	sor.u32 $0x230, s7;
	v38 =	vmul.f32 v26, v35;
	[tilespmem:s6+$0xEC10] =	vst v22  }
0x2a6: {  	v39 =	vld [tilespmem:s12+$0xB000];
	[tilespmem:s6+$0xEC20] =	vst v21  }
0x2a7: {  	s12 =	sor.u32 $0x620, s7;
	[tilespmem:s6+$0xEC30] =	vst v38  }
0x2a8: {  	v40 =	vperm.xlane v18, v8;
	v23 =	vld [tilespmem:s12+$0xB000]  }
0x2a9: {  	s12 =	sor.u32 $0x630, s7;
	v41 =	vunpack.i.l.bf16.f32 v24  }
0x2aa: {  	v42 =	vld [tilespmem:s12+$0xB000];
	v24 =	vunpack.i.u.bf16.f32 v24;
	v25 =	vmul.f32 v41, v40  }
0x2ab: {  	v43 =	vunpack.i.l.bf16.f32 v39;
	v24 =	vmul.f32 v24, v40  }
0x2ac: {  	v44 =	vperm.xlane v20, v8;
	v22 =	vunpack.i.u.bf16.f32 v39;
	v27 =	vmul.f32 v43, v40;
	[tilespmem:s6+$0xE440] =	vst v25  }
0x2ad: {  	v21 =	vmul.f32 v22, v40;
	[tilespmem:s6+$0xE450] =	vst v24;
	v45 =	vunpack.i.l.bf16.f32 v23  }
0x2ae: {  	v23 =	vunpack.i.u.bf16.f32 v23;
	[tilespmem:s6+$0xE460] =	vst v27;
	v22 =	vmul.f32 v45, v44  }
0x2af: {  	s12 =	sor.u32 $0x240, s7;
	[tilespmem:s6+$0xE470] =	vst v21;
	v46 =	vunpack.i.l.bf16.f32 v42;
	v23 =	vmul.f32 v23, v44  }
0x2b0: {  	v26 =	vunpack.i.u.bf16.f32 v42;
	v24 =	vld [tilespmem:s12+$0xB000];
	v21 =	vmul.f32 v46, v44;
	[tilespmem:s6+$0xEC40] =	vst v22  }
0x2b1: {  	s12 =	sor.u32 $0x250, s7;
	v47 =	vmul.f32 v26, v44;
	[tilespmem:s6+$0xEC50] =	vst v23  }
0x2b2: {  	v48 =	vld [tilespmem:s12+$0xB000];
	[tilespmem:s6+$0xEC60] =	vst v21  }
0x2b3: {  	s12 =	sor.u32 $0x640, s7;
	[tilespmem:s6+$0xEC70] =	vst v47  }
0x2b4: {  	v49 =	vperm.xlane v19, v9;
	v22 =	vld [tilespmem:s12+$0xB000]  }
0x2b5: {  	s12 =	sor.u32 $0x650, s7;
	v50 =	vunpack.i.l.bf16.f32 v24  }
0x2b6: {  	v51 =	vld [tilespmem:s12+$0xB000];
	v24 =	vunpack.i.u.bf16.f32 v24;
	v25 =	vmul.f32 v50, v49  }
0x2b7: {  	v52 =	vunpack.i.l.bf16.f32 v48;
	v24 =	vmul.f32 v24, v49  }
0x2b8: {  	v53 =	vperm.xlane v17, v9;
	v23 =	vunpack.i.u.bf16.f32 v48;
	v27 =	vmul.f32 v52, v49;
	[tilespmem:s6+$0xE480] =	vst v25  }
0x2b9: {  	v21 =	vmul.f32 v23, v49;
	[tilespmem:s6+$0xE490] =	vst v24;
	v54 =	vunpack.i.l.bf16.f32 v22  }
0x2ba: {  	v22 =	vunpack.i.u.bf16.f32 v22;
	[tilespmem:s6+$0xE4A0] =	vst v27;
	v23 =	vmul.f32 v54, v53  }
0x2bb: {  	s12 =	sor.u32 $0x260, s7;
	[tilespmem:s6+$0xE4B0] =	vst v21;
	v55 =	vunpack.i.l.bf16.f32 v51;
	v22 =	vmul.f32 v22, v53  }
0x2bc: {  	v26 =	vunpack.i.u.bf16.f32 v51;
	v24 =	vld [tilespmem:s12+$0xB000];
	v21 =	vmul.f32 v55, v53;
	[tilespmem:s6+$0xEC80] =	vst v23  }
0x2bd: {  	s12 =	sor.u32 $0x270, s7;
	v56 =	vmul.f32 v26, v53;
	[tilespmem:s6+$0xEC90] =	vst v22  }
0x2be: {  	v57 =	vld [tilespmem:s12+$0xB000];
	[tilespmem:s6+$0xECA0] =	vst v21  }
0x2bf: {  	s12 =	sor.u32 $0x660, s7;
	[tilespmem:s6+$0xECB0] =	vst v56  }
0x2c0: {  	v58 =	vperm.xlane v18, v9;
	v23 =	vld [tilespmem:s12+$0xB000]  }
0x2c1: {  	s12 =	sor.u32 $0x670, s7;
	v59 =	vunpack.i.l.bf16.f32 v24  }
0x2c2: {  	v60 =	vld [tilespmem:s12+$0xB000];
	v24 =	vunpack.i.u.bf16.f32 v24;
	v25 =	vmul.f32 v59, v58  }
0x2c3: {  	v61 =	vunpack.i.l.bf16.f32 v57;
	v24 =	vmul.f32 v24, v58  }
0x2c4: {  	v62 =	vperm.xlane v20, v9;
	v22 =	vunpack.i.u.bf16.f32 v57;
	v27 =	vmul.f32 v61, v58;
	[tilespmem:s6+$0xE4C0] =	vst v25  }
0x2c5: {  	v21 =	vmul.f32 v22, v58;
	[tilespmem:s6+$0xE4D0] =	vst v24;
	v24 =	vunpack.i.l.bf16.f32 v23  }
0x2c6: {  	v23 =	vunpack.i.u.bf16.f32 v23;
	[tilespmem:s6+$0xE4E0] =	vst v27;
	v22 =	vmul.f32 v24, v62  }
0x2c7: {  	s12 =	sor.u32 $0x280, s7;
	[tilespmem:s6+$0xE4F0] =	vst v21;
	v28 =	vunpack.i.l.bf16.f32 v60;
	v23 =	vmul.f32 v23, v62  }
0x2c8: {  	v26 =	vunpack.i.u.bf16.f32 v60;
	v24 =	vld [tilespmem:s12+$0xB000];
	v21 =	vmul.f32 v28, v62;
	[tilespmem:s6+$0xECC0] =	vst v22  }
0x2c9: {  	s12 =	sor.u32 $0x290, s7;
	v29 =	vmul.f32 v26, v62;
	[tilespmem:s6+$0xECD0] =	vst v23  }
0x2ca: {  	v30 =	vld [tilespmem:s12+$0xB000];
	[tilespmem:s6+$0xECE0] =	vst v21  }
0x2cb: {  	s12 =	sor.u32 $0x680, s7;
	[tilespmem:s6+$0xECF0] =	vst v29  }
0x2cc: {  	v31 =	vperm.xlane v19, v10;
	v22 =	vld [tilespmem:s12+$0xB000]  }
0x2cd: {  	s12 =	sor.u32 $0x690, s7;
	v32 =	vunpack.i.l.bf16.f32 v24  }
0x2ce: {  	v33 =	vld [tilespmem:s12+$0xB000];
	v24 =	vunpack.i.u.bf16.f32 v24;
	v25 =	vmul.f32 v32, v31  }
0x2cf: {  	v34 =	vunpack.i.l.bf16.f32 v30;
	v24 =	vmul.f32 v24, v31  }
0x2d0: {  	v35 =	vperm.xlane v17, v10;
	v23 =	vunpack.i.u.bf16.f32 v30;
	v27 =	vmul.f32 v34, v31;
	[tilespmem:s6+$0xE500] =	vst v25  }
0x2d1: {  	v21 =	vmul.f32 v23, v31;
	[tilespmem:s6+$0xE510] =	vst v24;
	v36 =	vunpack.i.l.bf16.f32 v22  }
0x2d2: {  	v22 =	vunpack.i.u.bf16.f32 v22;
	[tilespmem:s6+$0xE520] =	vst v27;
	v23 =	vmul.f32 v36, v35  }
0x2d3: {  	s12 =	sor.u32 $0x2A0, s7;
	[tilespmem:s6+$0xE530] =	vst v21;
	v37 =	vunpack.i.l.bf16.f32 v33;
	v22 =	vmul.f32 v22, v35  }
0x2d4: {  	v26 =	vunpack.i.u.bf16.f32 v33;
	v24 =	vld [tilespmem:s12+$0xB000];
	v21 =	vmul.f32 v37, v35;
	[tilespmem:s6+$0xED00] =	vst v23  }
0x2d5: {  	s12 =	sor.u32 $0x2B0, s7;
	v38 =	vmul.f32 v26, v35;
	[tilespmem:s6+$0xED10] =	vst v22  }
0x2d6: {  	v39 =	vld [tilespmem:s12+$0xB000];
	[tilespmem:s6+$0xED20] =	vst v21  }
0x2d7: {  	s12 =	sor.u32 $0x6A0, s7;
	[tilespmem:s6+$0xED30] =	vst v38  }
0x2d8: {  	v40 =	vperm.xlane v18, v10;
	v23 =	vld [tilespmem:s12+$0xB000]  }
0x2d9: {  	s12 =	sor.u32 $0x6B0, s7;
	v41 =	vunpack.i.l.bf16.f32 v24  }
0x2da: {  	v42 =	vld [tilespmem:s12+$0xB000];
	v24 =	vunpack.i.u.bf16.f32 v24;
	v25 =	vmul.f32 v41, v40  }
0x2db: {  	v43 =	vunpack.i.l.bf16.f32 v39;
	v24 =	vmul.f32 v24, v40  }
0x2dc: {  	v44 =	vperm.xlane v20, v10;
	v22 =	vunpack.i.u.bf16.f32 v39;
	v27 =	vmul.f32 v43, v40;
	[tilespmem:s6+$0xE540] =	vst v25  }
0x2dd: {  	v21 =	vmul.f32 v22, v40;
	[tilespmem:s6+$0xE550] =	vst v24;
	v45 =	vunpack.i.l.bf16.f32 v23  }
0x2de: {  	v23 =	vunpack.i.u.bf16.f32 v23;
	[tilespmem:s6+$0xE560] =	vst v27;
	v22 =	vmul.f32 v45, v44  }
0x2df: {  	s12 =	sor.u32 $0x2C0, s7;
	[tilespmem:s6+$0xE570] =	vst v21;
	v46 =	vunpack.i.l.bf16.f32 v42;
	v23 =	vmul.f32 v23, v44  }
0x2e0: {  	v26 =	vunpack.i.u.bf16.f32 v42;
	v24 =	vld [tilespmem:s12+$0xB000];
	v21 =	vmul.f32 v46, v44;
	[tilespmem:s6+$0xED40] =	vst v22  }
0x2e1: {  	s12 =	sor.u32 $0x2D0, s7;
	v47 =	vmul.f32 v26, v44;
	[tilespmem:s6+$0xED50] =	vst v23  }
0x2e2: {  	v48 =	vld [tilespmem:s12+$0xB000];
	[tilespmem:s6+$0xED60] =	vst v21  }
0x2e3: {  	s12 =	sor.u32 $0x6C0, s7;
	[tilespmem:s6+$0xED70] =	vst v47  }
0x2e4: {  	v49 =	vperm.xlane v19, v11;
	v22 =	vld [tilespmem:s12+$0xB000]  }
0x2e5: {  	s12 =	sor.u32 $0x6D0, s7;
	v50 =	vunpack.i.l.bf16.f32 v24  }
0x2e6: {  	v51 =	vld [tilespmem:s12+$0xB000];
	v24 =	vunpack.i.u.bf16.f32 v24;
	v25 =	vmul.f32 v50, v49  }
0x2e7: {  	v52 =	vunpack.i.l.bf16.f32 v48;
	v24 =	vmul.f32 v24, v49  }
0x2e8: {  	v53 =	vperm.xlane v17, v11;
	v23 =	vunpack.i.u.bf16.f32 v48;
	v27 =	vmul.f32 v52, v49;
	[tilespmem:s6+$0xE580] =	vst v25  }
0x2e9: {  	v21 =	vmul.f32 v23, v49;
	[tilespmem:s6+$0xE590] =	vst v24;
	v54 =	vunpack.i.l.bf16.f32 v22  }
0x2ea: {  	v22 =	vunpack.i.u.bf16.f32 v22;
	[tilespmem:s6+$0xE5A0] =	vst v27;
	v23 =	vmul.f32 v54, v53  }
0x2eb: {  	s12 =	sor.u32 $0x2E0, s7;
	[tilespmem:s6+$0xE5B0] =	vst v21;
	v55 =	vunpack.i.l.bf16.f32 v51;
	v22 =	vmul.f32 v22, v53  }
0x2ec: {  	v26 =	vunpack.i.u.bf16.f32 v51;
	v24 =	vld [tilespmem:s12+$0xB000];
	v21 =	vmul.f32 v55, v53;
	[tilespmem:s6+$0xED80] =	vst v23  }
0x2ed: {  	s12 =	sor.u32 $0x2F0, s7;
	v56 =	vmul.f32 v26, v53;
	[tilespmem:s6+$0xED90] =	vst v22  }
0x2ee: {  	v57 =	vld [tilespmem:s12+$0xB000];
	[tilespmem:s6+$0xEDA0] =	vst v21  }
0x2ef: {  	s12 =	sor.u32 $0x6E0, s7;
	[tilespmem:s6+$0xEDB0] =	vst v56  }
0x2f0: {  	v58 =	vperm.xlane v18, v11;
	v23 =	vld [tilespmem:s12+$0xB000]  }
0x2f1: {  	s12 =	sor.u32 $0x6F0, s7;
	v59 =	vunpack.i.l.bf16.f32 v24  }
0x2f2: {  	v60 =	vld [tilespmem:s12+$0xB000];
	v24 =	vunpack.i.u.bf16.f32 v24;
	v25 =	vmul.f32 v59, v58  }
0x2f3: {  	v61 =	vunpack.i.l.bf16.f32 v57;
	v24 =	vmul.f32 v24, v58  }
0x2f4: {  	v62 =	vperm.xlane v20, v11;
	v22 =	vunpack.i.u.bf16.f32 v57;
	v27 =	vmul.f32 v61, v58;
	[tilespmem:s6+$0xE5C0] =	vst v25  }
0x2f5: {  	v21 =	vmul.f32 v22, v58;
	[tilespmem:s6+$0xE5D0] =	vst v24;
	v28 =	vunpack.i.l.bf16.f32 v23  }
0x2f6: {  	v23 =	vunpack.i.u.bf16.f32 v23;
	[tilespmem:s6+$0xE5E0] =	vst v27;
	v22 =	vmul.f32 v28, v62  }
0x2f7: {  	s12 =	sor.u32 $0x300, s7;
	[tilespmem:s6+$0xE5F0] =	vst v21;
	v29 =	vunpack.i.l.bf16.f32 v60;
	v23 =	vmul.f32 v23, v62  }
0x2f8: {  	v26 =	vunpack.i.u.bf16.f32 v60;
	v24 =	vld [tilespmem:s12+$0xB000];
	v21 =	vmul.f32 v29, v62;
	[tilespmem:s6+$0xEDC0] =	vst v22  }
0x2f9: {  	s12 =	sor.u32 $0x310, s7;
	v30 =	vmul.f32 v26, v62;
	[tilespmem:s6+$0xEDD0] =	vst v23  }
0x2fa: {  	v31 =	vld [tilespmem:s12+$0xB000];
	[tilespmem:s6+$0xEDE0] =	vst v21  }
0x2fb: {  	s12 =	sor.u32 $0x700, s7;
	[tilespmem:s6+$0xEDF0] =	vst v30  }
0x2fc: {  	v32 =	vperm.xlane v19, v12;
	v22 =	vld [tilespmem:s12+$0xB000]  }
0x2fd: {  	s12 =	sor.u32 $0x710, s7;
	v33 =	vunpack.i.l.bf16.f32 v24  }
0x2fe: {  	v34 =	vld [tilespmem:s12+$0xB000];
	v24 =	vunpack.i.u.bf16.f32 v24;
	v25 =	vmul.f32 v33, v32  }
0x2ff: {  	v35 =	vunpack.i.l.bf16.f32 v31;
	v24 =	vmul.f32 v24, v32  }
0x300: {  	v36 =	vperm.xlane v17, v12;
	v23 =	vunpack.i.u.bf16.f32 v31;
	v27 =	vmul.f32 v35, v32;
	[tilespmem:s6+$0xE600] =	vst v25  }
0x301: {  	v21 =	vmul.f32 v23, v32;
	[tilespmem:s6+$0xE610] =	vst v24;
	v37 =	vunpack.i.l.bf16.f32 v22  }
0x302: {  	v22 =	vunpack.i.u.bf16.f32 v22;
	[tilespmem:s6+$0xE620] =	vst v27;
	v23 =	vmul.f32 v37, v36  }
0x303: {  	s12 =	sor.u32 $0x320, s7;
	[tilespmem:s6+$0xE630] =	vst v21;
	v38 =	vunpack.i.l.bf16.f32 v34;
	v22 =	vmul.f32 v22, v36  }
0x304: {  	v26 =	vunpack.i.u.bf16.f32 v34;
	v24 =	vld [tilespmem:s12+$0xB000];
	v21 =	vmul.f32 v38, v36;
	[tilespmem:s6+$0xEE00] =	vst v23  }
0x305: {  	s12 =	sor.u32 $0x330, s7;
	v39 =	vmul.f32 v26, v36;
	[tilespmem:s6+$0xEE10] =	vst v22  }
0x306: {  	v40 =	vld [tilespmem:s12+$0xB000];
	[tilespmem:s6+$0xEE20] =	vst v21  }
0x307: {  	s12 =	sor.u32 $0x720, s7;
	[tilespmem:s6+$0xEE30] =	vst v39  }
0x308: {  	v41 =	vperm.xlane v18, v12;
	v23 =	vld [tilespmem:s12+$0xB000]  }
0x309: {  	s12 =	sor.u32 $0x730, s7;
	v42 =	vunpack.i.l.bf16.f32 v24  }
0x30a: {  	v43 =	vld [tilespmem:s12+$0xB000];
	v24 =	vunpack.i.u.bf16.f32 v24;
	v25 =	vmul.f32 v42, v41  }
0x30b: {  	v44 =	vunpack.i.l.bf16.f32 v40;
	v24 =	vmul.f32 v24, v41  }
0x30c: {  	v45 =	vperm.xlane v20, v12;
	v22 =	vunpack.i.u.bf16.f32 v40;
	v27 =	vmul.f32 v44, v41;
	[tilespmem:s6+$0xE640] =	vst v25  }
0x30d: {  	v21 =	vmul.f32 v22, v41;
	[tilespmem:s6+$0xE650] =	vst v24;
	v46 =	vunpack.i.l.bf16.f32 v23  }
0x30e: {  	v23 =	vunpack.i.u.bf16.f32 v23;
	[tilespmem:s6+$0xE660] =	vst v27;
	v22 =	vmul.f32 v46, v45  }
0x30f: {  	s12 =	sor.u32 $0x340, s7;
	[tilespmem:s6+$0xE670] =	vst v21;
	v47 =	vunpack.i.l.bf16.f32 v43;
	v23 =	vmul.f32 v23, v45  }
0x310: {  	v26 =	vunpack.i.u.bf16.f32 v43;
	v24 =	vld [tilespmem:s12+$0xB000];
	v21 =	vmul.f32 v47, v45;
	[tilespmem:s6+$0xEE40] =	vst v22  }
0x311: {  	s12 =	sor.u32 $0x350, s7;
	v48 =	vmul.f32 v26, v45;
	[tilespmem:s6+$0xEE50] =	vst v23  }
0x312: {  	v49 =	vld [tilespmem:s12+$0xB000];
	[tilespmem:s6+$0xEE60] =	vst v21  }
0x313: {  	s12 =	sor.u32 $0x740, s7;
	[tilespmem:s6+$0xEE70] =	vst v48  }
0x314: {  	v50 =	vperm.xlane v19, v13;
	v22 =	vld [tilespmem:s12+$0xB000]  }
0x315: {  	s12 =	sor.u32 $0x750, s7;
	v51 =	vunpack.i.l.bf16.f32 v24  }
0x316: {  	v52 =	vld [tilespmem:s12+$0xB000];
	v24 =	vunpack.i.u.bf16.f32 v24;
	v25 =	vmul.f32 v51, v50  }
0x317: {  	v53 =	vunpack.i.l.bf16.f32 v49;
	v24 =	vmul.f32 v24, v50  }
0x318: {  	v54 =	vperm.xlane v17, v13;
	v23 =	vunpack.i.u.bf16.f32 v49;
	v27 =	vmul.f32 v53, v50;
	[tilespmem:s6+$0xE680] =	vst v25  }
0x319: {  	v21 =	vmul.f32 v23, v50;
	[tilespmem:s6+$0xE690] =	vst v24;
	v55 =	vunpack.i.l.bf16.f32 v22  }
0x31a: {  	v22 =	vunpack.i.u.bf16.f32 v22;
	[tilespmem:s6+$0xE6A0] =	vst v27;
	v23 =	vmul.f32 v55, v54  }
0x31b: {  	s12 =	sor.u32 $0x360, s7;
	[tilespmem:s6+$0xE6B0] =	vst v21;
	v56 =	vunpack.i.l.bf16.f32 v52;
	v22 =	vmul.f32 v22, v54  }
0x31c: {  	v26 =	vunpack.i.u.bf16.f32 v52;
	v24 =	vld [tilespmem:s12+$0xB000];
	v21 =	vmul.f32 v56, v54;
	[tilespmem:s6+$0xEE80] =	vst v23  }
0x31d: {  	s12 =	sor.u32 $0x370, s7;
	v57 =	vmul.f32 v26, v54;
	[tilespmem:s6+$0xEE90] =	vst v22  }
0x31e: {  	v58 =	vld [tilespmem:s12+$0xB000];
	[tilespmem:s6+$0xEEA0] =	vst v21  }
0x31f: {  	s12 =	sor.u32 $0x760, s7;
	[tilespmem:s6+$0xEEB0] =	vst v57  }
0x320: {  	v59 =	vperm.xlane v18, v13;
	v23 =	vld [tilespmem:s12+$0xB000]  }
0x321: {  	s12 =	sor.u32 $0x770, s7;
	v60 =	vunpack.i.l.bf16.f32 v24  }
0x322: {  	v61 =	vld [tilespmem:s12+$0xB000];
	v24 =	vunpack.i.u.bf16.f32 v24;
	v25 =	vmul.f32 v60, v59  }
0x323: {  	v62 =	vunpack.i.l.bf16.f32 v58;
	v24 =	vmul.f32 v24, v59  }
0x324: {  	v28 =	vperm.xlane v20, v13;
	v22 =	vunpack.i.u.bf16.f32 v58;
	v27 =	vmul.f32 v62, v59;
	[tilespmem:s6+$0xE6C0] =	vst v25  }
0x325: {  	v21 =	vmul.f32 v22, v59;
	[tilespmem:s6+$0xE6D0] =	vst v24;
	v29 =	vunpack.i.l.bf16.f32 v23  }
0x326: {  	v23 =	vunpack.i.u.bf16.f32 v23;
	[tilespmem:s6+$0xE6E0] =	vst v27;
	v22 =	vmul.f32 v29, v28  }
0x327: {  	s12 =	sor.u32 $0x380, s7;
	[tilespmem:s6+$0xE6F0] =	vst v21;
	v30 =	vunpack.i.l.bf16.f32 v61;
	v23 =	vmul.f32 v23, v28  }
0x328: {  	v26 =	vunpack.i.u.bf16.f32 v61;
	v24 =	vld [tilespmem:s12+$0xB000];
	v21 =	vmul.f32 v30, v28;
	[tilespmem:s6+$0xEEC0] =	vst v22  }
0x329: {  	s12 =	sor.u32 $0x390, s7;
	v31 =	vmul.f32 v26, v28;
	[tilespmem:s6+$0xEED0] =	vst v23  }
0x32a: {  	v32 =	vld [tilespmem:s12+$0xB000];
	[tilespmem:s6+$0xEEE0] =	vst v21  }
0x32b: {  	s12 =	sor.u32 $0x780, s7;
	[tilespmem:s6+$0xEEF0] =	vst v31  }
0x32c: {  	v33 =	vperm.xlane v19, v14;
	v22 =	vld [tilespmem:s12+$0xB000]  }
0x32d: {  	s12 =	sor.u32 $0x790, s7;
	v34 =	vunpack.i.l.bf16.f32 v24  }
0x32e: {  	v35 =	vld [tilespmem:s12+$0xB000];
	v24 =	vunpack.i.u.bf16.f32 v24;
	v25 =	vmul.f32 v34, v33  }
0x32f: {  	v36 =	vunpack.i.l.bf16.f32 v32;
	v24 =	vmul.f32 v24, v33  }
0x330: {  	v37 =	vperm.xlane v17, v14;
	v23 =	vunpack.i.u.bf16.f32 v32;
	v27 =	vmul.f32 v36, v33;
	[tilespmem:s6+$0xE700] =	vst v25  }
0x331: {  	v21 =	vmul.f32 v23, v33;
	[tilespmem:s6+$0xE710] =	vst v24;
	v38 =	vunpack.i.l.bf16.f32 v22  }
0x332: {  	v22 =	vunpack.i.u.bf16.f32 v22;
	[tilespmem:s6+$0xE720] =	vst v27;
	v23 =	vmul.f32 v38, v37  }
0x333: {  	s12 =	sor.u32 $0x3A0, s7;
	[tilespmem:s6+$0xE730] =	vst v21;
	v39 =	vunpack.i.l.bf16.f32 v35;
	v22 =	vmul.f32 v22, v37  }
0x334: {  	v26 =	vunpack.i.u.bf16.f32 v35;
	v24 =	vld [tilespmem:s12+$0xB000];
	v21 =	vmul.f32 v39, v37;
	[tilespmem:s6+$0xEF00] =	vst v23  }
0x335: {  	s12 =	sor.u32 $0x3B0, s7;
	v40 =	vmul.f32 v26, v37;
	[tilespmem:s6+$0xEF10] =	vst v22  }
0x336: {  	v41 =	vld [tilespmem:s12+$0xB000];
	[tilespmem:s6+$0xEF20] =	vst v21  }
0x337: {  	s12 =	sor.u32 $0x7A0, s7;
	[tilespmem:s6+$0xEF30] =	vst v40  }
0x338: {  	v42 =	vperm.xlane v18, v14;
	v23 =	vld [tilespmem:s12+$0xB000]  }
0x339: {  	s12 =	sor.u32 $0x7B0, s7;
	v43 =	vunpack.i.l.bf16.f32 v24  }
0x33a: {  	v44 =	vld [tilespmem:s12+$0xB000];
	v24 =	vunpack.i.u.bf16.f32 v24;
	v25 =	vmul.f32 v43, v42  }
0x33b: {  	v45 =	vunpack.i.l.bf16.f32 v41;
	v24 =	vmul.f32 v24, v42  }
0x33c: {  	v46 =	vperm.xlane v20, v14;
	v22 =	vunpack.i.u.bf16.f32 v41;
	v27 =	vmul.f32 v45, v42;
	[tilespmem:s6+$0xE740] =	vst v25  }
0x33d: {  	v21 =	vmul.f32 v22, v42;
	[tilespmem:s6+$0xE750] =	vst v24;
	v47 =	vunpack.i.l.bf16.f32 v23  }
0x33e: {  	v23 =	vunpack.i.u.bf16.f32 v23;
	[tilespmem:s6+$0xE760] =	vst v27;
	v22 =	vmul.f32 v47, v46  }
0x33f: {  	s12 =	sor.u32 $0x3C0, s7;
	[tilespmem:s6+$0xE770] =	vst v21;
	v48 =	vunpack.i.l.bf16.f32 v44;
	v23 =	vmul.f32 v23, v46  }
0x340: {  	v26 =	vunpack.i.u.bf16.f32 v44;
	v24 =	vld [tilespmem:s12+$0xB000];
	v21 =	vmul.f32 v48, v46;
	[tilespmem:s6+$0xEF40] =	vst v22  }
0x341: {  	s12 =	sor.u32 $0x3D0, s7;
	v49 =	vmul.f32 v26, v46;
	[tilespmem:s6+$0xEF50] =	vst v23  }
0x342: {  	v50 =	vld [tilespmem:s12+$0xB000];
	[tilespmem:s6+$0xEF60] =	vst v21  }
0x343: {  	s12 =	sor.u32 $0x7C0, s7;
	[tilespmem:s6+$0xEF70] =	vst v49  }
0x344: {  	v19 =	vperm.xlane v19, v15;
	v21 =	vld [tilespmem:s12+$0xB000]  }
0x345: {  	s12 =	sor.u32 $0x7D0, s7;
	v51 =	vunpack.i.l.bf16.f32 v24  }
0x346: {  	v52 =	vld [tilespmem:s12+$0xB000];
	v24 =	vunpack.i.u.bf16.f32 v24;
	v22 =	vmul.f32 v51, v19  }
0x347: {  	v53 =	vunpack.i.l.bf16.f32 v50;
	v24 =	vmul.f32 v24, v19  }
0x348: {  	v17 =	vperm.xlane v17, v15;
	v23 =	vunpack.i.u.bf16.f32 v50;
	v26 =	vmul.f32 v53, v19;
	[tilespmem:s6+$0xE780] =	vst v22  }
0x349: {  	v19 =	vmul.f32 v23, v19;
	[tilespmem:s6+$0xE790] =	vst v24;
	v54 =	vunpack.i.l.bf16.f32 v21  }
0x34a: {  	v21 =	vunpack.i.u.bf16.f32 v21;
	[tilespmem:s6+$0xE7A0] =	vst v26;
	v22 =	vmul.f32 v54, v17  }
0x34b: {  	s12 =	sor.u32 $0x3E0, s7;
	[tilespmem:s6+$0xE7B0] =	vst v19;
	v19 =	vunpack.i.l.bf16.f32 v52;
	v21 =	vmul.f32 v21, v17  }
0x34c: {  	v56 =	vunpack.i.u.bf16.f32 v52;
	v55 =	vld [tilespmem:s12+$0xB000];
	v19 =	vmul.f32 v19, v17;
	[tilespmem:s6+$0xEF80] =	vst v22  }
0x34d: {  	s12 =	sor.u32 $0x3F0, s7;
	v17 =	vmul.f32 v56, v17;
	[tilespmem:s6+$0xEF90] =	vst v21  }
0x34e: {  	v57 =	vld [tilespmem:s12+$0xB000];
	[tilespmem:s6+$0xEFA0] =	vst v19  }
0x34f: {  	s12 =	sor.u32 $0x7E0, s7;
	[tilespmem:s6+$0xEFB0] =	vst v17  }
0x350: {  	v17 =	vperm.xlane v18, v15;
	v18 =	vld [tilespmem:s12+$0xB000]  }
0x351: {  	s7 =	sor.u32 $0x7F0, s7;
	v19 =	vunpack.i.l.bf16.f32 v55  }
0x352: {  	v59 =	vld [tilespmem:s7+$0xB000];
	v58 =	vunpack.i.u.bf16.f32 v55;
	v19 =	vmul.f32 v19, v17  }
0x353: {  	v60 =	vunpack.i.l.bf16.f32 v57;
	v22 =	vmul.f32 v58, v17  }
0x354: {  	v21 =	vunpack.i.u.bf16.f32 v57;
	v24 =	vmul.f32 v60, v17;
	[tilespmem:s6+$0xE7C0] =	vst v19;
	v19 =	vperm.xlane v20, v15  }
0x355: {  	v17 =	vmul.f32 v21, v17;
	[tilespmem:s6+$0xE7D0] =	vst v22;
	v61 =	vunpack.i.l.bf16.f32 v18  }
0x356: {  	p2 =	por p0, p0;
	v18 =	vunpack.i.u.bf16.f32 v18;
	[tilespmem:s6+$0xE7E0] =	vst v24;
	v20 =	vmul.f32 v61, v19  }
.Ltmp5:
0x357: {  	[tilespmem:s6+$0xE7F0] =	vst v17;
	v17 =	vunpack.i.l.bf16.f32 v59;
	v18 =	vmul.f32 v18, v19;
	(pc) =	sbr.rel @p2 .LBB2_6-.Ltmp5, $4  }
0x358: {  	v62 =	vunpack.i.u.bf16.f32 v59;
	v17 =	vmul.f32 v17, v19;
	[tilespmem:s6+$0xEFC0] =	vst v20  }
0x359: {  	v19 =	vmul.f32 v62, v19;
	[tilespmem:s6+$0xEFD0] =	vst v18  }
0x35a: {  	[tilespmem:s6+$0xEFE0] =	vst v17  }
0x35b: {  	p0 =	por $0x0, $0x0;
	s8 =	simm.s32 $0x40;
	[tilespmem:s6+$0xEFF0] =	vst v19  }
.Ltmp6:
0x35c: {  	(pc) =	sbr.rel @p1 .LBB2_9-.Ltmp6, $1  }
0x35d: {  	_ =	sdelay $0x3  }
.Ltmp7:
0x35e: {  	s6 =	sadd.s32 $0x180, s13;
	s15 =	sshll.u32 s15, $0x7;
	(pc) =	sbr.rel .LBB2_3-.Ltmp7, $4  }
0x35f: {  	[tilespmem:s20], [sflag:$0x2] =	stream.indirect.gather [hbm4b:s0+s18], $0x20, s6, s18, $0xb8;
	v63 =	vld [tilespmem:$0x0]  }
0x360: {  	s6 =	sand.u32 $0x3FFFFF80, s15  }
0x361: {  	s2 =	sadd.s32 $0x1, s2;
	s6 =	sadd.s32 $0x4000, s6  }
0x362: {  	[spmem:s3] =	stream.indirect.scatter.add.f32 [tilespmem:s25], [sflag:$0x4], $0x40, s6, s18, $0xb8;
	v63 =	vld [tilespmem:$0x0]  }
.LBB2_11:
0x363: {  	_ =	sfence.sel $0x180000  }
0x364: {  	[bflag:$0x0] =	sbarrier.arrive $0xFFFF  }
0x365: {  	_ =	strace $0x9000004A  }
0x366: {  	s0 =	stileid.u32;
	[bflag:$0x2] =	sbarrier.arrive $0xFFFF  }
0x367: {  	p0 =	sne.s32 s0, $0x0;
	s0 =	rddreg [dreg:$0x5]  }
0x368: {  	s0 =	sadd.s32 @!p0 $0x100000, s0  }
0x369: {  	[sflag:s0] =	ssyncadd.tile.s32 @!p0 $0x1;
	_ =	shalt  }
.Lfunc_end2:
_tile_overlayer_lowered:
.L_overlay_start_2:
0x36a: {  	(tag) =	ssettag $0x2  }
0x36b: {  	s0 =	rddreg [dreg:$0x0];
	s2 =	stileid.u32  }
0x36c: {  	s1 =	rddreg [dreg:$0x1];
	p0 =	sne.s32 s2, $0x0  }
0x36d: {  	s3 =	rddreg [dreg:$0x2];
	[bflag:$0x3] =	sbarrier.arrive $0xFFFF;
	s2 =	simm.s32 @!p0 $0x1C05  }
0x36e: {  	[timem:s3], [sflag:s2] =	dma.local @!p0 [hbm:s0], s1  }
0x36f: {  	s0 =	simm.s32 @!p0 $0x5  }
0x370: {  	_ =	swait.ge @!p0 [sflag:s0], s1  }
0x371: {  	s1 =	ssub.s32 @!p0 $0x0, s1;
	[sflag:s0] =	ssyncset.done @!p0 $0x0  }
0x372: {  	[sflag:s0] =	ssyncadd.s32 @!p0 s1  }
0x373: {  	[bflag:$0x3] =	sbarrier.arrive $0xFFFF  }
0x374: {  	_ =	shalt  }

// kernel: sparse-core-data-format-call.1.cloned.1.call-start
scs
called_computation.1_lowered:
.L_overlay_start_0:
0x0: {  	s2 =	sld [smem:$0x3FD9]  }
0x1: {  	s3 =	sld [smem:$0x3FFE];
	_ =	sdelay $0x1  }
0x2: {  	s1 =	srdreg.scid  }
0x3: {  	s0 =	sand.u32 $0x1, s1  }
0x4: {  	s18 =	sshll.u32 s0, $0xA;
	s2 =	sadd.s32 s3, s2  }
0x5: {  	s2 =	sadd.s32 s2, s18  }
0x6: {  	[smem:$0x3FC2] =	sst s2  }
0x7: {  	_ = 	snop  }
0x8: {  	s2 =	sld [smem:$0x3FD0];
	(tm) =	ssettm $0x1  }
0x9: {  	s19 =	sld [smem:$0x3FFB];
	_ =	sdelay $0x3  }
0xa: {  	_ =	strace s19  }
0xb: {  	s3 =	sld [smem:$0x3FFC];
	_ =	sdelay $0x3  }
0xc: {  	_ =	strace s3  }
0xd: {  	s3 =	sld [smem:$0x3FFD];
	_ =	sdelay $0x3  }
0xe: {  	_ =	strace s3  }
0xf: {  	_ =	strace $0x8FFFFFFF  }
0x10: {  	s20 =	sld [smem:$0x3FDB];
	_ =	sdelay $0x1  }
0x11: {  	s4 =	simm.s32 $_scs_section_size  }
0x12: {  	s5 =	simm.s32 $_size__tile_overlayer_lowered;
	s6 =	simm.s32 $_tile_overlayer_lowered  }
0x13: {  	s23 =	simm.s32 $0x1BFF;
	s22 =	sshll.u32 s6, $0x1;
	s3 =	sadd.s32 s4, s20  }
0x14: {  	s7 =	simm.s32 $0x0;
	s21 =	sshll.u32 s5, $0x1;
	s5 =	sadd.s32 s22, s3  }
0x15: {  	[timem:s7], [sflag:s23] =	dma.local [hbm:s5], s21  }
0x16: {  	_ =	swait.ge [sflag:s23], s21  }
0x17: {  	s4 =	ssub.s32 $0x0, s21;
	[sflag:s23] =	ssyncset.done $0x0  }
0x18: {  	[sflag:s23] =	ssyncadd.s32 s4;
	_ =	sdelay $0x1  }
0x19: {  	s24 =	simm.s32 $0x1B8B  }
0x1a: {  	_ =	swait.ge [sflag:s24], $0x1  }
0x1b: {  	[sflag:s24] =	ssyncset.done $0x0  }
0x1c: {  	s26 =	simm.s32 $0x1B8E;
	s25 =	sld [smem:$0x3FFE];
	[sflag:s24] =	ssyncadd.s32 $0xFFFFFFFF  }
0x1d: {  	s27 =	simm.s32 $execute0_lowered;
	[smem:$0x3FD2] =	sst s26  }
0x1e: {  	s5 =	sshll.u32 s27, $0x1;
	_ =	strace $0x80000046;
	[dreg:$0x1] =	wrdreg $0xFFFFFFFF  }
0x1f: {  	s28 =	simm.s32 $_size_execute0_lowered;
	s3 =	sadd.s32 s3, s5;
	[dreg:$0x0] =	wrdreg $0x0  }
0x20: {  	s5 =	sshll.u32 s28, $0x1;
	[dreg:$0x2] =	wrdreg s3  }
0x21: {  	[dreg:$0x3] =	wrdreg s5  }
0x22: {  	[dreg:$0x4] =	wrdreg $0xC0  }
0x23: {  	_ =	task [dreg:s7], $0x5FFFF  }
0x24: {  	[dreg:$0x1] =	wrdreg $0xFFFFFFFF  }
0x25: {  	[dreg:$0x0] =	wrdreg $0x60  }
0x26: {  	[dreg:$0x2] =	wrdreg s2  }
0x27: {  	[dreg:$0x3] =	wrdreg s25  }
0x28: {  	[dreg:$0x4] =	wrdreg $0x9  }
0x29: {  	_ =	task.clear_ibuf [dreg:s7], $0x5FFFF;
	_ =	strace $0x90000046  }
0x2a: {  	s29 =	simm.s32 $0x9;
	_ =	strace $0x80000048  }
0x2b: {  	_ =	swait.ge [sflag:s29], $0x1  }
0x2c: {  	[sflag:s29] =	ssyncadd.s32 $0xFFFFFFFF  }
0x2d: {  	_ =	strace $0x90000048  }
0x2e: {  	_ =	sfence  }
0x2f: {  	s30 =	sld [smem:$0x0];
	_ =	sdelay $0x2  }
0x30: {  	s31 =	sshll.u32 s1, $0xD;
	s1 =	sshrl.u32 s1, $0x2  }
0x31: {  	s3 =	sand.u32 $0x4000, s31;
	s1 =	sadd.s32 s1, s30  }
0x32: {  	s0 =	sor.u32 s3, s0;
	s1 =	sshll.u32 s1, $0x11  }
0x33: {  	s0 =	sor.u32 s1, s0  }
0x34: {  	s0 =	sadd.s32 $0x8F2B, s0  }
0x35: {  	[sflag:s0] =	ssyncadd.remote.s32 $0x1  }
0x36: {  	_ =	sfence.sel $0xFFFF  }
0x37: {  	[dreg:$0x0] =	wrdreg $0xFFFFFFFF;
	(pc) =	sbr.abs _section_cstart, $3  }
0x38: {  	[dreg:$0x1] =	wrdreg $0xFFFFFFFF  }
0x39: {  	_ =	task.clear_ibuf [dreg:s7], $0x2FFFF;
	_ =	strace $0x9FFFFFFF  }
0x3a: {  	(tm) =	ssettm $0x7FFFFFFF  }
0x3b: {  	_ =	shalt  }
tec
execute0_lowered:
.L_overlay_start_1:
0x0: {  	(tag) =	ssettag $0x1  }
0x1: {  	s0 =	srdreg.scid  }
0x2: {  	s1 =	sshll.u32 s0, $0x4  }
0x3: {  	s2 =	rddreg [dreg:$0x0];
	s0 =	stileid.u32;
	s1 =	sand.u32 $0x10, s1  }
0x4: {  	s4 =	rddreg [dreg:$0x1];
	s7 =	simm.s32 $0x1;
	s1 =	sor.u32 s0, s1  }
0x5: {  	s8 =	simm.s32 $0x2;
	s9 =	simm.s32 $0x0;
	s3 =	sshll.u32 s1, $0x4  }
0x6: {  	s12 =	simm.s32 $0x0;
	s11 =	simm.s32 $0x0;
	s6 =	ssub.s32 $0x4000, s3  }
.Ltmp0:
0x7: {  	s4 =	sadd.s32 $0x1400, s4;
	s5 =	sand.u32 $0x1F0, s6;
	(pc) =	sbr.rel .LBB1_1-.Ltmp0, $4  }
0x8: {  	s1 =	rddreg [dreg:$0x2];
	_ =	strace $0x80000047;
	p0 =	sne.s32 s5, $0x0  }
0x9: {  	s6 =	sshrl.u32 s6, $0x9;
	s5 =	simm.s32 $0x1;
	s7 =	simm.s32 @!p0 $0x0  }
0xa: {  	s10 =	smov.u32 s3;
	[sflag:s5] =	ssyncpa.u1 $0x0;
	s6 =	sadd.s32 s7, s6  }
0xb: {  	[sflag:s8] =	ssyncpa.u1 $0x0;
	s8 =	simm.s32 $0x0;
	s7 =	sadd.s32 $0x1, s6  }
.LBB1_7:
0xc: {  	s14 =	sadd.s32 $0x200, s10  }
0xd: {  	p1 =	sgt.s32 s14, $0x3FFF  }
0xe: {  	s14 =	smov.u32 @p1 s3;
	p1 =	sne.s32 s11, s7  }
.Ltmp1:
0xf: {  	p0 =	slt.u32 s11, $0x2;
	(pc) =	sbr.rel @!p1 .LBB1_8-.Ltmp1, $4  }
0x10: {  	s13 =	simm.s32 @!p0 $0x2  }
0x11: {  	s15 =	sadd.s32 $0x1, s11;
	_ =	swait.ge @!p0 [sflag:s13], $0x4000  }
0x12: {  	s12 =	smov.u32 s10;
	s9 =	sadd.s32 $0x8000, s9;
	[sflag:s13] =	ssyncset.done @!p0 $0x0  }
0x13: {  	s11 =	smov.u32 s15;
	s10 =	smov.u32 s14;
	[sflag:s13] =	ssyncadd.s32 @!p0 $0xFFFFC000  }
.LBB1_1:
0x14: {  	p0 =	sge.u32 s11, s6  }
0x15: {  	s13 =	sxor.u32 @!p0 $0xFFFFFFFF, s11  }
0x16: {  	s31 =	sadd.s32 $0xFFFFFFFF, s11;
	s14 =	sshll.u32 @!p0 s10, $0x7;
	s13 =	sshll.u32 @!p0 s13, $0xE  }
0x17: {  	s15 =	simm.s32 @!p0 $0x0;
	s14 =	sadd.s32 @!p0 s2, s14;
	s13 =	sand.u32 @!p0 $0x4000, s13  }
0x18: {  	[tilespmem:s13], [sflag:$0x1] =	stream.linear.gather @!p0 [hbm4b:s14+s15], $0x4000, $0x38;
	[tilespmem:$0x10000] =	vst v63  }
0x19: {  	p0 =	sge.u32 s31, s6  }
.Ltmp2:
0x1a: {  	_ = 	snop;
	(pc) =	sbr.rel @p0 .LBB1_7-.Ltmp2, $1  }
0x1b: {  	_ =	sdelay $0x3  }
0x1c: {  	s13 =	sshrl.u32 s9, $0x1;
	_ =	swait.ge [sflag:s5], $0x4000  }
0x1d: {  	s15 =	sshll.u32 s11, $0xE;
	s16 =	simm.s32 $0x0;
	s14 =	sand.u32 $0x4000, s13  }
0x1e: {  	[sflag:s5] =	ssyncset.done $0x0;
	s15 =	sand.u32 $0x4000, s15;
	s13 =	sor.u32 $0x200, s14  }
0x1f: {  	s14 =	sor.u32 $0x8080, s14;
	[sflag:s5] =	ssyncadd.s32 $0xFFFFC000;
	s15 =	sor.u32 $0x8000, s15  }
.LBB1_3:
0x20: {  	v0 =	vld [tilespmem:s13+$0xFFFFFE70]  }
0x21: {  	v1 =	vld [tilespmem:s13+$0x70]  }
0x22: {  	v2 =	vld [tilespmem:s13+$0x0]  }
0x23: {  	v3 =	vld [tilespmem:s13+$0xFFFFFE10]  }
0x24: {  	v4 =	vld [tilespmem:s13+$0x10]  }
0x25: {  	v5 =	vld [tilespmem:s13+$0xFFFFFE20]  }
0x26: {  	v7 =	vld [tilespmem:s13+$0x20]  }
0x27: {  	v11 =	vld [tilespmem:s13+$0x30];
	v6 =	vunpack.i.l.s16.s32 v0;
	v8 =	vunpack.i.u.s16.s32 v0;
	v9 =	vunpack.i.u.s16.s32 v1  }
0x28: {  	v10 =	vunpack.i.l.s16.s32 v1;
	v0 =	vunpack.i.u.s16.s32 v2;
	v1 =	vunpack.i.l.s16.s32 v2;
	v2 =	vld [tilespmem:s13+$0xFFFFFE30]  }
0x29: {  	v8 =	vpack.i.b32.b16 v9, v8;
	v9 =	vunpack.i.u.s16.s32 v3;
	v3 =	vunpack.i.l.s16.s32 v3  }
0x2a: {  	v12 =	vld [tilespmem:s13+$0xFFFFFE40];
	v6 =	vpack.i.b32.b16 v10, v6;
	[tilespmem:s14+$0x70] =	vst v8;
	v8 =	vunpack.i.u.s16.s32 v4;
	v4 =	vunpack.i.l.s16.s32 v4  }
0x2b: {  	v13 =	vld [tilespmem:s13+$0x40];
	v10 =	vunpack.i.u.s16.s32 v5;
	v5 =	vunpack.i.l.s16.s32 v5;
	[tilespmem:s14+$0xFFFFFFF0] =	vst v6;
	v3 =	vpack.i.b32.b16 v4, v3  }
0x2c: {  	v6 =	vunpack.i.l.s16.s32 v7;
	v4 =	vld [tilespmem:s13+$0xFFFFFE50];
	[tilespmem:s14+$0xFFFFFF90] =	vst v3;
	v3 =	vpack.i.b32.b16 v8, v9;
	v8 =	vunpack.i.u.s16.s32 v7  }
0x2d: {  	v7 =	vunpack.i.l.s16.s32 v11;
	[tilespmem:s14+$0x10] =	vst v3;
	v3 =	vpack.i.b32.b16 v6, v5;
	v9 =	vunpack.i.u.s16.s32 v2;
	v6 =	vld [tilespmem:s13+$0x50]  }
0x2e: {  	v5 =	vunpack.i.l.s16.s32 v2;
	v2 =	vld [tilespmem:s13+$0xFFFFFE60];
	[tilespmem:s14+$0xFFFFFFA0] =	vst v3;
	v3 =	vpack.i.b32.b16 v8, v10;
	v10 =	vunpack.i.u.s16.s32 v11  }
0x2f: {  	s19 =	simm.s32 $0x0;
	v11 =	vpack.i.b32.b16 v7, v5;
	v7 =	vunpack.i.u.s16.s32 v12;
	v8 =	vunpack.i.l.s16.s32 v12;
	[tilespmem:s14+$0x20] =	vst v3;
	v3 =	vld [tilespmem:s13+$0x60]  }
0x30: {  	s20 =	sadd.s32 $0x80, s13;
	s18 =	smov.u32 s14;
	s17 =	smov.u32 s14;
	v5 =	vld [tilespmem:s13+$0xFFFFFE00];
	[tilespmem:s14+$0xFFFFFFB0] =	vst v11;
	v10 =	vpack.i.b32.b16 v10, v9;
	v9 =	vunpack.i.u.s16.s32 v13;
	v11 =	vunpack.i.l.s16.s32 v13  }
.LBB1_4:
0x31: {  	v12 =	vld [tilespmem:s20+$0xFFFFFE70];
	[tilespmem:s18+$0x30] =	vst v10;
	v8 =	vpack.i.b32.b16 v11, v8;
	v10 =	vunpack.i.u.s16.s32 v4;
	v4 =	vunpack.i.l.s16.s32 v4  }
0x32: {  	s19 =	sadd.s32 $0x2, s19;
	v7 =	vpack.i.b32.b16 v9, v7;
	v11 =	vld [tilespmem:s20+$0x70];
	[tilespmem:s18+$0xFFFFFFC0] =	vst v8;
	v8 =	vunpack.i.u.s16.s32 v6;
	v6 =	vunpack.i.l.s16.s32 v6  }
0x33: {  	p0 =	slt.u32 s19, $0x6;
	v9 =	vld [tilespmem:s20+$0x0];
	[tilespmem:s18+$0x40] =	vst v7;
	v4 =	vpack.i.b32.b16 v6, v4;
	v6 =	vunpack.i.u.s16.s32 v2;
	v2 =	vunpack.i.l.s16.s32 v2  }
0x34: {  	v7 =	vld [tilespmem:s20+$0xFFFFFE10];
	[tilespmem:s18+$0xFFFFFFD0] =	vst v4;
	v4 =	vpack.i.b32.b16 v8, v10;
	v8 =	vunpack.i.u.s16.s32 v3;
	v3 =	vunpack.i.l.s16.s32 v3  }
0x35: {  	v10 =	vld [tilespmem:s20+$0x10];
	v13 =	vunpack.i.u.s16.s32 v5;
	v5 =	vunpack.i.l.s16.s32 v5;
	[tilespmem:s18+$0x50] =	vst v4;
	v2 =	vpack.i.b32.b16 v3, v2  }
0x36: {  	v3 =	vld [tilespmem:s20+$0xFFFFFE20];
	v4 =	vunpack.i.l.s16.s32 v12;
	v1 =	vpack.i.b32.b16 v1, v5;
	v5 =	vpack.i.b32.b16 v0, v13;
	[tilespmem:s18+$0xFFFFFFE0] =	vst v2  }
0x37: {  	v12 =	vunpack.i.u.s16.s32 v12;
	v2 =	vld [tilespmem:s20+$0x20];
	v13 =	vunpack.i.u.s16.s32 v11;
	v11 =	vunpack.i.l.s16.s32 v11;
	[tilespmem:s18+$0xFFFFFF80] =	vst v1  }
0x38: {  	s18 =	sadd.s32 $0x100, s18;
	v0 =	vunpack.i.u.s16.s32 v9;
	v1 =	vunpack.i.l.s16.s32 v9;
	v9 =	vld [tilespmem:s20+$0xFFFFFE30];
	v12 =	vpack.i.b32.b16 v13, v12;
	[tilespmem:s17+$0x0] =	vst v5  }
0x39: {  	v6 =	vpack.i.b32.b16 v8, v6;
	v5 =	vunpack.i.u.s16.s32 v7;
	v7 =	vunpack.i.l.s16.s32 v7;
	v13 =	vld [tilespmem:s20+$0x30];
	[tilespmem:s18+$0x70] =	vst v12  }
0x3a: {  	v4 =	vpack.i.b32.b16 v11, v4;
	v8 =	vunpack.i.u.s16.s32 v10;
	v10 =	vunpack.i.l.s16.s32 v10;
	v12 =	vld [tilespmem:s20+$0xFFFFFE40];
	[tilespmem:s17+$0x60] =	vst v6;
	s17 =	smov.u32 s18  }
0x3b: {  	v6 =	vpack.i.b32.b16 v10, v7;
	v7 =	vunpack.i.u.s16.s32 v3;
	v3 =	vunpack.i.l.s16.s32 v3;
	v11 =	vld [tilespmem:s20+$0x40];
	[tilespmem:s18+$0xFFFFFFF0] =	vst v4  }
.Ltmp3:
0x3c: {  	v5 =	vpack.i.b32.b16 v8, v5;
	[tilespmem:s18+$0xFFFFFF90] =	vst v6;
	v8 =	vunpack.i.u.s16.s32 v2;
	v2 =	vunpack.i.l.s16.s32 v2;
	v4 =	vld [tilespmem:s20+$0xFFFFFE50];
	(pc) =	sbr.rel @p0 .LBB1_4-.Ltmp3, $4  }
0x3d: {  	[tilespmem:s18+$0x10] =	vst v5;
	v2 =	vpack.i.b32.b16 v2, v3;
	v10 =	vunpack.i.u.s16.s32 v9;
	v3 =	vunpack.i.l.s16.s32 v9;
	v6 =	vld [tilespmem:s20+$0x50]  }
0x3e: {  	v5 =	vpack.i.b32.b16 v8, v7;
	[tilespmem:s18+$0xFFFFFFA0] =	vst v2;
	v9 =	vunpack.i.u.s16.s32 v13;
	v7 =	vunpack.i.l.s16.s32 v13;
	v2 =	vld [tilespmem:s20+$0xFFFFFE60]  }
0x3f: {  	[tilespmem:s18+$0x20] =	vst v5;
	v13 =	vpack.i.b32.b16 v7, v3;
	v7 =	vunpack.i.u.s16.s32 v12;
	v8 =	vunpack.i.l.s16.s32 v12;
	v3 =	vld [tilespmem:s20+$0x60]  }
0x40: {  	v10 =	vpack.i.b32.b16 v9, v10;
	v5 =	vld [tilespmem:s20+$0xFFFFFE00];
	[tilespmem:s18+$0xFFFFFFB0] =	vst v13;
	v9 =	vunpack.i.u.s16.s32 v11;
	v11 =	vunpack.i.l.s16.s32 v11;
	s20 =	sadd.s32 $0x80, s20  }
0x41: {  	[tilespmem:s18+$0x30] =	vst v10;
	v8 =	vpack.i.b32.b16 v11, v8  }
0x42: {  	v51 =	vunpack.i.l.s16.s32 v4;
	v7 =	vpack.i.b32.b16 v9, v7;
	[tilespmem:s18+$0xFFFFFFC0] =	vst v8;
	v52 =	vunpack.i.l.s16.s32 v6  }
0x43: {  	v53 =	vunpack.i.u.s16.s32 v4;
	s16 =	sadd.s32 $0x1, s16;
	v54 =	vunpack.i.u.s16.s32 v6;
	[tilespmem:s18+$0x40] =	vst v7;
	v55 =	vpack.i.b32.b16 v52, v51  }
0x44: {  	p0 =	sne.s32 s16, $0x10;
	v56 =	vunpack.i.l.s16.s32 v2;
	v4 =	vpack.i.b32.b16 v54, v53;
	[tilespmem:s18+$0xFFFFFFD0] =	vst v55;
	v57 =	vunpack.i.l.s16.s32 v3  }
.Ltmp4:
0x45: {  	[tilespmem:s18+$0x50] =	vst v4;
	v58 =	vunpack.i.l.s16.s32 v5;
	v59 =	vpack.i.b32.b16 v57, v56;
	(pc) =	sbr.rel @p0 .LBB1_3-.Ltmp4, $4  }
0x46: {  	v61 =	vunpack.i.u.s16.s32 v2;
	v62 =	vunpack.i.u.s16.s32 v3;
	v1 =	vpack.i.b32.b16 v1, v58;
	[tilespmem:s18+$0xFFFFFFE0] =	vst v59  }
0x47: {  	v60 =	vunpack.i.u.s16.s32 v5;
	v63 =	vpack.i.b32.b16 v62, v61;
	[tilespmem:s18+$0xFFFFFF80] =	vst v1  }
0x48: {  	v0 =	vpack.i.b32.b16 v0, v60;
	[tilespmem:s17+$0x60] =	vst v63  }
0x49: {  	s13 =	sadd.s32 $0x400, s13;
	s14 =	sadd.s32 $0x400, s14;
	[tilespmem:s17+$0x0] =	vst v0  }
.Ltmp5:
0x4a: {  	(pc) =	sbr.rel .LBB1_7-.Ltmp5, $4  }
0x4b: {  	_ = 	snop  }
0x4c: {  	s12 =	sshll.u32 s12, $0x7  }
0x4d: {  	s12 =	sadd.s32 s4, s12  }
0x4e: {  	[hbm4b:s12+s8] =	stream.linear.scatter [tilespmem:s15], [sflag:$0x2], $0x4000, $0x38;
	[tilespmem:$0x10000] =	vst v63  }
.LBB1_8:
0x4f: {  	_ =	sfence.sel $0x180000  }
0x50: {  	s2 =	simm.s32 $0x1;
	[bflag:$0x0] =	sbarrier.arrive $0xFFFF  }
0x51: {  	s31 =	simm.s32 $0x2;
	[sflag:s2] =	ssyncpa.u1 $0x1  }
0x52: {  	[sflag:s31] =	ssyncpa.u1 $0x1  }
0x53: {  	p0 =	sne.s32 s0, $0x0;
	_ =	strace $0x90000047  }
0x54: {  	s0 =	sadd.s32 @!p0 $0x100000, s1;
	[bflag:$0x2] =	sbarrier.arrive $0xFFFF  }
0x55: {  	[sflag:s0] =	ssyncadd.tile.s32 @!p0 $0x1;
	_ =	shalt  }
.Lfunc_end1:
_tile_overlayer_lowered:
.L_overlay_start_2:
0x56: {  	(tag) =	ssettag $0x2  }
0x57: {  	s0 =	rddreg [dreg:$0x0];
	s2 =	stileid.u32  }
0x58: {  	s1 =	rddreg [dreg:$0x1];
	p0 =	sne.s32 s2, $0x0  }
0x59: {  	s3 =	rddreg [dreg:$0x2];
	[bflag:$0x3] =	sbarrier.arrive $0xFFFF;
	s2 =	simm.s32 @!p0 $0x1C01  }
0x5a: {  	[timem:s3], [sflag:s2] =	dma.local @!p0 [hbm:s0], s1  }
0x5b: {  	s0 =	simm.s32 @!p0 $0x1  }
0x5c: {  	_ =	swait.ge @!p0 [sflag:s0], s1  }
0x5d: {  	s1 =	ssub.s32 @!p0 $0x0, s1;
	[sflag:s0] =	ssyncset.done @!p0 $0x0  }
0x5e: {  	[sflag:s0] =	ssyncadd.s32 @!p0 s1  }
0x5f: {  	[bflag:$0x3] =	sbarrier.arrive $0xFFFF  }
0x60: {  	_ =	shalt  }

// kernel: sparse-core-data-format-call.cloned.1.call-start
scs
called_computation_lowered:
.L_overlay_start_0:
0x0: {  	s2 =	sld [smem:$0x3FD9]  }
0x1: {  	s3 =	sld [smem:$0x3FFE];
	_ =	sdelay $0x1  }
0x2: {  	s1 =	srdreg.scid  }
0x3: {  	s0 =	sand.u32 $0x1, s1  }
0x4: {  	s18 =	sshll.u32 s0, $0xA;
	s2 =	sadd.s32 s3, s2  }
0x5: {  	s2 =	sadd.s32 s2, s18  }
0x6: {  	[smem:$0x3FC2] =	sst s2  }
0x7: {  	_ = 	snop  }
0x8: {  	s2 =	sld [smem:$0x3FD0];
	(tm) =	ssettm $0x1  }
0x9: {  	s19 =	sld [smem:$0x3FFB];
	_ =	sdelay $0x3  }
0xa: {  	_ =	strace s19  }
0xb: {  	s3 =	sld [smem:$0x3FFC];
	_ =	sdelay $0x3  }
0xc: {  	_ =	strace s3  }
0xd: {  	s3 =	sld [smem:$0x3FFD];
	_ =	sdelay $0x3  }
0xe: {  	_ =	strace s3  }
0xf: {  	_ =	strace $0x8FFFFFFF  }
0x10: {  	s20 =	sld [smem:$0x3FDB];
	_ =	sdelay $0x1  }
0x11: {  	s4 =	simm.s32 $_scs_section_size  }
0x12: {  	s5 =	simm.s32 $_size__tile_overlayer_lowered;
	s6 =	simm.s32 $_tile_overlayer_lowered  }
0x13: {  	s23 =	simm.s32 $0x1BFF;
	s22 =	sshll.u32 s6, $0x1;
	s3 =	sadd.s32 s4, s20  }
0x14: {  	s7 =	simm.s32 $0x0;
	s21 =	sshll.u32 s5, $0x1;
	s5 =	sadd.s32 s22, s3  }
0x15: {  	[timem:s7], [sflag:s23] =	dma.local [hbm:s5], s21  }
0x16: {  	_ =	swait.ge [sflag:s23], s21  }
0x17: {  	s4 =	ssub.s32 $0x0, s21;
	[sflag:s23] =	ssyncset.done $0x0  }
0x18: {  	[sflag:s23] =	ssyncadd.s32 s4;
	_ =	sdelay $0x1  }
0x19: {  	s24 =	simm.s32 $0x1B8B  }
0x1a: {  	_ =	swait.ge [sflag:s24], $0x1  }
0x1b: {  	[sflag:s24] =	ssyncset.done $0x0  }
0x1c: {  	s26 =	simm.s32 $0x1B8E;
	s25 =	sld [smem:$0x3FFE];
	[sflag:s24] =	ssyncadd.s32 $0xFFFFFFFF  }
0x1d: {  	s27 =	simm.s32 $execute0_lowered;
	[smem:$0x3FD2] =	sst s26  }
0x1e: {  	s5 =	sshll.u32 s27, $0x1;
	_ =	strace $0x8000004C;
	[dreg:$0x1] =	wrdreg $0xFFFFFFFF  }
0x1f: {  	s28 =	simm.s32 $_size_execute0_lowered;
	s3 =	sadd.s32 s3, s5;
	[dreg:$0x0] =	wrdreg $0x0  }
0x20: {  	s5 =	sshll.u32 s28, $0x1;
	[dreg:$0x2] =	wrdreg s3  }
0x21: {  	[dreg:$0x3] =	wrdreg s5  }
0x22: {  	[dreg:$0x4] =	wrdreg $0xC0  }
0x23: {  	_ =	task [dreg:s7], $0x5FFFF  }
0x24: {  	[dreg:$0x1] =	wrdreg $0xFFFFFFFF  }
0x25: {  	[dreg:$0x0] =	wrdreg $0x60  }
0x26: {  	[dreg:$0x2] =	wrdreg s25  }
0x27: {  	[dreg:$0x3] =	wrdreg s2  }
0x28: {  	[dreg:$0x4] =	wrdreg $0x9  }
0x29: {  	_ =	task.clear_ibuf [dreg:s7], $0x5FFFF;
	_ =	strace $0x9000004C  }
0x2a: {  	s29 =	simm.s32 $0x9;
	_ =	strace $0x8000004E  }
0x2b: {  	_ =	swait.ge [sflag:s29], $0x1  }
0x2c: {  	[sflag:s29] =	ssyncadd.s32 $0xFFFFFFFF  }
0x2d: {  	_ =	strace $0x9000004E  }
0x2e: {  	_ =	sfence  }
0x2f: {  	s30 =	sld [smem:$0x0];
	_ =	sdelay $0x2  }
0x30: {  	s31 =	sshll.u32 s1, $0xD;
	s1 =	sshrl.u32 s1, $0x2  }
0x31: {  	s3 =	sand.u32 $0x4000, s31;
	s1 =	sadd.s32 s1, s30  }
0x32: {  	s0 =	sor.u32 s3, s0;
	s1 =	sshll.u32 s1, $0x11  }
0x33: {  	s0 =	sor.u32 s1, s0  }
0x34: {  	s0 =	sadd.s32 $0x8F2B, s0  }
0x35: {  	[sflag:s0] =	ssyncadd.remote.s32 $0x1  }
0x36: {  	_ =	sfence.sel $0xFFFF  }
0x37: {  	[dreg:$0x0] =	wrdreg $0xFFFFFFFF;
	(pc) =	sbr.abs _section_cstart, $3  }
0x38: {  	[dreg:$0x1] =	wrdreg $0xFFFFFFFF  }
0x39: {  	_ =	task.clear_ibuf [dreg:s7], $0x2FFFF;
	_ =	strace $0x9FFFFFFF  }
0x3a: {  	(tm) =	ssettm $0x7FFFFFFF  }
0x3b: {  	_ =	shalt  }
tec
execute0_lowered:
.L_overlay_start_1:
0x0: {  	(tag) =	ssettag $0x1  }
0x1: {  	s8 =	rddreg [dreg:$0x0]  }
0x2: {  	s2 =	rddreg [dreg:$0x1]  }
0x3: {  	s1 =	stileid.u32;
	s4 =	srdreg.scid  }
0x4: {  	s0 =	rddreg [dreg:$0x2];
	_ =	strace $0x8000004D;
	s9 =	simm.s32 $0x1  }
0x5: {  	s31 =	simm.s32 $0x2;
	s14 =	simm.s32 $0x0;
	s15 =	simm.s32 $0x0  }
0x6: {  	s13 =	simm.s32 $0x0;
	s3 =	sshll.u32 s1, $0x1;
	s4 =	sshll.u32 s4, $0x7  }
0x7: {  	s4 =	sand.u32 $0x80, s4;
	s5 =	ssub.s32 $0x20, s3;
	s12 =	smov.u32 s3  }
0x8: {  	s6 =	sshrl.u32 s5, $0x5;
	s5 =	sand.u32 $0x1E, s5;
	s7 =	ssub.s32 $0x4000, s4  }
0x9: {  	p0 =	sne.s32 s5, $0x0;
	s30 =	sshrl.u32 s7, $0x7;
	s7 =	sshrl.u32 s7, $0x8  }
.Ltmp0:
0xa: {  	s9 =	simm.s32 @!p0 $0x0;
	s10 =	sand.u32 $0x1, s30;
	(pc) =	sbr.rel .LBB1_1-.Ltmp0, $4  }
0xb: {  	s5 =	simm.s32 $0x1;
	s6 =	sadd.s32 s9, s6;
	s7 =	sadd.s32 s7, s10  }
0xc: {  	s11 =	smov.u32 s4;
	[sflag:s5] =	ssyncpa.u1 $0x0;
	s6 =	smul.u32 s6, s7  }
0xd: {  	p0 =	por $0x0, $0x0;
	[sflag:s31] =	ssyncpa.u1 $0x0;
	s10 =	simm.s32 $0x20000  }
0xe: {  	s7 =	sadd.s32 $0x1400, s8;
	s8 =	sadd.s32 $0x41400, s8;
	s9 =	sadd.s32 $0x1, s6  }
.LBB1_7:
0xf: {  	s16 =	sadd.s32 $0x100, s11  }
0x10: {  	s14 =	sadd.s32 $0x20, s12;
	s18 =	smov.u32 s12;
	p2 =	sgt.s32 s16, $0x3FFF  }
0x11: {  	s18 =	smov.u32 @p2 s14  }
0x12: {  	s16 =	smov.u32 @p2 s4;
	p2 =	sgt.s32 s18, $0x1F  }
0x13: {  	s18 =	smov.u32 @p2 s3;
	p2 =	sne.s32 s13, s9  }
.Ltmp1:
0x14: {  	p1 =	slt.u32 s13, $0x2;
	(pc) =	sbr.rel @!p2 .LBB1_8-.Ltmp1, $4  }
0x15: {  	s17 =	simm.s32 @!p1 $0x2  }
0x16: {  	s15 =	smov.u32 s12;
	p0 =	por !p0, !p0;
	_ =	swait.ge @!p1 [sflag:s17], $0x4000  }
0x17: {  	s14 =	smov.u32 s11;
	[sflag:s17] =	ssyncset.done @!p1 $0x0;
	s11 =	smov.u32 s16  }
0x18: {  	s13 =	sadd.s32 $0x1, s13;
	[sflag:s17] =	ssyncadd.s32 @!p1 $0xFFFFC000;
	s12 =	smov.u32 s18  }
.LBB1_1:
0x19: {  	p1 =	sge.u32 s13, s6  }
0x1a: {  	s16 =	sxor.u32 @!p1 $0xFFFFFFFF, s13;
	s17 =	sshll.u32 @!p1 s12, $0x12  }
0x1b: {  	s18 =	sshll.u32 @!p1 s11, $0x4;
	s20 =	simm.s32 @!p1 $0x40;
	s21 =	simm.s32 @!p1 $0x80  }
0x1c: {  	s16 =	sshll.u32 @!p1 s16, $0xE;
	s18 =	sand.u32 @!p1 $0x3FFF0, s18;
	s19 =	sadd.s32 @!p1 s7, s17  }
0x1d: {  	s17 =	sadd.s32 @!p1 s17, s8;
	s16 =	sand.u32 @!p1 $0x4000, s16;
	s19 =	sadd.s32 @!p1 s18, s19  }
0x1e: {  	[tilespmem:s16], [sflag:$0x1] =	stream.strided.gather @!p1 [hbm4b:s19+s20], $0x2000, s21, s20, $0x38;
	[tilespmem:$0x10100] =	vst v63  }
0x1f: {  	s31 =	sadd.s32 $0xFFFFFFFF, s13;
	s17 =	sadd.s32 @!p1 s18, s17;
	s16 =	sor.u32 @!p1 $0x2000, s16  }
0x20: {  	[tilespmem:s16], [sflag:$0x1] =	stream.strided.gather @!p1 [hbm4b:s17+s20], $0x2000, s21, s20, $0x38;
	[tilespmem:$0x10100] =	vst v63  }
0x21: {  	p1 =	sge.u32 s31, s6  }
.Ltmp2:
0x22: {  	_ = 	snop;
	(pc) =	sbr.rel @p1 .LBB1_7-.Ltmp2, $1  }
0x23: {  	_ =	sdelay $0x3  }
0x24: {  	s16 =	simm.s32 $0x1;
	s18 =	sand.u32 $0x1, s13  }
0x25: {  	_ =	swait.ge [sflag:s5], $0x4000;
	s16 =	simm.s32 @!p0 $0x0;
	s18 =	smul.u32 $0x10200, s18  }
0x26: {  	p2 =	por $0x1, $0x1;
	[sflag:s5] =	ssyncset.done $0x0;
	s17 =	smul.u32 $0x10200, s16  }
0x27: {  	s19 =	sshll.u32 s16, $0x10;
	[sflag:s5] =	ssyncadd.s32 $0xFFFFC000;
	s30 =	sshrl.u32 s18, $0x2  }
0x28: {  	s31 =	sshrl.u32 s19, $0x2;
	s19 =	simm.s32 $0x0;
	s17 =	sshrl.u32 s17, $0x2  }
0x29: {  	s16 =	sor.u32 $0x8000, s30;
	s18 =	sadd.s32 $0x20, s31;
	s17 =	sor.u32 $0x8000, s17  }
.LBB1_3:
0x2a: {  	s20 =	sshll.u32 s19, $0xD  }
0x2b: {  	s20 =	sand.u32 $0x3FFFE000, s20  }
0x2c: {  	s22 =	sadd.s32 s20, s18  }
0x2d: {  	s31 =	smul.u32 $0x8100, s19;
	v3 =	vld [tilespmem:s22+$0x10]  }
0x2e: {  	v1 =	vld [tilespmem:s22+$0xFFFFFFF0]  }
0x2f: {  	s19 =	sshra.s32 s31, $0x2;
	v0 =	vld [tilespmem:s22+$0x0]  }
0x30: {  	s19 =	sadd.s32 s19, s17;
	v2 =	vld [tilespmem:s22+$0xFFFFFFE0]  }
0x31: {  	s20 =	sadd.s32 $0x0, s19  }
0x32: {  	p1 =	por p2, p2;
	s21 =	simm.s32 $0x4;
	s22 =	sadd.s32 $0x40, s22;
	[tilespmem:s20+$0x1830 ss:$0x81] =	vst.msk $0xffff, v3  }
.LBB1_4:
0x33: {  	v3 =	vld [tilespmem:s22+$0x10];
	p2 =	sne.s32 s21, $0x1FC;
	[tilespmem:s20+$0x810 ss:$0x81] =	vst.msk $0xffff, v1;
	s23 =	smov.u32 s21;
	s21 =	sadd.s32 $0x4, s21  }
.Ltmp3:
0x34: {  	v1 =	vld [tilespmem:s22+$0xFFFFFFF0];
	[tilespmem:s20+$0x1020 ss:$0x81] =	vst.msk $0xffff, v0;
	(pc) =	sbr.rel @p2 .LBB1_4-.Ltmp3, $4  }
0x35: {  	v0 =	vld [tilespmem:s22+$0x0];
	[tilespmem:s20+$0x0 ss:$0x81] =	vst.msk $0xffff, v2  }
0x36: {  	s20 =	sshra.s32 s23, $0x2;
	v2 =	vld [tilespmem:s22+$0xFFFFFFE0]  }
0x37: {  	s20 =	sadd.s32 s20, s19  }
0x38: {  	s22 =	sadd.s32 $0x40, s22;
	[tilespmem:s20+$0x1830 ss:$0x81] =	vst.msk $0xffff, v3  }
.Ltmp4:
0x39: {  	(pc) =	sbr.rel @p1 .LBB1_3-.Ltmp4, $4  }
0x3a: {  	_ = 	snop  }
0x3b: {  	[tilespmem:s20+$0x810 ss:$0x81] =	vst.msk $0xffff, v1  }
0x3c: {  	[tilespmem:s20+$0x1020 ss:$0x81] =	vst.msk $0xffff, v0  }
0x3d: {  	s19 =	simm.s32 $0x1;
	p2 =	por $0x0, $0x0;
	[tilespmem:s20+$0x0 ss:$0x81] =	vst.msk $0xffff, v2  }
0x3e: {  	s17 =	sshll.u32 s14, $0x3;
	s18 =	sand.u32 $0x78, s14;
	s15 =	sshll.u32 s15, $0x11  }
.Ltmp5:
0x3f: {  	s30 =	sand.u32 $0x1F800, s14;
	s17 =	sand.u32 $0x3C00, s17;
	(pc) =	sbr.rel .LBB1_7-.Ltmp5, $4  }
0x40: {  	s31 =	sand.u32 $0x7, s14;
	s15 =	sadd.s32 s2, s15;
	s17 =	sor.u32 s18, s17  }
0x41: {  	s14 =	sshll.u32 s31, $0x12;
	s15 =	sadd.s32 s30, s15;
	s17 =	sshrl.u32 s17, $0x3  }
0x42: {  	s14 =	sor.u32 $0x400, s14;
	s15 =	sadd.s32 s17, s15  }
0x43: {  	[hbm4b:s15+s14] =	stream.strided.scatter [tilespmem:s16], [sflag:$0x2], $0x4000, s10, s14, $0x20;
	[tilespmem:$0x10100] =	vst v63  }
.LBB1_8:
0x44: {  	_ =	sfence.sel $0x180000  }
0x45: {  	s2 =	simm.s32 $0x1;
	[bflag:$0x0] =	sbarrier.arrive $0xFFFF  }
0x46: {  	s31 =	simm.s32 $0x2;
	[sflag:s2] =	ssyncpa.u1 $0x1  }
0x47: {  	[sflag:s31] =	ssyncpa.u1 $0x1  }
0x48: {  	p0 =	sne.s32 s1, $0x0;
	_ =	strace $0x9000004D  }
0x49: {  	s0 =	sadd.s32 @!p0 $0x100000, s0;
	[bflag:$0x2] =	sbarrier.arrive $0xFFFF  }
0x4a: {  	[sflag:s0] =	ssyncadd.tile.s32 @!p0 $0x1;
	_ =	shalt  }
.Lfunc_end1:
_tile_overlayer_lowered:
.L_overlay_start_2:
0x4b: {  	(tag) =	ssettag $0x2  }
0x4c: {  	s0 =	rddreg [dreg:$0x0];
	s2 =	stileid.u32  }
0x4d: {  	s1 =	rddreg [dreg:$0x1];
	p0 =	sne.s32 s2, $0x0  }
0x4e: {  	s3 =	rddreg [dreg:$0x2];
	[bflag:$0x3] =	sbarrier.arrive $0xFFFF;
	s2 =	simm.s32 @!p0 $0x1C01  }
0x4f: {  	[timem:s3], [sflag:s2] =	dma.local @!p0 [hbm:s0], s1  }
0x50: {  	s0 =	simm.s32 @!p0 $0x1  }
0x51: {  	_ =	swait.ge @!p0 [sflag:s0], s1  }
0x52: {  	s1 =	ssub.s32 @!p0 $0x0, s1;
	[sflag:s0] =	ssyncset.done @!p0 $0x0  }
0x53: {  	[sflag:s0] =	ssyncadd.s32 @!p0 s1  }
0x54: {  	[bflag:$0x3] =	sbarrier.arrive $0xFFFF  }
0x55: {  	_ =	shalt  }

</sc_bundles>
